<compile_context>
chip_gen: v7x
topology: tpu7x:2x2x1
jax: 0.10.2.dev20260603
libtpu: 0.0.44.dev20260713+nightly
codegen_flags: <defaults>
</compile_context>

<pallas_src>
import functools

import jax
import jax.numpy as jnp
from jax import lax
from jax.experimental import pallas as pl
from jax.experimental.pallas import tpu as pltpu
from jax.experimental.pallas import tpu_sc as plsc

D_DIST = 1.5
B, C, N, K = 16, 64, 8192, 32
NC, NS = 2, 16
NW = NC * NS
CH = C // 2
CHUNK = 1024
NCHUNK = N // CHUNK
NG = CHUNK // 16
LANES = 16


def _seg_body(pred, lab, sums_out, cnt_out, lab_v, buf, bins, cbins, sem0,
              sem1):
  s = lax.axis_index("s")
  c = lax.axis_index("c")
  wid = s * NC + c
  b = wid // 2
  chalf = wid % 2
  c0 = chalf * CH

  def copy_in(g, buf_i, sem):
    return pltpu.async_copy(
        pred.at[b, pl.ds(c0, CH), pl.ds(g * CHUNK, CHUNK)], buf.at[buf_i],
        sem)

  def wait_in(buf_i, sem):
    pltpu.make_async_copy(
        pred.at[b, pl.ds(c0, CH), pl.ds(0, CHUNK)], buf.at[buf_i],
        sem).wait()

  copy_in(0, 0, sem0)
  pltpu.sync_copy(lab.at[b], lab_v)

  zero16 = jnp.zeros((LANES,), jnp.float32)
  ones16 = jnp.ones((LANES,), jnp.float32)
  lane = lax.iota(jnp.int32, LANES)

  @plsc.parallel_loop(0, (CH * K * LANES) // LANES, unroll=8)
  def _(i):
    bins[pl.ds(i * LANES, LANES)] = zero16

  for i in range((K * LANES) // LANES):
    cbins[pl.ds(i * LANES, LANES)] = zero16

  @plsc.parallel_loop(0, N // LANES, unroll=4)
  def _(i):
    l16 = lab_v[pl.ds(i * LANES, LANES)] * LANES + lane
    lab_v[pl.ds(i * LANES, LANES)] = l16
    plsc.addupdate_scatter(cbins, [l16], ones16)

  def process(bufref, n0):
    @plsc.parallel_loop(0, NG, unroll=1)
    def _(i):
      idx16 = lab_v[pl.ds(n0 + i * LANES, LANES)]
      for ch in range(CH):
        v = bufref[ch, pl.ds(i * LANES, LANES)]
        plsc.addupdate_scatter(
            bins.at[pl.ds(ch * (K * LANES), K * LANES)], [idx16], v)

  nh = NCHUNK // 2

  def chunk_loop(h, _):
    g0 = 2 * h
    copy_in(g0 + 1, 1, sem1)
    wait_in(0, sem0)
    process(buf.at[0], g0 * CHUNK)

    @pl.when(h + 1 < nh)
    def _():
      copy_in(g0 + 2, 0, sem0)

    wait_in(1, sem1)
    process(buf.at[1], (g0 + 1) * CHUNK)
    return 0
  lax.fori_loop(0, nh, chunk_loop, 0)

  pltpu.sync_copy(bins, sums_out.at[b, chalf])

  @pl.when(chalf == 0)
  def _():
    pltpu.sync_copy(cbins, cnt_out.at[b, 0])


_seg_sums = functools.partial(
    pl.kernel,
    out_type=(
        jax.ShapeDtypeStruct((B, 2, CH * K * LANES), jnp.float32),
        jax.ShapeDtypeStruct((B, 1, K * LANES), jnp.float32),
    ),
    mesh=plsc.VectorSubcoreMesh(
        core_axis_name="c", subcore_axis_name="s", num_cores=NC,
        num_subcores=NS),
    compiler_params=pltpu.CompilerParams(needs_layout_passes=False),
    scratch_types=[
        pltpu.VMEM((N,), jnp.int32),
        pltpu.VMEM((2, CH, CHUNK), jnp.float32),
        pltpu.VMEM((CH * K * LANES,), jnp.float32),
        pltpu.VMEM((K * LANES,), jnp.float32),
        pltpu.SemaphoreType.DMA,
        pltpu.SemaphoreType.DMA,
    ],
)(_seg_body)


def _loss_body(sums_ref, cnt_ref, out_ref):
  q = lax.broadcasted_iota(jnp.int32, (K * LANES, K), 0)
  kk = lax.broadcasted_iota(jnp.int32, (K * LANES, K), 1)
  r_mat = (q // LANES == kk).astype(jnp.float32)
  loss = jnp.zeros((), jnp.float32)
  for b in range(B):
    x = sums_ref[b].reshape(C, K * LANES)
    ct = lax.dot_general(x, r_mat, (((1,), (0,)), ((), ())),
                         preferred_element_type=jnp.float32)
    cw = cnt_ref[b]
    cnt = lax.dot_general(cw, r_mat, (((1,), (0,)), ((), ())),
                          preferred_element_type=jnp.float32)[0]
    present = (cnt > 0.0).astype(jnp.float32)
    u = jnp.sum(present)
    safe = jnp.where(cnt > 0.0, cnt, 1.0)
    ct = ct / safe[None, :]
    gram = lax.dot_general(ct, ct, (((1,), (1,)), ((), ())),
                           preferred_element_type=jnp.float32)
    nrm = jnp.sum(ct * ct, axis=1)
    sq = nrm[:, None] + nrm[None, :] - 2.0 * gram
    d = jnp.sqrt(jax.nn.relu(sq))
    t = jax.nn.relu(2.0 * D_DIST - d)
    term = jnp.sum(t * t) / (2.0 * u * (u - 1.0 + 1e-16))
    loss = loss + jnp.where(u != 1.0, term, 0.0)
  out_ref[...] = loss.reshape(1, 1)


def kernel(prediction, label):
  sums, cnt = _seg_sums(prediction, label)
  loss = pl.pallas_call(
      _loss_body,
      out_shape=jax.ShapeDtypeStruct((1, 1), jnp.float32),
  )(sums, cnt)
  return loss[0, 0]

# --- scband reference (transcript-rebuilt; emitter-appended) ---
"""Pipeline reference for scband-dist-loss-70952859730215 (READ-ONLY COPY).

The authoritative reference and input builder live on the scoring server;
editing this copy changes nothing except your own understanding.
"""

import jax, jax.numpy as jnp
import numpy as np

D_DIST = 1.5

def square_distance_single(src, dst):
    # src: [C, N], dst: [C, M] -> [N, M]
    N = src.shape[1]
    M = dst.shape[1]
    dist = -2.0 * jnp.matmul(src.T, dst)
    dist = dist + jnp.sum(src ** 2, axis=0).reshape(N, 1)
    dist = dist + jnp.sum(dst ** 2, axis=0).reshape(1, M)
    return dist


def setup_inputs(seed: int = 0) -> dict:
    key = jax.random.key(seed)
    k1, k2 = jax.random.split(key)
    prediction = jax.random.normal(k1, (16, 64, 8192), dtype=jnp.float32)
    label = jax.random.randint(k2, (16, 8192), 0, 32, dtype=jnp.int32)
    return {"prediction": prediction, "label": label}


def reference(prediction, label):
    loss = 0.0
    B = prediction.shape[0]
    num_classes = 32
    class_ids = jnp.arange(num_classes, dtype=label.dtype)
    for b in range(B):
        mask = (label[b][None, :] == class_ids[:, None]).astype(prediction.dtype)  # [K, N]
        cnt = jnp.sum(mask, axis=-1)  # [K]
        present = cnt > 0
        U = jnp.sum(present.astype(prediction.dtype))
        safe_cnt = jnp.where(present, cnt, 1.0)
        # masked mean over points per class; absent classes yield exact zero rows
        center = jnp.sum(prediction[b][None, :, :] * mask[:, None, :], axis=-1) / safe_cnt[:, None]  # [K, C]
        square_matrix = jax.nn.relu(square_distance_single(center, center))
        dist_matrix = jnp.sqrt(square_matrix)
        term = jnp.sum(jax.nn.relu(2.0 * D_DIST - dist_matrix) ** 2) / (2.0 * U * (U - 1.0 + 1e-16))
        loss = loss + jnp.where(U != 1.0, term, 0.0)
    return loss

if __name__ == "__main__":
    import jax
    _d = setup_inputs()
    print(jax.jit(kernel)(*tuple(_d.values())))

</pallas_src>

<mosaic_0001>
#map = affine_map<(d0, d1) -> (0, 0, 0)>
#map1 = affine_map<(d0, d1) -> (0, 0)>
module attributes {stable_mosaic.version = 14 : i64} {
  func.func @_seg_body(%arg0: i32, %arg1: i32, %arg2: memref<16x64x8192xf32, #tpu.memory_space<hbm>>, %arg3: memref<16x8192xi32, #tpu.memory_space<hbm>>, %arg4: memref<16x2x16384xf32, #tpu.memory_space<hbm>>, %arg5: memref<16x1x512xf32, #tpu.memory_space<hbm>>, %arg6: memref<8192xi32, #tpu.memory_space<vmem>>, %arg7: memref<2x32x1024xf32, #tpu.memory_space<vmem>>, %arg8: memref<16384xf32, #tpu.memory_space<vmem>>, %arg9: memref<512xf32, #tpu.memory_space<vmem>>, %arg10: memref<!tpu.dma_semaphore, #tpu.memory_space<semaphore_mem>>, %arg11: memref<!tpu.dma_semaphore, #tpu.memory_space<semaphore_mem>>) attributes {dimension_semantics = [#tpu.dimension_semantics<core_parallel>, #tpu.dimension_semantics<subcore_parallel>], iteration_bounds = array<i64: 2, 16>, scalar_prefetch = 0 : i64, scratch_operands = 6 : i64, tpu.core_type = #tpu.core_type<sc_vector_subcore>, window_params = [{transform_indices = #map}, {transform_indices = #map1}, {transform_indices = #map}, {transform_indices = #map}]} {
    %mul3A = arith.constant 2 : i32
    %mul3A_0 = arith.muli %arg1, %mul3A : i32
    %add3A = arith.addi %mul3A_0, %arg0 : i32
    %jit3A = arith.constant 2 : i32
    %div3A = arith.divsi %add3A, %jit3A : i32
    %sign3A = arith.constant 0 : i32
    %sign3A_1 = arith.cmpi sgt, %add3A, %sign3A : i32
    %sign3A_2 = arith.extui %sign3A_1 : i1 to i32
    %sign3A_3 = arith.constant 0 : i32
    %sign3A_4 = arith.cmpi slt, %add3A, %sign3A_3 : i32
    %sign3A_5 = arith.extui %sign3A_4 : i1 to i32
    %sign3A_6 = arith.subi %sign3A_2, %sign3A_5 : i32
    %sign3A_7 = arith.constant 0 : i32
    %sign3A_8 = arith.cmpi sgt, %jit3A, %sign3A_7 : i32
    %sign3A_9 = arith.extui %sign3A_8 : i1 to i32
    %sign3A_10 = arith.constant 0 : i32
    %sign3A_11 = arith.cmpi slt, %jit3A, %sign3A_10 : i32
    %sign3A_12 = arith.extui %sign3A_11 : i1 to i32
    %sign3A_13 = arith.subi %sign3A_9, %sign3A_12 : i32
    %ne3A = arith.cmpi ne, %sign3A_6, %sign3A_13 : i32
    %rem3A = arith.remsi %add3A, %jit3A : i32
    %ne3A_14 = arith.constant 0 : i32
    %ne3A_15 = arith.cmpi ne, %rem3A, %ne3A_14 : i32
    %and3A = arith.andi %ne3A, %ne3A_15 : i1
    %sub3A = arith.constant 1 : i32
    %sub3A_16 = arith.subi %div3A, %sub3A : i32
    %select_n3A = arith.select %and3A, %sub3A_16, %div3A : i32
    %jit3A_17 = arith.constant 2 : i32
    %eq3A = arith.constant 0 : i32
    %eq3A_18 = arith.cmpi eq, %jit3A_17, %eq3A : i32
    %jit3A_19 = arith.constant 1 : i32
    %select_n3A_20 = arith.select %eq3A_18, %jit3A_19, %jit3A_17 : i32
    %rem3A_21 = arith.remsi %add3A, %select_n3A_20 : i32
    %ne3A_22 = arith.constant 0 : i32
    %ne3A_23 = arith.cmpi ne, %rem3A_21, %ne3A_22 : i32
    %lt3A = arith.constant 0 : i32
    %lt3A_24 = arith.cmpi slt, %rem3A_21, %lt3A : i32
    %lt3A_25 = arith.constant 0 : i32
    %lt3A_26 = arith.cmpi slt, %select_n3A_20, %lt3A_25 : i32
    %ne3A_27 = arith.xori %lt3A_24, %lt3A_26 : i1
    %and3A_28 = arith.andi %ne3A_27, %ne3A_23 : i1
    %add3A_29 = arith.addi %rem3A_21, %select_n3A_20 : i32
    %select_n3A_30 = arith.select %and3A_28, %add3A_29, %rem3A_21 : i32
    %mul3A_31 = arith.constant 32 : i32
    %mul3A_32 = arith.muli %select_n3A_30, %mul3A_31 : i32
    %dma_start3A = arith.constant 0 : i32
    %dma_start3A_33 = arith.constant 0 : i32
    %dma_start3A_34 = arith.constant 0 : i32
    %dma_start3A_35 = tpu.memref_slice %arg7[%dma_start3A, %dma_start3A_33, %dma_start3A_34] : memref<2x32x1024xf32, #tpu.memory_space<vmem>> -> memref<1x32x1024xf32, #tpu.memory_space<vmem>>
    %dma_start3A_36 = tpu.memref_squeeze %dma_start3A_35 : memref<1x32x1024xf32, #tpu.memory_space<vmem>> -> memref<32x1024xf32, #tpu.memory_space<vmem>>
    %dma_start3A_37 = arith.constant 0 : i32
    %dma_start3A_38 = tpu.memref_slice %arg2[%select_n3A, %mul3A_32, %dma_start3A_37] : memref<16x64x8192xf32, #tpu.memory_space<hbm>> -> memref<1x32x1024xf32, #tpu.memory_space<hbm>>
    %dma_start3A_39 = tpu.memref_squeeze %dma_start3A_38 : memref<1x32x1024xf32, #tpu.memory_space<hbm>> -> memref<32x1024xf32, #tpu.memory_space<hbm>>
    %dma_start3A_40 = arith.constant 0 : i32
    %dma_start3A_41 = arith.constant 0 : i32
    %dma_start3A_42 = tpu.memref_slice %arg7[%dma_start3A, %dma_start3A_40, %dma_start3A_41] : memref<2x32x1024xf32, #tpu.memory_space<vmem>> -> memref<1x32x1024xf32, #tpu.memory_space<vmem>>
    %dma_start3A_43 = tpu.memref_squeeze %dma_start3A_42 : memref<1x32x1024xf32, #tpu.memory_space<vmem>> -> memref<32x1024xf32, #tpu.memory_space<vmem>>
    %dma_start3A_44 = arith.constant 0 : i32
    %dma_start3A_45 = tpu.memref_slice %arg2[%select_n3A, %mul3A_32, %dma_start3A_44] : memref<16x64x8192xf32, #tpu.memory_space<hbm>> -> memref<1x32x1024xf32, #tpu.memory_space<hbm>>
    %dma_start3A_46 = tpu.memref_squeeze %dma_start3A_45 : memref<1x32x1024xf32, #tpu.memory_space<hbm>> -> memref<32x1024xf32, #tpu.memory_space<hbm>>
    tpu.enqueue_dma source(%dma_start3A_46 : memref<32x1024xf32, #tpu.memory_space<hbm>>) target(%dma_start3A_43 : memref<32x1024xf32, #tpu.memory_space<vmem>>) target_semaphore(%arg10 : memref<!tpu.dma_semaphore, #tpu.memory_space<semaphore_mem>>)
    "tpu.region"() ({
      %run_scoped3A = tpu.sem_alloc : memref<!tpu.dma_semaphore, #tpu.memory_space<semaphore_mem>>
      %dma_start3A_127 = arith.constant 0 : i32
      %dma_start3A_128 = tpu.memref_slice %arg3[%select_n3A, %dma_start3A_127] : memref<16x8192xi32, #tpu.memory_space<hbm>> -> memref<1x8192xi32, #tpu.memory_space<hbm>>
      %dma_start3A_129 = tpu.memref_squeeze %dma_start3A_128 : memref<1x8192xi32, #tpu.memory_space<hbm>> -> memref<8192xi32, #tpu.memory_space<hbm>>
      %dma_start3A_130 = arith.constant 0 : i32
      %dma_start3A_131 = tpu.memref_slice %arg3[%select_n3A, %dma_start3A_130] : memref<16x8192xi32, #tpu.memory_space<hbm>> -> memref<1x8192xi32, #tpu.memory_space<hbm>>
      %dma_start3A_132 = tpu.memref_squeeze %dma_start3A_131 : memref<1x8192xi32, #tpu.memory_space<hbm>> -> memref<8192xi32, #tpu.memory_space<hbm>>
      tpu.enqueue_dma source(%dma_start3A_132 : memref<8192xi32, #tpu.memory_space<hbm>>) target(%arg6 : memref<8192xi32, #tpu.memory_space<vmem>>) target_semaphore(%run_scoped3A : memref<!tpu.dma_semaphore, #tpu.memory_space<semaphore_mem>>)
      %dma_wait3A = arith.constant 0 : i32
      %dma_wait3A_133 = tpu.memref_slice %arg3[%select_n3A, %dma_wait3A] : memref<16x8192xi32, #tpu.memory_space<hbm>> -> memref<1x8192xi32, #tpu.memory_space<hbm>>
      %dma_wait3A_134 = tpu.memref_squeeze %dma_wait3A_133 : memref<1x8192xi32, #tpu.memory_space<hbm>> -> memref<8192xi32, #tpu.memory_space<hbm>>
      %dma_wait3A_135 = arith.constant 0 : i32
      %dma_wait3A_136 = tpu.memref_slice %arg3[%select_n3A, %dma_wait3A_135] : memref<16x8192xi32, #tpu.memory_space<hbm>> -> memref<1x8192xi32, #tpu.memory_space<hbm>>
      %dma_wait3A_137 = tpu.memref_squeeze %dma_wait3A_136 : memref<1x8192xi32, #tpu.memory_space<hbm>> -> memref<8192xi32, #tpu.memory_space<hbm>>
      tpu.wait_dma2 semaphore(%run_scoped3A : memref<!tpu.dma_semaphore, #tpu.memory_space<semaphore_mem>>) src(%dma_wait3A_137 : memref<8192xi32, #tpu.memory_space<hbm>>) dst(%arg6 : memref<8192xi32, #tpu.memory_space<vmem>>)
      tpu.yield
    }) : () -> ()
    %broadcast_in_dim3A = arith.constant 0.000000e+00 : f32
    %broadcast_in_dim3A_47 = vector.broadcast %broadcast_in_dim3A : f32 to vector<16xf32>
    %broadcast_in_dim3A_48 = arith.constant 1.000000e+00 : f32
    %broadcast_in_dim3A_49 = vector.broadcast %broadcast_in_dim3A_48 : f32 to vector<16xf32>
    %iota3A = tpu.iota {dimensions = array<i32: 0>} : vector<16xi32>
    %parallel_loop3A = arith.constant 0 : i32
    %parallel_loop3A_50 = arith.constant 1024 : i32
    %parallel_loop3A_51 = arith.constant 1 : i32
    scf.for %parallel_loop3A_127 = %parallel_loop3A to %parallel_loop3A_50 step %parallel_loop3A_51  : i32 {
      %parallel_loop3A_128 = arith.constant 16 : i32
      %parallel_loop3A_129 = arith.muli %parallel_loop3A_127, %parallel_loop3A_128 : i32
      %parallel_loop3A_130 = arith.index_cast %parallel_loop3A_129 : i32 to index
      %parallel_loop3A_131 = tpu.vector_load %arg8[%parallel_loop3A_130] {strides = array<i32>} : memref<16384xf32, #tpu.memory_space<vmem>>, vector<16xf32>,
      tpu.vector_store %arg8[%parallel_loop3A_130], %broadcast_in_dim3A_47 {strides = array<i32>} : memref<16384xf32, #tpu.memory_space<vmem>>, vector<16xf32>,
    } {sc.loop_unroll_factor = 8 : i64, sc.parallel_access}
    %swap3A = arith.constant 0 : index
    %swap3A_52 = tpu.vector_load %arg9[%swap3A] {strides = array<i32>} : memref<512xf32, #tpu.memory_space<vmem>>, vector<16xf32>,
    tpu.vector_store %arg9[%swap3A], %broadcast_in_dim3A_47 {strides = array<i32>} : memref<512xf32, #tpu.memory_space<vmem>>, vector<16xf32>,
    %swap3A_53 = arith.constant 16 : index
    %swap3A_54 = tpu.vector_load %arg9[%swap3A_53] {strides = array<i32>} : memref<512xf32, #tpu.memory_space<vmem>>, vector<16xf32>,
    tpu.vector_store %arg9[%swap3A_53], %broadcast_in_dim3A_47 {strides = array<i32>} : memref<512xf32, #tpu.memory_space<vmem>>, vector<16xf32>,
    %swap3A_55 = arith.constant 32 : index
    %swap3A_56 = tpu.vector_load %arg9[%swap3A_55] {strides = array<i32>} : memref<512xf32, #tpu.memory_space<vmem>>, vector<16xf32>,
    tpu.vector_store %arg9[%swap3A_55], %broadcast_in_dim3A_47 {strides = array<i32>} : memref<512xf32, #tpu.memory_space<vmem>>, vector<16xf32>,
    %swap3A_57 = arith.constant 48 : index
    %swap3A_58 = tpu.vector_load %arg9[%swap3A_57] {strides = array<i32>} : memref<512xf32, #tpu.memory_space<vmem>>, vector<16xf32>,
    tpu.vector_store %arg9[%swap3A_57], %broadcast_in_dim3A_47 {strides = array<i32>} : memref<512xf32, #tpu.memory_space<vmem>>, vector<16xf32>,
    %swap3A_59 = arith.constant 64 : index
    %swap3A_60 = tpu.vector_load %arg9[%swap3A_59] {strides = array<i32>} : memref<512xf32, #tpu.memory_space<vmem>>, vector<16xf32>,
    tpu.vector_store %arg9[%swap3A_59], %broadcast_in_dim3A_47 {strides = array<i32>} : memref<512xf32, #tpu.memory_space<vmem>>, vector<16xf32>,
    %swap3A_61 = arith.constant 80 : index
    %swap3A_62 = tpu.vector_load %arg9[%swap3A_61] {strides = array<i32>} : memref<512xf32, #tpu.memory_space<vmem>>, vector<16xf32>,
    tpu.vector_store %arg9[%swap3A_61], %broadcast_in_dim3A_47 {strides = array<i32>} : memref<512xf32, #tpu.memory_space<vmem>>, vector<16xf32>,
    %swap3A_63 = arith.constant 96 : index
    %swap3A_64 = tpu.vector_load %arg9[%swap3A_63] {strides = array<i32>} : memref<512xf32, #tpu.memory_space<vmem>>, vector<16xf32>,
    tpu.vector_store %arg9[%swap3A_63], %broadcast_in_dim3A_47 {strides = array<i32>} : memref<512xf32, #tpu.memory_space<vmem>>, vector<16xf32>,
    %swap3A_65 = arith.constant 112 : index
    %swap3A_66 = tpu.vector_load %arg9[%swap3A_65] {strides = array<i32>} : memref<512xf32, #tpu.memory_space<vmem>>, vector<16xf32>,
    tpu.vector_store %arg9[%swap3A_65], %broadcast_in_dim3A_47 {strides = array<i32>} : memref<512xf32, #tpu.memory_space<vmem>>, vector<16xf32>,
    %swap3A_67 = arith.constant 128 : index
    %swap3A_68 = tpu.vector_load %arg9[%swap3A_67] {strides = array<i32>} : memref<512xf32, #tpu.memory_space<vmem>>, vector<16xf32>,
    tpu.vector_store %arg9[%swap3A_67], %broadcast_in_dim3A_47 {strides = array<i32>} : memref<512xf32, #tpu.memory_space<vmem>>, vector<16xf32>,
    %swap3A_69 = arith.constant 144 : index
    %swap3A_70 = tpu.vector_load %arg9[%swap3A_69] {strides = array<i32>} : memref<512xf32, #tpu.memory_space<vmem>>, vector<16xf32>,
    tpu.vector_store %arg9[%swap3A_69], %broadcast_in_dim3A_47 {strides = array<i32>} : memref<512xf32, #tpu.memory_space<vmem>>, vector<16xf32>,
    %swap3A_71 = arith.constant 160 : index
    %swap3A_72 = tpu.vector_load %arg9[%swap3A_71] {strides = array<i32>} : memref<512xf32, #tpu.memory_space<vmem>>, vector<16xf32>,
    tpu.vector_store %arg9[%swap3A_71], %broadcast_in_dim3A_47 {strides = array<i32>} : memref<512xf32, #tpu.memory_space<vmem>>, vector<16xf32>,
    %swap3A_73 = arith.constant 176 : index
    %swap3A_74 = tpu.vector_load %arg9[%swap3A_73] {strides = array<i32>} : memref<512xf32, #tpu.memory_space<vmem>>, vector<16xf32>,
    tpu.vector_store %arg9[%swap3A_73], %broadcast_in_dim3A_47 {strides = array<i32>} : memref<512xf32, #tpu.memory_space<vmem>>, vector<16xf32>,
    %swap3A_75 = arith.constant 192 : index
    %swap3A_76 = tpu.vector_load %arg9[%swap3A_75] {strides = array<i32>} : memref<512xf32, #tpu.memory_space<vmem>>, vector<16xf32>,
    tpu.vector_store %arg9[%swap3A_75], %broadcast_in_dim3A_47 {strides = array<i32>} : memref<512xf32, #tpu.memory_space<vmem>>, vector<16xf32>,
    %swap3A_77 = arith.constant 208 : index
    %swap3A_78 = tpu.vector_load %arg9[%swap3A_77] {strides = array<i32>} : memref<512xf32, #tpu.memory_space<vmem>>, vector<16xf32>,
    tpu.vector_store %arg9[%swap3A_77], %broadcast_in_dim3A_47 {strides = array<i32>} : memref<512xf32, #tpu.memory_space<vmem>>, vector<16xf32>,
    %swap3A_79 = arith.constant 224 : index
    %swap3A_80 = tpu.vector_load %arg9[%swap3A_79] {strides = array<i32>} : memref<512xf32, #tpu.memory_space<vmem>>, vector<16xf32>,
    tpu.vector_store %arg9[%swap3A_79], %broadcast_in_dim3A_47 {strides = array<i32>} : memref<512xf32, #tpu.memory_space<vmem>>, vector<16xf32>,
    %swap3A_81 = arith.constant 240 : index
    %swap3A_82 = tpu.vector_load %arg9[%swap3A_81] {strides = array<i32>} : memref<512xf32, #tpu.memory_space<vmem>>, vector<16xf32>,
    tpu.vector_store %arg9[%swap3A_81], %broadcast_in_dim3A_47 {strides = array<i32>} : memref<512xf32, #tpu.memory_space<vmem>>, vector<16xf32>,
    %swap3A_83 = arith.constant 256 : index
    %swap3A_84 = tpu.vector_load %arg9[%swap3A_83] {strides = array<i32>} : memref<512xf32, #tpu.memory_space<vmem>>, vector<16xf32>,
    tpu.vector_store %arg9[%swap3A_83], %broadcast_in_dim3A_47 {strides = array<i32>} : memref<512xf32, #tpu.memory_space<vmem>>, vector<16xf32>,
    %swap3A_85 = arith.constant 272 : index
    %swap3A_86 = tpu.vector_load %arg9[%swap3A_85] {strides = array<i32>} : memref<512xf32, #tpu.memory_space<vmem>>, vector<16xf32>,
    tpu.vector_store %arg9[%swap3A_85], %broadcast_in_dim3A_47 {strides = array<i32>} : memref<512xf32, #tpu.memory_space<vmem>>, vector<16xf32>,
    %swap3A_87 = arith.constant 288 : index
    %swap3A_88 = tpu.vector_load %arg9[%swap3A_87] {strides = array<i32>} : memref<512xf32, #tpu.memory_space<vmem>>, vector<16xf32>,
    tpu.vector_store %arg9[%swap3A_87], %broadcast_in_dim3A_47 {strides = array<i32>} : memref<512xf32, #tpu.memory_space<vmem>>, vector<16xf32>,
    %swap3A_89 = arith.constant 304 : index
    %swap3A_90 = tpu.vector_load %arg9[%swap3A_89] {strides = array<i32>} : memref<512xf32, #tpu.memory_space<vmem>>, vector<16xf32>,
    tpu.vector_store %arg9[%swap3A_89], %broadcast_in_dim3A_47 {strides = array<i32>} : memref<512xf32, #tpu.memory_space<vmem>>, vector<16xf32>,
    %swap3A_91 = arith.constant 320 : index
    %swap3A_92 = tpu.vector_load %arg9[%swap3A_91] {strides = array<i32>} : memref<512xf32, #tpu.memory_space<vmem>>, vector<16xf32>,
    tpu.vector_store %arg9[%swap3A_91], %broadcast_in_dim3A_47 {strides = array<i32>} : memref<512xf32, #tpu.memory_space<vmem>>, vector<16xf32>,
    %swap3A_93 = arith.constant 336 : index
    %swap3A_94 = tpu.vector_load %arg9[%swap3A_93] {strides = array<i32>} : memref<512xf32, #tpu.memory_space<vmem>>, vector<16xf32>,
    tpu.vector_store %arg9[%swap3A_93], %broadcast_in_dim3A_47 {strides = array<i32>} : memref<512xf32, #tpu.memory_space<vmem>>, vector<16xf32>,
    %swap3A_95 = arith.constant 352 : index
    %swap3A_96 = tpu.vector_load %arg9[%swap3A_95] {strides = array<i32>} : memref<512xf32, #tpu.memory_space<vmem>>, vector<16xf32>,
    tpu.vector_store %arg9[%swap3A_95], %broadcast_in_dim3A_47 {strides = array<i32>} : memref<512xf32, #tpu.memory_space<vmem>>, vector<16xf32>,
    %swap3A_97 = arith.constant 368 : index
    %swap3A_98 = tpu.vector_load %arg9[%swap3A_97] {strides = array<i32>} : memref<512xf32, #tpu.memory_space<vmem>>, vector<16xf32>,
    tpu.vector_store %arg9[%swap3A_97], %broadcast_in_dim3A_47 {strides = array<i32>} : memref<512xf32, #tpu.memory_space<vmem>>, vector<16xf32>,
    %swap3A_99 = arith.constant 384 : index
    %swap3A_100 = tpu.vector_load %arg9[%swap3A_99] {strides = array<i32>} : memref<512xf32, #tpu.memory_space<vmem>>, vector<16xf32>,
    tpu.vector_store %arg9[%swap3A_99], %broadcast_in_dim3A_47 {strides = array<i32>} : memref<512xf32, #tpu.memory_space<vmem>>, vector<16xf32>,
    %swap3A_101 = arith.constant 400 : index
    %swap3A_102 = tpu.vector_load %arg9[%swap3A_101] {strides = array<i32>} : memref<512xf32, #tpu.memory_space<vmem>>, vector<16xf32>,
    tpu.vector_store %arg9[%swap3A_101], %broadcast_in_dim3A_47 {strides = array<i32>} : memref<512xf32, #tpu.memory_space<vmem>>, vector<16xf32>,
    %swap3A_103 = arith.constant 416 : index
    %swap3A_104 = tpu.vector_load %arg9[%swap3A_103] {strides = array<i32>} : memref<512xf32, #tpu.memory_space<vmem>>, vector<16xf32>,
    tpu.vector_store %arg9[%swap3A_103], %broadcast_in_dim3A_47 {strides = array<i32>} : memref<512xf32, #tpu.memory_space<vmem>>, vector<16xf32>,
    %swap3A_105 = arith.constant 432 : index
    %swap3A_106 = tpu.vector_load %arg9[%swap3A_105] {strides = array<i32>} : memref<512xf32, #tpu.memory_space<vmem>>, vector<16xf32>,
    tpu.vector_store %arg9[%swap3A_105], %broadcast_in_dim3A_47 {strides = array<i32>} : memref<512xf32, #tpu.memory_space<vmem>>, vector<16xf32>,
    %swap3A_107 = arith.constant 448 : index
    %swap3A_108 = tpu.vector_load %arg9[%swap3A_107] {strides = array<i32>} : memref<512xf32, #tpu.memory_space<vmem>>, vector<16xf32>,
    tpu.vector_store %arg9[%swap3A_107], %broadcast_in_dim3A_47 {strides = array<i32>} : memref<512xf32, #tpu.memory_space<vmem>>, vector<16xf32>,
    %swap3A_109 = arith.constant 464 : index
    %swap3A_110 = tpu.vector_load %arg9[%swap3A_109] {strides = array<i32>} : memref<512xf32, #tpu.memory_space<vmem>>, vector<16xf32>,
    tpu.vector_store %arg9[%swap3A_109], %broadcast_in_dim3A_47 {strides = array<i32>} : memref<512xf32, #tpu.memory_space<vmem>>, vector<16xf32>,
    %swap3A_111 = arith.constant 480 : index
    %swap3A_112 = tpu.vector_load %arg9[%swap3A_111] {strides = array<i32>} : memref<512xf32, #tpu.memory_space<vmem>>, vector<16xf32>,
    tpu.vector_store %arg9[%swap3A_111], %broadcast_in_dim3A_47 {strides = array<i32>} : memref<512xf32, #tpu.memory_space<vmem>>, vector<16xf32>,
    %swap3A_113 = arith.constant 496 : index
    %swap3A_114 = tpu.vector_load %arg9[%swap3A_113] {strides = array<i32>} : memref<512xf32, #tpu.memory_space<vmem>>, vector<16xf32>,
    tpu.vector_store %arg9[%swap3A_113], %broadcast_in_dim3A_47 {strides = array<i32>} : memref<512xf32, #tpu.memory_space<vmem>>, vector<16xf32>,
    %parallel_loop3A_115 = arith.constant 0 : i32
    %parallel_loop3A_116 = arith.constant 512 : i32
    %parallel_loop3A_117 = arith.constant 1 : i32
    scf.for %parallel_loop3A_127 = %parallel_loop3A_115 to %parallel_loop3A_116 step %parallel_loop3A_117  : i32 {
      %parallel_loop3A_128 = arith.constant 16 : i32
      %parallel_loop3A_129 = arith.muli %parallel_loop3A_127, %parallel_loop3A_128 : i32
      %parallel_loop3A_130 = arith.index_cast %parallel_loop3A_129 : i32 to index
      %parallel_loop3A_131 = tpu.vector_load %arg6[%parallel_loop3A_130] {strides = array<i32>} : memref<8192xi32, #tpu.memory_space<vmem>>, vector<16xi32>,
      %parallel_loop3A_132 = arith.constant 16 : i32
      %parallel_loop3A_133 = vector.broadcast %parallel_loop3A_132 : i32 to vector<16xi32>
      %parallel_loop3A_134 = arith.muli %parallel_loop3A_131, %parallel_loop3A_133 : vector<16xi32>
      %parallel_loop3A_135 = arith.addi %parallel_loop3A_134, %iota3A : vector<16xi32>
      %parallel_loop3A_136 = arith.constant 16 : i32
      %parallel_loop3A_137 = arith.muli %parallel_loop3A_127, %parallel_loop3A_136 : i32
      %parallel_loop3A_138 = arith.index_cast %parallel_loop3A_137 : i32 to index
      %parallel_loop3A_139 = tpu.vector_load %arg6[%parallel_loop3A_138] {strides = array<i32>} : memref<8192xi32, #tpu.memory_space<vmem>>, vector<16xi32>,
      tpu.vector_store %arg6[%parallel_loop3A_138], %parallel_loop3A_135 {strides = array<i32>} : memref<8192xi32, #tpu.memory_space<vmem>>, vector<16xi32>,
      tpu.vector_store_idx %arg9[%parallel_loop3A_135], %broadcast_in_dim3A_49 {add = true} : memref<512xf32, #tpu.memory_space<vmem>>[vector<16xi32>], vector<16xf32>,
    } {sc.loop_unroll_factor = 4 : i64, sc.parallel_access}
    %scan3A = arith.constant 0 : i32
    %scan3A_118 = arith.constant 0 : i32
    %scan3A_119 = arith.constant 4 : i32
    %scan3A_120 = arith.addi %scan3A_118, %scan3A_119 : i32
    %scan3A_121 = arith.constant 1 : i32
    %scan3A_122 = scf.for %scan3A_127 = %scan3A_118 to %scan3A_120 step %scan3A_121 iter_args(%scan3A_128 = %scan3A) -> (i32)  : i32 {
      %mul3A_129 = arith.constant 2 : i32
      %mul3A_130 = arith.muli %mul3A_129, %scan3A_127 : i32
      %add3A_131 = arith.constant 1 : i32
      %add3A_132 = arith.addi %mul3A_130, %add3A_131 : i32
      %mul3A_133 = arith.constant 1024 : i32
      %mul3A_134 = arith.muli %add3A_132, %mul3A_133 : i32
      %dma_start3A_135 = arith.constant 1 : i32
      %dma_start3A_136 = arith.constant 0 : i32
      %dma_start3A_137 = arith.constant 0 : i32
      %dma_start3A_138 = tpu.memref_slice %arg7[%dma_start3A_135, %dma_start3A_136, %dma_start3A_137] : memref<2x32x1024xf32, #tpu.memory_space<vmem>> -> memref<1x32x1024xf32, #tpu.memory_space<vmem>>
      %dma_start3A_139 = tpu.memref_squeeze %dma_start3A_138 : memref<1x32x1024xf32, #tpu.memory_space<vmem>> -> memref<32x1024xf32, #tpu.memory_space<vmem>>
      %dma_start3A_140 = tpu.memref_slice %arg2[%select_n3A, %mul3A_32, %mul3A_134] : memref<16x64x8192xf32, #tpu.memory_space<hbm>> -> memref<1x32x1024xf32, #tpu.memory_space<hbm>>
      %dma_start3A_141 = tpu.memref_squeeze %dma_start3A_140 : memref<1x32x1024xf32, #tpu.memory_space<hbm>> -> memref<32x1024xf32, #tpu.memory_space<hbm>>
      %dma_start3A_142 = arith.constant 0 : i32
      %dma_start3A_143 = arith.constant 0 : i32
      %dma_start3A_144 = tpu.memref_slice %arg7[%dma_start3A_135, %dma_start3A_142, %dma_start3A_143] : memref<2x32x1024xf32, #tpu.memory_space<vmem>> -> memref<1x32x1024xf32, #tpu.memory_space<vmem>>
      %dma_start3A_145 = tpu.memref_squeeze %dma_start3A_144 : memref<1x32x1024xf32, #tpu.memory_space<vmem>> -> memref<32x1024xf32, #tpu.memory_space<vmem>>
      %dma_start3A_146 = tpu.memref_slice %arg2[%select_n3A, %mul3A_32, %mul3A_134] : memref<16x64x8192xf32, #tpu.memory_space<hbm>> -> memref<1x32x1024xf32, #tpu.memory_space<hbm>>
      %dma_start3A_147 = tpu.memref_squeeze %dma_start3A_146 : memref<1x32x1024xf32, #tpu.memory_space<hbm>> -> memref<32x1024xf32, #tpu.memory_space<hbm>>
      tpu.enqueue_dma source(%dma_start3A_147 : memref<32x1024xf32, #tpu.memory_space<hbm>>) target(%dma_start3A_145 : memref<32x1024xf32, #tpu.memory_space<vmem>>) target_semaphore(%arg11 : memref<!tpu.dma_semaphore, #tpu.memory_space<semaphore_mem>>)
      %dma_wait3A = arith.constant 0 : i32
      %dma_wait3A_148 = arith.constant 0 : i32
      %dma_wait3A_149 = arith.constant 0 : i32
      %dma_wait3A_150 = tpu.memref_slice %arg7[%dma_wait3A, %dma_wait3A_148, %dma_wait3A_149] : memref<2x32x1024xf32, #tpu.memory_space<vmem>> -> memref<1x32x1024xf32, #tpu.memory_space<vmem>>
      %dma_wait3A_151 = tpu.memref_squeeze %dma_wait3A_150 : memref<1x32x1024xf32, #tpu.memory_space<vmem>> -> memref<32x1024xf32, #tpu.memory_space<vmem>>
      %dma_wait3A_152 = arith.constant 0 : i32
      %dma_wait3A_153 = tpu.memref_slice %arg2[%select_n3A, %mul3A_32, %dma_wait3A_152] : memref<16x64x8192xf32, #tpu.memory_space<hbm>> -> memref<1x32x1024xf32, #tpu.memory_space<hbm>>
      %dma_wait3A_154 = tpu.memref_squeeze %dma_wait3A_153 : memref<1x32x1024xf32, #tpu.memory_space<hbm>> -> memref<32x1024xf32, #tpu.memory_space<hbm>>
      %dma_wait3A_155 = arith.constant 0 : i32
      %dma_wait3A_156 = arith.constant 0 : i32
      %dma_wait3A_157 = tpu.memref_slice %arg7[%dma_wait3A, %dma_wait3A_155, %dma_wait3A_156] : memref<2x32x1024xf32, #tpu.memory_space<vmem>> -> memref<1x32x1024xf32, #tpu.memory_space<vmem>>
      %dma_wait3A_158 = tpu.memref_squeeze %dma_wait3A_157 : memref<1x32x1024xf32, #tpu.memory_space<vmem>> -> memref<32x1024xf32, #tpu.memory_space<vmem>>
      %dma_wait3A_159 = arith.constant 0 : i32
      %dma_wait3A_160 = tpu.memref_slice %arg2[%select_n3A, %mul3A_32, %dma_wait3A_159] : memref<16x64x8192xf32, #tpu.memory_space<hbm>> -> memref<1x32x1024xf32, #tpu.memory_space<hbm>>
      %dma_wait3A_161 = tpu.memref_squeeze %dma_wait3A_160 : memref<1x32x1024xf32, #tpu.memory_space<hbm>> -> memref<32x1024xf32, #tpu.memory_space<hbm>>
      tpu.wait_dma2 semaphore(%arg10 : memref<!tpu.dma_semaphore, #tpu.memory_space<semaphore_mem>>) src(%dma_wait3A_161 : memref<32x1024xf32, #tpu.memory_space<hbm>>) dst(%dma_wait3A_158 : memref<32x1024xf32, #tpu.memory_space<vmem>>)
      %mul3A_162 = arith.constant 1024 : i32
      %mul3A_163 = arith.muli %mul3A_130, %mul3A_162 : i32
      %parallel_loop3A_164 = arith.constant 0 : i32
      %parallel_loop3A_165 = arith.constant 64 : i32
      %parallel_loop3A_166 = arith.constant 1 : i32
      %parallel_loop3A_167 = arith.constant 0 : i32
      scf.for %parallel_loop3A_199 = %parallel_loop3A_164 to %parallel_loop3A_165 step %parallel_loop3A_166  : i32 {
        %parallel_loop3A_200 = arith.constant 16 : i32
        %parallel_loop3A_201 = arith.muli %parallel_loop3A_199, %parallel_loop3A_200 : i32
        %parallel_loop3A_202 = arith.addi %mul3A_163, %parallel_loop3A_201 : i32
        %parallel_loop3A_203 = arith.index_cast %parallel_loop3A_202 : i32 to index
        %parallel_loop3A_204 = tpu.vector_load %arg6[%parallel_loop3A_203] {strides = array<i32>} : memref<8192xi32, #tpu.memory_space<vmem>>, vector<16xi32>,
        %parallel_loop3A_205 = arith.constant 16 : i32
        %parallel_loop3A_206 = arith.muli %parallel_loop3A_199, %parallel_loop3A_205 : i32
        %parallel_loop3A_207 = arith.constant 0 : i32
        %parallel_loop3A_208 = arith.constant 0 : i32
        %parallel_loop3A_209 = arith.constant 0 : i32
        %parallel_loop3A_210 = tpu.memref_slice %arg7[%parallel_loop3A_167, %parallel_loop3A_208, %parallel_loop3A_209] : memref<2x32x1024xf32, #tpu.memory_space<vmem>> -> memref<1x32x1024xf32, #tpu.memory_space<vmem>>
        %parallel_loop3A_211 = tpu.memref_squeeze %parallel_loop3A_210 : memref<1x32x1024xf32, #tpu.memory_space<vmem>> -> memref<32x1024xf32, #tpu.memory_space<vmem>>
        %parallel_loop3A_212 = arith.index_cast %parallel_loop3A_207 : i32 to index
        %parallel_loop3A_213 = arith.index_cast %parallel_loop3A_206 : i32 to index
        %parallel_loop3A_214 = tpu.vector_load %parallel_loop3A_211[%parallel_loop3A_212, %parallel_loop3A_213] {strides = array<i32>} : memref<32x1024xf32, #tpu.memory_space<vmem>>, vector<16xf32>,
        %parallel_loop3A_215 = arith.constant 0 : i32
        %parallel_loop3A_216 = tpu.memref_slice %arg8[%parallel_loop3A_215] : memref<16384xf32, #tpu.memory_space<vmem>> -> memref<512xf32, #tpu.memory_space<vmem>>
        tpu.vector_store_idx %parallel_loop3A_216[%parallel_loop3A_204], %parallel_loop3A_214 {add = true} : memref<512xf32, #tpu.memory_space<vmem>>[vector<16xi32>], vector<16xf32>,
        %parallel_loop3A_217 = arith.constant 16 : i32
        %parallel_loop3A_218 = arith.muli %parallel_loop3A_199, %parallel_loop3A_217 : i32
        %parallel_loop3A_219 = arith.constant 1 : i32
        %parallel_loop3A_220 = arith.constant 0 : i32
        %parallel_loop3A_221 = arith.constant 0 : i32
        %parallel_loop3A_222 = tpu.memref_slice %arg7[%parallel_loop3A_167, %parallel_loop3A_220, %parallel_loop3A_221] : memref<2x32x1024xf32, #tpu.memory_space<vmem>> -> memref<1x32x1024xf32, #tpu.memory_space<vmem>>
        %parallel_loop3A_223 = tpu.memref_squeeze %parallel_loop3A_222 : memref<1x32x1024xf32, #tpu.memory_space<vmem>> -> memref<32x1024xf32, #tpu.memory_space<vmem>>
        %parallel_loop3A_224 = arith.index_cast %parallel_loop3A_219 : i32 to index
        %parallel_loop3A_225 = arith.index_cast %parallel_loop3A_218 : i32 to index
        %parallel_loop3A_226 = tpu.vector_load %parallel_loop3A_223[%parallel_loop3A_224, %parallel_loop3A_225] {strides = array<i32>} : memref<32x1024xf32, #tpu.memory_space<vmem>>, vector<16xf32>,
        %parallel_loop3A_227 = arith.constant 512 : i32
        %parallel_loop3A_228 = tpu.memref_slice %arg8[%parallel_loop3A_227] : memref<16384xf32, #tpu.memory_space<vmem>> -> memref<512xf32, #tpu.memory_space<vmem>>
        tpu.vector_store_idx %parallel_loop3A_228[%parallel_loop3A_204], %parallel_loop3A_226 {add = true} : memref<512xf32, #tpu.memory_space<vmem>>[vector<16xi32>], vector<16xf32>,
        %parallel_loop3A_229 = arith.constant 16 : i32
        %parallel_loop3A_230 = arith.muli %parallel_loop3A_199, %parallel_loop3A_229 : i32
        %parallel_loop3A_231 = arith.constant 2 : i32
        %parallel_loop3A_232 = arith.constant 0 : i32
        %parallel_loop3A_233 = arith.constant 0 : i32
        %parallel_loop3A_234 = tpu.memref_slice %arg7[%parallel_loop3A_167, %parallel_loop3A_232, %parallel_loop3A_233] : memref<2x32x1024xf32, #tpu.memory_space<vmem>> -> memref<1x32x1024xf32, #tpu.memory_space<vmem>>
        %parallel_loop3A_235 = tpu.memref_squeeze %parallel_loop3A_234 : memref<1x32x1024xf32, #tpu.memory_space<vmem>> -> memref<32x1024xf32, #tpu.memory_space<vmem>>
        %parallel_loop3A_236 = arith.index_cast %parallel_loop3A_231 : i32 to index
        %parallel_loop3A_237 = arith.index_cast %parallel_loop3A_230 : i32 to index
        %parallel_loop3A_238 = tpu.vector_load %parallel_loop3A_235[%parallel_loop3A_236, %parallel_loop3A_237] {strides = array<i32>} : memref<32x1024xf32, #tpu.memory_space<vmem>>, vector<16xf32>,
        %parallel_loop3A_239 = arith.constant 1024 : i32
        %parallel_loop3A_240 = tpu.memref_slice %arg8[%parallel_loop3A_239] : memref<16384xf32, #tpu.memory_space<vmem>> -> memref<512xf32, #tpu.memory_space<vmem>>
        tpu.vector_store_idx %parallel_loop3A_240[%parallel_loop3A_204], %parallel_loop3A_238 {add = true} : memref<512xf32, #tpu.memory_space<vmem>>[vector<16xi32>], vector<16xf32>,
        %parallel_loop3A_241 = arith.constant 16 : i32
        %parallel_loop3A_242 = arith.muli %parallel_loop3A_199, %parallel_loop3A_241 : i32
        %parallel_loop3A_243 = arith.constant 3 : i32
        %parallel_loop3A_244 = arith.constant 0 : i32
        %parallel_loop3A_245 = arith.constant 0 : i32
        %parallel_loop3A_246 = tpu.memref_slice %arg7[%parallel_loop3A_167, %parallel_loop3A_244, %parallel_loop3A_245] : memref<2x32x1024xf32, #tpu.memory_space<vmem>> -> memref<1x32x1024xf32, #tpu.memory_space<vmem>>
        %parallel_loop3A_247 = tpu.memref_squeeze %parallel_loop3A_246 : memref<1x32x1024xf32, #tpu.memory_space<vmem>> -> memref<32x1024xf32, #tpu.memory_space<vmem>>
        %parallel_loop3A_248 = arith.index_cast %parallel_loop3A_243 : i32 to index
        %parallel_loop3A_249 = arith.index_cast %parallel_loop3A_242 : i32 to index
        %parallel_loop3A_250 = tpu.vector_load %parallel_loop3A_247[%parallel_loop3A_248, %parallel_loop3A_249] {strides = array<i32>} : memref<32x1024xf32, #tpu.memory_space<vmem>>, vector<16xf32>,
        %parallel_loop3A_251 = arith.constant 1536 : i32
        %parallel_loop3A_252 = tpu.memref_slice %arg8[%parallel_loop3A_251] : memref<16384xf32, #tpu.memory_space<vmem>> -> memref<512xf32, #tpu.memory_space<vmem>>
        tpu.vector_store_idx %parallel_loop3A_252[%parallel_loop3A_204], %parallel_loop3A_250 {add = true} : memref<512xf32, #tpu.memory_space<vmem>>[vector<16xi32>], vector<16xf32>,
        %parallel_loop3A_253 = arith.constant 16 : i32
        %parallel_loop3A_254 = arith.muli %parallel_loop3A_199, %parallel_loop3A_253 : i32
        %parallel_loop3A_255 = arith.constant 4 : i32
        %parallel_loop3A_256 = arith.constant 0 : i32
        %parallel_loop3A_257 = arith.constant 0 : i32
        %parallel_loop3A_258 = tpu.memref_slice %arg7[%parallel_loop3A_167, %parallel_loop3A_256, %parallel_loop3A_257] : memref<2x32x1024xf32, #tpu.memory_space<vmem>> -> memref<1x32x1024xf32, #tpu.memory_space<vmem>>
        %parallel_loop3A_259 = tpu.memref_squeeze %parallel_loop3A_258 : memref<1x32x1024xf32, #tpu.memory_space<vmem>> -> memref<32x1024xf32, #tpu.memory_space<vmem>>
        %parallel_loop3A_260 = arith.index_cast %parallel_loop3A_255 : i32 to index
        %parallel_loop3A_261 = arith.index_cast %parallel_loop3A_254 : i32 to index
        %parallel_loop3A_262 = tpu.vector_load %parallel_loop3A_259[%parallel_loop3A_260, %parallel_loop3A_261] {strides = array<i32>} : memref<32x1024xf32, #tpu.memory_space<vmem>>, vector<16xf32>,
        %parallel_loop3A_263 = arith.constant 2048 : i32
        %parallel_loop3A_264 = tpu.memref_slice %arg8[%parallel_loop3A_263] : memref<16384xf32, #tpu.memory_space<vmem>> -> memref<512xf32, #tpu.memory_space<vmem>>
        tpu.vector_store_idx %parallel_loop3A_264[%parallel_loop3A_204], %parallel_loop3A_262 {add = true} : memref<512xf32, #tpu.memory_space<vmem>>[vector<16xi32>], vector<16xf32>,
        %parallel_loop3A_265 = arith.constant 16 : i32
        %parallel_loop3A_266 = arith.muli %parallel_loop3A_199, %parallel_loop3A_265 : i32
        %parallel_loop3A_267 = arith.constant 5 : i32
        %parallel_loop3A_268 = arith.constant 0 : i32
        %parallel_loop3A_269 = arith.constant 0 : i32
        %parallel_loop3A_270 = tpu.memref_slice %arg7[%parallel_loop3A_167, %parallel_loop3A_268, %parallel_loop3A_269] : memref<2x32x1024xf32, #tpu.memory_space<vmem>> -> memref<1x32x1024xf32, #tpu.memory_space<vmem>>
        %parallel_loop3A_271 = tpu.memref_squeeze %parallel_loop3A_270 : memref<1x32x1024xf32, #tpu.memory_space<vmem>> -> memref<32x1024xf32, #tpu.memory_space<vmem>>
        %parallel_loop3A_272 = arith.index_cast %parallel_loop3A_267 : i32 to index
        %parallel_loop3A_273 = arith.index_cast %parallel_loop3A_266 : i32 to index
        %parallel_loop3A_274 = tpu.vector_load %parallel_loop3A_271[%parallel_loop3A_272, %parallel_loop3A_273] {strides = array<i32>} : memref<32x1024xf32, #tpu.memory_space<vmem>>, vector<16xf32>,
        %parallel_loop3A_275 = arith.constant 2560 : i32
        %parallel_loop3A_276 = tpu.memref_slice %arg8[%parallel_loop3A_275] : memref<16384xf32, #tpu.memory_space<vmem>> -> memref<512xf32, #tpu.memory_space<vmem>>
        tpu.vector_store_idx %parallel_loop3A_276[%parallel_loop3A_204], %parallel_loop3A_274 {add = true} : memref<512xf32, #tpu.memory_space<vmem>>[vector<16xi32>], vector<16xf32>,
        %parallel_loop3A_277 = arith.constant 16 : i32
        %parallel_loop3A_278 = arith.muli %parallel_loop3A_199, %parallel_loop3A_277 : i32
        %parallel_loop3A_279 = arith.constant 6 : i32
        %parallel_loop3A_280 = arith.constant 0 : i32
        %parallel_loop3A_281 = arith.constant 0 : i32
        %parallel_loop3A_282 = tpu.memref_slice %arg7[%parallel_loop3A_167, %parallel_loop3A_280, %parallel_loop3A_281] : memref<2x32x1024xf32, #tpu.memory_space<vmem>> -> memref<1x32x1024xf32, #tpu.memory_space<vmem>>
        %parallel_loop3A_283 = tpu.memref_squeeze %parallel_loop3A_282 : memref<1x32x1024xf32, #tpu.memory_space<vmem>> -> memref<32x1024xf32, #tpu.memory_space<vmem>>
        %parallel_loop3A_284 = arith.index_cast %parallel_loop3A_279 : i32 to index
        %parallel_loop3A_285 = arith.index_cast %parallel_loop3A_278 : i32 to index
        %parallel_loop3A_286 = tpu.vector_load %parallel_loop3A_283[%parallel_loop3A_284, %parallel_loop3A_285] {strides = array<i32>} : memref<32x1024xf32, #tpu.memory_space<vmem>>, vector<16xf32>,
        %parallel_loop3A_287 = arith.constant 3072 : i32
        %parallel_loop3A_288 = tpu.memref_slice %arg8[%parallel_loop3A_287] : memref<16384xf32, #tpu.memory_space<vmem>> -> memref<512xf32, #tpu.memory_space<vmem>>
        tpu.vector_store_idx %parallel_loop3A_288[%parallel_loop3A_204], %parallel_loop3A_286 {add = true} : memref<512xf32, #tpu.memory_space<vmem>>[vector<16xi32>], vector<16xf32>,
        %parallel_loop3A_289 = arith.constant 16 : i32
        %parallel_loop3A_290 = arith.muli %parallel_loop3A_199, %parallel_loop3A_289 : i32
        %parallel_loop3A_291 = arith.constant 7 : i32
        %parallel_loop3A_292 = arith.constant 0 : i32
        %parallel_loop3A_293 = arith.constant 0 : i32
        %parallel_loop3A_294 = tpu.memref_slice %arg7[%parallel_loop3A_167, %parallel_loop3A_292, %parallel_loop3A_293] : memref<2x32x1024xf32, #tpu.memory_space<vmem>> -> memref<1x32x1024xf32, #tpu.memory_space<vmem>>
        %parallel_loop3A_295 = tpu.memref_squeeze %parallel_loop3A_294 : memref<1x32x1024xf32, #tpu.memory_space<vmem>> -> memref<32x1024xf32, #tpu.memory_space<vmem>>
        %parallel_loop3A_296 = arith.index_cast %parallel_loop3A_291 : i32 to index
        %parallel_loop3A_297 = arith.index_cast %parallel_loop3A_290 : i32 to index
        %parallel_loop3A_298 = tpu.vector_load %parallel_loop3A_295[%parallel_loop3A_296, %parallel_loop3A_297] {strides = array<i32>} : memref<32x1024xf32, #tpu.memory_space<vmem>>, vector<16xf32>,
        %parallel_loop3A_299 = arith.constant 3584 : i32
        %parallel_loop3A_300 = tpu.memref_slice %arg8[%parallel_loop3A_299] : memref<16384xf32, #tpu.memory_space<vmem>> -> memref<512xf32, #tpu.memory_space<vmem>>
        tpu.vector_store_idx %parallel_loop3A_300[%parallel_loop3A_204], %parallel_loop3A_298 {add = true} : memref<512xf32, #tpu.memory_space<vmem>>[vector<16xi32>], vector<16xf32>,
        %parallel_loop3A_301 = arith.constant 16 : i32
        %parallel_loop3A_302 = arith.muli %parallel_loop3A_199, %parallel_loop3A_301 : i32
        %parallel_loop3A_303 = arith.constant 8 : i32
        %parallel_loop3A_304 = arith.constant 0 : i32
        %parallel_loop3A_305 = arith.constant 0 : i32
        %parallel_loop3A_306 = tpu.memref_slice %arg7[%parallel_loop3A_167, %parallel_loop3A_304, %parallel_loop3A_305] : memref<2x32x1024xf32, #tpu.memory_space<vmem>> -> memref<1x32x1024xf32, #tpu.memory_space<vmem>>
        %parallel_loop3A_307 = tpu.memref_squeeze %parallel_loop3A_306 : memref<1x32x1024xf32, #tpu.memory_space<vmem>> -> memref<32x1024xf32, #tpu.memory_space<vmem>>
        %parallel_loop3A_308 = arith.index_cast %parallel_loop3A_303 : i32 to index
        %parallel_loop3A_309 = arith.index_cast %parallel_loop3A_302 : i32 to index
        %parallel_loop3A_310 = tpu.vector_load %parallel_loop3A_307[%parallel_loop3A_308, %parallel_loop3A_309] {strides = array<i32>} : memref<32x1024xf32, #tpu.memory_space<vmem>>, vector<16xf32>,
        %parallel_loop3A_311 = arith.constant 4096 : i32
        %parallel_loop3A_312 = tpu.memref_slice %arg8[%parallel_loop3A_311] : memref<16384xf32, #tpu.memory_space<vmem>> -> memref<512xf32, #tpu.memory_space<vmem>>
        tpu.vector_store_idx %parallel_loop3A_312[%parallel_loop3A_204], %parallel_loop3A_310 {add = true} : memref<512xf32, #tpu.memory_space<vmem>>[vector<16xi32>], vector<16xf32>,
        %parallel_loop3A_313 = arith.constant 16 : i32
        %parallel_loop3A_314 = arith.muli %parallel_loop3A_199, %parallel_loop3A_313 : i32
        %parallel_loop3A_315 = arith.constant 9 : i32
        %parallel_loop3A_316 = arith.constant 0 : i32
        %parallel_loop3A_317 = arith.constant 0 : i32
        %parallel_loop3A_318 = tpu.memref_slice %arg7[%parallel_loop3A_167, %parallel_loop3A_316, %parallel_loop3A_317] : memref<2x32x1024xf32, #tpu.memory_space<vmem>> -> memref<1x32x1024xf32, #tpu.memory_space<vmem>>
        %parallel_loop3A_319 = tpu.memref_squeeze %parallel_loop3A_318 : memref<1x32x1024xf32, #tpu.memory_space<vmem>> -> memref<32x1024xf32, #tpu.memory_space<vmem>>
        %parallel_loop3A_320 = arith.index_cast %parallel_loop3A_315 : i32 to index
        %parallel_loop3A_321 = arith.index_cast %parallel_loop3A_314 : i32 to index
        %parallel_loop3A_322 = tpu.vector_load %parallel_loop3A_319[%parallel_loop3A_320, %parallel_loop3A_321] {strides = array<i32>} : memref<32x1024xf32, #tpu.memory_space<vmem>>, vector<16xf32>,
        %parallel_loop3A_323 = arith.constant 4608 : i32
        %parallel_loop3A_324 = tpu.memref_slice %arg8[%parallel_loop3A_323] : memref<16384xf32, #tpu.memory_space<vmem>> -> memref<512xf32, #tpu.memory_space<vmem>>
        tpu.vector_store_idx %parallel_loop3A_324[%parallel_loop3A_204], %parallel_loop3A_322 {add = true} : memref<512xf32, #tpu.memory_space<vmem>>[vector<16xi32>], vector<16xf32>,
        %parallel_loop3A_325 = arith.constant 16 : i32
        %parallel_loop3A_326 = arith.muli %parallel_loop3A_199, %parallel_loop3A_325 : i32
        %parallel_loop3A_327 = arith.constant 10 : i32
        %parallel_loop3A_328 = arith.constant 0 : i32
        %parallel_loop3A_329 = arith.constant 0 : i32
        %parallel_loop3A_330 = tpu.memref_slice %arg7[%parallel_loop3A_167, %parallel_loop3A_328, %parallel_loop3A_329] : memref<2x32x1024xf32, #tpu.memory_space<vmem>> -> memref<1x32x1024xf32, #tpu.memory_space<vmem>>
        %parallel_loop3A_331 = tpu.memref_squeeze %parallel_loop3A_330 : memref<1x32x1024xf32, #tpu.memory_space<vmem>> -> memref<32x1024xf32, #tpu.memory_space<vmem>>
        %parallel_loop3A_332 = arith.index_cast %parallel_loop3A_327 : i32 to index
        %parallel_loop3A_333 = arith.index_cast %parallel_loop3A_326 : i32 to index
        %parallel_loop3A_334 = tpu.vector_load %parallel_loop3A_331[%parallel_loop3A_332, %parallel_loop3A_333] {strides = array<i32>} : memref<32x1024xf32, #tpu.memory_space<vmem>>, vector<16xf32>,
        %parallel_loop3A_335 = arith.constant 5120 : i32
        %parallel_loop3A_336 = tpu.memref_slice %arg8[%parallel_loop3A_335] : memref<16384xf32, #tpu.memory_space<vmem>> -> memref<512xf32, #tpu.memory_space<vmem>>
        tpu.vector_store_idx %parallel_loop3A_336[%parallel_loop3A_204], %parallel_loop3A_334 {add = true} : memref<512xf32, #tpu.memory_space<vmem>>[vector<16xi32>], vector<16xf32>,
        %parallel_loop3A_337 = arith.constant 16 : i32
        %parallel_loop3A_338 = arith.muli %parallel_loop3A_199, %parallel_loop3A_337 : i32
        %parallel_loop3A_339 = arith.constant 11 : i32
        %parallel_loop3A_340 = arith.constant 0 : i32
        %parallel_loop3A_341 = arith.constant 0 : i32
        %parallel_loop3A_342 = tpu.memref_slice %arg7[%parallel_loop3A_167, %parallel_loop3A_340, %parallel_loop3A_341] : memref<2x32x1024xf32, #tpu.memory_space<vmem>> -> memref<1x32x1024xf32, #tpu.memory_space<vmem>>
        %parallel_loop3A_343 = tpu.memref_squeeze %parallel_loop3A_342 : memref<1x32x1024xf32, #tpu.memory_space<vmem>> -> memref<32x1024xf32, #tpu.memory_space<vmem>>
        %parallel_loop3A_344 = arith.index_cast %parallel_loop3A_339 : i32 to index
        %parallel_loop3A_345 = arith.index_cast %parallel_loop3A_338 : i32 to index
        %parallel_loop3A_346 = tpu.vector_load %parallel_loop3A_343[%parallel_loop3A_344, %parallel_loop3A_345] {strides = array<i32>} : memref<32x1024xf32, #tpu.memory_space<vmem>>, vector<16xf32>,
        %parallel_loop3A_347 = arith.constant 5632 : i32
        %parallel_loop3A_348 = tpu.memref_slice %arg8[%parallel_loop3A_347] : memref<16384xf32, #tpu.memory_space<vmem>> -> memref<512xf32, #tpu.memory_space<vmem>>
        tpu.vector_store_idx %parallel_loop3A_348[%parallel_loop3A_204], %parallel_loop3A_346 {add = true} : memref<512xf32, #tpu.memory_space<vmem>>[vector<16xi32>], vector<16xf32>,
        %parallel_loop3A_349 = arith.constant 16 : i32
        %parallel_loop3A_350 = arith.muli %parallel_loop3A_199, %parallel_loop3A_349 : i32
        %parallel_loop3A_351 = arith.constant 12 : i32
        %parallel_loop3A_352 = arith.constant 0 : i32
        %parallel_loop3A_353 = arith.constant 0 : i32
        %parallel_loop3A_354 = tpu.memref_slice %arg7[%parallel_loop3A_167, %parallel_loop3A_352, %parallel_loop3A_353] : memref<2x32x1024xf32, #tpu.memory_space<vmem>> -> memref<1x32x1024xf32, #tpu.memory_space<vmem>>
        %parallel_loop3A_355 = tpu.memref_squeeze %parallel_loop3A_354 : memref<1x32x1024xf32, #tpu.memory_space<vmem>> -> memref<32x1024xf32, #tpu.memory_space<vmem>>
        %parallel_loop3A_356 = arith.index_cast %parallel_loop3A_351 : i32 to index
        %parallel_loop3A_357 = arith.index_cast %parallel_loop3A_350 : i32 to index
        %parallel_loop3A_358 = tpu.vector_load %parallel_loop3A_355[%parallel_loop3A_356, %parallel_loop3A_357] {strides = array<i32>} : memref<32x1024xf32, #tpu.memory_space<vmem>>, vector<16xf32>,
        %parallel_loop3A_359 = arith.constant 6144 : i32
        %parallel_loop3A_360 = tpu.memref_slice %arg8[%parallel_loop3A_359] : memref<16384xf32, #tpu.memory_space<vmem>> -> memref<512xf32, #tpu.memory_space<vmem>>
        tpu.vector_store_idx %parallel_loop3A_360[%parallel_loop3A_204], %parallel_loop3A_358 {add = true} : memref<512xf32, #tpu.memory_space<vmem>>[vector<16xi32>], vector<16xf32>,
        %parallel_loop3A_361 = arith.constant 16 : i32
        %parallel_loop3A_362 = arith.muli %parallel_loop3A_199, %parallel_loop3A_361 : i32
        %parallel_loop3A_363 = arith.constant 13 : i32
        %parallel_loop3A_364 = arith.constant 0 : i32
        %parallel_loop3A_365 = arith.constant 0 : i32
        %parallel_loop3A_366 = tpu.memref_slice %arg7[%parallel_loop3A_167, %parallel_loop3A_364, %parallel_loop3A_365] : memref<2x32x1024xf32, #tpu.memory_space<vmem>> -> memref<1x32x1024xf32, #tpu.memory_space<vmem>>
        %parallel_loop3A_367 = tpu.memref_squeeze %parallel_loop3A_366 : memref<1x32x1024xf32, #tpu.memory_space<vmem>> -> memref<32x1024xf32, #tpu.memory_space<vmem>>
        %parallel_loop3A_368 = arith.index_cast %parallel_loop3A_363 : i32 to index
        %parallel_loop3A_369 = arith.index_cast %parallel_loop3A_362 : i32 to index
        %parallel_loop3A_370 = tpu.vector_load %parallel_loop3A_367[%parallel_loop3A_368, %parallel_loop3A_369] {strides = array<i32>} : memref<32x1024xf32, #tpu.memory_space<vmem>>, vector<16xf32>,
        %parallel_loop3A_371 = arith.constant 6656 : i32
        %parallel_loop3A_372 = tpu.memref_slice %arg8[%parallel_loop3A_371] : memref<16384xf32, #tpu.memory_space<vmem>> -> memref<512xf32, #tpu.memory_space<vmem>>
        tpu.vector_store_idx %parallel_loop3A_372[%parallel_loop3A_204], %parallel_loop3A_370 {add = true} : memref<512xf32, #tpu.memory_space<vmem>>[vector<16xi32>], vector<16xf32>,
        %parallel_loop3A_373 = arith.constant 16 : i32
        %parallel_loop3A_374 = arith.muli %parallel_loop3A_199, %parallel_loop3A_373 : i32
        %parallel_loop3A_375 = arith.constant 14 : i32
        %parallel_loop3A_376 = arith.constant 0 : i32
        %parallel_loop3A_377 = arith.constant 0 : i32
        %parallel_loop3A_378 = tpu.memref_slice %arg7[%parallel_loop3A_167, %parallel_loop3A_376, %parallel_loop3A_377] : memref<2x32x1024xf32, #tpu.memory_space<vmem>> -> memref<1x32x1024xf32, #tpu.memory_space<vmem>>
        %parallel_loop3A_379 = tpu.memref_squeeze %parallel_loop3A_378 : memref<1x32x1024xf32, #tpu.memory_space<vmem>> -> memref<32x1024xf32, #tpu.memory_space<vmem>>
        %parallel_loop3A_380 = arith.index_cast %parallel_loop3A_375 : i32 to index
        %parallel_loop3A_381 = arith.index_cast %parallel_loop3A_374 : i32 to index
        %parallel_loop3A_382 = tpu.vector_load %parallel_loop3A_379[%parallel_loop3A_380, %parallel_loop3A_381] {strides = array<i32>} : memref<32x1024xf32, #tpu.memory_space<vmem>>, vector<16xf32>,
        %parallel_loop3A_383 = arith.constant 7168 : i32
        %parallel_loop3A_384 = tpu.memref_slice %arg8[%parallel_loop3A_383] : memref<16384xf32, #tpu.memory_space<vmem>> -> memref<512xf32, #tpu.memory_space<vmem>>
        tpu.vector_store_idx %parallel_loop3A_384[%parallel_loop3A_204], %parallel_loop3A_382 {add = true} : memref<512xf32, #tpu.memory_space<vmem>>[vector<16xi32>], vector<16xf32>,
        %parallel_loop3A_385 = arith.constant 16 : i32
        %parallel_loop3A_386 = arith.muli %parallel_loop3A_199, %parallel_loop3A_385 : i32
        %parallel_loop3A_387 = arith.constant 15 : i32
        %parallel_loop3A_388 = arith.constant 0 : i32
        %parallel_loop3A_389 = arith.constant 0 : i32
        %parallel_loop3A_390 = tpu.memref_slice %arg7[%parallel_loop3A_167, %parallel_loop3A_388, %parallel_loop3A_389] : memref<2x32x1024xf32, #tpu.memory_space<vmem>> -> memref<1x32x1024xf32, #tpu.memory_space<vmem>>
        %parallel_loop3A_391 = tpu.memref_squeeze %parallel_loop3A_390 : memref<1x32x1024xf32, #tpu.memory_space<vmem>> -> memref<32x1024xf32, #tpu.memory_space<vmem>>
        %parallel_loop3A_392 = arith.index_cast %parallel_loop3A_387 : i32 to index
        %parallel_loop3A_393 = arith.index_cast %parallel_loop3A_386 : i32 to index
        %parallel_loop3A_394 = tpu.vector_load %parallel_loop3A_391[%parallel_loop3A_392, %parallel_loop3A_393] {strides = array<i32>} : memref<32x1024xf32, #tpu.memory_space<vmem>>, vector<16xf32>,
        %parallel_loop3A_395 = arith.constant 7680 : i32
        %parallel_loop3A_396 = tpu.memref_slice %arg8[%parallel_loop3A_395] : memref<16384xf32, #tpu.memory_space<vmem>> -> memref<512xf32, #tpu.memory_space<vmem>>
        tpu.vector_store_idx %parallel_loop3A_396[%parallel_loop3A_204], %parallel_loop3A_394 {add = true} : memref<512xf32, #tpu.memory_space<vmem>>[vector<16xi32>], vector<16xf32>,
        %parallel_loop3A_397 = arith.constant 16 : i32
        %parallel_loop3A_398 = arith.muli %parallel_loop3A_199, %parallel_loop3A_397 : i32
        %parallel_loop3A_399 = arith.constant 16 : i32
        %parallel_loop3A_400 = arith.constant 0 : i32
        %parallel_loop3A_401 = arith.constant 0 : i32
        %parallel_loop3A_402 = tpu.memref_slice %arg7[%parallel_loop3A_167, %parallel_loop3A_400, %parallel_loop3A_401] : memref<2x32x1024xf32, #tpu.memory_space<vmem>> -> memref<1x32x1024xf32, #tpu.memory_space<vmem>>
        %parallel_loop3A_403 = tpu.memref_squeeze %parallel_loop3A_402 : memref<1x32x1024xf32, #tpu.memory_space<vmem>> -> memref<32x1024xf32, #tpu.memory_space<vmem>>
        %parallel_loop3A_404 = arith.index_cast %parallel_loop3A_399 : i32 to index
        %parallel_loop3A_405 = arith.index_cast %parallel_loop3A_398 : i32 to index
        %parallel_loop3A_406 = tpu.vector_load %parallel_loop3A_403[%parallel_loop3A_404, %parallel_loop3A_405] {strides = array<i32>} : memref<32x1024xf32, #tpu.memory_space<vmem>>, vector<16xf32>,
        %parallel_loop3A_407 = arith.constant 8192 : i32
        %parallel_loop3A_408 = tpu.memref_slice %arg8[%parallel_loop3A_407] : memref<16384xf32, #tpu.memory_space<vmem>> -> memref<512xf32, #tpu.memory_space<vmem>>
        tpu.vector_store_idx %parallel_loop3A_408[%parallel_loop3A_204], %parallel_loop3A_406 {add = true} : memref<512xf32, #tpu.memory_space<vmem>>[vector<16xi32>], vector<16xf32>,
        %parallel_loop3A_409 = arith.constant 16 : i32
        %parallel_loop3A_410 = arith.muli %parallel_loop3A_199, %parallel_loop3A_409 : i32
        %parallel_loop3A_411 = arith.constant 17 : i32
        %parallel_loop3A_412 = arith.constant 0 : i32
        %parallel_loop3A_413 = arith.constant 0 : i32
        %parallel_loop3A_414 = tpu.memref_slice %arg7[%parallel_loop3A_167, %parallel_loop3A_412, %parallel_loop3A_413] : memref<2x32x1024xf32, #tpu.memory_space<vmem>> -> memref<1x32x1024xf32, #tpu.memory_space<vmem>>
        %parallel_loop3A_415 = tpu.memref_squeeze %parallel_loop3A_414 : memref<1x32x1024xf32, #tpu.memory_space<vmem>> -> memref<32x1024xf32, #tpu.memory_space<vmem>>
        %parallel_loop3A_416 = arith.index_cast %parallel_loop3A_411 : i32 to index
        %parallel_loop3A_417 = arith.index_cast %parallel_loop3A_410 : i32 to index
        %parallel_loop3A_418 = tpu.vector_load %parallel_loop3A_415[%parallel_loop3A_416, %parallel_loop3A_417] {strides = array<i32>} : memref<32x1024xf32, #tpu.memory_space<vmem>>, vector<16xf32>,
        %parallel_loop3A_419 = arith.constant 8704 : i32
        %parallel_loop3A_420 = tpu.memref_slice %arg8[%parallel_loop3A_419] : memref<16384xf32, #tpu.memory_space<vmem>> -> memref<512xf32, #tpu.memory_space<vmem>>
        tpu.vector_store_idx %parallel_loop3A_420[%parallel_loop3A_204], %parallel_loop3A_418 {add = true} : memref<512xf32, #tpu.memory_space<vmem>>[vector<16xi32>], vector<16xf32>,
        %parallel_loop3A_421 = arith.constant 16 : i32
        %parallel_loop3A_422 = arith.muli %parallel_loop3A_199, %parallel_loop3A_421 : i32
        %parallel_loop3A_423 = arith.constant 18 : i32
        %parallel_loop3A_424 = arith.constant 0 : i32
        %parallel_loop3A_425 = arith.constant 0 : i32
        %parallel_loop3A_426 = tpu.memref_slice %arg7[%parallel_loop3A_167, %parallel_loop3A_424, %parallel_loop3A_425] : memref<2x32x1024xf32, #tpu.memory_space<vmem>> -> memref<1x32x1024xf32, #tpu.memory_space<vmem>>
        %parallel_loop3A_427 = tpu.memref_squeeze %parallel_loop3A_426 : memref<1x32x1024xf32, #tpu.memory_space<vmem>> -> memref<32x1024xf32, #tpu.memory_space<vmem>>
        %parallel_loop3A_428 = arith.index_cast %parallel_loop3A_423 : i32 to index
        %parallel_loop3A_429 = arith.index_cast %parallel_loop3A_422 : i32 to index
        %parallel_loop3A_430 = tpu.vector_load %parallel_loop3A_427[%parallel_loop3A_428, %parallel_loop3A_429] {strides = array<i32>} : memref<32x1024xf32, #tpu.memory_space<vmem>>, vector<16xf32>,
        %parallel_loop3A_431 = arith.constant 9216 : i32
        %parallel_loop3A_432 = tpu.memref_slice %arg8[%parallel_loop3A_431] : memref<16384xf32, #tpu.memory_space<vmem>> -> memref<512xf32, #tpu.memory_space<vmem>>
        tpu.vector_store_idx %parallel_loop3A_432[%parallel_loop3A_204], %parallel_loop3A_430 {add = true} : memref<512xf32, #tpu.memory_space<vmem>>[vector<16xi32>], vector<16xf32>,
        %parallel_loop3A_433 = arith.constant 16 : i32
        %parallel_loop3A_434 = arith.muli %parallel_loop3A_199, %parallel_loop3A_433 : i32
        %parallel_loop3A_435 = arith.constant 19 : i32
        %parallel_loop3A_436 = arith.constant 0 : i32
        %parallel_loop3A_437 = arith.constant 0 : i32
        %parallel_loop3A_438 = tpu.memref_slice %arg7[%parallel_loop3A_167, %parallel_loop3A_436, %parallel_loop3A_437] : memref<2x32x1024xf32, #tpu.memory_space<vmem>> -> memref<1x32x1024xf32, #tpu.memory_space<vmem>>
        %parallel_loop3A_439 = tpu.memref_squeeze %parallel_loop3A_438 : memref<1x32x1024xf32, #tpu.memory_space<vmem>> -> memref<32x1024xf32, #tpu.memory_space<vmem>>
        %parallel_loop3A_440 = arith.index_cast %parallel_loop3A_435 : i32 to index
        %parallel_loop3A_441 = arith.index_cast %parallel_loop3A_434 : i32 to index
        %parallel_loop3A_442 = tpu.vector_load %parallel_loop3A_439[%parallel_loop3A_440, %parallel_loop3A_441] {strides = array<i32>} : memref<32x1024xf32, #tpu.memory_space<vmem>>, vector<16xf32>,
        %parallel_loop3A_443 = arith.constant 9728 : i32
        %parallel_loop3A_444 = tpu.memref_slice %arg8[%parallel_loop3A_443] : memref<16384xf32, #tpu.memory_space<vmem>> -> memref<512xf32, #tpu.memory_space<vmem>>
        tpu.vector_store_idx %parallel_loop3A_444[%parallel_loop3A_204], %parallel_loop3A_442 {add = true} : memref<512xf32, #tpu.memory_space<vmem>>[vector<16xi32>], vector<16xf32>,
        %parallel_loop3A_445 = arith.constant 16 : i32
        %parallel_loop3A_446 = arith.muli %parallel_loop3A_199, %parallel_loop3A_445 : i32
        %parallel_loop3A_447 = arith.constant 20 : i32
        %parallel_loop3A_448 = arith.constant 0 : i32
        %parallel_loop3A_449 = arith.constant 0 : i32
        %parallel_loop3A_450 = tpu.memref_slice %arg7[%parallel_loop3A_167, %parallel_loop3A_448, %parallel_loop3A_449] : memref<2x32x1024xf32, #tpu.memory_space<vmem>> -> memref<1x32x1024xf32, #tpu.memory_space<vmem>>
        %parallel_loop3A_451 = tpu.memref_squeeze %parallel_loop3A_450 : memref<1x32x1024xf32, #tpu.memory_space<vmem>> -> memref<32x1024xf32, #tpu.memory_space<vmem>>
        %parallel_loop3A_452 = arith.index_cast %parallel_loop3A_447 : i32 to index
        %parallel_loop3A_453 = arith.index_cast %parallel_loop3A_446 : i32 to index
        %parallel_loop3A_454 = tpu.vector_load %parallel_loop3A_451[%parallel_loop3A_452, %parallel_loop3A_453] {strides = array<i32>} : memref<32x1024xf32, #tpu.memory_space<vmem>>, vector<16xf32>,
        %parallel_loop3A_455 = arith.constant 10240 : i32
        %parallel_loop3A_456 = tpu.memref_slice %arg8[%parallel_loop3A_455] : memref<16384xf32, #tpu.memory_space<vmem>> -> memref<512xf32, #tpu.memory_space<vmem>>
        tpu.vector_store_idx %parallel_loop3A_456[%parallel_loop3A_204], %parallel_loop3A_454 {add = true} : memref<512xf32, #tpu.memory_space<vmem>>[vector<16xi32>], vector<16xf32>,
        %parallel_loop3A_457 = arith.constant 16 : i32
        %parallel_loop3A_458 = arith.muli %parallel_loop3A_199, %parallel_loop3A_457 : i32
        %parallel_loop3A_459 = arith.constant 21 : i32
        %parallel_loop3A_460 = arith.constant 0 : i32
        %parallel_loop3A_461 = arith.constant 0 : i32
        %parallel_loop3A_462 = tpu.memref_slice %arg7[%parallel_loop3A_167, %parallel_loop3A_460, %parallel_loop3A_461] : memref<2x32x1024xf32, #tpu.memory_space<vmem>> -> memref<1x32x1024xf32, #tpu.memory_space<vmem>>
        %parallel_loop3A_463 = tpu.memref_squeeze %parallel_loop3A_462 : memref<1x32x1024xf32, #tpu.memory_space<vmem>> -> memref<32x1024xf32, #tpu.memory_space<vmem>>
        %parallel_loop3A_464 = arith.index_cast %parallel_loop3A_459 : i32 to index
        %parallel_loop3A_465 = arith.index_cast %parallel_loop3A_458 : i32 to index
        %parallel_loop3A_466 = tpu.vector_load %parallel_loop3A_463[%parallel_loop3A_464, %parallel_loop3A_465] {strides = array<i32>} : memref<32x1024xf32, #tpu.memory_space<vmem>>, vector<16xf32>,
        %parallel_loop3A_467 = arith.constant 10752 : i32
        %parallel_loop3A_468 = tpu.memref_slice %arg8[%parallel_loop3A_467] : memref<16384xf32, #tpu.memory_space<vmem>> -> memref<512xf32, #tpu.memory_space<vmem>>
        tpu.vector_store_idx %parallel_loop3A_468[%parallel_loop3A_204], %parallel_loop3A_466 {add = true} : memref<512xf32, #tpu.memory_space<vmem>>[vector<16xi32>], vector<16xf32>,
        %parallel_loop3A_469 = arith.constant 16 : i32
        %parallel_loop3A_470 = arith.muli %parallel_loop3A_199, %parallel_loop3A_469 : i32
        %parallel_loop3A_471 = arith.constant 22 : i32
        %parallel_loop3A_472 = arith.constant 0 : i32
        %parallel_loop3A_473 = arith.constant 0 : i32
        %parallel_loop3A_474 = tpu.memref_slice %arg7[%parallel_loop3A_167, %parallel_loop3A_472, %parallel_loop3A_473] : memref<2x32x1024xf32, #tpu.memory_space<vmem>> -> memref<1x32x1024xf32, #tpu.memory_space<vmem>>
        %parallel_loop3A_475 = tpu.memref_squeeze %parallel_loop3A_474 : memref<1x32x1024xf32, #tpu.memory_space<vmem>> -> memref<32x1024xf32, #tpu.memory_space<vmem>>
        %parallel_loop3A_476 = arith.index_cast %parallel_loop3A_471 : i32 to index
        %parallel_loop3A_477 = arith.index_cast %parallel_loop3A_470 : i32 to index
        %parallel_loop3A_478 = tpu.vector_load %parallel_loop3A_475[%parallel_loop3A_476, %parallel_loop3A_477] {strides = array<i32>} : memref<32x1024xf32, #tpu.memory_space<vmem>>, vector<16xf32>,
        %parallel_loop3A_479 = arith.constant 11264 : i32
        %parallel_loop3A_480 = tpu.memref_slice %arg8[%parallel_loop3A_479] : memref<16384xf32, #tpu.memory_space<vmem>> -> memref<512xf32, #tpu.memory_space<vmem>>
        tpu.vector_store_idx %parallel_loop3A_480[%parallel_loop3A_204], %parallel_loop3A_478 {add = true} : memref<512xf32, #tpu.memory_space<vmem>>[vector<16xi32>], vector<16xf32>,
        %parallel_loop3A_481 = arith.constant 16 : i32
        %parallel_loop3A_482 = arith.muli %parallel_loop3A_199, %parallel_loop3A_481 : i32
        %parallel_loop3A_483 = arith.constant 23 : i32
        %parallel_loop3A_484 = arith.constant 0 : i32
        %parallel_loop3A_485 = arith.constant 0 : i32
        %parallel_loop3A_486 = tpu.memref_slice %arg7[%parallel_loop3A_167, %parallel_loop3A_484, %parallel_loop3A_485] : memref<2x32x1024xf32, #tpu.memory_space<vmem>> -> memref<1x32x1024xf32, #tpu.memory_space<vmem>>
        %parallel_loop3A_487 = tpu.memref_squeeze %parallel_loop3A_486 : memref<1x32x1024xf32, #tpu.memory_space<vmem>> -> memref<32x1024xf32, #tpu.memory_space<vmem>>
        %parallel_loop3A_488 = arith.index_cast %parallel_loop3A_483 : i32 to index
        %parallel_loop3A_489 = arith.index_cast %parallel_loop3A_482 : i32 to index
        %parallel_loop3A_490 = tpu.vector_load %parallel_loop3A_487[%parallel_loop3A_488, %parallel_loop3A_489] {strides = array<i32>} : memref<32x1024xf32, #tpu.memory_space<vmem>>, vector<16xf32>,
        %parallel_loop3A_491 = arith.constant 11776 : i32
        %parallel_loop3A_492 = tpu.memref_slice %arg8[%parallel_loop3A_491] : memref<16384xf32, #tpu.memory_space<vmem>> -> memref<512xf32, #tpu.memory_space<vmem>>
        tpu.vector_store_idx %parallel_loop3A_492[%parallel_loop3A_204], %parallel_loop3A_490 {add = true} : memref<512xf32, #tpu.memory_space<vmem>>[vector<16xi32>], vector<16xf32>,
        %parallel_loop3A_493 = arith.constant 16 : i32
        %parallel_loop3A_494 = arith.muli %parallel_loop3A_199, %parallel_loop3A_493 : i32
        %parallel_loop3A_495 = arith.constant 24 : i32
        %parallel_loop3A_496 = arith.constant 0 : i32
        %parallel_loop3A_497 = arith.constant 0 : i32
        %parallel_loop3A_498 = tpu.memref_slice %arg7[%parallel_loop3A_167, %parallel_loop3A_496, %parallel_loop3A_497] : memref<2x32x1024xf32, #tpu.memory_space<vmem>> -> memref<1x32x1024xf32, #tpu.memory_space<vmem>>
        %parallel_loop3A_499 = tpu.memref_squeeze %parallel_loop3A_498 : memref<1x32x1024xf32, #tpu.memory_space<vmem>> -> memref<32x1024xf32, #tpu.memory_space<vmem>>
        %parallel_loop3A_500 = arith.index_cast %parallel_loop3A_495 : i32 to index
        %parallel_loop3A_501 = arith.index_cast %parallel_loop3A_494 : i32 to index
        %parallel_loop3A_502 = tpu.vector_load %parallel_loop3A_499[%parallel_loop3A_500, %parallel_loop3A_501] {strides = array<i32>} : memref<32x1024xf32, #tpu.memory_space<vmem>>, vector<16xf32>,
        %parallel_loop3A_503 = arith.constant 12288 : i32
        %parallel_loop3A_504 = tpu.memref_slice %arg8[%parallel_loop3A_503] : memref<16384xf32, #tpu.memory_space<vmem>> -> memref<512xf32, #tpu.memory_space<vmem>>
        tpu.vector_store_idx %parallel_loop3A_504[%parallel_loop3A_204], %parallel_loop3A_502 {add = true} : memref<512xf32, #tpu.memory_space<vmem>>[vector<16xi32>], vector<16xf32>,
        %parallel_loop3A_505 = arith.constant 16 : i32
        %parallel_loop3A_506 = arith.muli %parallel_loop3A_199, %parallel_loop3A_505 : i32
        %parallel_loop3A_507 = arith.constant 25 : i32
        %parallel_loop3A_508 = arith.constant 0 : i32
        %parallel_loop3A_509 = arith.constant 0 : i32
        %parallel_loop3A_510 = tpu.memref_slice %arg7[%parallel_loop3A_167, %parallel_loop3A_508, %parallel_loop3A_509] : memref<2x32x1024xf32, #tpu.memory_space<vmem>> -> memref<1x32x1024xf32, #tpu.memory_space<vmem>>
        %parallel_loop3A_511 = tpu.memref_squeeze %parallel_loop3A_510 : memref<1x32x1024xf32, #tpu.memory_space<vmem>> -> memref<32x1024xf32, #tpu.memory_space<vmem>>
        %parallel_loop3A_512 = arith.index_cast %parallel_loop3A_507 : i32 to index
        %parallel_loop3A_513 = arith.index_cast %parallel_loop3A_506 : i32 to index
        %parallel_loop3A_514 = tpu.vector_load %parallel_loop3A_511[%parallel_loop3A_512, %parallel_loop3A_513] {strides = array<i32>} : memref<32x1024xf32, #tpu.memory_space<vmem>>, vector<16xf32>,
        %parallel_loop3A_515 = arith.constant 12800 : i32
        %parallel_loop3A_516 = tpu.memref_slice %arg8[%parallel_loop3A_515] : memref<16384xf32, #tpu.memory_space<vmem>> -> memref<512xf32, #tpu.memory_space<vmem>>
        tpu.vector_store_idx %parallel_loop3A_516[%parallel_loop3A_204], %parallel_loop3A_514 {add = true} : memref<512xf32, #tpu.memory_space<vmem>>[vector<16xi32>], vector<16xf32>,
        %parallel_loop3A_517 = arith.constant 16 : i32
        %parallel_loop3A_518 = arith.muli %parallel_loop3A_199, %parallel_loop3A_517 : i32
        %parallel_loop3A_519 = arith.constant 26 : i32
        %parallel_loop3A_520 = arith.constant 0 : i32
        %parallel_loop3A_521 = arith.constant 0 : i32
        %parallel_loop3A_522 = tpu.memref_slice %arg7[%parallel_loop3A_167, %parallel_loop3A_520, %parallel_loop3A_521] : memref<2x32x1024xf32, #tpu.memory_space<vmem>> -> memref<1x32x1024xf32, #tpu.memory_space<vmem>>
        %parallel_loop3A_523 = tpu.memref_squeeze %parallel_loop3A_522 : memref<1x32x1024xf32, #tpu.memory_space<vmem>> -> memref<32x1024xf32, #tpu.memory_space<vmem>>
        %parallel_loop3A_524 = arith.index_cast %parallel_loop3A_519 : i32 to index
        %parallel_loop3A_525 = arith.index_cast %parallel_loop3A_518 : i32 to index
        %parallel_loop3A_526 = tpu.vector_load %parallel_loop3A_523[%parallel_loop3A_524, %parallel_loop3A_525] {strides = array<i32>} : memref<32x1024xf32, #tpu.memory_space<vmem>>, vector<16xf32>,
        %parallel_loop3A_527 = arith.constant 13312 : i32
        %parallel_loop3A_528 = tpu.memref_slice %arg8[%parallel_loop3A_527] : memref<16384xf32, #tpu.memory_space<vmem>> -> memref<512xf32, #tpu.memory_space<vmem>>
        tpu.vector_store_idx %parallel_loop3A_528[%parallel_loop3A_204], %parallel_loop3A_526 {add = true} : memref<512xf32, #tpu.memory_space<vmem>>[vector<16xi32>], vector<16xf32>,
        %parallel_loop3A_529 = arith.constant 16 : i32
        %parallel_loop3A_530 = arith.muli %parallel_loop3A_199, %parallel_loop3A_529 : i32
        %parallel_loop3A_531 = arith.constant 27 : i32
        %parallel_loop3A_532 = arith.constant 0 : i32
        %parallel_loop3A_533 = arith.constant 0 : i32
        %parallel_loop3A_534 = tpu.memref_slice %arg7[%parallel_loop3A_167, %parallel_loop3A_532, %parallel_loop3A_533] : memref<2x32x1024xf32, #tpu.memory_space<vmem>> -> memref<1x32x1024xf32, #tpu.memory_space<vmem>>
        %parallel_loop3A_535 = tpu.memref_squeeze %parallel_loop3A_534 : memref<1x32x1024xf32, #tpu.memory_space<vmem>> -> memref<32x1024xf32, #tpu.memory_space<vmem>>
        %parallel_loop3A_536 = arith.index_cast %parallel_loop3A_531 : i32 to index
        %parallel_loop3A_537 = arith.index_cast %parallel_loop3A_530 : i32 to index
        %parallel_loop3A_538 = tpu.vector_load %parallel_loop3A_535[%parallel_loop3A_536, %parallel_loop3A_537] {strides = array<i32>} : memref<32x1024xf32, #tpu.memory_space<vmem>>, vector<16xf32>,
        %parallel_loop3A_539 = arith.constant 13824 : i32
        %parallel_loop3A_540 = tpu.memref_slice %arg8[%parallel_loop3A_539] : memref<16384xf32, #tpu.memory_space<vmem>> -> memref<512xf32, #tpu.memory_space<vmem>>
        tpu.vector_store_idx %parallel_loop3A_540[%parallel_loop3A_204], %parallel_loop3A_538 {add = true} : memref<512xf32, #tpu.memory_space<vmem>>[vector<16xi32>], vector<16xf32>,
        %parallel_loop3A_541 = arith.constant 16 : i32
        %parallel_loop3A_542 = arith.muli %parallel_loop3A_199, %parallel_loop3A_541 : i32
        %parallel_loop3A_543 = arith.constant 28 : i32
        %parallel_loop3A_544 = arith.constant 0 : i32
        %parallel_loop3A_545 = arith.constant 0 : i32
        %parallel_loop3A_546 = tpu.memref_slice %arg7[%parallel_loop3A_167, %parallel_loop3A_544, %parallel_loop3A_545] : memref<2x32x1024xf32, #tpu.memory_space<vmem>> -> memref<1x32x1024xf32, #tpu.memory_space<vmem>>
        %parallel_loop3A_547 = tpu.memref_squeeze %parallel_loop3A_546 : memref<1x32x1024xf32, #tpu.memory_space<vmem>> -> memref<32x1024xf32, #tpu.memory_space<vmem>>
        %parallel_loop3A_548 = arith.index_cast %parallel_loop3A_543 : i32 to index
        %parallel_loop3A_549 = arith.index_cast %parallel_loop3A_542 : i32 to index
        %parallel_loop3A_550 = tpu.vector_load %parallel_loop3A_547[%parallel_loop3A_548, %parallel_loop3A_549] {strides = array<i32>} : memref<32x1024xf32, #tpu.memory_space<vmem>>, vector<16xf32>,
        %parallel_loop3A_551 = arith.constant 14336 : i32
        %parallel_loop3A_552 = tpu.memref_slice %arg8[%parallel_loop3A_551] : memref<16384xf32, #tpu.memory_space<vmem>> -> memref<512xf32, #tpu.memory_space<vmem>>
        tpu.vector_store_idx %parallel_loop3A_552[%parallel_loop3A_204], %parallel_loop3A_550 {add = true} : memref<512xf32, #tpu.memory_space<vmem>>[vector<16xi32>], vector<16xf32>,
        %parallel_loop3A_553 = arith.constant 16 : i32
        %parallel_loop3A_554 = arith.muli %parallel_loop3A_199, %parallel_loop3A_553 : i32
        %parallel_loop3A_555 = arith.constant 29 : i32
        %parallel_loop3A_556 = arith.constant 0 : i32
        %parallel_loop3A_557 = arith.constant 0 : i32
        %parallel_loop3A_558 = tpu.memref_slice %arg7[%parallel_loop3A_167, %parallel_loop3A_556, %parallel_loop3A_557] : memref<2x32x1024xf32, #tpu.memory_space<vmem>> -> memref<1x32x1024xf32, #tpu.memory_space<vmem>>
        %parallel_loop3A_559 = tpu.memref_squeeze %parallel_loop3A_558 : memref<1x32x1024xf32, #tpu.memory_space<vmem>> -> memref<32x1024xf32, #tpu.memory_space<vmem>>
        %parallel_loop3A_560 = arith.index_cast %parallel_loop3A_555 : i32 to index
        %parallel_loop3A_561 = arith.index_cast %parallel_loop3A_554 : i32 to index
        %parallel_loop3A_562 = tpu.vector_load %parallel_loop3A_559[%parallel_loop3A_560, %parallel_loop3A_561] {strides = array<i32>} : memref<32x1024xf32, #tpu.memory_space<vmem>>, vector<16xf32>,
        %parallel_loop3A_563 = arith.constant 14848 : i32
        %parallel_loop3A_564 = tpu.memref_slice %arg8[%parallel_loop3A_563] : memref<16384xf32, #tpu.memory_space<vmem>> -> memref<512xf32, #tpu.memory_space<vmem>>
        tpu.vector_store_idx %parallel_loop3A_564[%parallel_loop3A_204], %parallel_loop3A_562 {add = true} : memref<512xf32, #tpu.memory_space<vmem>>[vector<16xi32>], vector<16xf32>,
        %parallel_loop3A_565 = arith.constant 16 : i32
        %parallel_loop3A_566 = arith.muli %parallel_loop3A_199, %parallel_loop3A_565 : i32
        %parallel_loop3A_567 = arith.constant 30 : i32
        %parallel_loop3A_568 = arith.constant 0 : i32
        %parallel_loop3A_569 = arith.constant 0 : i32
        %parallel_loop3A_570 = tpu.memref_slice %arg7[%parallel_loop3A_167, %parallel_loop3A_568, %parallel_loop3A_569] : memref<2x32x1024xf32, #tpu.memory_space<vmem>> -> memref<1x32x1024xf32, #tpu.memory_space<vmem>>
        %parallel_loop3A_571 = tpu.memref_squeeze %parallel_loop3A_570 : memref<1x32x1024xf32, #tpu.memory_space<vmem>> -> memref<32x1024xf32, #tpu.memory_space<vmem>>
        %parallel_loop3A_572 = arith.index_cast %parallel_loop3A_567 : i32 to index
        %parallel_loop3A_573 = arith.index_cast %parallel_loop3A_566 : i32 to index
        %parallel_loop3A_574 = tpu.vector_load %parallel_loop3A_571[%parallel_loop3A_572, %parallel_loop3A_573] {strides = array<i32>} : memref<32x1024xf32, #tpu.memory_space<vmem>>, vector<16xf32>,
        %parallel_loop3A_575 = arith.constant 15360 : i32
        %parallel_loop3A_576 = tpu.memref_slice %arg8[%parallel_loop3A_575] : memref<16384xf32, #tpu.memory_space<vmem>> -> memref<512xf32, #tpu.memory_space<vmem>>
        tpu.vector_store_idx %parallel_loop3A_576[%parallel_loop3A_204], %parallel_loop3A_574 {add = true} : memref<512xf32, #tpu.memory_space<vmem>>[vector<16xi32>], vector<16xf32>,
        %parallel_loop3A_577 = arith.constant 16 : i32
        %parallel_loop3A_578 = arith.muli %parallel_loop3A_199, %parallel_loop3A_577 : i32
        %parallel_loop3A_579 = arith.constant 31 : i32
        %parallel_loop3A_580 = arith.constant 0 : i32
        %parallel_loop3A_581 = arith.constant 0 : i32
        %parallel_loop3A_582 = tpu.memref_slice %arg7[%parallel_loop3A_167, %parallel_loop3A_580, %parallel_loop3A_581] : memref<2x32x1024xf32, #tpu.memory_space<vmem>> -> memref<1x32x1024xf32, #tpu.memory_space<vmem>>
        %parallel_loop3A_583 = tpu.memref_squeeze %parallel_loop3A_582 : memref<1x32x1024xf32, #tpu.memory_space<vmem>> -> memref<32x1024xf32, #tpu.memory_space<vmem>>
        %parallel_loop3A_584 = arith.index_cast %parallel_loop3A_579 : i32 to index
        %parallel_loop3A_585 = arith.index_cast %parallel_loop3A_578 : i32 to index
        %parallel_loop3A_586 = tpu.vector_load %parallel_loop3A_583[%parallel_loop3A_584, %parallel_loop3A_585] {strides = array<i32>} : memref<32x1024xf32, #tpu.memory_space<vmem>>, vector<16xf32>,
        %parallel_loop3A_587 = arith.constant 15872 : i32
        %parallel_loop3A_588 = tpu.memref_slice %arg8[%parallel_loop3A_587] : memref<16384xf32, #tpu.memory_space<vmem>> -> memref<512xf32, #tpu.memory_space<vmem>>
        tpu.vector_store_idx %parallel_loop3A_588[%parallel_loop3A_204], %parallel_loop3A_586 {add = true} : memref<512xf32, #tpu.memory_space<vmem>>[vector<16xi32>], vector<16xf32>,
      } {sc.loop_unroll_factor = 1 : i64, sc.parallel_access}
      %add3A_168 = arith.constant 1 : i32
      %add3A_169 = arith.addi %scan3A_127, %add3A_168 : i32
      %lt3A_170 = arith.constant 4 : i32
      %lt3A_171 = arith.cmpi slt, %add3A_169, %lt3A_170 : i32
      %convert_element_type3A_172 = arith.extui %lt3A_171 : i1 to i32
      %cond3A_173 = arith.constant 0 : i32
      %cond3A_174 = arith.cmpi ne, %convert_element_type3A_172, %cond3A_173 : i32
      scf.if %cond3A_174 {
        %add3A_199 = arith.constant 2 : i32
        %add3A_200 = arith.addi %mul3A_130, %add3A_199 : i32
        %mul3A_201 = arith.constant 1024 : i32
        %mul3A_202 = arith.muli %add3A_200, %mul3A_201 : i32
        %dma_start3A_203 = arith.constant 0 : i32
        %dma_start3A_204 = arith.constant 0 : i32
        %dma_start3A_205 = arith.constant 0 : i32
        %dma_start3A_206 = tpu.memref_slice %arg7[%dma_start3A_203, %dma_start3A_204, %dma_start3A_205] : memref<2x32x1024xf32, #tpu.memory_space<vmem>> -> memref<1x32x1024xf32, #tpu.memory_space<vmem>>
        %dma_start3A_207 = tpu.memref_squeeze %dma_start3A_206 : memref<1x32x1024xf32, #tpu.memory_space<vmem>> -> memref<32x1024xf32, #tpu.memory_space<vmem>>
        %dma_start3A_208 = tpu.memref_slice %arg2[%select_n3A, %mul3A_32, %mul3A_202] : memref<16x64x8192xf32, #tpu.memory_space<hbm>> -> memref<1x32x1024xf32, #tpu.memory_space<hbm>>
        %dma_start3A_209 = tpu.memref_squeeze %dma_start3A_208 : memref<1x32x1024xf32, #tpu.memory_space<hbm>> -> memref<32x1024xf32, #tpu.memory_space<hbm>>
        %dma_start3A_210 = arith.constant 0 : i32
        %dma_start3A_211 = arith.constant 0 : i32
        %dma_start3A_212 = tpu.memref_slice %arg7[%dma_start3A_203, %dma_start3A_210, %dma_start3A_211] : memref<2x32x1024xf32, #tpu.memory_space<vmem>> -> memref<1x32x1024xf32, #tpu.memory_space<vmem>>
        %dma_start3A_213 = tpu.memref_squeeze %dma_start3A_212 : memref<1x32x1024xf32, #tpu.memory_space<vmem>> -> memref<32x1024xf32, #tpu.memory_space<vmem>>
        %dma_start3A_214 = tpu.memref_slice %arg2[%select_n3A, %mul3A_32, %mul3A_202] : memref<16x64x8192xf32, #tpu.memory_space<hbm>> -> memref<1x32x1024xf32, #tpu.memory_space<hbm>>
        %dma_start3A_215 = tpu.memref_squeeze %dma_start3A_214 : memref<1x32x1024xf32, #tpu.memory_space<hbm>> -> memref<32x1024xf32, #tpu.memory_space<hbm>>
        tpu.enqueue_dma source(%dma_start3A_215 : memref<32x1024xf32, #tpu.memory_space<hbm>>) target(%dma_start3A_213 : memref<32x1024xf32, #tpu.memory_space<vmem>>) target_semaphore(%arg10 : memref<!tpu.dma_semaphore, #tpu.memory_space<semaphore_mem>>)
      } else {
      }
      %dma_wait3A_175 = arith.constant 1 : i32
      %dma_wait3A_176 = arith.constant 0 : i32
      %dma_wait3A_177 = arith.constant 0 : i32
      %dma_wait3A_178 = tpu.memref_slice %arg7[%dma_wait3A_175, %dma_wait3A_176, %dma_wait3A_177] : memref<2x32x1024xf32, #tpu.memory_space<vmem>> -> memref<1x32x1024xf32, #tpu.memory_space<vmem>>
      %dma_wait3A_179 = tpu.memref_squeeze %dma_wait3A_178 : memref<1x32x1024xf32, #tpu.memory_space<vmem>> -> memref<32x1024xf32, #tpu.memory_space<vmem>>
      %dma_wait3A_180 = arith.constant 0 : i32
      %dma_wait3A_181 = tpu.memref_slice %arg2[%select_n3A, %mul3A_32, %dma_wait3A_180] : memref<16x64x8192xf32, #tpu.memory_space<hbm>> -> memref<1x32x1024xf32, #tpu.memory_space<hbm>>
      %dma_wait3A_182 = tpu.memref_squeeze %dma_wait3A_181 : memref<1x32x1024xf32, #tpu.memory_space<hbm>> -> memref<32x1024xf32, #tpu.memory_space<hbm>>
      %dma_wait3A_183 = arith.constant 0 : i32
      %dma_wait3A_184 = arith.constant 0 : i32
      %dma_wait3A_185 = tpu.memref_slice %arg7[%dma_wait3A_175, %dma_wait3A_183, %dma_wait3A_184] : memref<2x32x1024xf32, #tpu.memory_space<vmem>> -> memref<1x32x1024xf32, #tpu.memory_space<vmem>>
      %dma_wait3A_186 = tpu.memref_squeeze %dma_wait3A_185 : memref<1x32x1024xf32, #tpu.memory_space<vmem>> -> memref<32x1024xf32, #tpu.memory_space<vmem>>
      %dma_wait3A_187 = arith.constant 0 : i32
      %dma_wait3A_188 = tpu.memref_slice %arg2[%select_n3A, %mul3A_32, %dma_wait3A_187] : memref<16x64x8192xf32, #tpu.memory_space<hbm>> -> memref<1x32x1024xf32, #tpu.memory_space<hbm>>
      %dma_wait3A_189 = tpu.memref_squeeze %dma_wait3A_188 : memref<1x32x1024xf32, #tpu.memory_space<hbm>> -> memref<32x1024xf32, #tpu.memory_space<hbm>>
      tpu.wait_dma2 semaphore(%arg11 : memref<!tpu.dma_semaphore, #tpu.memory_space<semaphore_mem>>) src(%dma_wait3A_189 : memref<32x1024xf32, #tpu.memory_space<hbm>>) dst(%dma_wait3A_186 : memref<32x1024xf32, #tpu.memory_space<vmem>>)
      %add3A_190 = arith.constant 1 : i32
      %add3A_191 = arith.addi %mul3A_130, %add3A_190 : i32
      %mul3A_192 = arith.constant 1024 : i32
      %mul3A_193 = arith.muli %add3A_191, %mul3A_192 : i32
      %parallel_loop3A_194 = arith.constant 0 : i32
      %parallel_loop3A_195 = arith.constant 64 : i32
      %parallel_loop3A_196 = arith.constant 1 : i32
      %parallel_loop3A_197 = arith.constant 1 : i32
      scf.for %parallel_loop3A_199 = %parallel_loop3A_194 to %parallel_loop3A_195 step %parallel_loop3A_196  : i32 {
        %parallel_loop3A_200 = arith.constant 16 : i32
        %parallel_loop3A_201 = arith.muli %parallel_loop3A_199, %parallel_loop3A_200 : i32
        %parallel_loop3A_202 = arith.addi %mul3A_193, %parallel_loop3A_201 : i32
        %parallel_loop3A_203 = arith.index_cast %parallel_loop3A_202 : i32 to index
        %parallel_loop3A_204 = tpu.vector_load %arg6[%parallel_loop3A_203] {strides = array<i32>} : memref<8192xi32, #tpu.memory_space<vmem>>, vector<16xi32>,
        %parallel_loop3A_205 = arith.constant 16 : i32
        %parallel_loop3A_206 = arith.muli %parallel_loop3A_199, %parallel_loop3A_205 : i32
        %parallel_loop3A_207 = arith.constant 0 : i32
        %parallel_loop3A_208 = arith.constant 0 : i32
        %parallel_loop3A_209 = arith.constant 0 : i32
        %parallel_loop3A_210 = tpu.memref_slice %arg7[%parallel_loop3A_197, %parallel_loop3A_208, %parallel_loop3A_209] : memref<2x32x1024xf32, #tpu.memory_space<vmem>> -> memref<1x32x1024xf32, #tpu.memory_space<vmem>>
        %parallel_loop3A_211 = tpu.memref_squeeze %parallel_loop3A_210 : memref<1x32x1024xf32, #tpu.memory_space<vmem>> -> memref<32x1024xf32, #tpu.memory_space<vmem>>
        %parallel_loop3A_212 = arith.index_cast %parallel_loop3A_207 : i32 to index
        %parallel_loop3A_213 = arith.index_cast %parallel_loop3A_206 : i32 to index
        %parallel_loop3A_214 = tpu.vector_load %parallel_loop3A_211[%parallel_loop3A_212, %parallel_loop3A_213] {strides = array<i32>} : memref<32x1024xf32, #tpu.memory_space<vmem>>, vector<16xf32>,
        %parallel_loop3A_215 = arith.constant 0 : i32
        %parallel_loop3A_216 = tpu.memref_slice %arg8[%parallel_loop3A_215] : memref<16384xf32, #tpu.memory_space<vmem>> -> memref<512xf32, #tpu.memory_space<vmem>>
        tpu.vector_store_idx %parallel_loop3A_216[%parallel_loop3A_204], %parallel_loop3A_214 {add = true} : memref<512xf32, #tpu.memory_space<vmem>>[vector<16xi32>], vector<16xf32>,
        %parallel_loop3A_217 = arith.constant 16 : i32
        %parallel_loop3A_218 = arith.muli %parallel_loop3A_199, %parallel_loop3A_217 : i32
        %parallel_loop3A_219 = arith.constant 1 : i32
        %parallel_loop3A_220 = arith.constant 0 : i32
        %parallel_loop3A_221 = arith.constant 0 : i32
        %parallel_loop3A_222 = tpu.memref_slice %arg7[%parallel_loop3A_197, %parallel_loop3A_220, %parallel_loop3A_221] : memref<2x32x1024xf32, #tpu.memory_space<vmem>> -> memref<1x32x1024xf32, #tpu.memory_space<vmem>>
        %parallel_loop3A_223 = tpu.memref_squeeze %parallel_loop3A_222 : memref<1x32x1024xf32, #tpu.memory_space<vmem>> -> memref<32x1024xf32, #tpu.memory_space<vmem>>
        %parallel_loop3A_224 = arith.index_cast %parallel_loop3A_219 : i32 to index
        %parallel_loop3A_225 = arith.index_cast %parallel_loop3A_218 : i32 to index
        %parallel_loop3A_226 = tpu.vector_load %parallel_loop3A_223[%parallel_loop3A_224, %parallel_loop3A_225] {strides = array<i32>} : memref<32x1024xf32, #tpu.memory_space<vmem>>, vector<16xf32>,
        %parallel_loop3A_227 = arith.constant 512 : i32
        %parallel_loop3A_228 = tpu.memref_slice %arg8[%parallel_loop3A_227] : memref<16384xf32, #tpu.memory_space<vmem>> -> memref<512xf32, #tpu.memory_space<vmem>>
        tpu.vector_store_idx %parallel_loop3A_228[%parallel_loop3A_204], %parallel_loop3A_226 {add = true} : memref<512xf32, #tpu.memory_space<vmem>>[vector<16xi32>], vector<16xf32>,
        %parallel_loop3A_229 = arith.constant 16 : i32
        %parallel_loop3A_230 = arith.muli %parallel_loop3A_199, %parallel_loop3A_229 : i32
        %parallel_loop3A_231 = arith.constant 2 : i32
        %parallel_loop3A_232 = arith.constant 0 : i32
        %parallel_loop3A_233 = arith.constant 0 : i32
        %parallel_loop3A_234 = tpu.memref_slice %arg7[%parallel_loop3A_197, %parallel_loop3A_232, %parallel_loop3A_233] : memref<2x32x1024xf32, #tpu.memory_space<vmem>> -> memref<1x32x1024xf32, #tpu.memory_space<vmem>>
        %parallel_loop3A_235 = tpu.memref_squeeze %parallel_loop3A_234 : memref<1x32x1024xf32, #tpu.memory_space<vmem>> -> memref<32x1024xf32, #tpu.memory_space<vmem>>
        %parallel_loop3A_236 = arith.index_cast %parallel_loop3A_231 : i32 to index
        %parallel_loop3A_237 = arith.index_cast %parallel_loop3A_230 : i32 to index
        %parallel_loop3A_238 = tpu.vector_load %parallel_loop3A_235[%parallel_loop3A_236, %parallel_loop3A_237] {strides = array<i32>} : memref<32x1024xf32, #tpu.memory_space<vmem>>, vector<16xf32>,
        %parallel_loop3A_239 = arith.constant 1024 : i32
        %parallel_loop3A_240 = tpu.memref_slice %arg8[%parallel_loop3A_239] : memref<16384xf32, #tpu.memory_space<vmem>> -> memref<512xf32, #tpu.memory_space<vmem>>
        tpu.vector_store_idx %parallel_loop3A_240[%parallel_loop3A_204], %parallel_loop3A_238 {add = true} : memref<512xf32, #tpu.memory_space<vmem>>[vector<16xi32>], vector<16xf32>,
        %parallel_loop3A_241 = arith.constant 16 : i32
        %parallel_loop3A_242 = arith.muli %parallel_loop3A_199, %parallel_loop3A_241 : i32
        %parallel_loop3A_243 = arith.constant 3 : i32
        %parallel_loop3A_244 = arith.constant 0 : i32
        %parallel_loop3A_245 = arith.constant 0 : i32
        %parallel_loop3A_246 = tpu.memref_slice %arg7[%parallel_loop3A_197, %parallel_loop3A_244, %parallel_loop3A_245] : memref<2x32x1024xf32, #tpu.memory_space<vmem>> -> memref<1x32x1024xf32, #tpu.memory_space<vmem>>
        %parallel_loop3A_247 = tpu.memref_squeeze %parallel_loop3A_246 : memref<1x32x1024xf32, #tpu.memory_space<vmem>> -> memref<32x1024xf32, #tpu.memory_space<vmem>>
        %parallel_loop3A_248 = arith.index_cast %parallel_loop3A_243 : i32 to index
        %parallel_loop3A_249 = arith.index_cast %parallel_loop3A_242 : i32 to index
        %parallel_loop3A_250 = tpu.vector_load %parallel_loop3A_247[%parallel_loop3A_248, %parallel_loop3A_249] {strides = array<i32>} : memref<32x1024xf32, #tpu.memory_space<vmem>>, vector<16xf32>,
        %parallel_loop3A_251 = arith.constant 1536 : i32
        %parallel_loop3A_252 = tpu.memref_slice %arg8[%parallel_loop3A_251] : memref<16384xf32, #tpu.memory_space<vmem>> -> memref<512xf32, #tpu.memory_space<vmem>>
        tpu.vector_store_idx %parallel_loop3A_252[%parallel_loop3A_204], %parallel_loop3A_250 {add = true} : memref<512xf32, #tpu.memory_space<vmem>>[vector<16xi32>], vector<16xf32>,
        %parallel_loop3A_253 = arith.constant 16 : i32
        %parallel_loop3A_254 = arith.muli %parallel_loop3A_199, %parallel_loop3A_253 : i32
        %parallel_loop3A_255 = arith.constant 4 : i32
        %parallel_loop3A_256 = arith.constant 0 : i32
        %parallel_loop3A_257 = arith.constant 0 : i32
        %parallel_loop3A_258 = tpu.memref_slice %arg7[%parallel_loop3A_197, %parallel_loop3A_256, %parallel_loop3A_257] : memref<2x32x1024xf32, #tpu.memory_space<vmem>> -> memref<1x32x1024xf32, #tpu.memory_space<vmem>>
        %parallel_loop3A_259 = tpu.memref_squeeze %parallel_loop3A_258 : memref<1x32x1024xf32, #tpu.memory_space<vmem>> -> memref<32x1024xf32, #tpu.memory_space<vmem>>
        %parallel_loop3A_260 = arith.index_cast %parallel_loop3A_255 : i32 to index
        %parallel_loop3A_261 = arith.index_cast %parallel_loop3A_254 : i32 to index
        %parallel_loop3A_262 = tpu.vector_load %parallel_loop3A_259[%parallel_loop3A_260, %parallel_loop3A_261] {strides = array<i32>} : memref<32x1024xf32, #tpu.memory_space<vmem>>, vector<16xf32>,
        %parallel_loop3A_263 = arith.constant 2048 : i32
        %parallel_loop3A_264 = tpu.memref_slice %arg8[%parallel_loop3A_263] : memref<16384xf32, #tpu.memory_space<vmem>> -> memref<512xf32, #tpu.memory_space<vmem>>
        tpu.vector_store_idx %parallel_loop3A_264[%parallel_loop3A_204], %parallel_loop3A_262 {add = true} : memref<512xf32, #tpu.memory_space<vmem>>[vector<16xi32>], vector<16xf32>,
        %parallel_loop3A_265 = arith.constant 16 : i32
        %parallel_loop3A_266 = arith.muli %parallel_loop3A_199, %parallel_loop3A_265 : i32
        %parallel_loop3A_267 = arith.constant 5 : i32
        %parallel_loop3A_268 = arith.constant 0 : i32
        %parallel_loop3A_269 = arith.constant 0 : i32
        %parallel_loop3A_270 = tpu.memref_slice %arg7[%parallel_loop3A_197, %parallel_loop3A_268, %parallel_loop3A_269] : memref<2x32x1024xf32, #tpu.memory_space<vmem>> -> memref<1x32x1024xf32, #tpu.memory_space<vmem>>
        %parallel_loop3A_271 = tpu.memref_squeeze %parallel_loop3A_270 : memref<1x32x1024xf32, #tpu.memory_space<vmem>> -> memref<32x1024xf32, #tpu.memory_space<vmem>>
        %parallel_loop3A_272 = arith.index_cast %parallel_loop3A_267 : i32 to index
        %parallel_loop3A_273 = arith.index_cast %parallel_loop3A_266 : i32 to index
        %parallel_loop3A_274 = tpu.vector_load %parallel_loop3A_271[%parallel_loop3A_272, %parallel_loop3A_273] {strides = array<i32>} : memref<32x1024xf32, #tpu.memory_space<vmem>>, vector<16xf32>,
        %parallel_loop3A_275 = arith.constant 2560 : i32
        %parallel_loop3A_276 = tpu.memref_slice %arg8[%parallel_loop3A_275] : memref<16384xf32, #tpu.memory_space<vmem>> -> memref<512xf32, #tpu.memory_space<vmem>>
        tpu.vector_store_idx %parallel_loop3A_276[%parallel_loop3A_204], %parallel_loop3A_274 {add = true} : memref<512xf32, #tpu.memory_space<vmem>>[vector<16xi32>], vector<16xf32>,
        %parallel_loop3A_277 = arith.constant 16 : i32
        %parallel_loop3A_278 = arith.muli %parallel_loop3A_199, %parallel_loop3A_277 : i32
        %parallel_loop3A_279 = arith.constant 6 : i32
        %parallel_loop3A_280 = arith.constant 0 : i32
        %parallel_loop3A_281 = arith.constant 0 : i32
        %parallel_loop3A_282 = tpu.memref_slice %arg7[%parallel_loop3A_197, %parallel_loop3A_280, %parallel_loop3A_281] : memref<2x32x1024xf32, #tpu.memory_space<vmem>> -> memref<1x32x1024xf32, #tpu.memory_space<vmem>>
        %parallel_loop3A_283 = tpu.memref_squeeze %parallel_loop3A_282 : memref<1x32x1024xf32, #tpu.memory_space<vmem>> -> memref<32x1024xf32, #tpu.memory_space<vmem>>
        %parallel_loop3A_284 = arith.index_cast %parallel_loop3A_279 : i32 to index
        %parallel_loop3A_285 = arith.index_cast %parallel_loop3A_278 : i32 to index
        %parallel_loop3A_286 = tpu.vector_load %parallel_loop3A_283[%parallel_loop3A_284, %parallel_loop3A_285] {strides = array<i32>} : memref<32x1024xf32, #tpu.memory_space<vmem>>, vector<16xf32>,
        %parallel_loop3A_287 = arith.constant 3072 : i32
        %parallel_loop3A_288 = tpu.memref_slice %arg8[%parallel_loop3A_287] : memref<16384xf32, #tpu.memory_space<vmem>> -> memref<512xf32, #tpu.memory_space<vmem>>
        tpu.vector_store_idx %parallel_loop3A_288[%parallel_loop3A_204], %parallel_loop3A_286 {add = true} : memref<512xf32, #tpu.memory_space<vmem>>[vector<16xi32>], vector<16xf32>,
        %parallel_loop3A_289 = arith.constant 16 : i32
        %parallel_loop3A_290 = arith.muli %parallel_loop3A_199, %parallel_loop3A_289 : i32
        %parallel_loop3A_291 = arith.constant 7 : i32
        %parallel_loop3A_292 = arith.constant 0 : i32
        %parallel_loop3A_293 = arith.constant 0 : i32
        %parallel_loop3A_294 = tpu.memref_slice %arg7[%parallel_loop3A_197, %parallel_loop3A_292, %parallel_loop3A_293] : memref<2x32x1024xf32, #tpu.memory_space<vmem>> -> memref<1x32x1024xf32, #tpu.memory_space<vmem>>
        %parallel_loop3A_295 = tpu.memref_squeeze %parallel_loop3A_294 : memref<1x32x1024xf32, #tpu.memory_space<vmem>> -> memref<32x1024xf32, #tpu.memory_space<vmem>>
        %parallel_loop3A_296 = arith.index_cast %parallel_loop3A_291 : i32 to index
        %parallel_loop3A_297 = arith.index_cast %parallel_loop3A_290 : i32 to index
        %parallel_loop3A_298 = tpu.vector_load %parallel_loop3A_295[%parallel_loop3A_296, %parallel_loop3A_297] {strides = array<i32>} : memref<32x1024xf32, #tpu.memory_space<vmem>>, vector<16xf32>,
        %parallel_loop3A_299 = arith.constant 3584 : i32
        %parallel_loop3A_300 = tpu.memref_slice %arg8[%parallel_loop3A_299] : memref<16384xf32, #tpu.memory_space<vmem>> -> memref<512xf32, #tpu.memory_space<vmem>>
        tpu.vector_store_idx %parallel_loop3A_300[%parallel_loop3A_204], %parallel_loop3A_298 {add = true} : memref<512xf32, #tpu.memory_space<vmem>>[vector<16xi32>], vector<16xf32>,
        %parallel_loop3A_301 = arith.constant 16 : i32
        %parallel_loop3A_302 = arith.muli %parallel_loop3A_199, %parallel_loop3A_301 : i32
        %parallel_loop3A_303 = arith.constant 8 : i32
        %parallel_loop3A_304 = arith.constant 0 : i32
        %parallel_loop3A_305 = arith.constant 0 : i32
        %parallel_loop3A_306 = tpu.memref_slice %arg7[%parallel_loop3A_197, %parallel_loop3A_304, %parallel_loop3A_305] : memref<2x32x1024xf32, #tpu.memory_space<vmem>> -> memref<1x32x1024xf32, #tpu.memory_space<vmem>>
        %parallel_loop3A_307 = tpu.memref_squeeze %parallel_loop3A_306 : memref<1x32x1024xf32, #tpu.memory_space<vmem>> -> memref<32x1024xf32, #tpu.memory_space<vmem>>
        %parallel_loop3A_308 = arith.index_cast %parallel_loop3A_303 : i32 to index
        %parallel_loop3A_309 = arith.index_cast %parallel_loop3A_302 : i32 to index
        %parallel_loop3A_310 = tpu.vector_load %parallel_loop3A_307[%parallel_loop3A_308, %parallel_loop3A_309] {strides = array<i32>} : memref<32x1024xf32, #tpu.memory_space<vmem>>, vector<16xf32>,
        %parallel_loop3A_311 = arith.constant 4096 : i32
        %parallel_loop3A_312 = tpu.memref_slice %arg8[%parallel_loop3A_311] : memref<16384xf32, #tpu.memory_space<vmem>> -> memref<512xf32, #tpu.memory_space<vmem>>
        tpu.vector_store_idx %parallel_loop3A_312[%parallel_loop3A_204], %parallel_loop3A_310 {add = true} : memref<512xf32, #tpu.memory_space<vmem>>[vector<16xi32>], vector<16xf32>,
        %parallel_loop3A_313 = arith.constant 16 : i32
        %parallel_loop3A_314 = arith.muli %parallel_loop3A_199, %parallel_loop3A_313 : i32
        %parallel_loop3A_315 = arith.constant 9 : i32
        %parallel_loop3A_316 = arith.constant 0 : i32
        %parallel_loop3A_317 = arith.constant 0 : i32
        %parallel_loop3A_318 = tpu.memref_slice %arg7[%parallel_loop3A_197, %parallel_loop3A_316, %parallel_loop3A_317] : memref<2x32x1024xf32, #tpu.memory_space<vmem>> -> memref<1x32x1024xf32, #tpu.memory_space<vmem>>
        %parallel_loop3A_319 = tpu.memref_squeeze %parallel_loop3A_318 : memref<1x32x1024xf32, #tpu.memory_space<vmem>> -> memref<32x1024xf32, #tpu.memory_space<vmem>>
        %parallel_loop3A_320 = arith.index_cast %parallel_loop3A_315 : i32 to index
        %parallel_loop3A_321 = arith.index_cast %parallel_loop3A_314 : i32 to index
        %parallel_loop3A_322 = tpu.vector_load %parallel_loop3A_319[%parallel_loop3A_320, %parallel_loop3A_321] {strides = array<i32>} : memref<32x1024xf32, #tpu.memory_space<vmem>>, vector<16xf32>,
        %parallel_loop3A_323 = arith.constant 4608 : i32
        %parallel_loop3A_324 = tpu.memref_slice %arg8[%parallel_loop3A_323] : memref<16384xf32, #tpu.memory_space<vmem>> -> memref<512xf32, #tpu.memory_space<vmem>>
        tpu.vector_store_idx %parallel_loop3A_324[%parallel_loop3A_204], %parallel_loop3A_322 {add = true} : memref<512xf32, #tpu.memory_space<vmem>>[vector<16xi32>], vector<16xf32>,
        %parallel_loop3A_325 = arith.constant 16 : i32
        %parallel_loop3A_326 = arith.muli %parallel_loop3A_199, %parallel_loop3A_325 : i32
        %parallel_loop3A_327 = arith.constant 10 : i32
        %parallel_loop3A_328 = arith.constant 0 : i32
        %parallel_loop3A_329 = arith.constant 0 : i32
        %parallel_loop3A_330 = tpu.memref_slice %arg7[%parallel_loop3A_197, %parallel_loop3A_328, %parallel_loop3A_329] : memref<2x32x1024xf32, #tpu.memory_space<vmem>> -> memref<1x32x1024xf32, #tpu.memory_space<vmem>>
        %parallel_loop3A_331 = tpu.memref_squeeze %parallel_loop3A_330 : memref<1x32x1024xf32, #tpu.memory_space<vmem>> -> memref<32x1024xf32, #tpu.memory_space<vmem>>
        %parallel_loop3A_332 = arith.index_cast %parallel_loop3A_327 : i32 to index
        %parallel_loop3A_333 = arith.index_cast %parallel_loop3A_326 : i32 to index
        %parallel_loop3A_334 = tpu.vector_load %parallel_loop3A_331[%parallel_loop3A_332, %parallel_loop3A_333] {strides = array<i32>} : memref<32x1024xf32, #tpu.memory_space<vmem>>, vector<16xf32>,
        %parallel_loop3A_335 = arith.constant 5120 : i32
        %parallel_loop3A_336 = tpu.memref_slice %arg8[%parallel_loop3A_335] : memref<16384xf32, #tpu.memory_space<vmem>> -> memref<512xf32, #tpu.memory_space<vmem>>
        tpu.vector_store_idx %parallel_loop3A_336[%parallel_loop3A_204], %parallel_loop3A_334 {add = true} : memref<512xf32, #tpu.memory_space<vmem>>[vector<16xi32>], vector<16xf32>,
        %parallel_loop3A_337 = arith.constant 16 : i32
        %parallel_loop3A_338 = arith.muli %parallel_loop3A_199, %parallel_loop3A_337 : i32
        %parallel_loop3A_339 = arith.constant 11 : i32
        %parallel_loop3A_340 = arith.constant 0 : i32
        %parallel_loop3A_341 = arith.constant 0 : i32
        %parallel_loop3A_342 = tpu.memref_slice %arg7[%parallel_loop3A_197, %parallel_loop3A_340, %parallel_loop3A_341] : memref<2x32x1024xf32, #tpu.memory_space<vmem>> -> memref<1x32x1024xf32, #tpu.memory_space<vmem>>
        %parallel_loop3A_343 = tpu.memref_squeeze %parallel_loop3A_342 : memref<1x32x1024xf32, #tpu.memory_space<vmem>> -> memref<32x1024xf32, #tpu.memory_space<vmem>>
        %parallel_loop3A_344 = arith.index_cast %parallel_loop3A_339 : i32 to index
        %parallel_loop3A_345 = arith.index_cast %parallel_loop3A_338 : i32 to index
        %parallel_loop3A_346 = tpu.vector_load %parallel_loop3A_343[%parallel_loop3A_344, %parallel_loop3A_345] {strides = array<i32>} : memref<32x1024xf32, #tpu.memory_space<vmem>>, vector<16xf32>,
        %parallel_loop3A_347 = arith.constant 5632 : i32
        %parallel_loop3A_348 = tpu.memref_slice %arg8[%parallel_loop3A_347] : memref<16384xf32, #tpu.memory_space<vmem>> -> memref<512xf32, #tpu.memory_space<vmem>>
        tpu.vector_store_idx %parallel_loop3A_348[%parallel_loop3A_204], %parallel_loop3A_346 {add = true} : memref<512xf32, #tpu.memory_space<vmem>>[vector<16xi32>], vector<16xf32>,
        %parallel_loop3A_349 = arith.constant 16 : i32
        %parallel_loop3A_350 = arith.muli %parallel_loop3A_199, %parallel_loop3A_349 : i32
        %parallel_loop3A_351 = arith.constant 12 : i32
        %parallel_loop3A_352 = arith.constant 0 : i32
        %parallel_loop3A_353 = arith.constant 0 : i32
        %parallel_loop3A_354 = tpu.memref_slice %arg7[%parallel_loop3A_197, %parallel_loop3A_352, %parallel_loop3A_353] : memref<2x32x1024xf32, #tpu.memory_space<vmem>> -> memref<1x32x1024xf32, #tpu.memory_space<vmem>>
        %parallel_loop3A_355 = tpu.memref_squeeze %parallel_loop3A_354 : memref<1x32x1024xf32, #tpu.memory_space<vmem>> -> memref<32x1024xf32, #tpu.memory_space<vmem>>
        %parallel_loop3A_356 = arith.index_cast %parallel_loop3A_351 : i32 to index
        %parallel_loop3A_357 = arith.index_cast %parallel_loop3A_350 : i32 to index
        %parallel_loop3A_358 = tpu.vector_load %parallel_loop3A_355[%parallel_loop3A_356, %parallel_loop3A_357] {strides = array<i32>} : memref<32x1024xf32, #tpu.memory_space<vmem>>, vector<16xf32>,
        %parallel_loop3A_359 = arith.constant 6144 : i32
        %parallel_loop3A_360 = tpu.memref_slice %arg8[%parallel_loop3A_359] : memref<16384xf32, #tpu.memory_space<vmem>> -> memref<512xf32, #tpu.memory_space<vmem>>
        tpu.vector_store_idx %parallel_loop3A_360[%parallel_loop3A_204], %parallel_loop3A_358 {add = true} : memref<512xf32, #tpu.memory_space<vmem>>[vector<16xi32>], vector<16xf32>,
        %parallel_loop3A_361 = arith.constant 16 : i32
        %parallel_loop3A_362 = arith.muli %parallel_loop3A_199, %parallel_loop3A_361 : i32
        %parallel_loop3A_363 = arith.constant 13 : i32
        %parallel_loop3A_364 = arith.constant 0 : i32
        %parallel_loop3A_365 = arith.constant 0 : i32
        %parallel_loop3A_366 = tpu.memref_slice %arg7[%parallel_loop3A_197, %parallel_loop3A_364, %parallel_loop3A_365] : memref<2x32x1024xf32, #tpu.memory_space<vmem>> -> memref<1x32x1024xf32, #tpu.memory_space<vmem>>
        %parallel_loop3A_367 = tpu.memref_squeeze %parallel_loop3A_366 : memref<1x32x1024xf32, #tpu.memory_space<vmem>> -> memref<32x1024xf32, #tpu.memory_space<vmem>>
        %parallel_loop3A_368 = arith.index_cast %parallel_loop3A_363 : i32 to index
        %parallel_loop3A_369 = arith.index_cast %parallel_loop3A_362 : i32 to index
        %parallel_loop3A_370 = tpu.vector_load %parallel_loop3A_367[%parallel_loop3A_368, %parallel_loop3A_369] {strides = array<i32>} : memref<32x1024xf32, #tpu.memory_space<vmem>>, vector<16xf32>,
        %parallel_loop3A_371 = arith.constant 6656 : i32
        %parallel_loop3A_372 = tpu.memref_slice %arg8[%parallel_loop3A_371] : memref<16384xf32, #tpu.memory_space<vmem>> -> memref<512xf32, #tpu.memory_space<vmem>>
        tpu.vector_store_idx %parallel_loop3A_372[%parallel_loop3A_204], %parallel_loop3A_370 {add = true} : memref<512xf32, #tpu.memory_space<vmem>>[vector<16xi32>], vector<16xf32>,
        %parallel_loop3A_373 = arith.constant 16 : i32
        %parallel_loop3A_374 = arith.muli %parallel_loop3A_199, %parallel_loop3A_373 : i32
        %parallel_loop3A_375 = arith.constant 14 : i32
        %parallel_loop3A_376 = arith.constant 0 : i32
        %parallel_loop3A_377 = arith.constant 0 : i32
        %parallel_loop3A_378 = tpu.memref_slice %arg7[%parallel_loop3A_197, %parallel_loop3A_376, %parallel_loop3A_377] : memref<2x32x1024xf32, #tpu.memory_space<vmem>> -> memref<1x32x1024xf32, #tpu.memory_space<vmem>>
        %parallel_loop3A_379 = tpu.memref_squeeze %parallel_loop3A_378 : memref<1x32x1024xf32, #tpu.memory_space<vmem>> -> memref<32x1024xf32, #tpu.memory_space<vmem>>
        %parallel_loop3A_380 = arith.index_cast %parallel_loop3A_375 : i32 to index
        %parallel_loop3A_381 = arith.index_cast %parallel_loop3A_374 : i32 to index
        %parallel_loop3A_382 = tpu.vector_load %parallel_loop3A_379[%parallel_loop3A_380, %parallel_loop3A_381] {strides = array<i32>} : memref<32x1024xf32, #tpu.memory_space<vmem>>, vector<16xf32>,
        %parallel_loop3A_383 = arith.constant 7168 : i32
        %parallel_loop3A_384 = tpu.memref_slice %arg8[%parallel_loop3A_383] : memref<16384xf32, #tpu.memory_space<vmem>> -> memref<512xf32, #tpu.memory_space<vmem>>
        tpu.vector_store_idx %parallel_loop3A_384[%parallel_loop3A_204], %parallel_loop3A_382 {add = true} : memref<512xf32, #tpu.memory_space<vmem>>[vector<16xi32>], vector<16xf32>,
        %parallel_loop3A_385 = arith.constant 16 : i32
        %parallel_loop3A_386 = arith.muli %parallel_loop3A_199, %parallel_loop3A_385 : i32
        %parallel_loop3A_387 = arith.constant 15 : i32
        %parallel_loop3A_388 = arith.constant 0 : i32
        %parallel_loop3A_389 = arith.constant 0 : i32
        %parallel_loop3A_390 = tpu.memref_slice %arg7[%parallel_loop3A_197, %parallel_loop3A_388, %parallel_loop3A_389] : memref<2x32x1024xf32, #tpu.memory_space<vmem>> -> memref<1x32x1024xf32, #tpu.memory_space<vmem>>
        %parallel_loop3A_391 = tpu.memref_squeeze %parallel_loop3A_390 : memref<1x32x1024xf32, #tpu.memory_space<vmem>> -> memref<32x1024xf32, #tpu.memory_space<vmem>>
        %parallel_loop3A_392 = arith.index_cast %parallel_loop3A_387 : i32 to index
        %parallel_loop3A_393 = arith.index_cast %parallel_loop3A_386 : i32 to index
        %parallel_loop3A_394 = tpu.vector_load %parallel_loop3A_391[%parallel_loop3A_392, %parallel_loop3A_393] {strides = array<i32>} : memref<32x1024xf32, #tpu.memory_space<vmem>>, vector<16xf32>,
        %parallel_loop3A_395 = arith.constant 7680 : i32
        %parallel_loop3A_396 = tpu.memref_slice %arg8[%parallel_loop3A_395] : memref<16384xf32, #tpu.memory_space<vmem>> -> memref<512xf32, #tpu.memory_space<vmem>>
        tpu.vector_store_idx %parallel_loop3A_396[%parallel_loop3A_204], %parallel_loop3A_394 {add = true} : memref<512xf32, #tpu.memory_space<vmem>>[vector<16xi32>], vector<16xf32>,
        %parallel_loop3A_397 = arith.constant 16 : i32
        %parallel_loop3A_398 = arith.muli %parallel_loop3A_199, %parallel_loop3A_397 : i32
        %parallel_loop3A_399 = arith.constant 16 : i32
        %parallel_loop3A_400 = arith.constant 0 : i32
        %parallel_loop3A_401 = arith.constant 0 : i32
        %parallel_loop3A_402 = tpu.memref_slice %arg7[%parallel_loop3A_197, %parallel_loop3A_400, %parallel_loop3A_401] : memref<2x32x1024xf32, #tpu.memory_space<vmem>> -> memref<1x32x1024xf32, #tpu.memory_space<vmem>>
        %parallel_loop3A_403 = tpu.memref_squeeze %parallel_loop3A_402 : memref<1x32x1024xf32, #tpu.memory_space<vmem>> -> memref<32x1024xf32, #tpu.memory_space<vmem>>
        %parallel_loop3A_404 = arith.index_cast %parallel_loop3A_399 : i32 to index
        %parallel_loop3A_405 = arith.index_cast %parallel_loop3A_398 : i32 to index
        %parallel_loop3A_406 = tpu.vector_load %parallel_loop3A_403[%parallel_loop3A_404, %parallel_loop3A_405] {strides = array<i32>} : memref<32x1024xf32, #tpu.memory_space<vmem>>, vector<16xf32>,
        %parallel_loop3A_407 = arith.constant 8192 : i32
        %parallel_loop3A_408 = tpu.memref_slice %arg8[%parallel_loop3A_407] : memref<16384xf32, #tpu.memory_space<vmem>> -> memref<512xf32, #tpu.memory_space<vmem>>
        tpu.vector_store_idx %parallel_loop3A_408[%parallel_loop3A_204], %parallel_loop3A_406 {add = true} : memref<512xf32, #tpu.memory_space<vmem>>[vector<16xi32>], vector<16xf32>,
        %parallel_loop3A_409 = arith.constant 16 : i32
        %parallel_loop3A_410 = arith.muli %parallel_loop3A_199, %parallel_loop3A_409 : i32
        %parallel_loop3A_411 = arith.constant 17 : i32
        %parallel_loop3A_412 = arith.constant 0 : i32
        %parallel_loop3A_413 = arith.constant 0 : i32
        %parallel_loop3A_414 = tpu.memref_slice %arg7[%parallel_loop3A_197, %parallel_loop3A_412, %parallel_loop3A_413] : memref<2x32x1024xf32, #tpu.memory_space<vmem>> -> memref<1x32x1024xf32, #tpu.memory_space<vmem>>
        %parallel_loop3A_415 = tpu.memref_squeeze %parallel_loop3A_414 : memref<1x32x1024xf32, #tpu.memory_space<vmem>> -> memref<32x1024xf32, #tpu.memory_space<vmem>>
        %parallel_loop3A_416 = arith.index_cast %parallel_loop3A_411 : i32 to index
        %parallel_loop3A_417 = arith.index_cast %parallel_loop3A_410 : i32 to index
        %parallel_loop3A_418 = tpu.vector_load %parallel_loop3A_415[%parallel_loop3A_416, %parallel_loop3A_417] {strides = array<i32>} : memref<32x1024xf32, #tpu.memory_space<vmem>>, vector<16xf32>,
        %parallel_loop3A_419 = arith.constant 8704 : i32
        %parallel_loop3A_420 = tpu.memref_slice %arg8[%parallel_loop3A_419] : memref<16384xf32, #tpu.memory_space<vmem>> -> memref<512xf32, #tpu.memory_space<vmem>>
        tpu.vector_store_idx %parallel_loop3A_420[%parallel_loop3A_204], %parallel_loop3A_418 {add = true} : memref<512xf32, #tpu.memory_space<vmem>>[vector<16xi32>], vector<16xf32>,
        %parallel_loop3A_421 = arith.constant 16 : i32
        %parallel_loop3A_422 = arith.muli %parallel_loop3A_199, %parallel_loop3A_421 : i32
        %parallel_loop3A_423 = arith.constant 18 : i32
        %parallel_loop3A_424 = arith.constant 0 : i32
        %parallel_loop3A_425 = arith.constant 0 : i32
        %parallel_loop3A_426 = tpu.memref_slice %arg7[%parallel_loop3A_197, %parallel_loop3A_424, %parallel_loop3A_425] : memref<2x32x1024xf32, #tpu.memory_space<vmem>> -> memref<1x32x1024xf32, #tpu.memory_space<vmem>>
        %parallel_loop3A_427 = tpu.memref_squeeze %parallel_loop3A_426 : memref<1x32x1024xf32, #tpu.memory_space<vmem>> -> memref<32x1024xf32, #tpu.memory_space<vmem>>
        %parallel_loop3A_428 = arith.index_cast %parallel_loop3A_423 : i32 to index
        %parallel_loop3A_429 = arith.index_cast %parallel_loop3A_422 : i32 to index
        %parallel_loop3A_430 = tpu.vector_load %parallel_loop3A_427[%parallel_loop3A_428, %parallel_loop3A_429] {strides = array<i32>} : memref<32x1024xf32, #tpu.memory_space<vmem>>, vector<16xf32>,
        %parallel_loop3A_431 = arith.constant 9216 : i32
        %parallel_loop3A_432 = tpu.memref_slice %arg8[%parallel_loop3A_431] : memref<16384xf32, #tpu.memory_space<vmem>> -> memref<512xf32, #tpu.memory_space<vmem>>
        tpu.vector_store_idx %parallel_loop3A_432[%parallel_loop3A_204], %parallel_loop3A_430 {add = true} : memref<512xf32, #tpu.memory_space<vmem>>[vector<16xi32>], vector<16xf32>,
        %parallel_loop3A_433 = arith.constant 16 : i32
        %parallel_loop3A_434 = arith.muli %parallel_loop3A_199, %parallel_loop3A_433 : i32
        %parallel_loop3A_435 = arith.constant 19 : i32
        %parallel_loop3A_436 = arith.constant 0 : i32
        %parallel_loop3A_437 = arith.constant 0 : i32
        %parallel_loop3A_438 = tpu.memref_slice %arg7[%parallel_loop3A_197, %parallel_loop3A_436, %parallel_loop3A_437] : memref<2x32x1024xf32, #tpu.memory_space<vmem>> -> memref<1x32x1024xf32, #tpu.memory_space<vmem>>
        %parallel_loop3A_439 = tpu.memref_squeeze %parallel_loop3A_438 : memref<1x32x1024xf32, #tpu.memory_space<vmem>> -> memref<32x1024xf32, #tpu.memory_space<vmem>>
        %parallel_loop3A_440 = arith.index_cast %parallel_loop3A_435 : i32 to index
        %parallel_loop3A_441 = arith.index_cast %parallel_loop3A_434 : i32 to index
        %parallel_loop3A_442 = tpu.vector_load %parallel_loop3A_439[%parallel_loop3A_440, %parallel_loop3A_441] {strides = array<i32>} : memref<32x1024xf32, #tpu.memory_space<vmem>>, vector<16xf32>,
        %parallel_loop3A_443 = arith.constant 9728 : i32
        %parallel_loop3A_444 = tpu.memref_slice %arg8[%parallel_loop3A_443] : memref<16384xf32, #tpu.memory_space<vmem>> -> memref<512xf32, #tpu.memory_space<vmem>>
        tpu.vector_store_idx %parallel_loop3A_444[%parallel_loop3A_204], %parallel_loop3A_442 {add = true} : memref<512xf32, #tpu.memory_space<vmem>>[vector<16xi32>], vector<16xf32>,
        %parallel_loop3A_445 = arith.constant 16 : i32
        %parallel_loop3A_446 = arith.muli %parallel_loop3A_199, %parallel_loop3A_445 : i32
        %parallel_loop3A_447 = arith.constant 20 : i32
        %parallel_loop3A_448 = arith.constant 0 : i32
        %parallel_loop3A_449 = arith.constant 0 : i32
        %parallel_loop3A_450 = tpu.memref_slice %arg7[%parallel_loop3A_197, %parallel_loop3A_448, %parallel_loop3A_449] : memref<2x32x1024xf32, #tpu.memory_space<vmem>> -> memref<1x32x1024xf32, #tpu.memory_space<vmem>>
        %parallel_loop3A_451 = tpu.memref_squeeze %parallel_loop3A_450 : memref<1x32x1024xf32, #tpu.memory_space<vmem>> -> memref<32x1024xf32, #tpu.memory_space<vmem>>
        %parallel_loop3A_452 = arith.index_cast %parallel_loop3A_447 : i32 to index
        %parallel_loop3A_453 = arith.index_cast %parallel_loop3A_446 : i32 to index
        %parallel_loop3A_454 = tpu.vector_load %parallel_loop3A_451[%parallel_loop3A_452, %parallel_loop3A_453] {strides = array<i32>} : memref<32x1024xf32, #tpu.memory_space<vmem>>, vector<16xf32>,
        %parallel_loop3A_455 = arith.constant 10240 : i32
        %parallel_loop3A_456 = tpu.memref_slice %arg8[%parallel_loop3A_455] : memref<16384xf32, #tpu.memory_space<vmem>> -> memref<512xf32, #tpu.memory_space<vmem>>
        tpu.vector_store_idx %parallel_loop3A_456[%parallel_loop3A_204], %parallel_loop3A_454 {add = true} : memref<512xf32, #tpu.memory_space<vmem>>[vector<16xi32>], vector<16xf32>,
        %parallel_loop3A_457 = arith.constant 16 : i32
        %parallel_loop3A_458 = arith.muli %parallel_loop3A_199, %parallel_loop3A_457 : i32
        %parallel_loop3A_459 = arith.constant 21 : i32
        %parallel_loop3A_460 = arith.constant 0 : i32
        %parallel_loop3A_461 = arith.constant 0 : i32
        %parallel_loop3A_462 = tpu.memref_slice %arg7[%parallel_loop3A_197, %parallel_loop3A_460, %parallel_loop3A_461] : memref<2x32x1024xf32, #tpu.memory_space<vmem>> -> memref<1x32x1024xf32, #tpu.memory_space<vmem>>
        %parallel_loop3A_463 = tpu.memref_squeeze %parallel_loop3A_462 : memref<1x32x1024xf32, #tpu.memory_space<vmem>> -> memref<32x1024xf32, #tpu.memory_space<vmem>>
        %parallel_loop3A_464 = arith.index_cast %parallel_loop3A_459 : i32 to index
        %parallel_loop3A_465 = arith.index_cast %parallel_loop3A_458 : i32 to index
        %parallel_loop3A_466 = tpu.vector_load %parallel_loop3A_463[%parallel_loop3A_464, %parallel_loop3A_465] {strides = array<i32>} : memref<32x1024xf32, #tpu.memory_space<vmem>>, vector<16xf32>,
        %parallel_loop3A_467 = arith.constant 10752 : i32
        %parallel_loop3A_468 = tpu.memref_slice %arg8[%parallel_loop3A_467] : memref<16384xf32, #tpu.memory_space<vmem>> -> memref<512xf32, #tpu.memory_space<vmem>>
        tpu.vector_store_idx %parallel_loop3A_468[%parallel_loop3A_204], %parallel_loop3A_466 {add = true} : memref<512xf32, #tpu.memory_space<vmem>>[vector<16xi32>], vector<16xf32>,
        %parallel_loop3A_469 = arith.constant 16 : i32
        %parallel_loop3A_470 = arith.muli %parallel_loop3A_199, %parallel_loop3A_469 : i32
        %parallel_loop3A_471 = arith.constant 22 : i32
        %parallel_loop3A_472 = arith.constant 0 : i32
        %parallel_loop3A_473 = arith.constant 0 : i32
        %parallel_loop3A_474 = tpu.memref_slice %arg7[%parallel_loop3A_197, %parallel_loop3A_472, %parallel_loop3A_473] : memref<2x32x1024xf32, #tpu.memory_space<vmem>> -> memref<1x32x1024xf32, #tpu.memory_space<vmem>>
        %parallel_loop3A_475 = tpu.memref_squeeze %parallel_loop3A_474 : memref<1x32x1024xf32, #tpu.memory_space<vmem>> -> memref<32x1024xf32, #tpu.memory_space<vmem>>
        %parallel_loop3A_476 = arith.index_cast %parallel_loop3A_471 : i32 to index
        %parallel_loop3A_477 = arith.index_cast %parallel_loop3A_470 : i32 to index
        %parallel_loop3A_478 = tpu.vector_load %parallel_loop3A_475[%parallel_loop3A_476, %parallel_loop3A_477] {strides = array<i32>} : memref<32x1024xf32, #tpu.memory_space<vmem>>, vector<16xf32>,
        %parallel_loop3A_479 = arith.constant 11264 : i32
        %parallel_loop3A_480 = tpu.memref_slice %arg8[%parallel_loop3A_479] : memref<16384xf32, #tpu.memory_space<vmem>> -> memref<512xf32, #tpu.memory_space<vmem>>
        tpu.vector_store_idx %parallel_loop3A_480[%parallel_loop3A_204], %parallel_loop3A_478 {add = true} : memref<512xf32, #tpu.memory_space<vmem>>[vector<16xi32>], vector<16xf32>,
        %parallel_loop3A_481 = arith.constant 16 : i32
        %parallel_loop3A_482 = arith.muli %parallel_loop3A_199, %parallel_loop3A_481 : i32
        %parallel_loop3A_483 = arith.constant 23 : i32
        %parallel_loop3A_484 = arith.constant 0 : i32
        %parallel_loop3A_485 = arith.constant 0 : i32
        %parallel_loop3A_486 = tpu.memref_slice %arg7[%parallel_loop3A_197, %parallel_loop3A_484, %parallel_loop3A_485] : memref<2x32x1024xf32, #tpu.memory_space<vmem>> -> memref<1x32x1024xf32, #tpu.memory_space<vmem>>
        %parallel_loop3A_487 = tpu.memref_squeeze %parallel_loop3A_486 : memref<1x32x1024xf32, #tpu.memory_space<vmem>> -> memref<32x1024xf32, #tpu.memory_space<vmem>>
        %parallel_loop3A_488 = arith.index_cast %parallel_loop3A_483 : i32 to index
        %parallel_loop3A_489 = arith.index_cast %parallel_loop3A_482 : i32 to index
        %parallel_loop3A_490 = tpu.vector_load %parallel_loop3A_487[%parallel_loop3A_488, %parallel_loop3A_489] {strides = array<i32>} : memref<32x1024xf32, #tpu.memory_space<vmem>>, vector<16xf32>,
        %parallel_loop3A_491 = arith.constant 11776 : i32
        %parallel_loop3A_492 = tpu.memref_slice %arg8[%parallel_loop3A_491] : memref<16384xf32, #tpu.memory_space<vmem>> -> memref<512xf32, #tpu.memory_space<vmem>>
        tpu.vector_store_idx %parallel_loop3A_492[%parallel_loop3A_204], %parallel_loop3A_490 {add = true} : memref<512xf32, #tpu.memory_space<vmem>>[vector<16xi32>], vector<16xf32>,
        %parallel_loop3A_493 = arith.constant 16 : i32
        %parallel_loop3A_494 = arith.muli %parallel_loop3A_199, %parallel_loop3A_493 : i32
        %parallel_loop3A_495 = arith.constant 24 : i32
        %parallel_loop3A_496 = arith.constant 0 : i32
        %parallel_loop3A_497 = arith.constant 0 : i32
        %parallel_loop3A_498 = tpu.memref_slice %arg7[%parallel_loop3A_197, %parallel_loop3A_496, %parallel_loop3A_497] : memref<2x32x1024xf32, #tpu.memory_space<vmem>> -> memref<1x32x1024xf32, #tpu.memory_space<vmem>>
        %parallel_loop3A_499 = tpu.memref_squeeze %parallel_loop3A_498 : memref<1x32x1024xf32, #tpu.memory_space<vmem>> -> memref<32x1024xf32, #tpu.memory_space<vmem>>
        %parallel_loop3A_500 = arith.index_cast %parallel_loop3A_495 : i32 to index
        %parallel_loop3A_501 = arith.index_cast %parallel_loop3A_494 : i32 to index
        %parallel_loop3A_502 = tpu.vector_load %parallel_loop3A_499[%parallel_loop3A_500, %parallel_loop3A_501] {strides = array<i32>} : memref<32x1024xf32, #tpu.memory_space<vmem>>, vector<16xf32>,
        %parallel_loop3A_503 = arith.constant 12288 : i32
        %parallel_loop3A_504 = tpu.memref_slice %arg8[%parallel_loop3A_503] : memref<16384xf32, #tpu.memory_space<vmem>> -> memref<512xf32, #tpu.memory_space<vmem>>
        tpu.vector_store_idx %parallel_loop3A_504[%parallel_loop3A_204], %parallel_loop3A_502 {add = true} : memref<512xf32, #tpu.memory_space<vmem>>[vector<16xi32>], vector<16xf32>,
        %parallel_loop3A_505 = arith.constant 16 : i32
        %parallel_loop3A_506 = arith.muli %parallel_loop3A_199, %parallel_loop3A_505 : i32
        %parallel_loop3A_507 = arith.constant 25 : i32
        %parallel_loop3A_508 = arith.constant 0 : i32
        %parallel_loop3A_509 = arith.constant 0 : i32
        %parallel_loop3A_510 = tpu.memref_slice %arg7[%parallel_loop3A_197, %parallel_loop3A_508, %parallel_loop3A_509] : memref<2x32x1024xf32, #tpu.memory_space<vmem>> -> memref<1x32x1024xf32, #tpu.memory_space<vmem>>
        %parallel_loop3A_511 = tpu.memref_squeeze %parallel_loop3A_510 : memref<1x32x1024xf32, #tpu.memory_space<vmem>> -> memref<32x1024xf32, #tpu.memory_space<vmem>>
        %parallel_loop3A_512 = arith.index_cast %parallel_loop3A_507 : i32 to index
        %parallel_loop3A_513 = arith.index_cast %parallel_loop3A_506 : i32 to index
        %parallel_loop3A_514 = tpu.vector_load %parallel_loop3A_511[%parallel_loop3A_512, %parallel_loop3A_513] {strides = array<i32>} : memref<32x1024xf32, #tpu.memory_space<vmem>>, vector<16xf32>,
        %parallel_loop3A_515 = arith.constant 12800 : i32
        %parallel_loop3A_516 = tpu.memref_slice %arg8[%parallel_loop3A_515] : memref<16384xf32, #tpu.memory_space<vmem>> -> memref<512xf32, #tpu.memory_space<vmem>>
        tpu.vector_store_idx %parallel_loop3A_516[%parallel_loop3A_204], %parallel_loop3A_514 {add = true} : memref<512xf32, #tpu.memory_space<vmem>>[vector<16xi32>], vector<16xf32>,
        %parallel_loop3A_517 = arith.constant 16 : i32
        %parallel_loop3A_518 = arith.muli %parallel_loop3A_199, %parallel_loop3A_517 : i32
        %parallel_loop3A_519 = arith.constant 26 : i32
        %parallel_loop3A_520 = arith.constant 0 : i32
        %parallel_loop3A_521 = arith.constant 0 : i32
        %parallel_loop3A_522 = tpu.memref_slice %arg7[%parallel_loop3A_197, %parallel_loop3A_520, %parallel_loop3A_521] : memref<2x32x1024xf32, #tpu.memory_space<vmem>> -> memref<1x32x1024xf32, #tpu.memory_space<vmem>>
        %parallel_loop3A_523 = tpu.memref_squeeze %parallel_loop3A_522 : memref<1x32x1024xf32, #tpu.memory_space<vmem>> -> memref<32x1024xf32, #tpu.memory_space<vmem>>
        %parallel_loop3A_524 = arith.index_cast %parallel_loop3A_519 : i32 to index
        %parallel_loop3A_525 = arith.index_cast %parallel_loop3A_518 : i32 to index
        %parallel_loop3A_526 = tpu.vector_load %parallel_loop3A_523[%parallel_loop3A_524, %parallel_loop3A_525] {strides = array<i32>} : memref<32x1024xf32, #tpu.memory_space<vmem>>, vector<16xf32>,
        %parallel_loop3A_527 = arith.constant 13312 : i32
        %parallel_loop3A_528 = tpu.memref_slice %arg8[%parallel_loop3A_527] : memref<16384xf32, #tpu.memory_space<vmem>> -> memref<512xf32, #tpu.memory_space<vmem>>
        tpu.vector_store_idx %parallel_loop3A_528[%parallel_loop3A_204], %parallel_loop3A_526 {add = true} : memref<512xf32, #tpu.memory_space<vmem>>[vector<16xi32>], vector<16xf32>,
        %parallel_loop3A_529 = arith.constant 16 : i32
        %parallel_loop3A_530 = arith.muli %parallel_loop3A_199, %parallel_loop3A_529 : i32
        %parallel_loop3A_531 = arith.constant 27 : i32
        %parallel_loop3A_532 = arith.constant 0 : i32
        %parallel_loop3A_533 = arith.constant 0 : i32
        %parallel_loop3A_534 = tpu.memref_slice %arg7[%parallel_loop3A_197, %parallel_loop3A_532, %parallel_loop3A_533] : memref<2x32x1024xf32, #tpu.memory_space<vmem>> -> memref<1x32x1024xf32, #tpu.memory_space<vmem>>
        %parallel_loop3A_535 = tpu.memref_squeeze %parallel_loop3A_534 : memref<1x32x1024xf32, #tpu.memory_space<vmem>> -> memref<32x1024xf32, #tpu.memory_space<vmem>>
        %parallel_loop3A_536 = arith.index_cast %parallel_loop3A_531 : i32 to index
        %parallel_loop3A_537 = arith.index_cast %parallel_loop3A_530 : i32 to index
        %parallel_loop3A_538 = tpu.vector_load %parallel_loop3A_535[%parallel_loop3A_536, %parallel_loop3A_537] {strides = array<i32>} : memref<32x1024xf32, #tpu.memory_space<vmem>>, vector<16xf32>,
        %parallel_loop3A_539 = arith.constant 13824 : i32
        %parallel_loop3A_540 = tpu.memref_slice %arg8[%parallel_loop3A_539] : memref<16384xf32, #tpu.memory_space<vmem>> -> memref<512xf32, #tpu.memory_space<vmem>>
        tpu.vector_store_idx %parallel_loop3A_540[%parallel_loop3A_204], %parallel_loop3A_538 {add = true} : memref<512xf32, #tpu.memory_space<vmem>>[vector<16xi32>], vector<16xf32>,
        %parallel_loop3A_541 = arith.constant 16 : i32
        %parallel_loop3A_542 = arith.muli %parallel_loop3A_199, %parallel_loop3A_541 : i32
        %parallel_loop3A_543 = arith.constant 28 : i32
        %parallel_loop3A_544 = arith.constant 0 : i32
        %parallel_loop3A_545 = arith.constant 0 : i32
        %parallel_loop3A_546 = tpu.memref_slice %arg7[%parallel_loop3A_197, %parallel_loop3A_544, %parallel_loop3A_545] : memref<2x32x1024xf32, #tpu.memory_space<vmem>> -> memref<1x32x1024xf32, #tpu.memory_space<vmem>>
        %parallel_loop3A_547 = tpu.memref_squeeze %parallel_loop3A_546 : memref<1x32x1024xf32, #tpu.memory_space<vmem>> -> memref<32x1024xf32, #tpu.memory_space<vmem>>
        %parallel_loop3A_548 = arith.index_cast %parallel_loop3A_543 : i32 to index
        %parallel_loop3A_549 = arith.index_cast %parallel_loop3A_542 : i32 to index
        %parallel_loop3A_550 = tpu.vector_load %parallel_loop3A_547[%parallel_loop3A_548, %parallel_loop3A_549] {strides = array<i32>} : memref<32x1024xf32, #tpu.memory_space<vmem>>, vector<16xf32>,
        %parallel_loop3A_551 = arith.constant 14336 : i32
        %parallel_loop3A_552 = tpu.memref_slice %arg8[%parallel_loop3A_551] : memref<16384xf32, #tpu.memory_space<vmem>> -> memref<512xf32, #tpu.memory_space<vmem>>
        tpu.vector_store_idx %parallel_loop3A_552[%parallel_loop3A_204], %parallel_loop3A_550 {add = true} : memref<512xf32, #tpu.memory_space<vmem>>[vector<16xi32>], vector<16xf32>,
        %parallel_loop3A_553 = arith.constant 16 : i32
        %parallel_loop3A_554 = arith.muli %parallel_loop3A_199, %parallel_loop3A_553 : i32
        %parallel_loop3A_555 = arith.constant 29 : i32
        %parallel_loop3A_556 = arith.constant 0 : i32
        %parallel_loop3A_557 = arith.constant 0 : i32
        %parallel_loop3A_558 = tpu.memref_slice %arg7[%parallel_loop3A_197, %parallel_loop3A_556, %parallel_loop3A_557] : memref<2x32x1024xf32, #tpu.memory_space<vmem>> -> memref<1x32x1024xf32, #tpu.memory_space<vmem>>
        %parallel_loop3A_559 = tpu.memref_squeeze %parallel_loop3A_558 : memref<1x32x1024xf32, #tpu.memory_space<vmem>> -> memref<32x1024xf32, #tpu.memory_space<vmem>>
        %parallel_loop3A_560 = arith.index_cast %parallel_loop3A_555 : i32 to index
        %parallel_loop3A_561 = arith.index_cast %parallel_loop3A_554 : i32 to index
        %parallel_loop3A_562 = tpu.vector_load %parallel_loop3A_559[%parallel_loop3A_560, %parallel_loop3A_561] {strides = array<i32>} : memref<32x1024xf32, #tpu.memory_space<vmem>>, vector<16xf32>,
        %parallel_loop3A_563 = arith.constant 14848 : i32
        %parallel_loop3A_564 = tpu.memref_slice %arg8[%parallel_loop3A_563] : memref<16384xf32, #tpu.memory_space<vmem>> -> memref<512xf32, #tpu.memory_space<vmem>>
        tpu.vector_store_idx %parallel_loop3A_564[%parallel_loop3A_204], %parallel_loop3A_562 {add = true} : memref<512xf32, #tpu.memory_space<vmem>>[vector<16xi32>], vector<16xf32>,
        %parallel_loop3A_565 = arith.constant 16 : i32
        %parallel_loop3A_566 = arith.muli %parallel_loop3A_199, %parallel_loop3A_565 : i32
        %parallel_loop3A_567 = arith.constant 30 : i32
        %parallel_loop3A_568 = arith.constant 0 : i32
        %parallel_loop3A_569 = arith.constant 0 : i32
        %parallel_loop3A_570 = tpu.memref_slice %arg7[%parallel_loop3A_197, %parallel_loop3A_568, %parallel_loop3A_569] : memref<2x32x1024xf32, #tpu.memory_space<vmem>> -> memref<1x32x1024xf32, #tpu.memory_space<vmem>>
        %parallel_loop3A_571 = tpu.memref_squeeze %parallel_loop3A_570 : memref<1x32x1024xf32, #tpu.memory_space<vmem>> -> memref<32x1024xf32, #tpu.memory_space<vmem>>
        %parallel_loop3A_572 = arith.index_cast %parallel_loop3A_567 : i32 to index
        %parallel_loop3A_573 = arith.index_cast %parallel_loop3A_566 : i32 to index
        %parallel_loop3A_574 = tpu.vector_load %parallel_loop3A_571[%parallel_loop3A_572, %parallel_loop3A_573] {strides = array<i32>} : memref<32x1024xf32, #tpu.memory_space<vmem>>, vector<16xf32>,
        %parallel_loop3A_575 = arith.constant 15360 : i32
        %parallel_loop3A_576 = tpu.memref_slice %arg8[%parallel_loop3A_575] : memref<16384xf32, #tpu.memory_space<vmem>> -> memref<512xf32, #tpu.memory_space<vmem>>
        tpu.vector_store_idx %parallel_loop3A_576[%parallel_loop3A_204], %parallel_loop3A_574 {add = true} : memref<512xf32, #tpu.memory_space<vmem>>[vector<16xi32>], vector<16xf32>,
        %parallel_loop3A_577 = arith.constant 16 : i32
        %parallel_loop3A_578 = arith.muli %parallel_loop3A_199, %parallel_loop3A_577 : i32
        %parallel_loop3A_579 = arith.constant 31 : i32
        %parallel_loop3A_580 = arith.constant 0 : i32
        %parallel_loop3A_581 = arith.constant 0 : i32
        %parallel_loop3A_582 = tpu.memref_slice %arg7[%parallel_loop3A_197, %parallel_loop3A_580, %parallel_loop3A_581] : memref<2x32x1024xf32, #tpu.memory_space<vmem>> -> memref<1x32x1024xf32, #tpu.memory_space<vmem>>
        %parallel_loop3A_583 = tpu.memref_squeeze %parallel_loop3A_582 : memref<1x32x1024xf32, #tpu.memory_space<vmem>> -> memref<32x1024xf32, #tpu.memory_space<vmem>>
        %parallel_loop3A_584 = arith.index_cast %parallel_loop3A_579 : i32 to index
        %parallel_loop3A_585 = arith.index_cast %parallel_loop3A_578 : i32 to index
        %parallel_loop3A_586 = tpu.vector_load %parallel_loop3A_583[%parallel_loop3A_584, %parallel_loop3A_585] {strides = array<i32>} : memref<32x1024xf32, #tpu.memory_space<vmem>>, vector<16xf32>,
        %parallel_loop3A_587 = arith.constant 15872 : i32
        %parallel_loop3A_588 = tpu.memref_slice %arg8[%parallel_loop3A_587] : memref<16384xf32, #tpu.memory_space<vmem>> -> memref<512xf32, #tpu.memory_space<vmem>>
        tpu.vector_store_idx %parallel_loop3A_588[%parallel_loop3A_204], %parallel_loop3A_586 {add = true} : memref<512xf32, #tpu.memory_space<vmem>>[vector<16xi32>], vector<16xf32>,
      } {sc.loop_unroll_factor = 1 : i64, sc.parallel_access}
      %scan3A_198 = arith.constant 0 : i32
      scf.yield %scan3A_198 : i32
    }
    %scan3A_123 = arith.constant 4 : i32
    "tpu.region"() ({
      %run_scoped3A = tpu.sem_alloc : memref<!tpu.dma_semaphore, #tpu.memory_space<semaphore_mem>>
      %dma_start3A_127 = arith.constant 0 : i32
      %dma_start3A_128 = tpu.memref_slice %arg4[%select_n3A, %select_n3A_30, %dma_start3A_127] : memref<16x2x16384xf32, #tpu.memory_space<hbm>> -> memref<1x1x16384xf32, #tpu.memory_space<hbm>>
      %dma_start3A_129 = tpu.memref_squeeze %dma_start3A_128 : memref<1x1x16384xf32, #tpu.memory_space<hbm>> -> memref<16384xf32, #tpu.memory_space<hbm>>
      %dma_start3A_130 = arith.constant 0 : i32
      %dma_start3A_131 = tpu.memref_slice %arg4[%select_n3A, %select_n3A_30, %dma_start3A_130] : memref<16x2x16384xf32, #tpu.memory_space<hbm>> -> memref<1x1x16384xf32, #tpu.memory_space<hbm>>
      %dma_start3A_132 = tpu.memref_squeeze %dma_start3A_131 : memref<1x1x16384xf32, #tpu.memory_space<hbm>> -> memref<16384xf32, #tpu.memory_space<hbm>>
      tpu.enqueue_dma source(%arg8 : memref<16384xf32, #tpu.memory_space<vmem>>) target(%dma_start3A_132 : memref<16384xf32, #tpu.memory_space<hbm>>) target_semaphore(%run_scoped3A : memref<!tpu.dma_semaphore, #tpu.memory_space<semaphore_mem>>)
      %dma_wait3A = arith.constant 0 : i32
      %dma_wait3A_133 = tpu.memref_slice %arg4[%select_n3A, %select_n3A_30, %dma_wait3A] : memref<16x2x16384xf32, #tpu.memory_space<hbm>> -> memref<1x1x16384xf32, #tpu.memory_space<hbm>>
      %dma_wait3A_134 = tpu.memref_squeeze %dma_wait3A_133 : memref<1x1x16384xf32, #tpu.memory_space<hbm>> -> memref<16384xf32, #tpu.memory_space<hbm>>
      %dma_wait3A_135 = arith.constant 0 : i32
      %dma_wait3A_136 = tpu.memref_slice %arg4[%select_n3A, %select_n3A_30, %dma_wait3A_135] : memref<16x2x16384xf32, #tpu.memory_space<hbm>> -> memref<1x1x16384xf32, #tpu.memory_space<hbm>>
      %dma_wait3A_137 = tpu.memref_squeeze %dma_wait3A_136 : memref<1x1x16384xf32, #tpu.memory_space<hbm>> -> memref<16384xf32, #tpu.memory_space<hbm>>
      tpu.wait_dma2 semaphore(%run_scoped3A : memref<!tpu.dma_semaphore, #tpu.memory_space<semaphore_mem>>) src(%arg8 : memref<16384xf32, #tpu.memory_space<vmem>>) dst(%dma_wait3A_137 : memref<16384xf32, #tpu.memory_space<hbm>>)
      tpu.yield
    }) : () -> ()
    %eq3A_124 = arith.constant 0 : i32
    %eq3A_125 = arith.cmpi eq, %select_n3A_30, %eq3A_124 : i32
    %convert_element_type3A = arith.extui %eq3A_125 : i1 to i32
    %cond3A = arith.constant 0 : i32
    %cond3A_126 = arith.cmpi ne, %convert_element_type3A, %cond3A : i32
    scf.if %cond3A_126 {
      %run_scoped3A = arith.constant 0 : i32
      "tpu.region"() ({
        %run_scoped3A_127 = tpu.sem_alloc : memref<!tpu.dma_semaphore, #tpu.memory_space<semaphore_mem>>
        %dma_start3A_128 = arith.constant 0 : i32
        %dma_start3A_129 = tpu.memref_slice %arg5[%select_n3A, %run_scoped3A, %dma_start3A_128] : memref<16x1x512xf32, #tpu.memory_space<hbm>> -> memref<1x1x512xf32, #tpu.memory_space<hbm>>
        %dma_start3A_130 = tpu.memref_squeeze %dma_start3A_129 : memref<1x1x512xf32, #tpu.memory_space<hbm>> -> memref<512xf32, #tpu.memory_space<hbm>>
        %dma_start3A_131 = arith.constant 0 : i32
        %dma_start3A_132 = tpu.memref_slice %arg5[%select_n3A, %run_scoped3A, %dma_start3A_131] : memref<16x1x512xf32, #tpu.memory_space<hbm>> -> memref<1x1x512xf32, #tpu.memory_space<hbm>>
        %dma_start3A_133 = tpu.memref_squeeze %dma_start3A_132 : memref<1x1x512xf32, #tpu.memory_space<hbm>> -> memref<512xf32, #tpu.memory_space<hbm>>
        tpu.enqueue_dma source(%arg9 : memref<512xf32, #tpu.memory_space<vmem>>) target(%dma_start3A_133 : memref<512xf32, #tpu.memory_space<hbm>>) target_semaphore(%run_scoped3A_127 : memref<!tpu.dma_semaphore, #tpu.memory_space<semaphore_mem>>)
        %dma_wait3A = arith.constant 0 : i32
        %dma_wait3A_134 = tpu.memref_slice %arg5[%select_n3A, %run_scoped3A, %dma_wait3A] : memref<16x1x512xf32, #tpu.memory_space<hbm>> -> memref<1x1x512xf32, #tpu.memory_space<hbm>>
        %dma_wait3A_135 = tpu.memref_squeeze %dma_wait3A_134 : memref<1x1x512xf32, #tpu.memory_space<hbm>> -> memref<512xf32, #tpu.memory_space<hbm>>
        %dma_wait3A_136 = arith.constant 0 : i32
        %dma_wait3A_137 = tpu.memref_slice %arg5[%select_n3A, %run_scoped3A, %dma_wait3A_136] : memref<16x1x512xf32, #tpu.memory_space<hbm>> -> memref<1x1x512xf32, #tpu.memory_space<hbm>>
        %dma_wait3A_138 = tpu.memref_squeeze %dma_wait3A_137 : memref<1x1x512xf32, #tpu.memory_space<hbm>> -> memref<512xf32, #tpu.memory_space<hbm>>
        tpu.wait_dma2 semaphore(%run_scoped3A_127 : memref<!tpu.dma_semaphore, #tpu.memory_space<semaphore_mem>>) src(%arg9 : memref<512xf32, #tpu.memory_space<vmem>>) dst(%dma_wait3A_138 : memref<512xf32, #tpu.memory_space<hbm>>)
        tpu.yield
      }) : () -> ()
    } else {
    }
    return
  }
}

module attributes {stable_mosaic.version = 14 : i64} {
  func.func @_loss_body(%arg0: memref<16x2x16384xf32, #tpu.memory_space<vmem>>, %arg1: memref<16x1x512xf32, #tpu.memory_space<vmem>>, %arg2: memref<1x1xf32, #tpu.memory_space<vmem>>) attributes {dimension_semantics = [], scalar_prefetch = 0 : i64, scratch_operands = 0 : i64, tpu.core_type = #tpu.core_type<tc>} {
    %iota3A = tpu.iota {dimensions = array<i32: 0>} : vector<512x32xi32>
    %iota3A_0 = tpu.iota {dimensions = array<i32: 1>} : vector<512x32xi32>
    %jit3A = arith.constant 16 : i32
    %div3A = vector.broadcast %jit3A : i32 to vector<512x32xi32>
    %div3A_1 = arith.divsi %iota3A, %div3A : vector<512x32xi32>
    %sign3A = arith.constant 0 : i32
    %sign3A_2 = vector.broadcast %sign3A : i32 to vector<512x32xi32>
    %sign3A_3 = arith.cmpi sgt, %iota3A, %sign3A_2 : vector<512x32xi32>
    %sign3A_4 = arith.extui %sign3A_3 : vector<512x32xi1> to vector<512x32xi32>
    %sign3A_5 = arith.constant 0 : i32
    %sign3A_6 = vector.broadcast %sign3A_5 : i32 to vector<512x32xi32>
    %sign3A_7 = arith.cmpi slt, %iota3A, %sign3A_6 : vector<512x32xi32>
    %sign3A_8 = arith.extui %sign3A_7 : vector<512x32xi1> to vector<512x32xi32>
    %sign3A_9 = arith.subi %sign3A_4, %sign3A_8 : vector<512x32xi32>
    %sign3A_10 = arith.constant 0 : i32
    %sign3A_11 = arith.cmpi sgt, %jit3A, %sign3A_10 : i32
    %sign3A_12 = arith.extui %sign3A_11 : i1 to i32
    %sign3A_13 = arith.constant 0 : i32
    %sign3A_14 = arith.cmpi slt, %jit3A, %sign3A_13 : i32
    %sign3A_15 = arith.extui %sign3A_14 : i1 to i32
    %sign3A_16 = arith.subi %sign3A_12, %sign3A_15 : i32
    %ne3A = vector.broadcast %sign3A_16 : i32 to vector<512x32xi32>
    %ne3A_17 = arith.cmpi ne, %sign3A_9, %ne3A : vector<512x32xi32>
    %rem3A = vector.broadcast %jit3A : i32 to vector<512x32xi32>
    %rem3A_18 = arith.remsi %iota3A, %rem3A : vector<512x32xi32>
    %ne3A_19 = arith.constant 0 : i32
    %ne3A_20 = vector.broadcast %ne3A_19 : i32 to vector<512x32xi32>
    %ne3A_21 = arith.cmpi ne, %rem3A_18, %ne3A_20 : vector<512x32xi32>
    %and3A = arith.andi %ne3A_17, %ne3A_21 : vector<512x32xi1>
    %sub3A = arith.constant 1 : i32
    %sub3A_22 = vector.broadcast %sub3A : i32 to vector<512x32xi32>
    %sub3A_23 = arith.subi %div3A_1, %sub3A_22 : vector<512x32xi32>
    %select_n3A = arith.select %and3A, %sub3A_23, %div3A_1 : vector<512x32xi1>, vector<512x32xi32>
    %eq3A = arith.cmpi eq, %select_n3A, %iota3A_0 : vector<512x32xi32>
    %convert_element_type3A = arith.extui %eq3A : vector<512x32xi1> to vector<512x32xi32>
    %convert_element_type3A_24 = arith.sitofp %convert_element_type3A : vector<512x32xi32> to vector<512x32xf32>
    %get3A = arith.constant 0 : index
    %get3A_25 = arith.constant 0 : index
    %get3A_26 = arith.constant 0 : index
    %get3A_27 = vector.load %arg0[%get3A, %get3A_25, %get3A_26] : memref<16x2x16384xf32, #tpu.memory_space<vmem>>, vector<1x2x16384xf32>
    %get3A_28 = vector.shape_cast %get3A_27 : vector<1x2x16384xf32> to vector<2x16384xf32>
    %reshape3A = vector.shape_cast %get3A_28 : vector<2x16384xf32> to vector<64x512xf32>
    %dot_general3A = arith.constant dense<0.000000e+00> : vector<64x32xf32>
    %dot_general3A_29 = tpu.matmul %reshape3A, %convert_element_type3A_24, %dot_general3A {dimension_numbers = #tpu.dot_dimension_numbers<[1], [0], [0], [1], [0, 0, 1, 1], [], []>, transpose_lhs_hint = false} : vector<64x512xf32>, vector<512x32xf32>, vector<64x32xf32> -> vector<64x32xf32>
    %get3A_30 = arith.constant 0 : index
    %get3A_31 = arith.constant 0 : index
    %get3A_32 = arith.constant 0 : index
    %get3A_33 = vector.load %arg1[%get3A_30, %get3A_31, %get3A_32] : memref<16x1x512xf32, #tpu.memory_space<vmem>>, vector<1x1x512xf32>
    %get3A_34 = vector.shape_cast %get3A_33 : vector<1x1x512xf32> to vector<1x512xf32>
    %dot_general3A_35 = arith.constant dense<0.000000e+00> : vector<1x32xf32>
    %dot_general3A_36 = tpu.matmul %get3A_34, %convert_element_type3A_24, %dot_general3A_35 {dimension_numbers = #tpu.dot_dimension_numbers<[1], [0], [0], [1], [0, 0, 1, 1], [], []>, transpose_lhs_hint = false} : vector<1x512xf32>, vector<512x32xf32>, vector<1x32xf32> -> vector<1x32xf32>
    %squeeze3A = vector.shape_cast %dot_general3A_36 : vector<1x32xf32> to vector<32xf32>
    %gt3A = arith.constant 0.000000e+00 : f32
    %gt3A_37 = vector.broadcast %gt3A : f32 to vector<32xf32>
    %gt3A_38 = arith.cmpf ogt, %squeeze3A, %gt3A_37 : vector<32xf32>
    %convert_element_type3A_39 = arith.extui %gt3A_38 : vector<32xi1> to vector<32xi32>
    %convert_element_type3A_40 = arith.sitofp %convert_element_type3A_39 : vector<32xi32> to vector<32xf32>
    %reduce_sum3A = vector.shape_cast %convert_element_type3A_40 : vector<32xf32> to vector<1x32xf32>
    %reduce_sum3A_41 = arith.constant dense<0.000000e+00> : vector<1xf32>
    %reduce_sum3A_42 = vector.multi_reduction <add>, %reduce_sum3A, %reduce_sum3A_41 [1] : vector<1x32xf32> to vector<1xf32>
    %reduce_sum3A_43 = vector.shape_cast %reduce_sum3A_42 : vector<1xf32> to vector<1x1xf32>
    %reduce_sum3A_44 = vector.extract %reduce_sum3A_43[0, 0] : f32 from vector<1x1xf32>
    %gt3A_45 = arith.constant 0.000000e+00 : f32
    %gt3A_46 = vector.broadcast %gt3A_45 : f32 to vector<32xf32>
    %gt3A_47 = arith.cmpf ogt, %squeeze3A, %gt3A_46 : vector<32xf32>
    %jit3A_48 = arith.constant 1.000000e+00 : f32
    %broadcast_in_dim3A = vector.broadcast %jit3A_48 : f32 to vector<32xf32>
    %select_n3A_49 = arith.select %gt3A_47, %squeeze3A, %broadcast_in_dim3A : vector<32xi1>, vector<32xf32>
    %broadcast_in_dim3A_50 = vector.shape_cast %select_n3A_49 : vector<32xf32> to vector<1x32xf32>
    %div3A_51 = vector.broadcast %broadcast_in_dim3A_50 : vector<1x32xf32> to vector<64x32xf32>
    %div3A_52 = arith.divf %dot_general3A_29, %div3A_51 : vector<64x32xf32>
    %dot_general3A_53 = arith.constant dense<0.000000e+00> : vector<64x64xf32>
    %dot_general3A_54 = tpu.matmul %div3A_52, %div3A_52, %dot_general3A_53 {dimension_numbers = #tpu.dot_dimension_numbers<[1], [1], [0], [0], [0, 0, 1, 0], [], []>, transpose_lhs_hint = false} : vector<64x32xf32>, vector<64x32xf32>, vector<64x64xf32> -> vector<64x64xf32>
    %mul3A = arith.mulf %div3A_52, %div3A_52 : vector<64x32xf32>
    %reduce_sum3A_55 = arith.constant dense<0.000000e+00> : vector<64xf32>
    %reduce_sum3A_56 = vector.multi_reduction <add>, %mul3A, %reduce_sum3A_55 [1] : vector<64x32xf32> to vector<64xf32>
    %broadcast_in_dim3A_57 = vector.shape_cast %reduce_sum3A_56 : vector<64xf32> to vector<64x1xf32>
    %broadcast_in_dim3A_58 = vector.shape_cast %reduce_sum3A_56 : vector<64xf32> to vector<1x64xf32>
    %add3A = vector.broadcast %broadcast_in_dim3A_57 : vector<64x1xf32> to vector<64x64xf32>
    %add3A_59 = vector.broadcast %broadcast_in_dim3A_58 : vector<1x64xf32> to vector<64x64xf32>
    %add3A_60 = arith.addf %add3A, %add3A_59 : vector<64x64xf32>
    %mul3A_61 = arith.constant 2.000000e+00 : f32
    %mul3A_62 = vector.broadcast %mul3A_61 : f32 to vector<64x64xf32>
    %mul3A_63 = arith.mulf %mul3A_62, %dot_general3A_54 : vector<64x64xf32>
    %sub3A_64 = arith.subf %add3A_60, %mul3A_63 : vector<64x64xf32>
    %max3A = arith.constant 0.000000e+00 : f32
    %max3A_65 = vector.broadcast %max3A : f32 to vector<64x64xf32>
    %max3A_66 = arith.maximumf %sub3A_64, %max3A_65 : vector<64x64xf32>
    %sqrt3A = math.sqrt %max3A_66 : vector<64x64xf32>
    %sub3A_67 = arith.constant 3.000000e+00 : f32
    %sub3A_68 = vector.broadcast %sub3A_67 : f32 to vector<64x64xf32>
    %sub3A_69 = arith.subf %sub3A_68, %sqrt3A : vector<64x64xf32>
    %max3A_70 = arith.constant 0.000000e+00 : f32
    %max3A_71 = vector.broadcast %max3A_70 : f32 to vector<64x64xf32>
    %max3A_72 = arith.maximumf %sub3A_69, %max3A_71 : vector<64x64xf32>
    %mul3A_73 = arith.mulf %max3A_72, %max3A_72 : vector<64x64xf32>
    %reduce_sum3A_74 = vector.shape_cast %mul3A_73 : vector<64x64xf32> to vector<1x64x64xf32>
    %reduce_sum3A_75 = arith.constant dense<0.000000e+00> : vector<1xf32>
    %reduce_sum3A_76 = vector.multi_reduction <add>, %reduce_sum3A_74, %reduce_sum3A_75 [1, 2] : vector<1x64x64xf32> to vector<1xf32>
    %reduce_sum3A_77 = vector.shape_cast %reduce_sum3A_76 : vector<1xf32> to vector<1x1x1xf32>
    %reduce_sum3A_78 = vector.extract %reduce_sum3A_77[0, 0, 0] : f32 from vector<1x1x1xf32>
    %mul3A_79 = arith.constant 2.000000e+00 : f32
    %mul3A_80 = arith.mulf %mul3A_79, %reduce_sum3A_44 : f32
    %sub3A_81 = arith.constant 1.000000e+00 : f32
    %sub3A_82 = arith.subf %reduce_sum3A_44, %sub3A_81 : f32
    %add3A_83 = arith.constant 1.000000e-16 : f32
    %add3A_84 = arith.addf %sub3A_82, %add3A_83 : f32
    %mul3A_85 = arith.mulf %mul3A_80, %add3A_84 : f32
    %div3A_86 = arith.divf %reduce_sum3A_78, %mul3A_85 : f32
    %ne3A_87 = arith.constant 1.000000e+00 : f32
    %ne3A_88 = arith.cmpf one, %reduce_sum3A_44, %ne3A_87 : f32
    %jit3A_89 = arith.constant 0.000000e+00 : f32
    %select_n3A_90 = arith.select %ne3A_88, %div3A_86, %jit3A_89 : f32
    %add3A_91 = arith.constant 0.000000e+00 : f32
    %add3A_92 = arith.addf %add3A_91, %select_n3A_90 : f32
    %get3A_93 = arith.constant 1 : index
    %get3A_94 = arith.constant 0 : index
    %get3A_95 = arith.constant 0 : index
    %get3A_96 = vector.load %arg0[%get3A_93, %get3A_94, %get3A_95] : memref<16x2x16384xf32, #tpu.memory_space<vmem>>, vector<1x2x16384xf32>
    %get3A_97 = vector.shape_cast %get3A_96 : vector<1x2x16384xf32> to vector<2x16384xf32>
    %reshape3A_98 = vector.shape_cast %get3A_97 : vector<2x16384xf32> to vector<64x512xf32>
    %dot_general3A_99 = arith.constant dense<0.000000e+00> : vector<64x32xf32>
    %dot_general3A_100 = tpu.matmul %reshape3A_98, %convert_element_type3A_24, %dot_general3A_99 {dimension_numbers = #tpu.dot_dimension_numbers<[1], [0], [0], [1], [0, 0, 1, 1], [], []>, transpose_lhs_hint = false} : vector<64x512xf32>, vector<512x32xf32>, vector<64x32xf32> -> vector<64x32xf32>
    %get3A_101 = arith.constant 1 : index
    %get3A_102 = arith.constant 0 : index
    %get3A_103 = arith.constant 0 : index
    %get3A_104 = vector.load %arg1[%get3A_101, %get3A_102, %get3A_103] : memref<16x1x512xf32, #tpu.memory_space<vmem>>, vector<1x1x512xf32>
    %get3A_105 = vector.shape_cast %get3A_104 : vector<1x1x512xf32> to vector<1x512xf32>
    %dot_general3A_106 = arith.constant dense<0.000000e+00> : vector<1x32xf32>
    %dot_general3A_107 = tpu.matmul %get3A_105, %convert_element_type3A_24, %dot_general3A_106 {dimension_numbers = #tpu.dot_dimension_numbers<[1], [0], [0], [1], [0, 0, 1, 1], [], []>, transpose_lhs_hint = false} : vector<1x512xf32>, vector<512x32xf32>, vector<1x32xf32> -> vector<1x32xf32>
    %squeeze3A_108 = vector.shape_cast %dot_general3A_107 : vector<1x32xf32> to vector<32xf32>
    %gt3A_109 = arith.constant 0.000000e+00 : f32
    %gt3A_110 = vector.broadcast %gt3A_109 : f32 to vector<32xf32>
    %gt3A_111 = arith.cmpf ogt, %squeeze3A_108, %gt3A_110 : vector<32xf32>
    %convert_element_type3A_112 = arith.extui %gt3A_111 : vector<32xi1> to vector<32xi32>
    %convert_element_type3A_113 = arith.sitofp %convert_element_type3A_112 : vector<32xi32> to vector<32xf32>
    %reduce_sum3A_114 = vector.shape_cast %convert_element_type3A_113 : vector<32xf32> to vector<1x32xf32>
    %reduce_sum3A_115 = arith.constant dense<0.000000e+00> : vector<1xf32>
    %reduce_sum3A_116 = vector.multi_reduction <add>, %reduce_sum3A_114, %reduce_sum3A_115 [1] : vector<1x32xf32> to vector<1xf32>
    %reduce_sum3A_117 = vector.shape_cast %reduce_sum3A_116 : vector<1xf32> to vector<1x1xf32>
    %reduce_sum3A_118 = vector.extract %reduce_sum3A_117[0, 0] : f32 from vector<1x1xf32>
    %gt3A_119 = arith.constant 0.000000e+00 : f32
    %gt3A_120 = vector.broadcast %gt3A_119 : f32 to vector<32xf32>
    %gt3A_121 = arith.cmpf ogt, %squeeze3A_108, %gt3A_120 : vector<32xf32>
    %jit3A_122 = arith.constant 1.000000e+00 : f32
    %broadcast_in_dim3A_123 = vector.broadcast %jit3A_122 : f32 to vector<32xf32>
    %select_n3A_124 = arith.select %gt3A_121, %squeeze3A_108, %broadcast_in_dim3A_123 : vector<32xi1>, vector<32xf32>
    %broadcast_in_dim3A_125 = vector.shape_cast %select_n3A_124 : vector<32xf32> to vector<1x32xf32>
    %div3A_126 = vector.broadcast %broadcast_in_dim3A_125 : vector<1x32xf32> to vector<64x32xf32>
    %div3A_127 = arith.divf %dot_general3A_100, %div3A_126 : vector<64x32xf32>
    %dot_general3A_128 = arith.constant dense<0.000000e+00> : vector<64x64xf32>
    %dot_general3A_129 = tpu.matmul %div3A_127, %div3A_127, %dot_general3A_128 {dimension_numbers = #tpu.dot_dimension_numbers<[1], [1], [0], [0], [0, 0, 1, 0], [], []>, transpose_lhs_hint = false} : vector<64x32xf32>, vector<64x32xf32>, vector<64x64xf32> -> vector<64x64xf32>
    %mul3A_130 = arith.mulf %div3A_127, %div3A_127 : vector<64x32xf32>
    %reduce_sum3A_131 = arith.constant dense<0.000000e+00> : vector<64xf32>
    %reduce_sum3A_132 = vector.multi_reduction <add>, %mul3A_130, %reduce_sum3A_131 [1] : vector<64x32xf32> to vector<64xf32>
    %broadcast_in_dim3A_133 = vector.shape_cast %reduce_sum3A_132 : vector<64xf32> to vector<64x1xf32>
    %broadcast_in_dim3A_134 = vector.shape_cast %reduce_sum3A_132 : vector<64xf32> to vector<1x64xf32>
    %add3A_135 = vector.broadcast %broadcast_in_dim3A_133 : vector<64x1xf32> to vector<64x64xf32>
    %add3A_136 = vector.broadcast %broadcast_in_dim3A_134 : vector<1x64xf32> to vector<64x64xf32>
    %add3A_137 = arith.addf %add3A_135, %add3A_136 : vector<64x64xf32>
    %mul3A_138 = arith.constant 2.000000e+00 : f32
    %mul3A_139 = vector.broadcast %mul3A_138 : f32 to vector<64x64xf32>
    %mul3A_140 = arith.mulf %mul3A_139, %dot_general3A_129 : vector<64x64xf32>
    %sub3A_141 = arith.subf %add3A_137, %mul3A_140 : vector<64x64xf32>
    %max3A_142 = arith.constant 0.000000e+00 : f32
    %max3A_143 = vector.broadcast %max3A_142 : f32 to vector<64x64xf32>
    %max3A_144 = arith.maximumf %sub3A_141, %max3A_143 : vector<64x64xf32>
    %sqrt3A_145 = math.sqrt %max3A_144 : vector<64x64xf32>
    %sub3A_146 = arith.constant 3.000000e+00 : f32
    %sub3A_147 = vector.broadcast %sub3A_146 : f32 to vector<64x64xf32>
    %sub3A_148 = arith.subf %sub3A_147, %sqrt3A_145 : vector<64x64xf32>
    %max3A_149 = arith.constant 0.000000e+00 : f32
    %max3A_150 = vector.broadcast %max3A_149 : f32 to vector<64x64xf32>
    %max3A_151 = arith.maximumf %sub3A_148, %max3A_150 : vector<64x64xf32>
    %mul3A_152 = arith.mulf %max3A_151, %max3A_151 : vector<64x64xf32>
    %reduce_sum3A_153 = vector.shape_cast %mul3A_152 : vector<64x64xf32> to vector<1x64x64xf32>
    %reduce_sum3A_154 = arith.constant dense<0.000000e+00> : vector<1xf32>
    %reduce_sum3A_155 = vector.multi_reduction <add>, %reduce_sum3A_153, %reduce_sum3A_154 [1, 2] : vector<1x64x64xf32> to vector<1xf32>
    %reduce_sum3A_156 = vector.shape_cast %reduce_sum3A_155 : vector<1xf32> to vector<1x1x1xf32>
    %reduce_sum3A_157 = vector.extract %reduce_sum3A_156[0, 0, 0] : f32 from vector<1x1x1xf32>
    %mul3A_158 = arith.constant 2.000000e+00 : f32
    %mul3A_159 = arith.mulf %mul3A_158, %reduce_sum3A_118 : f32
    %sub3A_160 = arith.constant 1.000000e+00 : f32
    %sub3A_161 = arith.subf %reduce_sum3A_118, %sub3A_160 : f32
    %add3A_162 = arith.constant 1.000000e-16 : f32
    %add3A_163 = arith.addf %sub3A_161, %add3A_162 : f32
    %mul3A_164 = arith.mulf %mul3A_159, %add3A_163 : f32
    %div3A_165 = arith.divf %reduce_sum3A_157, %mul3A_164 : f32
    %ne3A_166 = arith.constant 1.000000e+00 : f32
    %ne3A_167 = arith.cmpf one, %reduce_sum3A_118, %ne3A_166 : f32
    %jit3A_168 = arith.constant 0.000000e+00 : f32
    %select_n3A_169 = arith.select %ne3A_167, %div3A_165, %jit3A_168 : f32
    %add3A_170 = arith.addf %add3A_92, %select_n3A_169 : f32
    %get3A_171 = arith.constant 2 : index
    %get3A_172 = arith.constant 0 : index
    %get3A_173 = arith.constant 0 : index
    %get3A_174 = vector.load %arg0[%get3A_171, %get3A_172, %get3A_173] : memref<16x2x16384xf32, #tpu.memory_space<vmem>>, vector<1x2x16384xf32>
    %get3A_175 = vector.shape_cast %get3A_174 : vector<1x2x16384xf32> to vector<2x16384xf32>
    %reshape3A_176 = vector.shape_cast %get3A_175 : vector<2x16384xf32> to vector<64x512xf32>
    %dot_general3A_177 = arith.constant dense<0.000000e+00> : vector<64x32xf32>
    %dot_general3A_178 = tpu.matmul %reshape3A_176, %convert_element_type3A_24, %dot_general3A_177 {dimension_numbers = #tpu.dot_dimension_numbers<[1], [0], [0], [1], [0, 0, 1, 1], [], []>, transpose_lhs_hint = false} : vector<64x512xf32>, vector<512x32xf32>, vector<64x32xf32> -> vector<64x32xf32>
    %get3A_179 = arith.constant 2 : index
    %get3A_180 = arith.constant 0 : index
    %get3A_181 = arith.constant 0 : index
    %get3A_182 = vector.load %arg1[%get3A_179, %get3A_180, %get3A_181] : memref<16x1x512xf32, #tpu.memory_space<vmem>>, vector<1x1x512xf32>
    %get3A_183 = vector.shape_cast %get3A_182 : vector<1x1x512xf32> to vector<1x512xf32>
    %dot_general3A_184 = arith.constant dense<0.000000e+00> : vector<1x32xf32>
    %dot_general3A_185 = tpu.matmul %get3A_183, %convert_element_type3A_24, %dot_general3A_184 {dimension_numbers = #tpu.dot_dimension_numbers<[1], [0], [0], [1], [0, 0, 1, 1], [], []>, transpose_lhs_hint = false} : vector<1x512xf32>, vector<512x32xf32>, vector<1x32xf32> -> vector<1x32xf32>
    %squeeze3A_186 = vector.shape_cast %dot_general3A_185 : vector<1x32xf32> to vector<32xf32>
    %gt3A_187 = arith.constant 0.000000e+00 : f32
    %gt3A_188 = vector.broadcast %gt3A_187 : f32 to vector<32xf32>
    %gt3A_189 = arith.cmpf ogt, %squeeze3A_186, %gt3A_188 : vector<32xf32>
    %convert_element_type3A_190 = arith.extui %gt3A_189 : vector<32xi1> to vector<32xi32>
    %convert_element_type3A_191 = arith.sitofp %convert_element_type3A_190 : vector<32xi32> to vector<32xf32>
    %reduce_sum3A_192 = vector.shape_cast %convert_element_type3A_191 : vector<32xf32> to vector<1x32xf32>
    %reduce_sum3A_193 = arith.constant dense<0.000000e+00> : vector<1xf32>
    %reduce_sum3A_194 = vector.multi_reduction <add>, %reduce_sum3A_192, %reduce_sum3A_193 [1] : vector<1x32xf32> to vector<1xf32>
    %reduce_sum3A_195 = vector.shape_cast %reduce_sum3A_194 : vector<1xf32> to vector<1x1xf32>
    %reduce_sum3A_196 = vector.extract %reduce_sum3A_195[0, 0] : f32 from vector<1x1xf32>
    %gt3A_197 = arith.constant 0.000000e+00 : f32
    %gt3A_198 = vector.broadcast %gt3A_197 : f32 to vector<32xf32>
    %gt3A_199 = arith.cmpf ogt, %squeeze3A_186, %gt3A_198 : vector<32xf32>
    %jit3A_200 = arith.constant 1.000000e+00 : f32
    %broadcast_in_dim3A_201 = vector.broadcast %jit3A_200 : f32 to vector<32xf32>
    %select_n3A_202 = arith.select %gt3A_199, %squeeze3A_186, %broadcast_in_dim3A_201 : vector<32xi1>, vector<32xf32>
    %broadcast_in_dim3A_203 = vector.shape_cast %select_n3A_202 : vector<32xf32> to vector<1x32xf32>
    %div3A_204 = vector.broadcast %broadcast_in_dim3A_203 : vector<1x32xf32> to vector<64x32xf32>
    %div3A_205 = arith.divf %dot_general3A_178, %div3A_204 : vector<64x32xf32>
    %dot_general3A_206 = arith.constant dense<0.000000e+00> : vector<64x64xf32>
    %dot_general3A_207 = tpu.matmul %div3A_205, %div3A_205, %dot_general3A_206 {dimension_numbers = #tpu.dot_dimension_numbers<[1], [1], [0], [0], [0, 0, 1, 0], [], []>, transpose_lhs_hint = false} : vector<64x32xf32>, vector<64x32xf32>, vector<64x64xf32> -> vector<64x64xf32>
    %mul3A_208 = arith.mulf %div3A_205, %div3A_205 : vector<64x32xf32>
    %reduce_sum3A_209 = arith.constant dense<0.000000e+00> : vector<64xf32>
    %reduce_sum3A_210 = vector.multi_reduction <add>, %mul3A_208, %reduce_sum3A_209 [1] : vector<64x32xf32> to vector<64xf32>
    %broadcast_in_dim3A_211 = vector.shape_cast %reduce_sum3A_210 : vector<64xf32> to vector<64x1xf32>
    %broadcast_in_dim3A_212 = vector.shape_cast %reduce_sum3A_210 : vector<64xf32> to vector<1x64xf32>
    %add3A_213 = vector.broadcast %broadcast_in_dim3A_211 : vector<64x1xf32> to vector<64x64xf32>
    %add3A_214 = vector.broadcast %broadcast_in_dim3A_212 : vector<1x64xf32> to vector<64x64xf32>
    %add3A_215 = arith.addf %add3A_213, %add3A_214 : vector<64x64xf32>
    %mul3A_216 = arith.constant 2.000000e+00 : f32
    %mul3A_217 = vector.broadcast %mul3A_216 : f32 to vector<64x64xf32>
    %mul3A_218 = arith.mulf %mul3A_217, %dot_general3A_207 : vector<64x64xf32>
    %sub3A_219 = arith.subf %add3A_215, %mul3A_218 : vector<64x64xf32>
    %max3A_220 = arith.constant 0.000000e+00 : f32
    %max3A_221 = vector.broadcast %max3A_220 : f32 to vector<64x64xf32>
    %max3A_222 = arith.maximumf %sub3A_219, %max3A_221 : vector<64x64xf32>
    %sqrt3A_223 = math.sqrt %max3A_222 : vector<64x64xf32>
    %sub3A_224 = arith.constant 3.000000e+00 : f32
    %sub3A_225 = vector.broadcast %sub3A_224 : f32 to vector<64x64xf32>
    %sub3A_226 = arith.subf %sub3A_225, %sqrt3A_223 : vector<64x64xf32>
    %max3A_227 = arith.constant 0.000000e+00 : f32
    %max3A_228 = vector.broadcast %max3A_227 : f32 to vector<64x64xf32>
    %max3A_229 = arith.maximumf %sub3A_226, %max3A_228 : vector<64x64xf32>
    %mul3A_230 = arith.mulf %max3A_229, %max3A_229 : vector<64x64xf32>
    %reduce_sum3A_231 = vector.shape_cast %mul3A_230 : vector<64x64xf32> to vector<1x64x64xf32>
    %reduce_sum3A_232 = arith.constant dense<0.000000e+00> : vector<1xf32>
    %reduce_sum3A_233 = vector.multi_reduction <add>, %reduce_sum3A_231, %reduce_sum3A_232 [1, 2] : vector<1x64x64xf32> to vector<1xf32>
    %reduce_sum3A_234 = vector.shape_cast %reduce_sum3A_233 : vector<1xf32> to vector<1x1x1xf32>
    %reduce_sum3A_235 = vector.extract %reduce_sum3A_234[0, 0, 0] : f32 from vector<1x1x1xf32>
    %mul3A_236 = arith.constant 2.000000e+00 : f32
    %mul3A_237 = arith.mulf %mul3A_236, %reduce_sum3A_196 : f32
    %sub3A_238 = arith.constant 1.000000e+00 : f32
    %sub3A_239 = arith.subf %reduce_sum3A_196, %sub3A_238 : f32
    %add3A_240 = arith.constant 1.000000e-16 : f32
    %add3A_241 = arith.addf %sub3A_239, %add3A_240 : f32
    %mul3A_242 = arith.mulf %mul3A_237, %add3A_241 : f32
    %div3A_243 = arith.divf %reduce_sum3A_235, %mul3A_242 : f32
    %ne3A_244 = arith.constant 1.000000e+00 : f32
    %ne3A_245 = arith.cmpf one, %reduce_sum3A_196, %ne3A_244 : f32
    %jit3A_246 = arith.constant 0.000000e+00 : f32
    %select_n3A_247 = arith.select %ne3A_245, %div3A_243, %jit3A_246 : f32
    %add3A_248 = arith.addf %add3A_170, %select_n3A_247 : f32
    %get3A_249 = arith.constant 3 : index
    %get3A_250 = arith.constant 0 : index
    %get3A_251 = arith.constant 0 : index
    %get3A_252 = vector.load %arg0[%get3A_249, %get3A_250, %get3A_251] : memref<16x2x16384xf32, #tpu.memory_space<vmem>>, vector<1x2x16384xf32>
    %get3A_253 = vector.shape_cast %get3A_252 : vector<1x2x16384xf32> to vector<2x16384xf32>
    %reshape3A_254 = vector.shape_cast %get3A_253 : vector<2x16384xf32> to vector<64x512xf32>
    %dot_general3A_255 = arith.constant dense<0.000000e+00> : vector<64x32xf32>
    %dot_general3A_256 = tpu.matmul %reshape3A_254, %convert_element_type3A_24, %dot_general3A_255 {dimension_numbers = #tpu.dot_dimension_numbers<[1], [0], [0], [1], [0, 0, 1, 1], [], []>, transpose_lhs_hint = false} : vector<64x512xf32>, vector<512x32xf32>, vector<64x32xf32> -> vector<64x32xf32>
    %get3A_257 = arith.constant 3 : index
    %get3A_258 = arith.constant 0 : index
    %get3A_259 = arith.constant 0 : index
    %get3A_260 = vector.load %arg1[%get3A_257, %get3A_258, %get3A_259] : memref<16x1x512xf32, #tpu.memory_space<vmem>>, vector<1x1x512xf32>
    %get3A_261 = vector.shape_cast %get3A_260 : vector<1x1x512xf32> to vector<1x512xf32>
    %dot_general3A_262 = arith.constant dense<0.000000e+00> : vector<1x32xf32>
    %dot_general3A_263 = tpu.matmul %get3A_261, %convert_element_type3A_24, %dot_general3A_262 {dimension_numbers = #tpu.dot_dimension_numbers<[1], [0], [0], [1], [0, 0, 1, 1], [], []>, transpose_lhs_hint = false} : vector<1x512xf32>, vector<512x32xf32>, vector<1x32xf32> -> vector<1x32xf32>
    %squeeze3A_264 = vector.shape_cast %dot_general3A_263 : vector<1x32xf32> to vector<32xf32>
    %gt3A_265 = arith.constant 0.000000e+00 : f32
    %gt3A_266 = vector.broadcast %gt3A_265 : f32 to vector<32xf32>
    %gt3A_267 = arith.cmpf ogt, %squeeze3A_264, %gt3A_266 : vector<32xf32>
    %convert_element_type3A_268 = arith.extui %gt3A_267 : vector<32xi1> to vector<32xi32>
    %convert_element_type3A_269 = arith.sitofp %convert_element_type3A_268 : vector<32xi32> to vector<32xf32>
    %reduce_sum3A_270 = vector.shape_cast %convert_element_type3A_269 : vector<32xf32> to vector<1x32xf32>
    %reduce_sum3A_271 = arith.constant dense<0.000000e+00> : vector<1xf32>
    %reduce_sum3A_272 = vector.multi_reduction <add>, %reduce_sum3A_270, %reduce_sum3A_271 [1] : vector<1x32xf32> to vector<1xf32>
    %reduce_sum3A_273 = vector.shape_cast %reduce_sum3A_272 : vector<1xf32> to vector<1x1xf32>
    %reduce_sum3A_274 = vector.extract %reduce_sum3A_273[0, 0] : f32 from vector<1x1xf32>
    %gt3A_275 = arith.constant 0.000000e+00 : f32
    %gt3A_276 = vector.broadcast %gt3A_275 : f32 to vector<32xf32>
    %gt3A_277 = arith.cmpf ogt, %squeeze3A_264, %gt3A_276 : vector<32xf32>
    %jit3A_278 = arith.constant 1.000000e+00 : f32
    %broadcast_in_dim3A_279 = vector.broadcast %jit3A_278 : f32 to vector<32xf32>
    %select_n3A_280 = arith.select %gt3A_277, %squeeze3A_264, %broadcast_in_dim3A_279 : vector<32xi1>, vector<32xf32>
    %broadcast_in_dim3A_281 = vector.shape_cast %select_n3A_280 : vector<32xf32> to vector<1x32xf32>
    %div3A_282 = vector.broadcast %broadcast_in_dim3A_281 : vector<1x32xf32> to vector<64x32xf32>
    %div3A_283 = arith.divf %dot_general3A_256, %div3A_282 : vector<64x32xf32>
    %dot_general3A_284 = arith.constant dense<0.000000e+00> : vector<64x64xf32>
    %dot_general3A_285 = tpu.matmul %div3A_283, %div3A_283, %dot_general3A_284 {dimension_numbers = #tpu.dot_dimension_numbers<[1], [1], [0], [0], [0, 0, 1, 0], [], []>, transpose_lhs_hint = false} : vector<64x32xf32>, vector<64x32xf32>, vector<64x64xf32> -> vector<64x64xf32>
    %mul3A_286 = arith.mulf %div3A_283, %div3A_283 : vector<64x32xf32>
    %reduce_sum3A_287 = arith.constant dense<0.000000e+00> : vector<64xf32>
    %reduce_sum3A_288 = vector.multi_reduction <add>, %mul3A_286, %reduce_sum3A_287 [1] : vector<64x32xf32> to vector<64xf32>
    %broadcast_in_dim3A_289 = vector.shape_cast %reduce_sum3A_288 : vector<64xf32> to vector<64x1xf32>
    %broadcast_in_dim3A_290 = vector.shape_cast %reduce_sum3A_288 : vector<64xf32> to vector<1x64xf32>
    %add3A_291 = vector.broadcast %broadcast_in_dim3A_289 : vector<64x1xf32> to vector<64x64xf32>
    %add3A_292 = vector.broadcast %broadcast_in_dim3A_290 : vector<1x64xf32> to vector<64x64xf32>
    %add3A_293 = arith.addf %add3A_291, %add3A_292 : vector<64x64xf32>
    %mul3A_294 = arith.constant 2.000000e+00 : f32
    %mul3A_295 = vector.broadcast %mul3A_294 : f32 to vector<64x64xf32>
    %mul3A_296 = arith.mulf %mul3A_295, %dot_general3A_285 : vector<64x64xf32>
    %sub3A_297 = arith.subf %add3A_293, %mul3A_296 : vector<64x64xf32>
    %max3A_298 = arith.constant 0.000000e+00 : f32
    %max3A_299 = vector.broadcast %max3A_298 : f32 to vector<64x64xf32>
    %max3A_300 = arith.maximumf %sub3A_297, %max3A_299 : vector<64x64xf32>
    %sqrt3A_301 = math.sqrt %max3A_300 : vector<64x64xf32>
    %sub3A_302 = arith.constant 3.000000e+00 : f32
    %sub3A_303 = vector.broadcast %sub3A_302 : f32 to vector<64x64xf32>
    %sub3A_304 = arith.subf %sub3A_303, %sqrt3A_301 : vector<64x64xf32>
    %max3A_305 = arith.constant 0.000000e+00 : f32
    %max3A_306 = vector.broadcast %max3A_305 : f32 to vector<64x64xf32>
    %max3A_307 = arith.maximumf %sub3A_304, %max3A_306 : vector<64x64xf32>
    %mul3A_308 = arith.mulf %max3A_307, %max3A_307 : vector<64x64xf32>
    %reduce_sum3A_309 = vector.shape_cast %mul3A_308 : vector<64x64xf32> to vector<1x64x64xf32>
    %reduce_sum3A_310 = arith.constant dense<0.000000e+00> : vector<1xf32>
    %reduce_sum3A_311 = vector.multi_reduction <add>, %reduce_sum3A_309, %reduce_sum3A_310 [1, 2] : vector<1x64x64xf32> to vector<1xf32>
    %reduce_sum3A_312 = vector.shape_cast %reduce_sum3A_311 : vector<1xf32> to vector<1x1x1xf32>
    %reduce_sum3A_313 = vector.extract %reduce_sum3A_312[0, 0, 0] : f32 from vector<1x1x1xf32>
    %mul3A_314 = arith.constant 2.000000e+00 : f32
    %mul3A_315 = arith.mulf %mul3A_314, %reduce_sum3A_274 : f32
    %sub3A_316 = arith.constant 1.000000e+00 : f32
    %sub3A_317 = arith.subf %reduce_sum3A_274, %sub3A_316 : f32
    %add3A_318 = arith.constant 1.000000e-16 : f32
    %add3A_319 = arith.addf %sub3A_317, %add3A_318 : f32
    %mul3A_320 = arith.mulf %mul3A_315, %add3A_319 : f32
    %div3A_321 = arith.divf %reduce_sum3A_313, %mul3A_320 : f32
    %ne3A_322 = arith.constant 1.000000e+00 : f32
    %ne3A_323 = arith.cmpf one, %reduce_sum3A_274, %ne3A_322 : f32
    %jit3A_324 = arith.constant 0.000000e+00 : f32
    %select_n3A_325 = arith.select %ne3A_323, %div3A_321, %jit3A_324 : f32
    %add3A_326 = arith.addf %add3A_248, %select_n3A_325 : f32
    %get3A_327 = arith.constant 4 : index
    %get3A_328 = arith.constant 0 : index
    %get3A_329 = arith.constant 0 : index
    %get3A_330 = vector.load %arg0[%get3A_327, %get3A_328, %get3A_329] : memref<16x2x16384xf32, #tpu.memory_space<vmem>>, vector<1x2x16384xf32>
    %get3A_331 = vector.shape_cast %get3A_330 : vector<1x2x16384xf32> to vector<2x16384xf32>
    %reshape3A_332 = vector.shape_cast %get3A_331 : vector<2x16384xf32> to vector<64x512xf32>
    %dot_general3A_333 = arith.constant dense<0.000000e+00> : vector<64x32xf32>
    %dot_general3A_334 = tpu.matmul %reshape3A_332, %convert_element_type3A_24, %dot_general3A_333 {dimension_numbers = #tpu.dot_dimension_numbers<[1], [0], [0], [1], [0, 0, 1, 1], [], []>, transpose_lhs_hint = false} : vector<64x512xf32>, vector<512x32xf32>, vector<64x32xf32> -> vector<64x32xf32>
    %get3A_335 = arith.constant 4 : index
    %get3A_336 = arith.constant 0 : index
    %get3A_337 = arith.constant 0 : index
    %get3A_338 = vector.load %arg1[%get3A_335, %get3A_336, %get3A_337] : memref<16x1x512xf32, #tpu.memory_space<vmem>>, vector<1x1x512xf32>
    %get3A_339 = vector.shape_cast %get3A_338 : vector<1x1x512xf32> to vector<1x512xf32>
    %dot_general3A_340 = arith.constant dense<0.000000e+00> : vector<1x32xf32>
    %dot_general3A_341 = tpu.matmul %get3A_339, %convert_element_type3A_24, %dot_general3A_340 {dimension_numbers = #tpu.dot_dimension_numbers<[1], [0], [0], [1], [0, 0, 1, 1], [], []>, transpose_lhs_hint = false} : vector<1x512xf32>, vector<512x32xf32>, vector<1x32xf32> -> vector<1x32xf32>
    %squeeze3A_342 = vector.shape_cast %dot_general3A_341 : vector<1x32xf32> to vector<32xf32>
    %gt3A_343 = arith.constant 0.000000e+00 : f32
    %gt3A_344 = vector.broadcast %gt3A_343 : f32 to vector<32xf32>
    %gt3A_345 = arith.cmpf ogt, %squeeze3A_342, %gt3A_344 : vector<32xf32>
    %convert_element_type3A_346 = arith.extui %gt3A_345 : vector<32xi1> to vector<32xi32>
    %convert_element_type3A_347 = arith.sitofp %convert_element_type3A_346 : vector<32xi32> to vector<32xf32>
    %reduce_sum3A_348 = vector.shape_cast %convert_element_type3A_347 : vector<32xf32> to vector<1x32xf32>
    %reduce_sum3A_349 = arith.constant dense<0.000000e+00> : vector<1xf32>
    %reduce_sum3A_350 = vector.multi_reduction <add>, %reduce_sum3A_348, %reduce_sum3A_349 [1] : vector<1x32xf32> to vector<1xf32>
    %reduce_sum3A_351 = vector.shape_cast %reduce_sum3A_350 : vector<1xf32> to vector<1x1xf32>
    %reduce_sum3A_352 = vector.extract %reduce_sum3A_351[0, 0] : f32 from vector<1x1xf32>
    %gt3A_353 = arith.constant 0.000000e+00 : f32
    %gt3A_354 = vector.broadcast %gt3A_353 : f32 to vector<32xf32>
    %gt3A_355 = arith.cmpf ogt, %squeeze3A_342, %gt3A_354 : vector<32xf32>
    %jit3A_356 = arith.constant 1.000000e+00 : f32
    %broadcast_in_dim3A_357 = vector.broadcast %jit3A_356 : f32 to vector<32xf32>
    %select_n3A_358 = arith.select %gt3A_355, %squeeze3A_342, %broadcast_in_dim3A_357 : vector<32xi1>, vector<32xf32>
    %broadcast_in_dim3A_359 = vector.shape_cast %select_n3A_358 : vector<32xf32> to vector<1x32xf32>
    %div3A_360 = vector.broadcast %broadcast_in_dim3A_359 : vector<1x32xf32> to vector<64x32xf32>
    %div3A_361 = arith.divf %dot_general3A_334, %div3A_360 : vector<64x32xf32>
    %dot_general3A_362 = arith.constant dense<0.000000e+00> : vector<64x64xf32>
    %dot_general3A_363 = tpu.matmul %div3A_361, %div3A_361, %dot_general3A_362 {dimension_numbers = #tpu.dot_dimension_numbers<[1], [1], [0], [0], [0, 0, 1, 0], [], []>, transpose_lhs_hint = false} : vector<64x32xf32>, vector<64x32xf32>, vector<64x64xf32> -> vector<64x64xf32>
    %mul3A_364 = arith.mulf %div3A_361, %div3A_361 : vector<64x32xf32>
    %reduce_sum3A_365 = arith.constant dense<0.000000e+00> : vector<64xf32>
    %reduce_sum3A_366 = vector.multi_reduction <add>, %mul3A_364, %reduce_sum3A_365 [1] : vector<64x32xf32> to vector<64xf32>
    %broadcast_in_dim3A_367 = vector.shape_cast %reduce_sum3A_366 : vector<64xf32> to vector<64x1xf32>
    %broadcast_in_dim3A_368 = vector.shape_cast %reduce_sum3A_366 : vector<64xf32> to vector<1x64xf32>
    %add3A_369 = vector.broadcast %broadcast_in_dim3A_367 : vector<64x1xf32> to vector<64x64xf32>
    %add3A_370 = vector.broadcast %broadcast_in_dim3A_368 : vector<1x64xf32> to vector<64x64xf32>
    %add3A_371 = arith.addf %add3A_369, %add3A_370 : vector<64x64xf32>
    %mul3A_372 = arith.constant 2.000000e+00 : f32
    %mul3A_373 = vector.broadcast %mul3A_372 : f32 to vector<64x64xf32>
    %mul3A_374 = arith.mulf %mul3A_373, %dot_general3A_363 : vector<64x64xf32>
    %sub3A_375 = arith.subf %add3A_371, %mul3A_374 : vector<64x64xf32>
    %max3A_376 = arith.constant 0.000000e+00 : f32
    %max3A_377 = vector.broadcast %max3A_376 : f32 to vector<64x64xf32>
    %max3A_378 = arith.maximumf %sub3A_375, %max3A_377 : vector<64x64xf32>
    %sqrt3A_379 = math.sqrt %max3A_378 : vector<64x64xf32>
    %sub3A_380 = arith.constant 3.000000e+00 : f32
    %sub3A_381 = vector.broadcast %sub3A_380 : f32 to vector<64x64xf32>
    %sub3A_382 = arith.subf %sub3A_381, %sqrt3A_379 : vector<64x64xf32>
    %max3A_383 = arith.constant 0.000000e+00 : f32
    %max3A_384 = vector.broadcast %max3A_383 : f32 to vector<64x64xf32>
    %max3A_385 = arith.maximumf %sub3A_382, %max3A_384 : vector<64x64xf32>
    %mul3A_386 = arith.mulf %max3A_385, %max3A_385 : vector<64x64xf32>
    %reduce_sum3A_387 = vector.shape_cast %mul3A_386 : vector<64x64xf32> to vector<1x64x64xf32>
    %reduce_sum3A_388 = arith.constant dense<0.000000e+00> : vector<1xf32>
    %reduce_sum3A_389 = vector.multi_reduction <add>, %reduce_sum3A_387, %reduce_sum3A_388 [1, 2] : vector<1x64x64xf32> to vector<1xf32>
    %reduce_sum3A_390 = vector.shape_cast %reduce_sum3A_389 : vector<1xf32> to vector<1x1x1xf32>
    %reduce_sum3A_391 = vector.extract %reduce_sum3A_390[0, 0, 0] : f32 from vector<1x1x1xf32>
    %mul3A_392 = arith.constant 2.000000e+00 : f32
    %mul3A_393 = arith.mulf %mul3A_392, %reduce_sum3A_352 : f32
    %sub3A_394 = arith.constant 1.000000e+00 : f32
    %sub3A_395 = arith.subf %reduce_sum3A_352, %sub3A_394 : f32
    %add3A_396 = arith.constant 1.000000e-16 : f32
    %add3A_397 = arith.addf %sub3A_395, %add3A_396 : f32
    %mul3A_398 = arith.mulf %mul3A_393, %add3A_397 : f32
    %div3A_399 = arith.divf %reduce_sum3A_391, %mul3A_398 : f32
    %ne3A_400 = arith.constant 1.000000e+00 : f32
    %ne3A_401 = arith.cmpf one, %reduce_sum3A_352, %ne3A_400 : f32
    %jit3A_402 = arith.constant 0.000000e+00 : f32
    %select_n3A_403 = arith.select %ne3A_401, %div3A_399, %jit3A_402 : f32
    %add3A_404 = arith.addf %add3A_326, %select_n3A_403 : f32
    %get3A_405 = arith.constant 5 : index
    %get3A_406 = arith.constant 0 : index
    %get3A_407 = arith.constant 0 : index
    %get3A_408 = vector.load %arg0[%get3A_405, %get3A_406, %get3A_407] : memref<16x2x16384xf32, #tpu.memory_space<vmem>>, vector<1x2x16384xf32>
    %get3A_409 = vector.shape_cast %get3A_408 : vector<1x2x16384xf32> to vector<2x16384xf32>
    %reshape3A_410 = vector.shape_cast %get3A_409 : vector<2x16384xf32> to vector<64x512xf32>
    %dot_general3A_411 = arith.constant dense<0.000000e+00> : vector<64x32xf32>
    %dot_general3A_412 = tpu.matmul %reshape3A_410, %convert_element_type3A_24, %dot_general3A_411 {dimension_numbers = #tpu.dot_dimension_numbers<[1], [0], [0], [1], [0, 0, 1, 1], [], []>, transpose_lhs_hint = false} : vector<64x512xf32>, vector<512x32xf32>, vector<64x32xf32> -> vector<64x32xf32>
    %get3A_413 = arith.constant 5 : index
    %get3A_414 = arith.constant 0 : index
    %get3A_415 = arith.constant 0 : index
    %get3A_416 = vector.load %arg1[%get3A_413, %get3A_414, %get3A_415] : memref<16x1x512xf32, #tpu.memory_space<vmem>>, vector<1x1x512xf32>
    %get3A_417 = vector.shape_cast %get3A_416 : vector<1x1x512xf32> to vector<1x512xf32>
    %dot_general3A_418 = arith.constant dense<0.000000e+00> : vector<1x32xf32>
    %dot_general3A_419 = tpu.matmul %get3A_417, %convert_element_type3A_24, %dot_general3A_418 {dimension_numbers = #tpu.dot_dimension_numbers<[1], [0], [0], [1], [0, 0, 1, 1], [], []>, transpose_lhs_hint = false} : vector<1x512xf32>, vector<512x32xf32>, vector<1x32xf32> -> vector<1x32xf32>
    %squeeze3A_420 = vector.shape_cast %dot_general3A_419 : vector<1x32xf32> to vector<32xf32>
    %gt3A_421 = arith.constant 0.000000e+00 : f32
    %gt3A_422 = vector.broadcast %gt3A_421 : f32 to vector<32xf32>
    %gt3A_423 = arith.cmpf ogt, %squeeze3A_420, %gt3A_422 : vector<32xf32>
    %convert_element_type3A_424 = arith.extui %gt3A_423 : vector<32xi1> to vector<32xi32>
    %convert_element_type3A_425 = arith.sitofp %convert_element_type3A_424 : vector<32xi32> to vector<32xf32>
    %reduce_sum3A_426 = vector.shape_cast %convert_element_type3A_425 : vector<32xf32> to vector<1x32xf32>
    %reduce_sum3A_427 = arith.constant dense<0.000000e+00> : vector<1xf32>
    %reduce_sum3A_428 = vector.multi_reduction <add>, %reduce_sum3A_426, %reduce_sum3A_427 [1] : vector<1x32xf32> to vector<1xf32>
    %reduce_sum3A_429 = vector.shape_cast %reduce_sum3A_428 : vector<1xf32> to vector<1x1xf32>
    %reduce_sum3A_430 = vector.extract %reduce_sum3A_429[0, 0] : f32 from vector<1x1xf32>
    %gt3A_431 = arith.constant 0.000000e+00 : f32
    %gt3A_432 = vector.broadcast %gt3A_431 : f32 to vector<32xf32>
    %gt3A_433 = arith.cmpf ogt, %squeeze3A_420, %gt3A_432 : vector<32xf32>
    %jit3A_434 = arith.constant 1.000000e+00 : f32
    %broadcast_in_dim3A_435 = vector.broadcast %jit3A_434 : f32 to vector<32xf32>
    %select_n3A_436 = arith.select %gt3A_433, %squeeze3A_420, %broadcast_in_dim3A_435 : vector<32xi1>, vector<32xf32>
    %broadcast_in_dim3A_437 = vector.shape_cast %select_n3A_436 : vector<32xf32> to vector<1x32xf32>
    %div3A_438 = vector.broadcast %broadcast_in_dim3A_437 : vector<1x32xf32> to vector<64x32xf32>
    %div3A_439 = arith.divf %dot_general3A_412, %div3A_438 : vector<64x32xf32>
    %dot_general3A_440 = arith.constant dense<0.000000e+00> : vector<64x64xf32>
    %dot_general3A_441 = tpu.matmul %div3A_439, %div3A_439, %dot_general3A_440 {dimension_numbers = #tpu.dot_dimension_numbers<[1], [1], [0], [0], [0, 0, 1, 0], [], []>, transpose_lhs_hint = false} : vector<64x32xf32>, vector<64x32xf32>, vector<64x64xf32> -> vector<64x64xf32>
    %mul3A_442 = arith.mulf %div3A_439, %div3A_439 : vector<64x32xf32>
    %reduce_sum3A_443 = arith.constant dense<0.000000e+00> : vector<64xf32>
    %reduce_sum3A_444 = vector.multi_reduction <add>, %mul3A_442, %reduce_sum3A_443 [1] : vector<64x32xf32> to vector<64xf32>
    %broadcast_in_dim3A_445 = vector.shape_cast %reduce_sum3A_444 : vector<64xf32> to vector<64x1xf32>
    %broadcast_in_dim3A_446 = vector.shape_cast %reduce_sum3A_444 : vector<64xf32> to vector<1x64xf32>
    %add3A_447 = vector.broadcast %broadcast_in_dim3A_445 : vector<64x1xf32> to vector<64x64xf32>
    %add3A_448 = vector.broadcast %broadcast_in_dim3A_446 : vector<1x64xf32> to vector<64x64xf32>
    %add3A_449 = arith.addf %add3A_447, %add3A_448 : vector<64x64xf32>
    %mul3A_450 = arith.constant 2.000000e+00 : f32
    %mul3A_451 = vector.broadcast %mul3A_450 : f32 to vector<64x64xf32>
    %mul3A_452 = arith.mulf %mul3A_451, %dot_general3A_441 : vector<64x64xf32>
    %sub3A_453 = arith.subf %add3A_449, %mul3A_452 : vector<64x64xf32>
    %max3A_454 = arith.constant 0.000000e+00 : f32
    %max3A_455 = vector.broadcast %max3A_454 : f32 to vector<64x64xf32>
    %max3A_456 = arith.maximumf %sub3A_453, %max3A_455 : vector<64x64xf32>
    %sqrt3A_457 = math.sqrt %max3A_456 : vector<64x64xf32>
    %sub3A_458 = arith.constant 3.000000e+00 : f32
    %sub3A_459 = vector.broadcast %sub3A_458 : f32 to vector<64x64xf32>
    %sub3A_460 = arith.subf %sub3A_459, %sqrt3A_457 : vector<64x64xf32>
    %max3A_461 = arith.constant 0.000000e+00 : f32
    %max3A_462 = vector.broadcast %max3A_461 : f32 to vector<64x64xf32>
    %max3A_463 = arith.maximumf %sub3A_460, %max3A_462 : vector<64x64xf32>
    %mul3A_464 = arith.mulf %max3A_463, %max3A_463 : vector<64x64xf32>
    %reduce_sum3A_465 = vector.shape_cast %mul3A_464 : vector<64x64xf32> to vector<1x64x64xf32>
    %reduce_sum3A_466 = arith.constant dense<0.000000e+00> : vector<1xf32>
    %reduce_sum3A_467 = vector.multi_reduction <add>, %reduce_sum3A_465, %reduce_sum3A_466 [1, 2] : vector<1x64x64xf32> to vector<1xf32>
    %reduce_sum3A_468 = vector.shape_cast %reduce_sum3A_467 : vector<1xf32> to vector<1x1x1xf32>
    %reduce_sum3A_469 = vector.extract %reduce_sum3A_468[0, 0, 0] : f32 from vector<1x1x1xf32>
    %mul3A_470 = arith.constant 2.000000e+00 : f32
    %mul3A_471 = arith.mulf %mul3A_470, %reduce_sum3A_430 : f32
    %sub3A_472 = arith.constant 1.000000e+00 : f32
    %sub3A_473 = arith.subf %reduce_sum3A_430, %sub3A_472 : f32
    %add3A_474 = arith.constant 1.000000e-16 : f32
    %add3A_475 = arith.addf %sub3A_473, %add3A_474 : f32
    %mul3A_476 = arith.mulf %mul3A_471, %add3A_475 : f32
    %div3A_477 = arith.divf %reduce_sum3A_469, %mul3A_476 : f32
    %ne3A_478 = arith.constant 1.000000e+00 : f32
    %ne3A_479 = arith.cmpf one, %reduce_sum3A_430, %ne3A_478 : f32
    %jit3A_480 = arith.constant 0.000000e+00 : f32
    %select_n3A_481 = arith.select %ne3A_479, %div3A_477, %jit3A_480 : f32
    %add3A_482 = arith.addf %add3A_404, %select_n3A_481 : f32
    %get3A_483 = arith.constant 6 : index
    %get3A_484 = arith.constant 0 : index
    %get3A_485 = arith.constant 0 : index
    %get3A_486 = vector.load %arg0[%get3A_483, %get3A_484, %get3A_485] : memref<16x2x16384xf32, #tpu.memory_space<vmem>>, vector<1x2x16384xf32>
    %get3A_487 = vector.shape_cast %get3A_486 : vector<1x2x16384xf32> to vector<2x16384xf32>
    %reshape3A_488 = vector.shape_cast %get3A_487 : vector<2x16384xf32> to vector<64x512xf32>
    %dot_general3A_489 = arith.constant dense<0.000000e+00> : vector<64x32xf32>
    %dot_general3A_490 = tpu.matmul %reshape3A_488, %convert_element_type3A_24, %dot_general3A_489 {dimension_numbers = #tpu.dot_dimension_numbers<[1], [0], [0], [1], [0, 0, 1, 1], [], []>, transpose_lhs_hint = false} : vector<64x512xf32>, vector<512x32xf32>, vector<64x32xf32> -> vector<64x32xf32>
    %get3A_491 = arith.constant 6 : index
    %get3A_492 = arith.constant 0 : index
    %get3A_493 = arith.constant 0 : index
    %get3A_494 = vector.load %arg1[%get3A_491, %get3A_492, %get3A_493] : memref<16x1x512xf32, #tpu.memory_space<vmem>>, vector<1x1x512xf32>
    %get3A_495 = vector.shape_cast %get3A_494 : vector<1x1x512xf32> to vector<1x512xf32>
    %dot_general3A_496 = arith.constant dense<0.000000e+00> : vector<1x32xf32>
    %dot_general3A_497 = tpu.matmul %get3A_495, %convert_element_type3A_24, %dot_general3A_496 {dimension_numbers = #tpu.dot_dimension_numbers<[1], [0], [0], [1], [0, 0, 1, 1], [], []>, transpose_lhs_hint = false} : vector<1x512xf32>, vector<512x32xf32>, vector<1x32xf32> -> vector<1x32xf32>
    %squeeze3A_498 = vector.shape_cast %dot_general3A_497 : vector<1x32xf32> to vector<32xf32>
    %gt3A_499 = arith.constant 0.000000e+00 : f32
    %gt3A_500 = vector.broadcast %gt3A_499 : f32 to vector<32xf32>
    %gt3A_501 = arith.cmpf ogt, %squeeze3A_498, %gt3A_500 : vector<32xf32>
    %convert_element_type3A_502 = arith.extui %gt3A_501 : vector<32xi1> to vector<32xi32>
    %convert_element_type3A_503 = arith.sitofp %convert_element_type3A_502 : vector<32xi32> to vector<32xf32>
    %reduce_sum3A_504 = vector.shape_cast %convert_element_type3A_503 : vector<32xf32> to vector<1x32xf32>
    %reduce_sum3A_505 = arith.constant dense<0.000000e+00> : vector<1xf32>
    %reduce_sum3A_506 = vector.multi_reduction <add>, %reduce_sum3A_504, %reduce_sum3A_505 [1] : vector<1x32xf32> to vector<1xf32>
    %reduce_sum3A_507 = vector.shape_cast %reduce_sum3A_506 : vector<1xf32> to vector<1x1xf32>
    %reduce_sum3A_508 = vector.extract %reduce_sum3A_507[0, 0] : f32 from vector<1x1xf32>
    %gt3A_509 = arith.constant 0.000000e+00 : f32
    %gt3A_510 = vector.broadcast %gt3A_509 : f32 to vector<32xf32>
    %gt3A_511 = arith.cmpf ogt, %squeeze3A_498, %gt3A_510 : vector<32xf32>
    %jit3A_512 = arith.constant 1.000000e+00 : f32
    %broadcast_in_dim3A_513 = vector.broadcast %jit3A_512 : f32 to vector<32xf32>
    %select_n3A_514 = arith.select %gt3A_511, %squeeze3A_498, %broadcast_in_dim3A_513 : vector<32xi1>, vector<32xf32>
    %broadcast_in_dim3A_515 = vector.shape_cast %select_n3A_514 : vector<32xf32> to vector<1x32xf32>
    %div3A_516 = vector.broadcast %broadcast_in_dim3A_515 : vector<1x32xf32> to vector<64x32xf32>
    %div3A_517 = arith.divf %dot_general3A_490, %div3A_516 : vector<64x32xf32>
    %dot_general3A_518 = arith.constant dense<0.000000e+00> : vector<64x64xf32>
    %dot_general3A_519 = tpu.matmul %div3A_517, %div3A_517, %dot_general3A_518 {dimension_numbers = #tpu.dot_dimension_numbers<[1], [1], [0], [0], [0, 0, 1, 0], [], []>, transpose_lhs_hint = false} : vector<64x32xf32>, vector<64x32xf32>, vector<64x64xf32> -> vector<64x64xf32>
    %mul3A_520 = arith.mulf %div3A_517, %div3A_517 : vector<64x32xf32>
    %reduce_sum3A_521 = arith.constant dense<0.000000e+00> : vector<64xf32>
    %reduce_sum3A_522 = vector.multi_reduction <add>, %mul3A_520, %reduce_sum3A_521 [1] : vector<64x32xf32> to vector<64xf32>
    %broadcast_in_dim3A_523 = vector.shape_cast %reduce_sum3A_522 : vector<64xf32> to vector<64x1xf32>
    %broadcast_in_dim3A_524 = vector.shape_cast %reduce_sum3A_522 : vector<64xf32> to vector<1x64xf32>
    %add3A_525 = vector.broadcast %broadcast_in_dim3A_523 : vector<64x1xf32> to vector<64x64xf32>
    %add3A_526 = vector.broadcast %broadcast_in_dim3A_524 : vector<1x64xf32> to vector<64x64xf32>
    %add3A_527 = arith.addf %add3A_525, %add3A_526 : vector<64x64xf32>
    %mul3A_528 = arith.constant 2.000000e+00 : f32
    %mul3A_529 = vector.broadcast %mul3A_528 : f32 to vector<64x64xf32>
    %mul3A_530 = arith.mulf %mul3A_529, %dot_general3A_519 : vector<64x64xf32>
    %sub3A_531 = arith.subf %add3A_527, %mul3A_530 : vector<64x64xf32>
    %max3A_532 = arith.constant 0.000000e+00 : f32
    %max3A_533 = vector.broadcast %max3A_532 : f32 to vector<64x64xf32>
    %max3A_534 = arith.maximumf %sub3A_531, %max3A_533 : vector<64x64xf32>
    %sqrt3A_535 = math.sqrt %max3A_534 : vector<64x64xf32>
    %sub3A_536 = arith.constant 3.000000e+00 : f32
    %sub3A_537 = vector.broadcast %sub3A_536 : f32 to vector<64x64xf32>
    %sub3A_538 = arith.subf %sub3A_537, %sqrt3A_535 : vector<64x64xf32>
    %max3A_539 = arith.constant 0.000000e+00 : f32
    %max3A_540 = vector.broadcast %max3A_539 : f32 to vector<64x64xf32>
    %max3A_541 = arith.maximumf %sub3A_538, %max3A_540 : vector<64x64xf32>
    %mul3A_542 = arith.mulf %max3A_541, %max3A_541 : vector<64x64xf32>
    %reduce_sum3A_543 = vector.shape_cast %mul3A_542 : vector<64x64xf32> to vector<1x64x64xf32>
    %reduce_sum3A_544 = arith.constant dense<0.000000e+00> : vector<1xf32>
    %reduce_sum3A_545 = vector.multi_reduction <add>, %reduce_sum3A_543, %reduce_sum3A_544 [1, 2] : vector<1x64x64xf32> to vector<1xf32>
    %reduce_sum3A_546 = vector.shape_cast %reduce_sum3A_545 : vector<1xf32> to vector<1x1x1xf32>
    %reduce_sum3A_547 = vector.extract %reduce_sum3A_546[0, 0, 0] : f32 from vector<1x1x1xf32>
    %mul3A_548 = arith.constant 2.000000e+00 : f32
    %mul3A_549 = arith.mulf %mul3A_548, %reduce_sum3A_508 : f32
    %sub3A_550 = arith.constant 1.000000e+00 : f32
    %sub3A_551 = arith.subf %reduce_sum3A_508, %sub3A_550 : f32
    %add3A_552 = arith.constant 1.000000e-16 : f32
    %add3A_553 = arith.addf %sub3A_551, %add3A_552 : f32
    %mul3A_554 = arith.mulf %mul3A_549, %add3A_553 : f32
    %div3A_555 = arith.divf %reduce_sum3A_547, %mul3A_554 : f32
    %ne3A_556 = arith.constant 1.000000e+00 : f32
    %ne3A_557 = arith.cmpf one, %reduce_sum3A_508, %ne3A_556 : f32
    %jit3A_558 = arith.constant 0.000000e+00 : f32
    %select_n3A_559 = arith.select %ne3A_557, %div3A_555, %jit3A_558 : f32
    %add3A_560 = arith.addf %add3A_482, %select_n3A_559 : f32
    %get3A_561 = arith.constant 7 : index
    %get3A_562 = arith.constant 0 : index
    %get3A_563 = arith.constant 0 : index
    %get3A_564 = vector.load %arg0[%get3A_561, %get3A_562, %get3A_563] : memref<16x2x16384xf32, #tpu.memory_space<vmem>>, vector<1x2x16384xf32>
    %get3A_565 = vector.shape_cast %get3A_564 : vector<1x2x16384xf32> to vector<2x16384xf32>
    %reshape3A_566 = vector.shape_cast %get3A_565 : vector<2x16384xf32> to vector<64x512xf32>
    %dot_general3A_567 = arith.constant dense<0.000000e+00> : vector<64x32xf32>
    %dot_general3A_568 = tpu.matmul %reshape3A_566, %convert_element_type3A_24, %dot_general3A_567 {dimension_numbers = #tpu.dot_dimension_numbers<[1], [0], [0], [1], [0, 0, 1, 1], [], []>, transpose_lhs_hint = false} : vector<64x512xf32>, vector<512x32xf32>, vector<64x32xf32> -> vector<64x32xf32>
    %get3A_569 = arith.constant 7 : index
    %get3A_570 = arith.constant 0 : index
    %get3A_571 = arith.constant 0 : index
    %get3A_572 = vector.load %arg1[%get3A_569, %get3A_570, %get3A_571] : memref<16x1x512xf32, #tpu.memory_space<vmem>>, vector<1x1x512xf32>
    %get3A_573 = vector.shape_cast %get3A_572 : vector<1x1x512xf32> to vector<1x512xf32>
    %dot_general3A_574 = arith.constant dense<0.000000e+00> : vector<1x32xf32>
    %dot_general3A_575 = tpu.matmul %get3A_573, %convert_element_type3A_24, %dot_general3A_574 {dimension_numbers = #tpu.dot_dimension_numbers<[1], [0], [0], [1], [0, 0, 1, 1], [], []>, transpose_lhs_hint = false} : vector<1x512xf32>, vector<512x32xf32>, vector<1x32xf32> -> vector<1x32xf32>
    %squeeze3A_576 = vector.shape_cast %dot_general3A_575 : vector<1x32xf32> to vector<32xf32>
    %gt3A_577 = arith.constant 0.000000e+00 : f32
    %gt3A_578 = vector.broadcast %gt3A_577 : f32 to vector<32xf32>
    %gt3A_579 = arith.cmpf ogt, %squeeze3A_576, %gt3A_578 : vector<32xf32>
    %convert_element_type3A_580 = arith.extui %gt3A_579 : vector<32xi1> to vector<32xi32>
    %convert_element_type3A_581 = arith.sitofp %convert_element_type3A_580 : vector<32xi32> to vector<32xf32>
    %reduce_sum3A_582 = vector.shape_cast %convert_element_type3A_581 : vector<32xf32> to vector<1x32xf32>
    %reduce_sum3A_583 = arith.constant dense<0.000000e+00> : vector<1xf32>
    %reduce_sum3A_584 = vector.multi_reduction <add>, %reduce_sum3A_582, %reduce_sum3A_583 [1] : vector<1x32xf32> to vector<1xf32>
    %reduce_sum3A_585 = vector.shape_cast %reduce_sum3A_584 : vector<1xf32> to vector<1x1xf32>
    %reduce_sum3A_586 = vector.extract %reduce_sum3A_585[0, 0] : f32 from vector<1x1xf32>
    %gt3A_587 = arith.constant 0.000000e+00 : f32
    %gt3A_588 = vector.broadcast %gt3A_587 : f32 to vector<32xf32>
    %gt3A_589 = arith.cmpf ogt, %squeeze3A_576, %gt3A_588 : vector<32xf32>
    %jit3A_590 = arith.constant 1.000000e+00 : f32
    %broadcast_in_dim3A_591 = vector.broadcast %jit3A_590 : f32 to vector<32xf32>
    %select_n3A_592 = arith.select %gt3A_589, %squeeze3A_576, %broadcast_in_dim3A_591 : vector<32xi1>, vector<32xf32>
    %broadcast_in_dim3A_593 = vector.shape_cast %select_n3A_592 : vector<32xf32> to vector<1x32xf32>
    %div3A_594 = vector.broadcast %broadcast_in_dim3A_593 : vector<1x32xf32> to vector<64x32xf32>
    %div3A_595 = arith.divf %dot_general3A_568, %div3A_594 : vector<64x32xf32>
    %dot_general3A_596 = arith.constant dense<0.000000e+00> : vector<64x64xf32>
    %dot_general3A_597 = tpu.matmul %div3A_595, %div3A_595, %dot_general3A_596 {dimension_numbers = #tpu.dot_dimension_numbers<[1], [1], [0], [0], [0, 0, 1, 0], [], []>, transpose_lhs_hint = false} : vector<64x32xf32>, vector<64x32xf32>, vector<64x64xf32> -> vector<64x64xf32>
    %mul3A_598 = arith.mulf %div3A_595, %div3A_595 : vector<64x32xf32>
    %reduce_sum3A_599 = arith.constant dense<0.000000e+00> : vector<64xf32>
    %reduce_sum3A_600 = vector.multi_reduction <add>, %mul3A_598, %reduce_sum3A_599 [1] : vector<64x32xf32> to vector<64xf32>
    %broadcast_in_dim3A_601 = vector.shape_cast %reduce_sum3A_600 : vector<64xf32> to vector<64x1xf32>
    %broadcast_in_dim3A_602 = vector.shape_cast %reduce_sum3A_600 : vector<64xf32> to vector<1x64xf32>
    %add3A_603 = vector.broadcast %broadcast_in_dim3A_601 : vector<64x1xf32> to vector<64x64xf32>
    %add3A_604 = vector.broadcast %broadcast_in_dim3A_602 : vector<1x64xf32> to vector<64x64xf32>
    %add3A_605 = arith.addf %add3A_603, %add3A_604 : vector<64x64xf32>
    %mul3A_606 = arith.constant 2.000000e+00 : f32
    %mul3A_607 = vector.broadcast %mul3A_606 : f32 to vector<64x64xf32>
    %mul3A_608 = arith.mulf %mul3A_607, %dot_general3A_597 : vector<64x64xf32>
    %sub3A_609 = arith.subf %add3A_605, %mul3A_608 : vector<64x64xf32>
    %max3A_610 = arith.constant 0.000000e+00 : f32
    %max3A_611 = vector.broadcast %max3A_610 : f32 to vector<64x64xf32>
    %max3A_612 = arith.maximumf %sub3A_609, %max3A_611 : vector<64x64xf32>
    %sqrt3A_613 = math.sqrt %max3A_612 : vector<64x64xf32>
    %sub3A_614 = arith.constant 3.000000e+00 : f32
    %sub3A_615 = vector.broadcast %sub3A_614 : f32 to vector<64x64xf32>
    %sub3A_616 = arith.subf %sub3A_615, %sqrt3A_613 : vector<64x64xf32>
    %max3A_617 = arith.constant 0.000000e+00 : f32
    %max3A_618 = vector.broadcast %max3A_617 : f32 to vector<64x64xf32>
    %max3A_619 = arith.maximumf %sub3A_616, %max3A_618 : vector<64x64xf32>
    %mul3A_620 = arith.mulf %max3A_619, %max3A_619 : vector<64x64xf32>
    %reduce_sum3A_621 = vector.shape_cast %mul3A_620 : vector<64x64xf32> to vector<1x64x64xf32>
    %reduce_sum3A_622 = arith.constant dense<0.000000e+00> : vector<1xf32>
    %reduce_sum3A_623 = vector.multi_reduction <add>, %reduce_sum3A_621, %reduce_sum3A_622 [1, 2] : vector<1x64x64xf32> to vector<1xf32>
    %reduce_sum3A_624 = vector.shape_cast %reduce_sum3A_623 : vector<1xf32> to vector<1x1x1xf32>
    %reduce_sum3A_625 = vector.extract %reduce_sum3A_624[0, 0, 0] : f32 from vector<1x1x1xf32>
    %mul3A_626 = arith.constant 2.000000e+00 : f32
    %mul3A_627 = arith.mulf %mul3A_626, %reduce_sum3A_586 : f32
    %sub3A_628 = arith.constant 1.000000e+00 : f32
    %sub3A_629 = arith.subf %reduce_sum3A_586, %sub3A_628 : f32
    %add3A_630 = arith.constant 1.000000e-16 : f32
    %add3A_631 = arith.addf %sub3A_629, %add3A_630 : f32
    %mul3A_632 = arith.mulf %mul3A_627, %add3A_631 : f32
    %div3A_633 = arith.divf %reduce_sum3A_625, %mul3A_632 : f32
    %ne3A_634 = arith.constant 1.000000e+00 : f32
    %ne3A_635 = arith.cmpf one, %reduce_sum3A_586, %ne3A_634 : f32
    %jit3A_636 = arith.constant 0.000000e+00 : f32
    %select_n3A_637 = arith.select %ne3A_635, %div3A_633, %jit3A_636 : f32
    %add3A_638 = arith.addf %add3A_560, %select_n3A_637 : f32
    %get3A_639 = arith.constant 8 : index
    %get3A_640 = arith.constant 0 : index
    %get3A_641 = arith.constant 0 : index
    %get3A_642 = vector.load %arg0[%get3A_639, %get3A_640, %get3A_641] : memref<16x2x16384xf32, #tpu.memory_space<vmem>>, vector<1x2x16384xf32>
    %get3A_643 = vector.shape_cast %get3A_642 : vector<1x2x16384xf32> to vector<2x16384xf32>
    %reshape3A_644 = vector.shape_cast %get3A_643 : vector<2x16384xf32> to vector<64x512xf32>
    %dot_general3A_645 = arith.constant dense<0.000000e+00> : vector<64x32xf32>
    %dot_general3A_646 = tpu.matmul %reshape3A_644, %convert_element_type3A_24, %dot_general3A_645 {dimension_numbers = #tpu.dot_dimension_numbers<[1], [0], [0], [1], [0, 0, 1, 1], [], []>, transpose_lhs_hint = false} : vector<64x512xf32>, vector<512x32xf32>, vector<64x32xf32> -> vector<64x32xf32>
    %get3A_647 = arith.constant 8 : index
    %get3A_648 = arith.constant 0 : index
    %get3A_649 = arith.constant 0 : index
    %get3A_650 = vector.load %arg1[%get3A_647, %get3A_648, %get3A_649] : memref<16x1x512xf32, #tpu.memory_space<vmem>>, vector<1x1x512xf32>
    %get3A_651 = vector.shape_cast %get3A_650 : vector<1x1x512xf32> to vector<1x512xf32>
    %dot_general3A_652 = arith.constant dense<0.000000e+00> : vector<1x32xf32>
    %dot_general3A_653 = tpu.matmul %get3A_651, %convert_element_type3A_24, %dot_general3A_652 {dimension_numbers = #tpu.dot_dimension_numbers<[1], [0], [0], [1], [0, 0, 1, 1], [], []>, transpose_lhs_hint = false} : vector<1x512xf32>, vector<512x32xf32>, vector<1x32xf32> -> vector<1x32xf32>
    %squeeze3A_654 = vector.shape_cast %dot_general3A_653 : vector<1x32xf32> to vector<32xf32>
    %gt3A_655 = arith.constant 0.000000e+00 : f32
    %gt3A_656 = vector.broadcast %gt3A_655 : f32 to vector<32xf32>
    %gt3A_657 = arith.cmpf ogt, %squeeze3A_654, %gt3A_656 : vector<32xf32>
    %convert_element_type3A_658 = arith.extui %gt3A_657 : vector<32xi1> to vector<32xi32>
    %convert_element_type3A_659 = arith.sitofp %convert_element_type3A_658 : vector<32xi32> to vector<32xf32>
    %reduce_sum3A_660 = vector.shape_cast %convert_element_type3A_659 : vector<32xf32> to vector<1x32xf32>
    %reduce_sum3A_661 = arith.constant dense<0.000000e+00> : vector<1xf32>
    %reduce_sum3A_662 = vector.multi_reduction <add>, %reduce_sum3A_660, %reduce_sum3A_661 [1] : vector<1x32xf32> to vector<1xf32>
    %reduce_sum3A_663 = vector.shape_cast %reduce_sum3A_662 : vector<1xf32> to vector<1x1xf32>
    %reduce_sum3A_664 = vector.extract %reduce_sum3A_663[0, 0] : f32 from vector<1x1xf32>
    %gt3A_665 = arith.constant 0.000000e+00 : f32
    %gt3A_666 = vector.broadcast %gt3A_665 : f32 to vector<32xf32>
    %gt3A_667 = arith.cmpf ogt, %squeeze3A_654, %gt3A_666 : vector<32xf32>
    %jit3A_668 = arith.constant 1.000000e+00 : f32
    %broadcast_in_dim3A_669 = vector.broadcast %jit3A_668 : f32 to vector<32xf32>
    %select_n3A_670 = arith.select %gt3A_667, %squeeze3A_654, %broadcast_in_dim3A_669 : vector<32xi1>, vector<32xf32>
    %broadcast_in_dim3A_671 = vector.shape_cast %select_n3A_670 : vector<32xf32> to vector<1x32xf32>
    %div3A_672 = vector.broadcast %broadcast_in_dim3A_671 : vector<1x32xf32> to vector<64x32xf32>
    %div3A_673 = arith.divf %dot_general3A_646, %div3A_672 : vector<64x32xf32>
    %dot_general3A_674 = arith.constant dense<0.000000e+00> : vector<64x64xf32>
    %dot_general3A_675 = tpu.matmul %div3A_673, %div3A_673, %dot_general3A_674 {dimension_numbers = #tpu.dot_dimension_numbers<[1], [1], [0], [0], [0, 0, 1, 0], [], []>, transpose_lhs_hint = false} : vector<64x32xf32>, vector<64x32xf32>, vector<64x64xf32> -> vector<64x64xf32>
    %mul3A_676 = arith.mulf %div3A_673, %div3A_673 : vector<64x32xf32>
    %reduce_sum3A_677 = arith.constant dense<0.000000e+00> : vector<64xf32>
    %reduce_sum3A_678 = vector.multi_reduction <add>, %mul3A_676, %reduce_sum3A_677 [1] : vector<64x32xf32> to vector<64xf32>
    %broadcast_in_dim3A_679 = vector.shape_cast %reduce_sum3A_678 : vector<64xf32> to vector<64x1xf32>
    %broadcast_in_dim3A_680 = vector.shape_cast %reduce_sum3A_678 : vector<64xf32> to vector<1x64xf32>
    %add3A_681 = vector.broadcast %broadcast_in_dim3A_679 : vector<64x1xf32> to vector<64x64xf32>
    %add3A_682 = vector.broadcast %broadcast_in_dim3A_680 : vector<1x64xf32> to vector<64x64xf32>
    %add3A_683 = arith.addf %add3A_681, %add3A_682 : vector<64x64xf32>
    %mul3A_684 = arith.constant 2.000000e+00 : f32
    %mul3A_685 = vector.broadcast %mul3A_684 : f32 to vector<64x64xf32>
    %mul3A_686 = arith.mulf %mul3A_685, %dot_general3A_675 : vector<64x64xf32>
    %sub3A_687 = arith.subf %add3A_683, %mul3A_686 : vector<64x64xf32>
    %max3A_688 = arith.constant 0.000000e+00 : f32
    %max3A_689 = vector.broadcast %max3A_688 : f32 to vector<64x64xf32>
    %max3A_690 = arith.maximumf %sub3A_687, %max3A_689 : vector<64x64xf32>
    %sqrt3A_691 = math.sqrt %max3A_690 : vector<64x64xf32>
    %sub3A_692 = arith.constant 3.000000e+00 : f32
    %sub3A_693 = vector.broadcast %sub3A_692 : f32 to vector<64x64xf32>
    %sub3A_694 = arith.subf %sub3A_693, %sqrt3A_691 : vector<64x64xf32>
    %max3A_695 = arith.constant 0.000000e+00 : f32
    %max3A_696 = vector.broadcast %max3A_695 : f32 to vector<64x64xf32>
    %max3A_697 = arith.maximumf %sub3A_694, %max3A_696 : vector<64x64xf32>
    %mul3A_698 = arith.mulf %max3A_697, %max3A_697 : vector<64x64xf32>
    %reduce_sum3A_699 = vector.shape_cast %mul3A_698 : vector<64x64xf32> to vector<1x64x64xf32>
    %reduce_sum3A_700 = arith.constant dense<0.000000e+00> : vector<1xf32>
    %reduce_sum3A_701 = vector.multi_reduction <add>, %reduce_sum3A_699, %reduce_sum3A_700 [1, 2] : vector<1x64x64xf32> to vector<1xf32>
    %reduce_sum3A_702 = vector.shape_cast %reduce_sum3A_701 : vector<1xf32> to vector<1x1x1xf32>
    %reduce_sum3A_703 = vector.extract %reduce_sum3A_702[0, 0, 0] : f32 from vector<1x1x1xf32>
    %mul3A_704 = arith.constant 2.000000e+00 : f32
    %mul3A_705 = arith.mulf %mul3A_704, %reduce_sum3A_664 : f32
    %sub3A_706 = arith.constant 1.000000e+00 : f32
    %sub3A_707 = arith.subf %reduce_sum3A_664, %sub3A_706 : f32
    %add3A_708 = arith.constant 1.000000e-16 : f32
    %add3A_709 = arith.addf %sub3A_707, %add3A_708 : f32
    %mul3A_710 = arith.mulf %mul3A_705, %add3A_709 : f32
    %div3A_711 = arith.divf %reduce_sum3A_703, %mul3A_710 : f32
    %ne3A_712 = arith.constant 1.000000e+00 : f32
    %ne3A_713 = arith.cmpf one, %reduce_sum3A_664, %ne3A_712 : f32
    %jit3A_714 = arith.constant 0.000000e+00 : f32
    %select_n3A_715 = arith.select %ne3A_713, %div3A_711, %jit3A_714 : f32
    %add3A_716 = arith.addf %add3A_638, %select_n3A_715 : f32
    %get3A_717 = arith.constant 9 : index
    %get3A_718 = arith.constant 0 : index
    %get3A_719 = arith.constant 0 : index
    %get3A_720 = vector.load %arg0[%get3A_717, %get3A_718, %get3A_719] : memref<16x2x16384xf32, #tpu.memory_space<vmem>>, vector<1x2x16384xf32>
    %get3A_721 = vector.shape_cast %get3A_720 : vector<1x2x16384xf32> to vector<2x16384xf32>
    %reshape3A_722 = vector.shape_cast %get3A_721 : vector<2x16384xf32> to vector<64x512xf32>
    %dot_general3A_723 = arith.constant dense<0.000000e+00> : vector<64x32xf32>
    %dot_general3A_724 = tpu.matmul %reshape3A_722, %convert_element_type3A_24, %dot_general3A_723 {dimension_numbers = #tpu.dot_dimension_numbers<[1], [0], [0], [1], [0, 0, 1, 1], [], []>, transpose_lhs_hint = false} : vector<64x512xf32>, vector<512x32xf32>, vector<64x32xf32> -> vector<64x32xf32>
    %get3A_725 = arith.constant 9 : index
    %get3A_726 = arith.constant 0 : index
    %get3A_727 = arith.constant 0 : index
    %get3A_728 = vector.load %arg1[%get3A_725, %get3A_726, %get3A_727] : memref<16x1x512xf32, #tpu.memory_space<vmem>>, vector<1x1x512xf32>
    %get3A_729 = vector.shape_cast %get3A_728 : vector<1x1x512xf32> to vector<1x512xf32>
    %dot_general3A_730 = arith.constant dense<0.000000e+00> : vector<1x32xf32>
    %dot_general3A_731 = tpu.matmul %get3A_729, %convert_element_type3A_24, %dot_general3A_730 {dimension_numbers = #tpu.dot_dimension_numbers<[1], [0], [0], [1], [0, 0, 1, 1], [], []>, transpose_lhs_hint = false} : vector<1x512xf32>, vector<512x32xf32>, vector<1x32xf32> -> vector<1x32xf32>
    %squeeze3A_732 = vector.shape_cast %dot_general3A_731 : vector<1x32xf32> to vector<32xf32>
    %gt3A_733 = arith.constant 0.000000e+00 : f32
    %gt3A_734 = vector.broadcast %gt3A_733 : f32 to vector<32xf32>
    %gt3A_735 = arith.cmpf ogt, %squeeze3A_732, %gt3A_734 : vector<32xf32>
    %convert_element_type3A_736 = arith.extui %gt3A_735 : vector<32xi1> to vector<32xi32>
    %convert_element_type3A_737 = arith.sitofp %convert_element_type3A_736 : vector<32xi32> to vector<32xf32>
    %reduce_sum3A_738 = vector.shape_cast %convert_element_type3A_737 : vector<32xf32> to vector<1x32xf32>
    %reduce_sum3A_739 = arith.constant dense<0.000000e+00> : vector<1xf32>
    %reduce_sum3A_740 = vector.multi_reduction <add>, %reduce_sum3A_738, %reduce_sum3A_739 [1] : vector<1x32xf32> to vector<1xf32>
    %reduce_sum3A_741 = vector.shape_cast %reduce_sum3A_740 : vector<1xf32> to vector<1x1xf32>
    %reduce_sum3A_742 = vector.extract %reduce_sum3A_741[0, 0] : f32 from vector<1x1xf32>
    %gt3A_743 = arith.constant 0.000000e+00 : f32
    %gt3A_744 = vector.broadcast %gt3A_743 : f32 to vector<32xf32>
    %gt3A_745 = arith.cmpf ogt, %squeeze3A_732, %gt3A_744 : vector<32xf32>
    %jit3A_746 = arith.constant 1.000000e+00 : f32
    %broadcast_in_dim3A_747 = vector.broadcast %jit3A_746 : f32 to vector<32xf32>
    %select_n3A_748 = arith.select %gt3A_745, %squeeze3A_732, %broadcast_in_dim3A_747 : vector<32xi1>, vector<32xf32>
    %broadcast_in_dim3A_749 = vector.shape_cast %select_n3A_748 : vector<32xf32> to vector<1x32xf32>
    %div3A_750 = vector.broadcast %broadcast_in_dim3A_749 : vector<1x32xf32> to vector<64x32xf32>
    %div3A_751 = arith.divf %dot_general3A_724, %div3A_750 : vector<64x32xf32>
    %dot_general3A_752 = arith.constant dense<0.000000e+00> : vector<64x64xf32>
    %dot_general3A_753 = tpu.matmul %div3A_751, %div3A_751, %dot_general3A_752 {dimension_numbers = #tpu.dot_dimension_numbers<[1], [1], [0], [0], [0, 0, 1, 0], [], []>, transpose_lhs_hint = false} : vector<64x32xf32>, vector<64x32xf32>, vector<64x64xf32> -> vector<64x64xf32>
    %mul3A_754 = arith.mulf %div3A_751, %div3A_751 : vector<64x32xf32>
    %reduce_sum3A_755 = arith.constant dense<0.000000e+00> : vector<64xf32>
    %reduce_sum3A_756 = vector.multi_reduction <add>, %mul3A_754, %reduce_sum3A_755 [1] : vector<64x32xf32> to vector<64xf32>
    %broadcast_in_dim3A_757 = vector.shape_cast %reduce_sum3A_756 : vector<64xf32> to vector<64x1xf32>
    %broadcast_in_dim3A_758 = vector.shape_cast %reduce_sum3A_756 : vector<64xf32> to vector<1x64xf32>
    %add3A_759 = vector.broadcast %broadcast_in_dim3A_757 : vector<64x1xf32> to vector<64x64xf32>
    %add3A_760 = vector.broadcast %broadcast_in_dim3A_758 : vector<1x64xf32> to vector<64x64xf32>
    %add3A_761 = arith.addf %add3A_759, %add3A_760 : vector<64x64xf32>
    %mul3A_762 = arith.constant 2.000000e+00 : f32
    %mul3A_763 = vector.broadcast %mul3A_762 : f32 to vector<64x64xf32>
    %mul3A_764 = arith.mulf %mul3A_763, %dot_general3A_753 : vector<64x64xf32>
    %sub3A_765 = arith.subf %add3A_761, %mul3A_764 : vector<64x64xf32>
    %max3A_766 = arith.constant 0.000000e+00 : f32
    %max3A_767 = vector.broadcast %max3A_766 : f32 to vector<64x64xf32>
    %max3A_768 = arith.maximumf %sub3A_765, %max3A_767 : vector<64x64xf32>
    %sqrt3A_769 = math.sqrt %max3A_768 : vector<64x64xf32>
    %sub3A_770 = arith.constant 3.000000e+00 : f32
    %sub3A_771 = vector.broadcast %sub3A_770 : f32 to vector<64x64xf32>
    %sub3A_772 = arith.subf %sub3A_771, %sqrt3A_769 : vector<64x64xf32>
    %max3A_773 = arith.constant 0.000000e+00 : f32
    %max3A_774 = vector.broadcast %max3A_773 : f32 to vector<64x64xf32>
    %max3A_775 = arith.maximumf %sub3A_772, %max3A_774 : vector<64x64xf32>
    %mul3A_776 = arith.mulf %max3A_775, %max3A_775 : vector<64x64xf32>
    %reduce_sum3A_777 = vector.shape_cast %mul3A_776 : vector<64x64xf32> to vector<1x64x64xf32>
    %reduce_sum3A_778 = arith.constant dense<0.000000e+00> : vector<1xf32>
    %reduce_sum3A_779 = vector.multi_reduction <add>, %reduce_sum3A_777, %reduce_sum3A_778 [1, 2] : vector<1x64x64xf32> to vector<1xf32>
    %reduce_sum3A_780 = vector.shape_cast %reduce_sum3A_779 : vector<1xf32> to vector<1x1x1xf32>
    %reduce_sum3A_781 = vector.extract %reduce_sum3A_780[0, 0, 0] : f32 from vector<1x1x1xf32>
    %mul3A_782 = arith.constant 2.000000e+00 : f32
    %mul3A_783 = arith.mulf %mul3A_782, %reduce_sum3A_742 : f32
    %sub3A_784 = arith.constant 1.000000e+00 : f32
    %sub3A_785 = arith.subf %reduce_sum3A_742, %sub3A_784 : f32
    %add3A_786 = arith.constant 1.000000e-16 : f32
    %add3A_787 = arith.addf %sub3A_785, %add3A_786 : f32
    %mul3A_788 = arith.mulf %mul3A_783, %add3A_787 : f32
    %div3A_789 = arith.divf %reduce_sum3A_781, %mul3A_788 : f32
    %ne3A_790 = arith.constant 1.000000e+00 : f32
    %ne3A_791 = arith.cmpf one, %reduce_sum3A_742, %ne3A_790 : f32
    %jit3A_792 = arith.constant 0.000000e+00 : f32
    %select_n3A_793 = arith.select %ne3A_791, %div3A_789, %jit3A_792 : f32
    %add3A_794 = arith.addf %add3A_716, %select_n3A_793 : f32
    %get3A_795 = arith.constant 10 : index
    %get3A_796 = arith.constant 0 : index
    %get3A_797 = arith.constant 0 : index
    %get3A_798 = vector.load %arg0[%get3A_795, %get3A_796, %get3A_797] : memref<16x2x16384xf32, #tpu.memory_space<vmem>>, vector<1x2x16384xf32>
    %get3A_799 = vector.shape_cast %get3A_798 : vector<1x2x16384xf32> to vector<2x16384xf32>
    %reshape3A_800 = vector.shape_cast %get3A_799 : vector<2x16384xf32> to vector<64x512xf32>
    %dot_general3A_801 = arith.constant dense<0.000000e+00> : vector<64x32xf32>
    %dot_general3A_802 = tpu.matmul %reshape3A_800, %convert_element_type3A_24, %dot_general3A_801 {dimension_numbers = #tpu.dot_dimension_numbers<[1], [0], [0], [1], [0, 0, 1, 1], [], []>, transpose_lhs_hint = false} : vector<64x512xf32>, vector<512x32xf32>, vector<64x32xf32> -> vector<64x32xf32>
    %get3A_803 = arith.constant 10 : index
    %get3A_804 = arith.constant 0 : index
    %get3A_805 = arith.constant 0 : index
    %get3A_806 = vector.load %arg1[%get3A_803, %get3A_804, %get3A_805] : memref<16x1x512xf32, #tpu.memory_space<vmem>>, vector<1x1x512xf32>
    %get3A_807 = vector.shape_cast %get3A_806 : vector<1x1x512xf32> to vector<1x512xf32>
    %dot_general3A_808 = arith.constant dense<0.000000e+00> : vector<1x32xf32>
    %dot_general3A_809 = tpu.matmul %get3A_807, %convert_element_type3A_24, %dot_general3A_808 {dimension_numbers = #tpu.dot_dimension_numbers<[1], [0], [0], [1], [0, 0, 1, 1], [], []>, transpose_lhs_hint = false} : vector<1x512xf32>, vector<512x32xf32>, vector<1x32xf32> -> vector<1x32xf32>
    %squeeze3A_810 = vector.shape_cast %dot_general3A_809 : vector<1x32xf32> to vector<32xf32>
    %gt3A_811 = arith.constant 0.000000e+00 : f32
    %gt3A_812 = vector.broadcast %gt3A_811 : f32 to vector<32xf32>
    %gt3A_813 = arith.cmpf ogt, %squeeze3A_810, %gt3A_812 : vector<32xf32>
    %convert_element_type3A_814 = arith.extui %gt3A_813 : vector<32xi1> to vector<32xi32>
    %convert_element_type3A_815 = arith.sitofp %convert_element_type3A_814 : vector<32xi32> to vector<32xf32>
    %reduce_sum3A_816 = vector.shape_cast %convert_element_type3A_815 : vector<32xf32> to vector<1x32xf32>
    %reduce_sum3A_817 = arith.constant dense<0.000000e+00> : vector<1xf32>
    %reduce_sum3A_818 = vector.multi_reduction <add>, %reduce_sum3A_816, %reduce_sum3A_817 [1] : vector<1x32xf32> to vector<1xf32>
    %reduce_sum3A_819 = vector.shape_cast %reduce_sum3A_818 : vector<1xf32> to vector<1x1xf32>
    %reduce_sum3A_820 = vector.extract %reduce_sum3A_819[0, 0] : f32 from vector<1x1xf32>
    %gt3A_821 = arith.constant 0.000000e+00 : f32
    %gt3A_822 = vector.broadcast %gt3A_821 : f32 to vector<32xf32>
    %gt3A_823 = arith.cmpf ogt, %squeeze3A_810, %gt3A_822 : vector<32xf32>
    %jit3A_824 = arith.constant 1.000000e+00 : f32
    %broadcast_in_dim3A_825 = vector.broadcast %jit3A_824 : f32 to vector<32xf32>
    %select_n3A_826 = arith.select %gt3A_823, %squeeze3A_810, %broadcast_in_dim3A_825 : vector<32xi1>, vector<32xf32>
    %broadcast_in_dim3A_827 = vector.shape_cast %select_n3A_826 : vector<32xf32> to vector<1x32xf32>
    %div3A_828 = vector.broadcast %broadcast_in_dim3A_827 : vector<1x32xf32> to vector<64x32xf32>
    %div3A_829 = arith.divf %dot_general3A_802, %div3A_828 : vector<64x32xf32>
    %dot_general3A_830 = arith.constant dense<0.000000e+00> : vector<64x64xf32>
    %dot_general3A_831 = tpu.matmul %div3A_829, %div3A_829, %dot_general3A_830 {dimension_numbers = #tpu.dot_dimension_numbers<[1], [1], [0], [0], [0, 0, 1, 0], [], []>, transpose_lhs_hint = false} : vector<64x32xf32>, vector<64x32xf32>, vector<64x64xf32> -> vector<64x64xf32>
    %mul3A_832 = arith.mulf %div3A_829, %div3A_829 : vector<64x32xf32>
    %reduce_sum3A_833 = arith.constant dense<0.000000e+00> : vector<64xf32>
    %reduce_sum3A_834 = vector.multi_reduction <add>, %mul3A_832, %reduce_sum3A_833 [1] : vector<64x32xf32> to vector<64xf32>
    %broadcast_in_dim3A_835 = vector.shape_cast %reduce_sum3A_834 : vector<64xf32> to vector<64x1xf32>
    %broadcast_in_dim3A_836 = vector.shape_cast %reduce_sum3A_834 : vector<64xf32> to vector<1x64xf32>
    %add3A_837 = vector.broadcast %broadcast_in_dim3A_835 : vector<64x1xf32> to vector<64x64xf32>
    %add3A_838 = vector.broadcast %broadcast_in_dim3A_836 : vector<1x64xf32> to vector<64x64xf32>
    %add3A_839 = arith.addf %add3A_837, %add3A_838 : vector<64x64xf32>
    %mul3A_840 = arith.constant 2.000000e+00 : f32
    %mul3A_841 = vector.broadcast %mul3A_840 : f32 to vector<64x64xf32>
    %mul3A_842 = arith.mulf %mul3A_841, %dot_general3A_831 : vector<64x64xf32>
    %sub3A_843 = arith.subf %add3A_839, %mul3A_842 : vector<64x64xf32>
    %max3A_844 = arith.constant 0.000000e+00 : f32
    %max3A_845 = vector.broadcast %max3A_844 : f32 to vector<64x64xf32>
    %max3A_846 = arith.maximumf %sub3A_843, %max3A_845 : vector<64x64xf32>
    %sqrt3A_847 = math.sqrt %max3A_846 : vector<64x64xf32>
    %sub3A_848 = arith.constant 3.000000e+00 : f32
    %sub3A_849 = vector.broadcast %sub3A_848 : f32 to vector<64x64xf32>
    %sub3A_850 = arith.subf %sub3A_849, %sqrt3A_847 : vector<64x64xf32>
    %max3A_851 = arith.constant 0.000000e+00 : f32
    %max3A_852 = vector.broadcast %max3A_851 : f32 to vector<64x64xf32>
    %max3A_853 = arith.maximumf %sub3A_850, %max3A_852 : vector<64x64xf32>
    %mul3A_854 = arith.mulf %max3A_853, %max3A_853 : vector<64x64xf32>
    %reduce_sum3A_855 = vector.shape_cast %mul3A_854 : vector<64x64xf32> to vector<1x64x64xf32>
    %reduce_sum3A_856 = arith.constant dense<0.000000e+00> : vector<1xf32>
    %reduce_sum3A_857 = vector.multi_reduction <add>, %reduce_sum3A_855, %reduce_sum3A_856 [1, 2] : vector<1x64x64xf32> to vector<1xf32>
    %reduce_sum3A_858 = vector.shape_cast %reduce_sum3A_857 : vector<1xf32> to vector<1x1x1xf32>
    %reduce_sum3A_859 = vector.extract %reduce_sum3A_858[0, 0, 0] : f32 from vector<1x1x1xf32>
    %mul3A_860 = arith.constant 2.000000e+00 : f32
    %mul3A_861 = arith.mulf %mul3A_860, %reduce_sum3A_820 : f32
    %sub3A_862 = arith.constant 1.000000e+00 : f32
    %sub3A_863 = arith.subf %reduce_sum3A_820, %sub3A_862 : f32
    %add3A_864 = arith.constant 1.000000e-16 : f32
    %add3A_865 = arith.addf %sub3A_863, %add3A_864 : f32
    %mul3A_866 = arith.mulf %mul3A_861, %add3A_865 : f32
    %div3A_867 = arith.divf %reduce_sum3A_859, %mul3A_866 : f32
    %ne3A_868 = arith.constant 1.000000e+00 : f32
    %ne3A_869 = arith.cmpf one, %reduce_sum3A_820, %ne3A_868 : f32
    %jit3A_870 = arith.constant 0.000000e+00 : f32
    %select_n3A_871 = arith.select %ne3A_869, %div3A_867, %jit3A_870 : f32
    %add3A_872 = arith.addf %add3A_794, %select_n3A_871 : f32
    %get3A_873 = arith.constant 11 : index
    %get3A_874 = arith.constant 0 : index
    %get3A_875 = arith.constant 0 : index
    %get3A_876 = vector.load %arg0[%get3A_873, %get3A_874, %get3A_875] : memref<16x2x16384xf32, #tpu.memory_space<vmem>>, vector<1x2x16384xf32>
    %get3A_877 = vector.shape_cast %get3A_876 : vector<1x2x16384xf32> to vector<2x16384xf32>
    %reshape3A_878 = vector.shape_cast %get3A_877 : vector<2x16384xf32> to vector<64x512xf32>
    %dot_general3A_879 = arith.constant dense<0.000000e+00> : vector<64x32xf32>
    %dot_general3A_880 = tpu.matmul %reshape3A_878, %convert_element_type3A_24, %dot_general3A_879 {dimension_numbers = #tpu.dot_dimension_numbers<[1], [0], [0], [1], [0, 0, 1, 1], [], []>, transpose_lhs_hint = false} : vector<64x512xf32>, vector<512x32xf32>, vector<64x32xf32> -> vector<64x32xf32>
    %get3A_881 = arith.constant 11 : index
    %get3A_882 = arith.constant 0 : index
    %get3A_883 = arith.constant 0 : index
    %get3A_884 = vector.load %arg1[%get3A_881, %get3A_882, %get3A_883] : memref<16x1x512xf32, #tpu.memory_space<vmem>>, vector<1x1x512xf32>
    %get3A_885 = vector.shape_cast %get3A_884 : vector<1x1x512xf32> to vector<1x512xf32>
    %dot_general3A_886 = arith.constant dense<0.000000e+00> : vector<1x32xf32>
    %dot_general3A_887 = tpu.matmul %get3A_885, %convert_element_type3A_24, %dot_general3A_886 {dimension_numbers = #tpu.dot_dimension_numbers<[1], [0], [0], [1], [0, 0, 1, 1], [], []>, transpose_lhs_hint = false} : vector<1x512xf32>, vector<512x32xf32>, vector<1x32xf32> -> vector<1x32xf32>
    %squeeze3A_888 = vector.shape_cast %dot_general3A_887 : vector<1x32xf32> to vector<32xf32>
    %gt3A_889 = arith.constant 0.000000e+00 : f32
    %gt3A_890 = vector.broadcast %gt3A_889 : f32 to vector<32xf32>
    %gt3A_891 = arith.cmpf ogt, %squeeze3A_888, %gt3A_890 : vector<32xf32>
    %convert_element_type3A_892 = arith.extui %gt3A_891 : vector<32xi1> to vector<32xi32>
    %convert_element_type3A_893 = arith.sitofp %convert_element_type3A_892 : vector<32xi32> to vector<32xf32>
    %reduce_sum3A_894 = vector.shape_cast %convert_element_type3A_893 : vector<32xf32> to vector<1x32xf32>
    %reduce_sum3A_895 = arith.constant dense<0.000000e+00> : vector<1xf32>
    %reduce_sum3A_896 = vector.multi_reduction <add>, %reduce_sum3A_894, %reduce_sum3A_895 [1] : vector<1x32xf32> to vector<1xf32>
    %reduce_sum3A_897 = vector.shape_cast %reduce_sum3A_896 : vector<1xf32> to vector<1x1xf32>
    %reduce_sum3A_898 = vector.extract %reduce_sum3A_897[0, 0] : f32 from vector<1x1xf32>
    %gt3A_899 = arith.constant 0.000000e+00 : f32
    %gt3A_900 = vector.broadcast %gt3A_899 : f32 to vector<32xf32>
    %gt3A_901 = arith.cmpf ogt, %squeeze3A_888, %gt3A_900 : vector<32xf32>
    %jit3A_902 = arith.constant 1.000000e+00 : f32
    %broadcast_in_dim3A_903 = vector.broadcast %jit3A_902 : f32 to vector<32xf32>
    %select_n3A_904 = arith.select %gt3A_901, %squeeze3A_888, %broadcast_in_dim3A_903 : vector<32xi1>, vector<32xf32>
    %broadcast_in_dim3A_905 = vector.shape_cast %select_n3A_904 : vector<32xf32> to vector<1x32xf32>
    %div3A_906 = vector.broadcast %broadcast_in_dim3A_905 : vector<1x32xf32> to vector<64x32xf32>
    %div3A_907 = arith.divf %dot_general3A_880, %div3A_906 : vector<64x32xf32>
    %dot_general3A_908 = arith.constant dense<0.000000e+00> : vector<64x64xf32>
    %dot_general3A_909 = tpu.matmul %div3A_907, %div3A_907, %dot_general3A_908 {dimension_numbers = #tpu.dot_dimension_numbers<[1], [1], [0], [0], [0, 0, 1, 0], [], []>, transpose_lhs_hint = false} : vector<64x32xf32>, vector<64x32xf32>, vector<64x64xf32> -> vector<64x64xf32>
    %mul3A_910 = arith.mulf %div3A_907, %div3A_907 : vector<64x32xf32>
    %reduce_sum3A_911 = arith.constant dense<0.000000e+00> : vector<64xf32>
    %reduce_sum3A_912 = vector.multi_reduction <add>, %mul3A_910, %reduce_sum3A_911 [1] : vector<64x32xf32> to vector<64xf32>
    %broadcast_in_dim3A_913 = vector.shape_cast %reduce_sum3A_912 : vector<64xf32> to vector<64x1xf32>
    %broadcast_in_dim3A_914 = vector.shape_cast %reduce_sum3A_912 : vector<64xf32> to vector<1x64xf32>
    %add3A_915 = vector.broadcast %broadcast_in_dim3A_913 : vector<64x1xf32> to vector<64x64xf32>
    %add3A_916 = vector.broadcast %broadcast_in_dim3A_914 : vector<1x64xf32> to vector<64x64xf32>
    %add3A_917 = arith.addf %add3A_915, %add3A_916 : vector<64x64xf32>
    %mul3A_918 = arith.constant 2.000000e+00 : f32
    %mul3A_919 = vector.broadcast %mul3A_918 : f32 to vector<64x64xf32>
    %mul3A_920 = arith.mulf %mul3A_919, %dot_general3A_909 : vector<64x64xf32>
    %sub3A_921 = arith.subf %add3A_917, %mul3A_920 : vector<64x64xf32>
    %max3A_922 = arith.constant 0.000000e+00 : f32
    %max3A_923 = vector.broadcast %max3A_922 : f32 to vector<64x64xf32>
    %max3A_924 = arith.maximumf %sub3A_921, %max3A_923 : vector<64x64xf32>
    %sqrt3A_925 = math.sqrt %max3A_924 : vector<64x64xf32>
    %sub3A_926 = arith.constant 3.000000e+00 : f32
    %sub3A_927 = vector.broadcast %sub3A_926 : f32 to vector<64x64xf32>
    %sub3A_928 = arith.subf %sub3A_927, %sqrt3A_925 : vector<64x64xf32>
    %max3A_929 = arith.constant 0.000000e+00 : f32
    %max3A_930 = vector.broadcast %max3A_929 : f32 to vector<64x64xf32>
    %max3A_931 = arith.maximumf %sub3A_928, %max3A_930 : vector<64x64xf32>
    %mul3A_932 = arith.mulf %max3A_931, %max3A_931 : vector<64x64xf32>
    %reduce_sum3A_933 = vector.shape_cast %mul3A_932 : vector<64x64xf32> to vector<1x64x64xf32>
    %reduce_sum3A_934 = arith.constant dense<0.000000e+00> : vector<1xf32>
    %reduce_sum3A_935 = vector.multi_reduction <add>, %reduce_sum3A_933, %reduce_sum3A_934 [1, 2] : vector<1x64x64xf32> to vector<1xf32>
    %reduce_sum3A_936 = vector.shape_cast %reduce_sum3A_935 : vector<1xf32> to vector<1x1x1xf32>
    %reduce_sum3A_937 = vector.extract %reduce_sum3A_936[0, 0, 0] : f32 from vector<1x1x1xf32>
    %mul3A_938 = arith.constant 2.000000e+00 : f32
    %mul3A_939 = arith.mulf %mul3A_938, %reduce_sum3A_898 : f32
    %sub3A_940 = arith.constant 1.000000e+00 : f32
    %sub3A_941 = arith.subf %reduce_sum3A_898, %sub3A_940 : f32
    %add3A_942 = arith.constant 1.000000e-16 : f32
    %add3A_943 = arith.addf %sub3A_941, %add3A_942 : f32
    %mul3A_944 = arith.mulf %mul3A_939, %add3A_943 : f32
    %div3A_945 = arith.divf %reduce_sum3A_937, %mul3A_944 : f32
    %ne3A_946 = arith.constant 1.000000e+00 : f32
    %ne3A_947 = arith.cmpf one, %reduce_sum3A_898, %ne3A_946 : f32
    %jit3A_948 = arith.constant 0.000000e+00 : f32
    %select_n3A_949 = arith.select %ne3A_947, %div3A_945, %jit3A_948 : f32
    %add3A_950 = arith.addf %add3A_872, %select_n3A_949 : f32
    %get3A_951 = arith.constant 12 : index
    %get3A_952 = arith.constant 0 : index
    %get3A_953 = arith.constant 0 : index
    %get3A_954 = vector.load %arg0[%get3A_951, %get3A_952, %get3A_953] : memref<16x2x16384xf32, #tpu.memory_space<vmem>>, vector<1x2x16384xf32>
    %get3A_955 = vector.shape_cast %get3A_954 : vector<1x2x16384xf32> to vector<2x16384xf32>
    %reshape3A_956 = vector.shape_cast %get3A_955 : vector<2x16384xf32> to vector<64x512xf32>
    %dot_general3A_957 = arith.constant dense<0.000000e+00> : vector<64x32xf32>
    %dot_general3A_958 = tpu.matmul %reshape3A_956, %convert_element_type3A_24, %dot_general3A_957 {dimension_numbers = #tpu.dot_dimension_numbers<[1], [0], [0], [1], [0, 0, 1, 1], [], []>, transpose_lhs_hint = false} : vector<64x512xf32>, vector<512x32xf32>, vector<64x32xf32> -> vector<64x32xf32>
    %get3A_959 = arith.constant 12 : index
    %get3A_960 = arith.constant 0 : index
    %get3A_961 = arith.constant 0 : index
    %get3A_962 = vector.load %arg1[%get3A_959, %get3A_960, %get3A_961] : memref<16x1x512xf32, #tpu.memory_space<vmem>>, vector<1x1x512xf32>
    %get3A_963 = vector.shape_cast %get3A_962 : vector<1x1x512xf32> to vector<1x512xf32>
    %dot_general3A_964 = arith.constant dense<0.000000e+00> : vector<1x32xf32>
    %dot_general3A_965 = tpu.matmul %get3A_963, %convert_element_type3A_24, %dot_general3A_964 {dimension_numbers = #tpu.dot_dimension_numbers<[1], [0], [0], [1], [0, 0, 1, 1], [], []>, transpose_lhs_hint = false} : vector<1x512xf32>, vector<512x32xf32>, vector<1x32xf32> -> vector<1x32xf32>
    %squeeze3A_966 = vector.shape_cast %dot_general3A_965 : vector<1x32xf32> to vector<32xf32>
    %gt3A_967 = arith.constant 0.000000e+00 : f32
    %gt3A_968 = vector.broadcast %gt3A_967 : f32 to vector<32xf32>
    %gt3A_969 = arith.cmpf ogt, %squeeze3A_966, %gt3A_968 : vector<32xf32>
    %convert_element_type3A_970 = arith.extui %gt3A_969 : vector<32xi1> to vector<32xi32>
    %convert_element_type3A_971 = arith.sitofp %convert_element_type3A_970 : vector<32xi32> to vector<32xf32>
    %reduce_sum3A_972 = vector.shape_cast %convert_element_type3A_971 : vector<32xf32> to vector<1x32xf32>
    %reduce_sum3A_973 = arith.constant dense<0.000000e+00> : vector<1xf32>
    %reduce_sum3A_974 = vector.multi_reduction <add>, %reduce_sum3A_972, %reduce_sum3A_973 [1] : vector<1x32xf32> to vector<1xf32>
    %reduce_sum3A_975 = vector.shape_cast %reduce_sum3A_974 : vector<1xf32> to vector<1x1xf32>
    %reduce_sum3A_976 = vector.extract %reduce_sum3A_975[0, 0] : f32 from vector<1x1xf32>
    %gt3A_977 = arith.constant 0.000000e+00 : f32
    %gt3A_978 = vector.broadcast %gt3A_977 : f32 to vector<32xf32>
    %gt3A_979 = arith.cmpf ogt, %squeeze3A_966, %gt3A_978 : vector<32xf32>
    %jit3A_980 = arith.constant 1.000000e+00 : f32
    %broadcast_in_dim3A_981 = vector.broadcast %jit3A_980 : f32 to vector<32xf32>
    %select_n3A_982 = arith.select %gt3A_979, %squeeze3A_966, %broadcast_in_dim3A_981 : vector<32xi1>, vector<32xf32>
    %broadcast_in_dim3A_983 = vector.shape_cast %select_n3A_982 : vector<32xf32> to vector<1x32xf32>
    %div3A_984 = vector.broadcast %broadcast_in_dim3A_983 : vector<1x32xf32> to vector<64x32xf32>
    %div3A_985 = arith.divf %dot_general3A_958, %div3A_984 : vector<64x32xf32>
    %dot_general3A_986 = arith.constant dense<0.000000e+00> : vector<64x64xf32>
    %dot_general3A_987 = tpu.matmul %div3A_985, %div3A_985, %dot_general3A_986 {dimension_numbers = #tpu.dot_dimension_numbers<[1], [1], [0], [0], [0, 0, 1, 0], [], []>, transpose_lhs_hint = false} : vector<64x32xf32>, vector<64x32xf32>, vector<64x64xf32> -> vector<64x64xf32>
    %mul3A_988 = arith.mulf %div3A_985, %div3A_985 : vector<64x32xf32>
    %reduce_sum3A_989 = arith.constant dense<0.000000e+00> : vector<64xf32>
    %reduce_sum3A_990 = vector.multi_reduction <add>, %mul3A_988, %reduce_sum3A_989 [1] : vector<64x32xf32> to vector<64xf32>
    %broadcast_in_dim3A_991 = vector.shape_cast %reduce_sum3A_990 : vector<64xf32> to vector<64x1xf32>
    %broadcast_in_dim3A_992 = vector.shape_cast %reduce_sum3A_990 : vector<64xf32> to vector<1x64xf32>
    %add3A_993 = vector.broadcast %broadcast_in_dim3A_991 : vector<64x1xf32> to vector<64x64xf32>
    %add3A_994 = vector.broadcast %broadcast_in_dim3A_992 : vector<1x64xf32> to vector<64x64xf32>
    %add3A_995 = arith.addf %add3A_993, %add3A_994 : vector<64x64xf32>
    %mul3A_996 = arith.constant 2.000000e+00 : f32
    %mul3A_997 = vector.broadcast %mul3A_996 : f32 to vector<64x64xf32>
    %mul3A_998 = arith.mulf %mul3A_997, %dot_general3A_987 : vector<64x64xf32>
    %sub3A_999 = arith.subf %add3A_995, %mul3A_998 : vector<64x64xf32>
    %max3A_1000 = arith.constant 0.000000e+00 : f32
    %max3A_1001 = vector.broadcast %max3A_1000 : f32 to vector<64x64xf32>
    %max3A_1002 = arith.maximumf %sub3A_999, %max3A_1001 : vector<64x64xf32>
    %sqrt3A_1003 = math.sqrt %max3A_1002 : vector<64x64xf32>
    %sub3A_1004 = arith.constant 3.000000e+00 : f32
    %sub3A_1005 = vector.broadcast %sub3A_1004 : f32 to vector<64x64xf32>
    %sub3A_1006 = arith.subf %sub3A_1005, %sqrt3A_1003 : vector<64x64xf32>
    %max3A_1007 = arith.constant 0.000000e+00 : f32
    %max3A_1008 = vector.broadcast %max3A_1007 : f32 to vector<64x64xf32>
    %max3A_1009 = arith.maximumf %sub3A_1006, %max3A_1008 : vector<64x64xf32>
    %mul3A_1010 = arith.mulf %max3A_1009, %max3A_1009 : vector<64x64xf32>
    %reduce_sum3A_1011 = vector.shape_cast %mul3A_1010 : vector<64x64xf32> to vector<1x64x64xf32>
    %reduce_sum3A_1012 = arith.constant dense<0.000000e+00> : vector<1xf32>
    %reduce_sum3A_1013 = vector.multi_reduction <add>, %reduce_sum3A_1011, %reduce_sum3A_1012 [1, 2] : vector<1x64x64xf32> to vector<1xf32>
    %reduce_sum3A_1014 = vector.shape_cast %reduce_sum3A_1013 : vector<1xf32> to vector<1x1x1xf32>
    %reduce_sum3A_1015 = vector.extract %reduce_sum3A_1014[0, 0, 0] : f32 from vector<1x1x1xf32>
    %mul3A_1016 = arith.constant 2.000000e+00 : f32
    %mul3A_1017 = arith.mulf %mul3A_1016, %reduce_sum3A_976 : f32
    %sub3A_1018 = arith.constant 1.000000e+00 : f32
    %sub3A_1019 = arith.subf %reduce_sum3A_976, %sub3A_1018 : f32
    %add3A_1020 = arith.constant 1.000000e-16 : f32
    %add3A_1021 = arith.addf %sub3A_1019, %add3A_1020 : f32
    %mul3A_1022 = arith.mulf %mul3A_1017, %add3A_1021 : f32
    %div3A_1023 = arith.divf %reduce_sum3A_1015, %mul3A_1022 : f32
    %ne3A_1024 = arith.constant 1.000000e+00 : f32
    %ne3A_1025 = arith.cmpf one, %reduce_sum3A_976, %ne3A_1024 : f32
    %jit3A_1026 = arith.constant 0.000000e+00 : f32
    %select_n3A_1027 = arith.select %ne3A_1025, %div3A_1023, %jit3A_1026 : f32
    %add3A_1028 = arith.addf %add3A_950, %select_n3A_1027 : f32
    %get3A_1029 = arith.constant 13 : index
    %get3A_1030 = arith.constant 0 : index
    %get3A_1031 = arith.constant 0 : index
    %get3A_1032 = vector.load %arg0[%get3A_1029, %get3A_1030, %get3A_1031] : memref<16x2x16384xf32, #tpu.memory_space<vmem>>, vector<1x2x16384xf32>
    %get3A_1033 = vector.shape_cast %get3A_1032 : vector<1x2x16384xf32> to vector<2x16384xf32>
    %reshape3A_1034 = vector.shape_cast %get3A_1033 : vector<2x16384xf32> to vector<64x512xf32>
    %dot_general3A_1035 = arith.constant dense<0.000000e+00> : vector<64x32xf32>
    %dot_general3A_1036 = tpu.matmul %reshape3A_1034, %convert_element_type3A_24, %dot_general3A_1035 {dimension_numbers = #tpu.dot_dimension_numbers<[1], [0], [0], [1], [0, 0, 1, 1], [], []>, transpose_lhs_hint = false} : vector<64x512xf32>, vector<512x32xf32>, vector<64x32xf32> -> vector<64x32xf32>
    %get3A_1037 = arith.constant 13 : index
    %get3A_1038 = arith.constant 0 : index
    %get3A_1039 = arith.constant 0 : index
    %get3A_1040 = vector.load %arg1[%get3A_1037, %get3A_1038, %get3A_1039] : memref<16x1x512xf32, #tpu.memory_space<vmem>>, vector<1x1x512xf32>
    %get3A_1041 = vector.shape_cast %get3A_1040 : vector<1x1x512xf32> to vector<1x512xf32>
    %dot_general3A_1042 = arith.constant dense<0.000000e+00> : vector<1x32xf32>
    %dot_general3A_1043 = tpu.matmul %get3A_1041, %convert_element_type3A_24, %dot_general3A_1042 {dimension_numbers = #tpu.dot_dimension_numbers<[1], [0], [0], [1], [0, 0, 1, 1], [], []>, transpose_lhs_hint = false} : vector<1x512xf32>, vector<512x32xf32>, vector<1x32xf32> -> vector<1x32xf32>
    %squeeze3A_1044 = vector.shape_cast %dot_general3A_1043 : vector<1x32xf32> to vector<32xf32>
    %gt3A_1045 = arith.constant 0.000000e+00 : f32
    %gt3A_1046 = vector.broadcast %gt3A_1045 : f32 to vector<32xf32>
    %gt3A_1047 = arith.cmpf ogt, %squeeze3A_1044, %gt3A_1046 : vector<32xf32>
    %convert_element_type3A_1048 = arith.extui %gt3A_1047 : vector<32xi1> to vector<32xi32>
    %convert_element_type3A_1049 = arith.sitofp %convert_element_type3A_1048 : vector<32xi32> to vector<32xf32>
    %reduce_sum3A_1050 = vector.shape_cast %convert_element_type3A_1049 : vector<32xf32> to vector<1x32xf32>
    %reduce_sum3A_1051 = arith.constant dense<0.000000e+00> : vector<1xf32>
    %reduce_sum3A_1052 = vector.multi_reduction <add>, %reduce_sum3A_1050, %reduce_sum3A_1051 [1] : vector<1x32xf32> to vector<1xf32>
    %reduce_sum3A_1053 = vector.shape_cast %reduce_sum3A_1052 : vector<1xf32> to vector<1x1xf32>
    %reduce_sum3A_1054 = vector.extract %reduce_sum3A_1053[0, 0] : f32 from vector<1x1xf32>
    %gt3A_1055 = arith.constant 0.000000e+00 : f32
    %gt3A_1056 = vector.broadcast %gt3A_1055 : f32 to vector<32xf32>
    %gt3A_1057 = arith.cmpf ogt, %squeeze3A_1044, %gt3A_1056 : vector<32xf32>
    %jit3A_1058 = arith.constant 1.000000e+00 : f32
    %broadcast_in_dim3A_1059 = vector.broadcast %jit3A_1058 : f32 to vector<32xf32>
    %select_n3A_1060 = arith.select %gt3A_1057, %squeeze3A_1044, %broadcast_in_dim3A_1059 : vector<32xi1>, vector<32xf32>
    %broadcast_in_dim3A_1061 = vector.shape_cast %select_n3A_1060 : vector<32xf32> to vector<1x32xf32>
    %div3A_1062 = vector.broadcast %broadcast_in_dim3A_1061 : vector<1x32xf32> to vector<64x32xf32>
    %div3A_1063 = arith.divf %dot_general3A_1036, %div3A_1062 : vector<64x32xf32>
    %dot_general3A_1064 = arith.constant dense<0.000000e+00> : vector<64x64xf32>
    %dot_general3A_1065 = tpu.matmul %div3A_1063, %div3A_1063, %dot_general3A_1064 {dimension_numbers = #tpu.dot_dimension_numbers<[1], [1], [0], [0], [0, 0, 1, 0], [], []>, transpose_lhs_hint = false} : vector<64x32xf32>, vector<64x32xf32>, vector<64x64xf32> -> vector<64x64xf32>
    %mul3A_1066 = arith.mulf %div3A_1063, %div3A_1063 : vector<64x32xf32>
    %reduce_sum3A_1067 = arith.constant dense<0.000000e+00> : vector<64xf32>
    %reduce_sum3A_1068 = vector.multi_reduction <add>, %mul3A_1066, %reduce_sum3A_1067 [1] : vector<64x32xf32> to vector<64xf32>
    %broadcast_in_dim3A_1069 = vector.shape_cast %reduce_sum3A_1068 : vector<64xf32> to vector<64x1xf32>
    %broadcast_in_dim3A_1070 = vector.shape_cast %reduce_sum3A_1068 : vector<64xf32> to vector<1x64xf32>
    %add3A_1071 = vector.broadcast %broadcast_in_dim3A_1069 : vector<64x1xf32> to vector<64x64xf32>
    %add3A_1072 = vector.broadcast %broadcast_in_dim3A_1070 : vector<1x64xf32> to vector<64x64xf32>
    %add3A_1073 = arith.addf %add3A_1071, %add3A_1072 : vector<64x64xf32>
    %mul3A_1074 = arith.constant 2.000000e+00 : f32
    %mul3A_1075 = vector.broadcast %mul3A_1074 : f32 to vector<64x64xf32>
    %mul3A_1076 = arith.mulf %mul3A_1075, %dot_general3A_1065 : vector<64x64xf32>
    %sub3A_1077 = arith.subf %add3A_1073, %mul3A_1076 : vector<64x64xf32>
    %max3A_1078 = arith.constant 0.000000e+00 : f32
    %max3A_1079 = vector.broadcast %max3A_1078 : f32 to vector<64x64xf32>
    %max3A_1080 = arith.maximumf %sub3A_1077, %max3A_1079 : vector<64x64xf32>
    %sqrt3A_1081 = math.sqrt %max3A_1080 : vector<64x64xf32>
    %sub3A_1082 = arith.constant 3.000000e+00 : f32
    %sub3A_1083 = vector.broadcast %sub3A_1082 : f32 to vector<64x64xf32>
    %sub3A_1084 = arith.subf %sub3A_1083, %sqrt3A_1081 : vector<64x64xf32>
    %max3A_1085 = arith.constant 0.000000e+00 : f32
    %max3A_1086 = vector.broadcast %max3A_1085 : f32 to vector<64x64xf32>
    %max3A_1087 = arith.maximumf %sub3A_1084, %max3A_1086 : vector<64x64xf32>
    %mul3A_1088 = arith.mulf %max3A_1087, %max3A_1087 : vector<64x64xf32>
    %reduce_sum3A_1089 = vector.shape_cast %mul3A_1088 : vector<64x64xf32> to vector<1x64x64xf32>
    %reduce_sum3A_1090 = arith.constant dense<0.000000e+00> : vector<1xf32>
    %reduce_sum3A_1091 = vector.multi_reduction <add>, %reduce_sum3A_1089, %reduce_sum3A_1090 [1, 2] : vector<1x64x64xf32> to vector<1xf32>
    %reduce_sum3A_1092 = vector.shape_cast %reduce_sum3A_1091 : vector<1xf32> to vector<1x1x1xf32>
    %reduce_sum3A_1093 = vector.extract %reduce_sum3A_1092[0, 0, 0] : f32 from vector<1x1x1xf32>
    %mul3A_1094 = arith.constant 2.000000e+00 : f32
    %mul3A_1095 = arith.mulf %mul3A_1094, %reduce_sum3A_1054 : f32
    %sub3A_1096 = arith.constant 1.000000e+00 : f32
    %sub3A_1097 = arith.subf %reduce_sum3A_1054, %sub3A_1096 : f32
    %add3A_1098 = arith.constant 1.000000e-16 : f32
    %add3A_1099 = arith.addf %sub3A_1097, %add3A_1098 : f32
    %mul3A_1100 = arith.mulf %mul3A_1095, %add3A_1099 : f32
    %div3A_1101 = arith.divf %reduce_sum3A_1093, %mul3A_1100 : f32
    %ne3A_1102 = arith.constant 1.000000e+00 : f32
    %ne3A_1103 = arith.cmpf one, %reduce_sum3A_1054, %ne3A_1102 : f32
    %jit3A_1104 = arith.constant 0.000000e+00 : f32
    %select_n3A_1105 = arith.select %ne3A_1103, %div3A_1101, %jit3A_1104 : f32
    %add3A_1106 = arith.addf %add3A_1028, %select_n3A_1105 : f32
    %get3A_1107 = arith.constant 14 : index
    %get3A_1108 = arith.constant 0 : index
    %get3A_1109 = arith.constant 0 : index
    %get3A_1110 = vector.load %arg0[%get3A_1107, %get3A_1108, %get3A_1109] : memref<16x2x16384xf32, #tpu.memory_space<vmem>>, vector<1x2x16384xf32>
    %get3A_1111 = vector.shape_cast %get3A_1110 : vector<1x2x16384xf32> to vector<2x16384xf32>
    %reshape3A_1112 = vector.shape_cast %get3A_1111 : vector<2x16384xf32> to vector<64x512xf32>
    %dot_general3A_1113 = arith.constant dense<0.000000e+00> : vector<64x32xf32>
    %dot_general3A_1114 = tpu.matmul %reshape3A_1112, %convert_element_type3A_24, %dot_general3A_1113 {dimension_numbers = #tpu.dot_dimension_numbers<[1], [0], [0], [1], [0, 0, 1, 1], [], []>, transpose_lhs_hint = false} : vector<64x512xf32>, vector<512x32xf32>, vector<64x32xf32> -> vector<64x32xf32>
    %get3A_1115 = arith.constant 14 : index
    %get3A_1116 = arith.constant 0 : index
    %get3A_1117 = arith.constant 0 : index
    %get3A_1118 = vector.load %arg1[%get3A_1115, %get3A_1116, %get3A_1117] : memref<16x1x512xf32, #tpu.memory_space<vmem>>, vector<1x1x512xf32>
    %get3A_1119 = vector.shape_cast %get3A_1118 : vector<1x1x512xf32> to vector<1x512xf32>
    %dot_general3A_1120 = arith.constant dense<0.000000e+00> : vector<1x32xf32>
    %dot_general3A_1121 = tpu.matmul %get3A_1119, %convert_element_type3A_24, %dot_general3A_1120 {dimension_numbers = #tpu.dot_dimension_numbers<[1], [0], [0], [1], [0, 0, 1, 1], [], []>, transpose_lhs_hint = false} : vector<1x512xf32>, vector<512x32xf32>, vector<1x32xf32> -> vector<1x32xf32>
    %squeeze3A_1122 = vector.shape_cast %dot_general3A_1121 : vector<1x32xf32> to vector<32xf32>
    %gt3A_1123 = arith.constant 0.000000e+00 : f32
    %gt3A_1124 = vector.broadcast %gt3A_1123 : f32 to vector<32xf32>
    %gt3A_1125 = arith.cmpf ogt, %squeeze3A_1122, %gt3A_1124 : vector<32xf32>
    %convert_element_type3A_1126 = arith.extui %gt3A_1125 : vector<32xi1> to vector<32xi32>
    %convert_element_type3A_1127 = arith.sitofp %convert_element_type3A_1126 : vector<32xi32> to vector<32xf32>
    %reduce_sum3A_1128 = vector.shape_cast %convert_element_type3A_1127 : vector<32xf32> to vector<1x32xf32>
    %reduce_sum3A_1129 = arith.constant dense<0.000000e+00> : vector<1xf32>
    %reduce_sum3A_1130 = vector.multi_reduction <add>, %reduce_sum3A_1128, %reduce_sum3A_1129 [1] : vector<1x32xf32> to vector<1xf32>
    %reduce_sum3A_1131 = vector.shape_cast %reduce_sum3A_1130 : vector<1xf32> to vector<1x1xf32>
    %reduce_sum3A_1132 = vector.extract %reduce_sum3A_1131[0, 0] : f32 from vector<1x1xf32>
    %gt3A_1133 = arith.constant 0.000000e+00 : f32
    %gt3A_1134 = vector.broadcast %gt3A_1133 : f32 to vector<32xf32>
    %gt3A_1135 = arith.cmpf ogt, %squeeze3A_1122, %gt3A_1134 : vector<32xf32>
    %jit3A_1136 = arith.constant 1.000000e+00 : f32
    %broadcast_in_dim3A_1137 = vector.broadcast %jit3A_1136 : f32 to vector<32xf32>
    %select_n3A_1138 = arith.select %gt3A_1135, %squeeze3A_1122, %broadcast_in_dim3A_1137 : vector<32xi1>, vector<32xf32>
    %broadcast_in_dim3A_1139 = vector.shape_cast %select_n3A_1138 : vector<32xf32> to vector<1x32xf32>
    %div3A_1140 = vector.broadcast %broadcast_in_dim3A_1139 : vector<1x32xf32> to vector<64x32xf32>
    %div3A_1141 = arith.divf %dot_general3A_1114, %div3A_1140 : vector<64x32xf32>
    %dot_general3A_1142 = arith.constant dense<0.000000e+00> : vector<64x64xf32>
    %dot_general3A_1143 = tpu.matmul %div3A_1141, %div3A_1141, %dot_general3A_1142 {dimension_numbers = #tpu.dot_dimension_numbers<[1], [1], [0], [0], [0, 0, 1, 0], [], []>, transpose_lhs_hint = false} : vector<64x32xf32>, vector<64x32xf32>, vector<64x64xf32> -> vector<64x64xf32>
    %mul3A_1144 = arith.mulf %div3A_1141, %div3A_1141 : vector<64x32xf32>
    %reduce_sum3A_1145 = arith.constant dense<0.000000e+00> : vector<64xf32>
    %reduce_sum3A_1146 = vector.multi_reduction <add>, %mul3A_1144, %reduce_sum3A_1145 [1] : vector<64x32xf32> to vector<64xf32>
    %broadcast_in_dim3A_1147 = vector.shape_cast %reduce_sum3A_1146 : vector<64xf32> to vector<64x1xf32>
    %broadcast_in_dim3A_1148 = vector.shape_cast %reduce_sum3A_1146 : vector<64xf32> to vector<1x64xf32>
    %add3A_1149 = vector.broadcast %broadcast_in_dim3A_1147 : vector<64x1xf32> to vector<64x64xf32>
    %add3A_1150 = vector.broadcast %broadcast_in_dim3A_1148 : vector<1x64xf32> to vector<64x64xf32>
    %add3A_1151 = arith.addf %add3A_1149, %add3A_1150 : vector<64x64xf32>
    %mul3A_1152 = arith.constant 2.000000e+00 : f32
    %mul3A_1153 = vector.broadcast %mul3A_1152 : f32 to vector<64x64xf32>
    %mul3A_1154 = arith.mulf %mul3A_1153, %dot_general3A_1143 : vector<64x64xf32>
    %sub3A_1155 = arith.subf %add3A_1151, %mul3A_1154 : vector<64x64xf32>
    %max3A_1156 = arith.constant 0.000000e+00 : f32
    %max3A_1157 = vector.broadcast %max3A_1156 : f32 to vector<64x64xf32>
    %max3A_1158 = arith.maximumf %sub3A_1155, %max3A_1157 : vector<64x64xf32>
    %sqrt3A_1159 = math.sqrt %max3A_1158 : vector<64x64xf32>
    %sub3A_1160 = arith.constant 3.000000e+00 : f32
    %sub3A_1161 = vector.broadcast %sub3A_1160 : f32 to vector<64x64xf32>
    %sub3A_1162 = arith.subf %sub3A_1161, %sqrt3A_1159 : vector<64x64xf32>
    %max3A_1163 = arith.constant 0.000000e+00 : f32
    %max3A_1164 = vector.broadcast %max3A_1163 : f32 to vector<64x64xf32>
    %max3A_1165 = arith.maximumf %sub3A_1162, %max3A_1164 : vector<64x64xf32>
    %mul3A_1166 = arith.mulf %max3A_1165, %max3A_1165 : vector<64x64xf32>
    %reduce_sum3A_1167 = vector.shape_cast %mul3A_1166 : vector<64x64xf32> to vector<1x64x64xf32>
    %reduce_sum3A_1168 = arith.constant dense<0.000000e+00> : vector<1xf32>
    %reduce_sum3A_1169 = vector.multi_reduction <add>, %reduce_sum3A_1167, %reduce_sum3A_1168 [1, 2] : vector<1x64x64xf32> to vector<1xf32>
    %reduce_sum3A_1170 = vector.shape_cast %reduce_sum3A_1169 : vector<1xf32> to vector<1x1x1xf32>
    %reduce_sum3A_1171 = vector.extract %reduce_sum3A_1170[0, 0, 0] : f32 from vector<1x1x1xf32>
    %mul3A_1172 = arith.constant 2.000000e+00 : f32
    %mul3A_1173 = arith.mulf %mul3A_1172, %reduce_sum3A_1132 : f32
    %sub3A_1174 = arith.constant 1.000000e+00 : f32
    %sub3A_1175 = arith.subf %reduce_sum3A_1132, %sub3A_1174 : f32
    %add3A_1176 = arith.constant 1.000000e-16 : f32
    %add3A_1177 = arith.addf %sub3A_1175, %add3A_1176 : f32
    %mul3A_1178 = arith.mulf %mul3A_1173, %add3A_1177 : f32
    %div3A_1179 = arith.divf %reduce_sum3A_1171, %mul3A_1178 : f32
    %ne3A_1180 = arith.constant 1.000000e+00 : f32
    %ne3A_1181 = arith.cmpf one, %reduce_sum3A_1132, %ne3A_1180 : f32
    %jit3A_1182 = arith.constant 0.000000e+00 : f32
    %select_n3A_1183 = arith.select %ne3A_1181, %div3A_1179, %jit3A_1182 : f32
    %add3A_1184 = arith.addf %add3A_1106, %select_n3A_1183 : f32
    %get3A_1185 = arith.constant 15 : index
    %get3A_1186 = arith.constant 0 : index
    %get3A_1187 = arith.constant 0 : index
    %get3A_1188 = vector.load %arg0[%get3A_1185, %get3A_1186, %get3A_1187] : memref<16x2x16384xf32, #tpu.memory_space<vmem>>, vector<1x2x16384xf32>
    %get3A_1189 = vector.shape_cast %get3A_1188 : vector<1x2x16384xf32> to vector<2x16384xf32>
    %reshape3A_1190 = vector.shape_cast %get3A_1189 : vector<2x16384xf32> to vector<64x512xf32>
    %dot_general3A_1191 = arith.constant dense<0.000000e+00> : vector<64x32xf32>
    %dot_general3A_1192 = tpu.matmul %reshape3A_1190, %convert_element_type3A_24, %dot_general3A_1191 {dimension_numbers = #tpu.dot_dimension_numbers<[1], [0], [0], [1], [0, 0, 1, 1], [], []>, transpose_lhs_hint = false} : vector<64x512xf32>, vector<512x32xf32>, vector<64x32xf32> -> vector<64x32xf32>
    %get3A_1193 = arith.constant 15 : index
    %get3A_1194 = arith.constant 0 : index
    %get3A_1195 = arith.constant 0 : index
    %get3A_1196 = vector.load %arg1[%get3A_1193, %get3A_1194, %get3A_1195] : memref<16x1x512xf32, #tpu.memory_space<vmem>>, vector<1x1x512xf32>
    %get3A_1197 = vector.shape_cast %get3A_1196 : vector<1x1x512xf32> to vector<1x512xf32>
    %dot_general3A_1198 = arith.constant dense<0.000000e+00> : vector<1x32xf32>
    %dot_general3A_1199 = tpu.matmul %get3A_1197, %convert_element_type3A_24, %dot_general3A_1198 {dimension_numbers = #tpu.dot_dimension_numbers<[1], [0], [0], [1], [0, 0, 1, 1], [], []>, transpose_lhs_hint = false} : vector<1x512xf32>, vector<512x32xf32>, vector<1x32xf32> -> vector<1x32xf32>
    %squeeze3A_1200 = vector.shape_cast %dot_general3A_1199 : vector<1x32xf32> to vector<32xf32>
    %gt3A_1201 = arith.constant 0.000000e+00 : f32
    %gt3A_1202 = vector.broadcast %gt3A_1201 : f32 to vector<32xf32>
    %gt3A_1203 = arith.cmpf ogt, %squeeze3A_1200, %gt3A_1202 : vector<32xf32>
    %convert_element_type3A_1204 = arith.extui %gt3A_1203 : vector<32xi1> to vector<32xi32>
    %convert_element_type3A_1205 = arith.sitofp %convert_element_type3A_1204 : vector<32xi32> to vector<32xf32>
    %reduce_sum3A_1206 = vector.shape_cast %convert_element_type3A_1205 : vector<32xf32> to vector<1x32xf32>
    %reduce_sum3A_1207 = arith.constant dense<0.000000e+00> : vector<1xf32>
    %reduce_sum3A_1208 = vector.multi_reduction <add>, %reduce_sum3A_1206, %reduce_sum3A_1207 [1] : vector<1x32xf32> to vector<1xf32>
    %reduce_sum3A_1209 = vector.shape_cast %reduce_sum3A_1208 : vector<1xf32> to vector<1x1xf32>
    %reduce_sum3A_1210 = vector.extract %reduce_sum3A_1209[0, 0] : f32 from vector<1x1xf32>
    %gt3A_1211 = arith.constant 0.000000e+00 : f32
    %gt3A_1212 = vector.broadcast %gt3A_1211 : f32 to vector<32xf32>
    %gt3A_1213 = arith.cmpf ogt, %squeeze3A_1200, %gt3A_1212 : vector<32xf32>
    %jit3A_1214 = arith.constant 1.000000e+00 : f32
    %broadcast_in_dim3A_1215 = vector.broadcast %jit3A_1214 : f32 to vector<32xf32>
    %select_n3A_1216 = arith.select %gt3A_1213, %squeeze3A_1200, %broadcast_in_dim3A_1215 : vector<32xi1>, vector<32xf32>
    %broadcast_in_dim3A_1217 = vector.shape_cast %select_n3A_1216 : vector<32xf32> to vector<1x32xf32>
    %div3A_1218 = vector.broadcast %broadcast_in_dim3A_1217 : vector<1x32xf32> to vector<64x32xf32>
    %div3A_1219 = arith.divf %dot_general3A_1192, %div3A_1218 : vector<64x32xf32>
    %dot_general3A_1220 = arith.constant dense<0.000000e+00> : vector<64x64xf32>
    %dot_general3A_1221 = tpu.matmul %div3A_1219, %div3A_1219, %dot_general3A_1220 {dimension_numbers = #tpu.dot_dimension_numbers<[1], [1], [0], [0], [0, 0, 1, 0], [], []>, transpose_lhs_hint = false} : vector<64x32xf32>, vector<64x32xf32>, vector<64x64xf32> -> vector<64x64xf32>
    %mul3A_1222 = arith.mulf %div3A_1219, %div3A_1219 : vector<64x32xf32>
    %reduce_sum3A_1223 = arith.constant dense<0.000000e+00> : vector<64xf32>
    %reduce_sum3A_1224 = vector.multi_reduction <add>, %mul3A_1222, %reduce_sum3A_1223 [1] : vector<64x32xf32> to vector<64xf32>
    %broadcast_in_dim3A_1225 = vector.shape_cast %reduce_sum3A_1224 : vector<64xf32> to vector<64x1xf32>
    %broadcast_in_dim3A_1226 = vector.shape_cast %reduce_sum3A_1224 : vector<64xf32> to vector<1x64xf32>
    %add3A_1227 = vector.broadcast %broadcast_in_dim3A_1225 : vector<64x1xf32> to vector<64x64xf32>
    %add3A_1228 = vector.broadcast %broadcast_in_dim3A_1226 : vector<1x64xf32> to vector<64x64xf32>
    %add3A_1229 = arith.addf %add3A_1227, %add3A_1228 : vector<64x64xf32>
    %mul3A_1230 = arith.constant 2.000000e+00 : f32
    %mul3A_1231 = vector.broadcast %mul3A_1230 : f32 to vector<64x64xf32>
    %mul3A_1232 = arith.mulf %mul3A_1231, %dot_general3A_1221 : vector<64x64xf32>
    %sub3A_1233 = arith.subf %add3A_1229, %mul3A_1232 : vector<64x64xf32>
    %max3A_1234 = arith.constant 0.000000e+00 : f32
    %max3A_1235 = vector.broadcast %max3A_1234 : f32 to vector<64x64xf32>
    %max3A_1236 = arith.maximumf %sub3A_1233, %max3A_1235 : vector<64x64xf32>
    %sqrt3A_1237 = math.sqrt %max3A_1236 : vector<64x64xf32>
    %sub3A_1238 = arith.constant 3.000000e+00 : f32
    %sub3A_1239 = vector.broadcast %sub3A_1238 : f32 to vector<64x64xf32>
    %sub3A_1240 = arith.subf %sub3A_1239, %sqrt3A_1237 : vector<64x64xf32>
    %max3A_1241 = arith.constant 0.000000e+00 : f32
    %max3A_1242 = vector.broadcast %max3A_1241 : f32 to vector<64x64xf32>
    %max3A_1243 = arith.maximumf %sub3A_1240, %max3A_1242 : vector<64x64xf32>
    %mul3A_1244 = arith.mulf %max3A_1243, %max3A_1243 : vector<64x64xf32>
    %reduce_sum3A_1245 = vector.shape_cast %mul3A_1244 : vector<64x64xf32> to vector<1x64x64xf32>
    %reduce_sum3A_1246 = arith.constant dense<0.000000e+00> : vector<1xf32>
    %reduce_sum3A_1247 = vector.multi_reduction <add>, %reduce_sum3A_1245, %reduce_sum3A_1246 [1, 2] : vector<1x64x64xf32> to vector<1xf32>
    %reduce_sum3A_1248 = vector.shape_cast %reduce_sum3A_1247 : vector<1xf32> to vector<1x1x1xf32>
    %reduce_sum3A_1249 = vector.extract %reduce_sum3A_1248[0, 0, 0] : f32 from vector<1x1x1xf32>
    %mul3A_1250 = arith.constant 2.000000e+00 : f32
    %mul3A_1251 = arith.mulf %mul3A_1250, %reduce_sum3A_1210 : f32
    %sub3A_1252 = arith.constant 1.000000e+00 : f32
    %sub3A_1253 = arith.subf %reduce_sum3A_1210, %sub3A_1252 : f32
    %add3A_1254 = arith.constant 1.000000e-16 : f32
    %add3A_1255 = arith.addf %sub3A_1253, %add3A_1254 : f32
    %mul3A_1256 = arith.mulf %mul3A_1251, %add3A_1255 : f32
    %div3A_1257 = arith.divf %reduce_sum3A_1249, %mul3A_1256 : f32
    %ne3A_1258 = arith.constant 1.000000e+00 : f32
    %ne3A_1259 = arith.cmpf one, %reduce_sum3A_1210, %ne3A_1258 : f32
    %jit3A_1260 = arith.constant 0.000000e+00 : f32
    %select_n3A_1261 = arith.select %ne3A_1259, %div3A_1257, %jit3A_1260 : f32
    %add3A_1262 = arith.addf %add3A_1184, %select_n3A_1261 : f32
    %reshape3A_1263 = vector.broadcast %add3A_1262 : f32 to vector<1x1xf32>
    %swap3A = arith.constant 0 : index
    %swap3A_1264 = arith.constant 0 : index
    %swap3A_1265 = vector.load %arg2[%swap3A, %swap3A_1264] : memref<1x1xf32, #tpu.memory_space<vmem>>, vector<1x1xf32>
    tpu.vector_store %arg2[%swap3A, %swap3A_1264], %reshape3A_1263 {strides = array<i32>} : memref<1x1xf32, #tpu.memory_space<vmem>>, vector<1x1xf32>,
    return
  }
}

</mosaic_0001>

<sc_bundles>
// kernel: kernel.4.cloned.1.call-start
scs
__scs_entry_jumppad:
0x0: {  	(pc) =	sbr.rel $0x88, $3  }
0x1: {  	(tag) =	ssettag $0x0;
	lr =	simm.s32 $0x1  }
0x2: {  	[smem:$0x3F9F] =	sst lr;
	_ =	strace $0xD0000000  }
0x3: {  	_ = 	snop  }
0x4: {  	_ = 	snop  }
0x5: {  	_ = 	snop  }
0x6: {  	_ = 	snop  }
0x7: {  	_ = 	snop  }
__scs_overlays_trampoline_lowered:
0x8: {  	[smem:$0x3FAE] =	sst s0  }
0x9: {  	[smem:$0x3FAF] =	sst s1  }
0xa: {  	[smem:$0x3FB0] =	sst s2  }
0xb: {  	[smem:$0x3FB1] =	sst s3  }
0xc: {  	[smem:$0x3FB2] =	sst s4  }
0xd: {  	[smem:$0x3FB3] =	sst s5  }
0xe: {  	[smem:$0x3FB4] =	sst s6  }
0xf: {  	[smem:$0x3FB5] =	sst s7  }
0x10: {  	[smem:$0x3FB6] =	sst s8  }
0x11: {  	[smem:$0x3FB7] =	sst s9;
	s0 =	simm.s32 @!p0 $0x0  }
0x12: {  	s1 =	sld [smem:$0x3F9D];
	s0 =	simm.s32 @p0 $0x1  }
0x13: {  	[smem:$0x3FB8] =	sst s0;
	s0 =	simm.s32 @!p1 $0x0  }
0x14: {  	s2 =	sld [smem:$0x3F9C];
	s0 =	simm.s32 @p1 $0x1  }
0x15: {  	[smem:$0x3FB9] =	sst s0;
	s0 =	simm.s32 @!p2 $0x0  }
0x16: {  	s3 =	sld [smem:$0x3FDB];
	s0 =	simm.s32 @p2 $0x1  }
0x17: {  	s4 =	simm.s32 $0x1BF5;
	[smem:$0x3FBB] =	sst s0  }
0x18: {  	s0 =	sld [smem:$0x3F9E];
	_ =	swait.ge [sflag:s4], $0x0  }
0x19: {  	s7 =	sld [smem:$0x3F9F]  }
0x1a: {  	s8 =	sadd.s32 $0xFFFFE003, lr  }
0x1b: {  	s9 =	sadd.s32 $0xFFFFFEF7, lr;
	s5 =	simm.s32 $0xFFFFFFFF;
	p2 =	slt.u32 s8, $0xFFFFF086  }
0x1c: {  	p1 =	slt.u32 s9, $0xF7A;
	s5 =	simm.s32 @!p2 $0x0  }
0x1d: {  	s5 =	simm.s32 @p1 $0x1;
	p0 =	seq.s32 s7, s2  }
0x1e: {  	s7 =	smul.u32 @!p0 $0xF7A, s2;
	p2 =	seq.s32 @!p0 s5, $0x0  }
0x1f: {  	s9 =	smul.u32 $0xF7A, s1;
	s8 =	simm.s32 @!p0 $0x1BF5;
	p2 =	por !p2, p0  }
0x20: {  	[sflag:s8] =	ssyncset.s32 @!p0 $0xFFFFF086;
	s6 =	sadd.s32 @!p0 s3, s7;
	s7 =	simm.s32 @!p0 $0x108  }
0x21: {  	s3 =	sadd.s32 s3, s9;
	s6 =	sadd.s32 @!p0 $0x88, s6;
	s7 =	simm.s32 @p2 $0x1082  }
0x22: {  	[simem:s7], [sflag:s8] =	dma.local @!p0 [hbm:s6], $0xF7A  }
0x23: {  	s9 =	sor.u32 $0xD0000000, s2;
	s6 =	simm.s32 $0x108;
	_ =	swait.ge @!p0 [sflag:s8], $0x0  }
0x24: {  	s3 =	sadd.s32 $0x88, s3;
	s6 =	simm.s32 @!p1 $0x1082;
	[sflag:s4] =	ssyncset.s32 $0xFFFFF086  }
0x25: {  	[simem:s6], [sflag:s4] =	dma.local [hbm:s3], $0xF7A  }
0x26: {  	[smem:$0x3F9F] =	sst s1;
	(tag) =	ssettag s2;
	_ =	strace s9  }
0x27: {  	s1 =	sld [smem:$0x3FAF]  }
0x28: {  	s2 =	sld [smem:$0x3FB0]  }
0x29: {  	s4 =	sld [smem:$0x3FB2]  }
0x2a: {  	p0 =	seq.s32 s5, $0x0;
	s5 =	sld [smem:$0x3FB3]  }
0x2b: {  	s6 =	sld [smem:$0x3FB4]  }
0x2c: {  	s7 =	sld [smem:$0x3FB5]  }
0x2d: {  	s3 =	simm.s32 $0x108;
	s8 =	sld [smem:$0x3FB6]  }
0x2e: {  	s3 =	simm.s32 @!p0 $0x1082;
	s9 =	sld [smem:$0x3FB7]  }
0x2f: {  	lr =	sadd.s32 s0, s3;
	s0 =	sld [smem:$0x3FAE]  }
0x30: {  	s3 =	sld [smem:$0x3FB1]  }
0x31: {  	[smem:$0x3FBA] =	sst s10  }
0x32: {  	s10 =	sld [smem:$0x3FB8];
	_ =	sdelay $0x3  }
0x33: {  	p0 =	seq.s32 s10, $0x1;
	s10 =	sld [smem:$0x3FBA];
	_ =	sdelay $0x3  }
0x34: {  	[smem:$0x3FBA] =	sst s10  }
0x35: {  	s10 =	sld [smem:$0x3FB9];
	_ =	sdelay $0x3  }
0x36: {  	p1 =	seq.s32 s10, $0x1;
	s10 =	sld [smem:$0x3FBA];
	_ =	sdelay $0x3  }
0x37: {  	[smem:$0x3FBA] =	sst s10  }
0x38: {  	s10 =	sld [smem:$0x3FBB]  }
0x39: {  	_ = 	snop;
	(pc) =	sbr.ind lr, $3  }
0x3a: {  	_ = 	snop  }
0x3b: {  	_ = 	snop  }
0x3c: {  	p2 =	seq.s32 s10, $0x1;
	s10 =	sld [smem:$0x3FBA]  }
0x3d: {  	_ =	shalt  }
0x3e: {  	_ =	shalt  }
0x3f: {  	_ =	shalt  }
0x40: {  	_ =	shalt  }
0x41: {  	_ =	shalt  }
0x42: {  	_ =	shalt  }
0x43: {  	_ =	shalt  }
0x44: {  	_ =	shalt  }
0x45: {  	_ =	shalt  }
0x46: {  	_ =	shalt  }
0x47: {  	_ =	shalt  }
0x48: {  	_ =	shalt  }
0x49: {  	_ =	shalt  }
0x4a: {  	_ =	shalt  }
0x4b: {  	_ =	shalt  }
0x4c: {  	_ =	shalt  }
0x4d: {  	_ =	shalt  }
0x4e: {  	_ =	shalt  }
0x4f: {  	_ =	shalt  }
0x50: {  	_ =	shalt  }
0x51: {  	_ =	shalt  }
0x52: {  	_ =	shalt  }
0x53: {  	_ =	shalt  }
0x54: {  	_ =	shalt  }
0x55: {  	_ =	shalt  }
0x56: {  	_ =	shalt  }
0x57: {  	_ =	shalt  }
0x58: {  	_ =	shalt  }
0x59: {  	_ =	shalt  }
0x5a: {  	_ =	shalt  }
0x5b: {  	_ =	shalt  }
0x5c: {  	_ =	shalt  }
0x5d: {  	_ =	shalt  }
0x5e: {  	_ =	shalt  }
0x5f: {  	_ =	shalt  }
0x60: {  	_ =	shalt  }
0x61: {  	_ =	shalt  }
0x62: {  	_ =	shalt  }
0x63: {  	_ =	shalt  }
0x64: {  	_ =	shalt  }
0x65: {  	_ =	shalt  }
0x66: {  	_ =	shalt  }
0x67: {  	_ =	shalt  }
0x68: {  	_ =	shalt  }
0x69: {  	_ =	shalt  }
0x6a: {  	_ =	shalt  }
0x6b: {  	_ =	shalt  }
0x6c: {  	_ =	shalt  }
0x6d: {  	_ =	shalt  }
0x6e: {  	_ =	shalt  }
0x6f: {  	_ =	shalt  }
0x70: {  	_ =	shalt  }
0x71: {  	_ =	shalt  }
0x72: {  	_ =	shalt  }
0x73: {  	_ =	shalt  }
0x74: {  	_ =	shalt  }
0x75: {  	_ =	shalt  }
0x76: {  	_ =	shalt  }
0x77: {  	_ =	shalt  }
0x78: {  	_ =	shalt  }
0x79: {  	_ =	shalt  }
0x7a: {  	_ =	shalt  }
0x7b: {  	_ =	shalt  }
0x7c: {  	_ =	shalt  }
0x7d: {  	_ =	shalt  }
0x7e: {  	_ =	shalt  }
0x7f: {  	_ =	shalt  }
0x80: {  	_ =	shalt  }
0x81: {  	_ =	shalt  }
0x82: {  	_ =	shalt  }
0x83: {  	_ =	shalt  }
0x84: {  	_ =	shalt  }
0x85: {  	_ =	shalt  }
0x86: {  	_ =	shalt  }
0x87: {  	_ =	shalt  }
.Lfunc_end0:
.L_simem_size_0:
called_computation_lowered:
.L_overlay_start_0:
0x88: {  	s2 =	sld [smem:$0x3FD9]  }
0x89: {  	s3 =	sld [smem:$0x3FFE];
	_ =	sdelay $0x1  }
0x8a: {  	s1 =	srdreg.scid  }
0x8b: {  	s0 =	sand.u32 $0x1, s1  }
0x8c: {  	s17 =	sshll.u32 s0, $0xA;
	s2 =	sadd.s32 s3, s2  }
0x8d: {  	s2 =	sadd.s32 s2, s17  }
0x8e: {  	[smem:$0x3FC6] =	sst s2  }
0x8f: {  	_ = 	snop  }
0x90: {  	s2 =	sld [smem:$0x3FC9]  }
0x91: {  	s18 =	sld [smem:$0x3FC8];
	(tm) =	ssettm $0x1  }
0x92: {  	s4 =	sld [smem:$0x3FFB];
	_ =	sdelay $0x3  }
0x93: {  	_ =	strace s4  }
0x94: {  	s4 =	sld [smem:$0x3FFC];
	_ =	sdelay $0x3  }
0x95: {  	_ =	strace s4  }
0x96: {  	s4 =	sld [smem:$0x3FFD];
	_ =	sdelay $0x3  }
0x97: {  	_ =	strace s4  }
0x98: {  	_ =	strace $0x8FFFFFFF  }
0x99: {  	s19 =	sld [smem:$0x3FDB];
	_ =	sdelay $0x1  }
0x9a: {  	s5 =	simm.s32 $_scs_section_size  }
0x9b: {  	s6 =	simm.s32 $_size__tile_overlayer_lowered;
	s7 =	simm.s32 $_tile_overlayer_lowered  }
0x9c: {  	s22 =	simm.s32 $0x1BFF;
	s21 =	sshll.u32 s7, $0x1;
	s4 =	sadd.s32 s5, s19  }
0x9d: {  	s8 =	simm.s32 $0x0;
	s20 =	sshll.u32 s6, $0x1;
	s6 =	sadd.s32 s21, s4  }
0x9e: {  	[timem:s8], [sflag:s22] =	dma.local [hbm:s6], s20  }
0x9f: {  	_ =	swait.ge [sflag:s22], s20  }
0xa0: {  	s5 =	ssub.s32 $0x0, s20;
	[sflag:s22] =	ssyncset.done $0x0  }
0xa1: {  	[sflag:s22] =	ssyncadd.s32 s5;
	_ =	sdelay $0x1  }
0xa2: {  	s23 =	simm.s32 $0x1B8B  }
0xa3: {  	_ =	swait.ge [sflag:s23], $0x1  }
0xa4: {  	[sflag:s23] =	ssyncset.done $0x0  }
0xa5: {  	s25 =	simm.s32 $0x1B8E;
	s24 =	sld [smem:$0x3FFE];
	[sflag:s23] =	ssyncadd.s32 $0xFFFFFFFF  }
0xa6: {  	s26 =	simm.s32 $execute0_lowered;
	[smem:$0x3FD2] =	sst s25  }
0xa7: {  	s6 =	sshll.u32 s26, $0x1;
	_ =	strace $0x80000046;
	[dreg:$0x1] =	wrdreg $0xFFFFFFFF  }
0xa8: {  	s28 =	simm.s32 $_size_execute0_lowered;
	s4 =	sadd.s32 s4, s6;
	[dreg:$0x0] =	wrdreg $0x0  }
0xa9: {  	s6 =	sshll.u32 s28, $0x1;
	[dreg:$0x2] =	wrdreg s4  }
0xaa: {  	[dreg:$0x3] =	wrdreg s6  }
0xab: {  	[dreg:$0x4] =	wrdreg $0xC0  }
0xac: {  	_ =	task [dreg:s8], $0x5FFFF  }
0xad: {  	[dreg:$0x1] =	wrdreg $0xFFFFFFFF  }
0xae: {  	[dreg:$0x0] =	wrdreg $0x60  }
0xaf: {  	[dreg:$0x2] =	wrdreg s2  }
0xb0: {  	[dreg:$0x3] =	wrdreg s18  }
0xb1: {  	[dreg:$0x4] =	wrdreg s24  }
0xb2: {  	[dreg:$0x5] =	wrdreg $0x9  }
0xb3: {  	_ =	task.clear_ibuf [dreg:s8], $0x6FFFF;
	_ =	strace $0x90000046  }
0xb4: {  	s29 =	simm.s32 $0x9;
	_ =	strace $0x80000048  }
0xb5: {  	_ =	swait.ge [sflag:s29], $0x1  }
0xb6: {  	[sflag:s29] =	ssyncadd.s32 $0xFFFFFFFF  }
0xb7: {  	_ =	strace $0x90000048  }
0xb8: {  	_ =	sfence  }
0xb9: {  	s30 =	sld [smem:$0x0];
	_ =	sdelay $0x2  }
0xba: {  	s31 =	sshll.u32 s1, $0xD;
	s1 =	sshrl.u32 s1, $0x2  }
0xbb: {  	s3 =	sand.u32 $0x4000, s31;
	s1 =	sadd.s32 s1, s30  }
0xbc: {  	s0 =	sor.u32 s3, s0;
	s1 =	sshll.u32 s1, $0x11  }
0xbd: {  	s0 =	sor.u32 s1, s0  }
0xbe: {  	s0 =	sadd.s32 $0x8F2B, s0  }
0xbf: {  	[sflag:s0] =	ssyncadd.remote.s32 $0x1  }
0xc0: {  	_ =	sfence.sel $0xFFFF  }
0xc1: {  	[dreg:$0x0] =	wrdreg $0xFFFFFFFF;
	(pc) =	sbr.abs _section_cstart, $3  }
0xc2: {  	[dreg:$0x1] =	wrdreg $0xFFFFFFFF  }
0xc3: {  	_ =	task.clear_ibuf [dreg:s8], $0x2FFFF;
	_ =	strace $0x9FFFFFFF  }
0xc4: {  	(tm) =	ssettm $0x7FFFFFFF  }
0xc5: {  	_ =	shalt  }
tec
execute0_lowered:
.L_overlay_start_1:
0x0: {  	(tag) =	ssettag $0x1  }
0x1: {  	s0 =	srdreg.scid;
	s10 =	rddreg [dreg:$0x0]  }
0x2: {  	s6 =	stileid.u32;
	s16 =	rddreg [dreg:$0x1]  }
0x3: {  	s2 =	simm.s32 $0x1;
	s3 =	rddreg [dreg:$0x2];
	s7 =	simm.s32 $0x0  }
0x4: {  	s29 =	simm.s32 $0x12000;
	s28 =	simm.s32 $0x12400;
	s31 =	simm.s32 $0x12800  }
0x5: {  	s13 =	simm.s32 $0x12E00;
	s14 =	simm.s32 $0x13800;
	s0 =	sand.u32 $0x1, s0  }
0x6: {  	s15 =	simm.s32 $0x13C00;
	s11 =	simm.s32 $0x13E00;
	s1 =	sor.u32 s0, s6  }
0x7: {  	s12 =	simm.s32 $0x14A00;
	p1 =	seq.s32 s0, $0x1;
	p0 =	seq.s32 s1, $0x0  }
0x8: {  	[smem:$0x7FF] =	sst s7;
	s17 =	sshll.u32 s6, $0x6;
	p0 =	por !p0, !p1  }
0x9: {  	s7 =	simm.s32 $0x14200;
	s5 =	sshll.u32 s0, $0x7;
	p0 =	por !p0, !p0  }
0xa: {  	_ =	strace $0x80000047;
	s18 =	ssub.s32 $0x2, s0;
	s2 =	simm.s32 @!p0 $0x0  }
0xb: {  	s20 =	sshll.u32 s0, $0x12;
	s22 =	sshrl.u32 s18, $0x1;
	s2 =	ssub.s32 s6, s2  }
0xc: {  	p0 =	sne.s32 s0, $0x0;
	s0 =	simm.s32 $0x12A00;
	s4 =	sshll.u32 s2, $0xF  }
0xd: {  	s19 =	sshll.u32 s2, $0x13;
	s8 =	sshll.u32 s2, $0xD;
	s2 =	sshll.u32 s2, $0x7  }
0xe: {  	s4 =	sor.u32 s5, s4;
	s6 =	sor.u32 s20, s19;
	s21 =	sand.u32 $0xFFFF0000, s8  }
0xf: {  	s2 =	sand.u32 $0x380, s2;
	s5 =	ssub.s32 s18, s22;
	s22 =	simm.s32 $0x80  }
0x10: {  	s8 =	simm.s32 $0x13200;
	s4 =	sshrl.u32 s4, $0x3;
	s9 =	sshrl.u32 s6, $0x3  }
0x11: {  	s2 =	sor.u32 s2, s21;
	s24 =	sor.u32 $0x4000, s6;
	s30 =	smax.u32 s5, $0x1  }
0x12: {  	s6 =	simm.s32 $0x13000;
	s5 =	simm.s32 $0x14400;
	s21 =	simm.s32 $0x0  }
0x13: {  	s4 =	sadd.s32 s4, s3;
	s3 =	sadd.s32 s17, s3;
	[dreg:$0x7] =	wrdreg s24  }
0x14: {  	s23 =	sadd.s32 s10, s9;
	s2 =	sshrl.u32 s2, $0x3;
	[dreg:$0xa] =	wrdreg s30  }
0x15: {  	s24 =	simm.s32 $0x16000;
	s9 =	simm.s32 $0x13400;
	s10 =	simm.s32 $0x13600  }
0x16: {  	s17 =	simm.s32 $0x14600;
	[dreg:$0x5] =	wrdreg s23;
	s1 =	sadd.s32 s16, s2  }
0x17: {  	s25 =	sadd.s32 $0xC00, s4;
	s26 =	sadd.s32 $0x10C00, s3;
	s23 =	simm.s32 $0x3  }
0x18: {  	s2 =	simm.s32 $0x12600;
	s3 =	simm.s32 $0x12C00;
	[dreg:$0x6] =	wrdreg s1  }
0x19: {  	s4 =	simm.s32 $0x14000;
	s16 =	simm.s32 $0x14800;
	[dreg:$0x8] =	wrdreg s25  }
0x1a: {  	v0 =	vimm.f32 $0.0e+00;
	v1 =	vlaneseq.u32;
	v2 =	vimm.f32 $1.000000000e+00;
	[dreg:$0x9] =	wrdreg s26;
	s25 =	simm.s32 $0x12200;
	s1 =	simm.s32 $0x13A00  }
.LBB2_1:
0x1b: {  	[dreg:$0xb] =	wrdreg s21  }
0x1c: {  	s19 =	rddreg [dreg:$0x5];
	s20 =	simm.s32 $0x10000;
	s18 =	simm.s32 $0x2000  }
0x1d: {  	[tilespmem:s18], [sflag:$0x1] =	stream.strided.gather [hbm4b:s19+s18], $0x8000, s20, s18, $0x38;
	[tilespmem:$0x16200] =	vst v63  }
0x1e: {  	s21 =	simm.s32 $0x0;
	s26 =	rddreg [dreg:$0x6];
	s30 =	simm.s32 $0x400  }
0x1f: {  	[tilespmem:s21], [sflag:$0x3] =	stream.strided.gather [hbm4b:s26+s22], $0x2000, s30, s22, $0x38;
	[tilespmem:$0x16200] =	vst v63  }
0x20: {  	_ =	swait.ge [sflag:s23], $0x2000  }
0x21: {  	[sflag:s23] =	ssyncset.done $0x0  }
0x22: {  	s19 =	simm.s32 $0x12040;
	[sflag:s23] =	ssyncadd.s32 $0xFFFFE000  }
0x23: {  	[tilespmem:s19+$0xFFFFFFC0] =	vst v0  }
0x24: {  	[tilespmem:s19+$0x30] =	vst v0  }
0x25: {  	[tilespmem:s19+$0x20] =	vst v0  }
0x26: {  	[tilespmem:s19+$0x10] =	vst v0  }
0x27: {  	[tilespmem:s19+$0x0] =	vst v0  }
0x28: {  	[tilespmem:s19+$0xFFFFFFF0] =	vst v0  }
0x29: {  	s20 =	simm.s32 $0x0;
	[tilespmem:s19+$0xFFFFFFE0] =	vst v0  }
.LBB2_2:
0x2a: {  	s20 =	sadd.s32 $0x8, s20;
	[tilespmem:s19+$0xFFFFFFD0] =	vst v0;
	s19 =	sadd.s32 $0x80, s19  }
0x2b: {  	[tilespmem:s19+$0xFFFFFFC0] =	vst v0;
	p1 =	slt.u32 s20, $0x3F8  }
0x2c: {  	[tilespmem:s19+$0x30] =	vst v0  }
.Ltmp0:
0x2d: {  	[tilespmem:s19+$0x20] =	vst v0;
	(pc) =	sbr.rel @p1 .LBB2_2-.Ltmp0, $4  }
0x2e: {  	[tilespmem:s19+$0x10] =	vst v0  }
0x2f: {  	[tilespmem:s19+$0x0] =	vst v0  }
0x30: {  	[tilespmem:s19+$0xFFFFFFF0] =	vst v0  }
0x31: {  	[tilespmem:s19+$0xFFFFFFE0] =	vst v0  }
0x32: {  	[tilespmem:s19+$0xFFFFFFD0] =	vst v0  }
0x33: {  	[tilespmem:$0x16000] =	vst v0  }
0x34: {  	[tilespmem:$0x16010] =	vst v0  }
0x35: {  	[tilespmem:$0x16020] =	vst v0  }
0x36: {  	[tilespmem:$0x16030] =	vst v0  }
0x37: {  	[tilespmem:$0x16040] =	vst v0  }
0x38: {  	[tilespmem:$0x16050] =	vst v0  }
0x39: {  	[tilespmem:$0x16060] =	vst v0  }
0x3a: {  	[tilespmem:$0x16070] =	vst v0  }
0x3b: {  	[tilespmem:$0x16080] =	vst v0  }
0x3c: {  	[tilespmem:$0x16090] =	vst v0  }
0x3d: {  	[tilespmem:$0x160A0] =	vst v0  }
0x3e: {  	[tilespmem:$0x160B0] =	vst v0  }
0x3f: {  	[tilespmem:$0x160C0] =	vst v0  }
0x40: {  	[tilespmem:$0x160D0] =	vst v0  }
0x41: {  	[tilespmem:$0x160E0] =	vst v0  }
0x42: {  	[tilespmem:$0x160F0] =	vst v0  }
0x43: {  	[tilespmem:$0x16100] =	vst v0  }
0x44: {  	[tilespmem:$0x16110] =	vst v0  }
0x45: {  	[tilespmem:$0x16120] =	vst v0  }
0x46: {  	[tilespmem:$0x16130] =	vst v0  }
0x47: {  	[tilespmem:$0x16140] =	vst v0  }
0x48: {  	[tilespmem:$0x16150] =	vst v0  }
0x49: {  	[tilespmem:$0x16160] =	vst v0  }
0x4a: {  	[tilespmem:$0x16170] =	vst v0  }
0x4b: {  	[tilespmem:$0x16180] =	vst v0  }
0x4c: {  	[tilespmem:$0x16190] =	vst v0  }
0x4d: {  	[tilespmem:$0x161A0] =	vst v0  }
0x4e: {  	[tilespmem:$0x161B0] =	vst v0  }
0x4f: {  	[tilespmem:$0x161C0] =	vst v0  }
0x50: {  	[tilespmem:$0x161D0] =	vst v0  }
0x51: {  	[tilespmem:$0x161E0] =	vst v0  }
0x52: {  	s19 =	simm.s32 $0x20;
	[tilespmem:$0x161F0] =	vst v0  }
0x53: {  	v3 =	vld [tilespmem:s19+$0x10]  }
0x54: {  	v4 =	vld [tilespmem:s19+$0xFFFFFFF0]  }
0x55: {  	v6 =	vld [tilespmem:s19+$0x0];
	_ =	sdelay $0x1  }
0x56: {  	v5 =	vld [tilespmem:s19+$0xFFFFFFE0];
	_ =	sdelay $0x1  }
0x57: {  	v3 =	vshll.u32 v3, $0x4;
	v7 =	vshll.u32 v4, $0x4  }
0x58: {  	s20 =	simm.s32 $0x0;
	s21 =	simm.s32 $0x60;
	v6 =	vshll.u32 v6, $0x4;
	v4 =	vor.u32 v1, v3;
	v3 =	vor.u32 v1, v7  }
.LBB2_4:
0x59: {  	v7 =	vld [tilespmem:s21+$0x10];
	s20 =	sadd.s32 $0x4, s20;
	[tilespmem:s19+$0xFFFFFFF0] =	vst v3;
	v6 =	vor.u32 v1, v6  }
0x5a: {  	v8 =	vld [tilespmem:s21+$0xFFFFFFF0];
	p1 =	slt.u32 s20, $0x1FC;
	v5 =	vshll.u32 v5, $0x4;
	[tilespmem:s19+$0x0] =	vst v6  }
0x5b: {  	v9 =	vld [tilespmem:s21+$0x0];
	v10 =	vor.u32 v1, v5;
	[tilespmem:s19+$0x10] =	vst v4  }
.Ltmp1:
0x5c: {  	[tilespmem:v4+s24+$0x0] =	vst.idx.add.f32.msk $0xffff, v2;
	(pc) =	sbr.rel @p1 .LBB2_4-.Ltmp1, $4  }
0x5d: {  	v5 =	vld [tilespmem:s21+$0xFFFFFFE0];
	[tilespmem:s19+$0xFFFFFFE0] =	vst v10;
	s19 =	smov.u32 s21  }
0x5e: {  	v4 =	vshll.u32 v7, $0x4;
	[tilespmem:v3+s24+$0x0] =	vst.idx.add.f32.msk $0xffff, v2  }
0x5f: {  	v3 =	vshll.u32 v8, $0x4;
	v4 =	vor.u32 v1, v4;
	[tilespmem:v6+s24+$0x0] =	vst.idx.add.f32.msk $0xffff, v2  }
0x60: {  	s21 =	sadd.s32 $0x40, s21;
	v3 =	vor.u32 v1, v3;
	v6 =	vshll.u32 v9, $0x4;
	[tilespmem:v10+s24+$0x0] =	vst.idx.add.f32.msk $0xffff, v2  }
0x61: {  	_ = 	snop  }
0x62: {  	[tilespmem:s19+$0xFFFFFFF0] =	vst v3  }
0x63: {  	v6 =	vor.u32 v1, v6;
	[tilespmem:s19+$0x10] =	vst v4;
	v5 =	vshll.u32 v5, $0x4  }
0x64: {  	[tilespmem:s19+$0x0] =	vst v6;
	v5 =	vor.u32 v1, v5  }
0x65: {  	[tilespmem:v4+s24+$0x0] =	vst.idx.add.f32.msk $0xffff, v2  }
0x66: {  	[tilespmem:v3+s24+$0x0] =	vst.idx.add.f32.msk $0xffff, v2  }
0x67: {  	[tilespmem:s19+$0xFFFFFFE0] =	vst v5  }
0x68: {  	[tilespmem:v6+s24+$0x0] =	vst.idx.add.f32.msk $0xffff, v2  }
0x69: {  	s19 =	simm.s32 $0x0;
	[tilespmem:v5+s24+$0x0] =	vst.idx.add.f32.msk $0xffff, v2  }
.LBB2_7:
0x6a: {  	[dreg:$0xd] =	wrdreg s19;
	s20 =	sshll.u32 s19, $0xB  }
0x6b: {  	s21 =	rddreg [dreg:$0x5];
	s22 =	simm.s32 $0x10000;
	s19 =	sor.u32 $0x400, s20  }
0x6c: {  	s23 =	simm.s32 $0x2000;
	s24 =	simm.s32 $0xA000;
	s21 =	sadd.s32 s19, s21  }
0x6d: {  	[tilespmem:s24], [sflag:$0x2] =	stream.strided.gather [hbm4b:s21+s23], $0x8000, s22, s23, $0x38;
	[tilespmem:$0x16200] =	vst v63  }
0x6e: {  	s20 =	sand.u32 $0x3FFFF800, s20;
	[dreg:$0xc] =	wrdreg s19;
	s22 =	simm.s32 $0x1  }
0x6f: {  	s24 =	simm.s32 $0x0;
	_ =	swait.ge [sflag:s22], $0x8000;
	[dreg:$0x4] =	wrdreg s20  }
0x70: {  	s26 =	sand.u32 $0x380, s24;
	s20 =	rddreg [dreg:$0x4]  }
0x71: {  	s18 =	sand.u32 $0x70, s24;
	[sflag:s22] =	ssyncset.done $0x0;
	s20 =	sadd.s32 s26, s20  }
0x72: {  	[sflag:s22] =	ssyncadd.s32 $0xFFFF8000;
	s20 =	sadd.s32 s18, s20  }
0x73: {  	v3 =	vld [tilespmem:s20+$0x0]  }
0x74: {  	s19 =	sand.u32 $0x1C00, s24  }
0x75: {  	s19 =	sor.u32 s18, s19  }
0x76: {  	v4 =	vld [tilespmem:s19+$0x2000];
	_ =	sdelay $0x4  }
0x77: {  	[tilespmem:v3+s29+$0x0] =	vst.idx.add.f32.msk $0xffff, v4  }
0x78: {  	v4 =	vld [tilespmem:s19+$0x2080];
	_ =	sdelay $0x4  }
0x79: {  	[tilespmem:v3+s25+$0x0] =	vst.idx.add.f32.msk $0xffff, v4  }
0x7a: {  	v4 =	vld [tilespmem:s19+$0x2100];
	_ =	sdelay $0x4  }
0x7b: {  	[tilespmem:v3+s28+$0x0] =	vst.idx.add.f32.msk $0xffff, v4  }
0x7c: {  	v4 =	vld [tilespmem:s19+$0x2180];
	_ =	sdelay $0x4  }
0x7d: {  	[tilespmem:v3+s2+$0x0] =	vst.idx.add.f32.msk $0xffff, v4  }
0x7e: {  	v4 =	vld [tilespmem:s19+$0x2200];
	_ =	sdelay $0x4  }
0x7f: {  	[tilespmem:v3+s31+$0x0] =	vst.idx.add.f32.msk $0xffff, v4  }
0x80: {  	v4 =	vld [tilespmem:s19+$0x2280];
	_ =	sdelay $0x4  }
0x81: {  	[tilespmem:v3+s0+$0x0] =	vst.idx.add.f32.msk $0xffff, v4  }
0x82: {  	v4 =	vld [tilespmem:s19+$0x2300];
	_ =	sdelay $0x3  }
0x83: {  	s21 =	sor.u32 s24, s24  }
0x84: {  	s20 =	sor.u32 $0x380, s21;
	[tilespmem:v3+s3+$0x0] =	vst.idx.add.f32.msk $0xffff, v4  }
0x85: {  	v4 =	vld [tilespmem:s20+$0x2000];
	_ =	sdelay $0x4  }
0x86: {  	[tilespmem:v3+s13+$0x0] =	vst.idx.add.f32.msk $0xffff, v4  }
0x87: {  	v4 =	vld [tilespmem:s19+$0x4000];
	_ =	sdelay $0x4  }
0x88: {  	[tilespmem:v3+s6+$0x0] =	vst.idx.add.f32.msk $0xffff, v4  }
0x89: {  	v4 =	vld [tilespmem:s19+$0x4080];
	_ =	sdelay $0x2  }
0x8a: {  	s21 =	simm.s32 $0x10  }
0x8b: {  	s22 =	rddreg [dreg:$0x4];
	s23 =	sand.u32 $0x380, s21  }
0x8c: {  	s24 =	sand.u32 $0x70, s21;
	s20 =	sadd.s32 s23, s22;
	[tilespmem:v3+s8+$0x0] =	vst.idx.add.f32.msk $0xffff, v4  }
0x8d: {  	s20 =	sadd.s32 s24, s20;
	v5 =	vld [tilespmem:s19+$0x4100]  }
0x8e: {  	s26 =	simm.s32 $0x80;
	v4 =	vld [tilespmem:s20+$0x0]  }
0x8f: {  	s18 =	sand.u32 $0x1C00, s26  }
0x90: {  	s20 =	sor.u32 s24, s18  }
0x91: {  	v6 =	vld [tilespmem:s20+$0x2000]  }
0x92: {  	[tilespmem:v3+s9+$0x0] =	vst.idx.add.f32.msk $0xffff, v5  }
0x93: {  	v5 =	vld [tilespmem:s19+$0x4180];
	_ =	sdelay $0x2  }
0x94: {  	[tilespmem:v4+s29+$0x0] =	vst.idx.add.f32.msk $0xffff, v6  }
0x95: {  	v6 =	vld [tilespmem:s20+$0x2080]  }
0x96: {  	[tilespmem:v3+s10+$0x0] =	vst.idx.add.f32.msk $0xffff, v5  }
0x97: {  	v5 =	vld [tilespmem:s19+$0x4200];
	_ =	sdelay $0x2  }
0x98: {  	[tilespmem:v4+s25+$0x0] =	vst.idx.add.f32.msk $0xffff, v6  }
0x99: {  	v6 =	vld [tilespmem:s20+$0x2100]  }
0x9a: {  	[tilespmem:v3+s14+$0x0] =	vst.idx.add.f32.msk $0xffff, v5  }
0x9b: {  	v5 =	vld [tilespmem:s19+$0x4280];
	_ =	sdelay $0x2  }
0x9c: {  	[tilespmem:v4+s28+$0x0] =	vst.idx.add.f32.msk $0xffff, v6  }
0x9d: {  	v6 =	vld [tilespmem:s20+$0x2180]  }
0x9e: {  	[tilespmem:v3+s1+$0x0] =	vst.idx.add.f32.msk $0xffff, v5  }
0x9f: {  	v5 =	vld [tilespmem:s19+$0x4300];
	_ =	sdelay $0x2  }
0xa0: {  	[tilespmem:v4+s2+$0x0] =	vst.idx.add.f32.msk $0xffff, v6  }
0xa1: {  	v6 =	vld [tilespmem:s20+$0x2200]  }
0xa2: {  	[tilespmem:v3+s15+$0x0] =	vst.idx.add.f32.msk $0xffff, v5  }
0xa3: {  	v5 =	vld [tilespmem:s19+$0x4380];
	_ =	sdelay $0x2  }
0xa4: {  	[tilespmem:v4+s31+$0x0] =	vst.idx.add.f32.msk $0xffff, v6  }
0xa5: {  	v6 =	vld [tilespmem:s20+$0x2280]  }
0xa6: {  	[tilespmem:v3+s11+$0x0] =	vst.idx.add.f32.msk $0xffff, v5  }
0xa7: {  	v5 =	vld [tilespmem:s19+$0x6000];
	_ =	sdelay $0x2  }
0xa8: {  	[tilespmem:v4+s0+$0x0] =	vst.idx.add.f32.msk $0xffff, v6  }
0xa9: {  	v6 =	vld [tilespmem:s20+$0x2300]  }
0xaa: {  	[tilespmem:v3+s4+$0x0] =	vst.idx.add.f32.msk $0xffff, v5  }
0xab: {  	v5 =	vld [tilespmem:s19+$0x6080];
	_ =	sdelay $0x1  }
0xac: {  	s21 =	sor.u32 s26, s21  }
0xad: {  	s21 =	sor.u32 $0x380, s21;
	[tilespmem:v4+s3+$0x0] =	vst.idx.add.f32.msk $0xffff, v6  }
0xae: {  	v6 =	vld [tilespmem:s21+$0x2000]  }
0xaf: {  	[tilespmem:v3+s7+$0x0] =	vst.idx.add.f32.msk $0xffff, v5  }
0xb0: {  	v5 =	vld [tilespmem:s19+$0x6100];
	_ =	sdelay $0x2  }
0xb1: {  	[tilespmem:v4+s13+$0x0] =	vst.idx.add.f32.msk $0xffff, v6  }
0xb2: {  	v6 =	vld [tilespmem:s20+$0x4000]  }
0xb3: {  	[tilespmem:v3+s5+$0x0] =	vst.idx.add.f32.msk $0xffff, v5  }
0xb4: {  	v5 =	vld [tilespmem:s19+$0x6180];
	_ =	sdelay $0x2  }
0xb5: {  	[tilespmem:v4+s6+$0x0] =	vst.idx.add.f32.msk $0xffff, v6  }
0xb6: {  	s24 =	simm.s32 $0x20;
	v6 =	vld [tilespmem:s20+$0x4080]  }
0xb7: {  	s22 =	rddreg [dreg:$0x4];
	s25 =	sand.u32 $0x380, s24;
	[tilespmem:v3+s17+$0x0] =	vst.idx.add.f32.msk $0xffff, v5  }
0xb8: {  	s26 =	sand.u32 $0x70, s24;
	s21 =	sadd.s32 s25, s22;
	v7 =	vld [tilespmem:s19+$0x6200]  }
0xb9: {  	s21 =	sadd.s32 s26, s21  }
0xba: {  	v5 =	vld [tilespmem:s21+$0x0]  }
0xbb: {  	s22 =	simm.s32 $0x30;
	[tilespmem:v4+s8+$0x0] =	vst.idx.add.f32.msk $0xffff, v6  }
0xbc: {  	s25 =	rddreg [dreg:$0x4];
	s21 =	sand.u32 $0x380, s22;
	v8 =	vld [tilespmem:s20+$0x4100]  }
0xbd: {  	s23 =	simm.s32 $0x100;
	s24 =	sand.u32 $0x70, s22;
	s21 =	sadd.s32 s21, s25;
	[tilespmem:v3+s16+$0x0] =	vst.idx.add.f32.msk $0xffff, v7  }
0xbe: {  	s25 =	sadd.s32 s24, s21;
	s16 =	sand.u32 $0x1C00, s23;
	v7 =	vld [tilespmem:s19+$0x6280]  }
0xbf: {  	v6 =	vld [tilespmem:s25+$0x0];
	s21 =	sor.u32 s26, s16  }
0xc0: {  	v9 =	vld [tilespmem:s21+$0x2000]  }
0xc1: {  	[tilespmem:v4+s9+$0x0] =	vst.idx.add.f32.msk $0xffff, v8  }
0xc2: {  	v8 =	vld [tilespmem:s20+$0x4180]  }
0xc3: {  	[tilespmem:v3+s12+$0x0] =	vst.idx.add.f32.msk $0xffff, v7  }
0xc4: {  	v7 =	vld [tilespmem:s19+$0x6300]  }
0xc5: {  	[tilespmem:v5+s29+$0x0] =	vst.idx.add.f32.msk $0xffff, v9  }
0xc6: {  	v9 =	vld [tilespmem:s21+$0x2080]  }
0xc7: {  	[tilespmem:v4+s10+$0x0] =	vst.idx.add.f32.msk $0xffff, v8  }
0xc8: {  	s29 =	simm.s32 $0x14C00;
	v8 =	vld [tilespmem:s20+$0x4200]  }
0xc9: {  	[tilespmem:v3+s29+$0x0] =	vst.idx.add.f32.msk $0xffff, v7  }
0xca: {  	s30 =	simm.s32 $0x12200;
	v7 =	vld [tilespmem:s19+$0x6380]  }
0xcb: {  	[tilespmem:v5+s30+$0x0] =	vst.idx.add.f32.msk $0xffff, v9  }
0xcc: {  	v9 =	vld [tilespmem:s21+$0x2100]  }
0xcd: {  	[tilespmem:v4+s14+$0x0] =	vst.idx.add.f32.msk $0xffff, v8  }
0xce: {  	s10 =	simm.s32 $0x14E00;
	v8 =	vld [tilespmem:s20+$0x4280]  }
0xcf: {  	[tilespmem:v3+s10+$0x0] =	vst.idx.add.f32.msk $0xffff, v7  }
0xd0: {  	v7 =	vld [tilespmem:s19+$0x8000]  }
0xd1: {  	[tilespmem:v5+s28+$0x0] =	vst.idx.add.f32.msk $0xffff, v9  }
0xd2: {  	v9 =	vld [tilespmem:s21+$0x2180]  }
0xd3: {  	[tilespmem:v4+s1+$0x0] =	vst.idx.add.f32.msk $0xffff, v8  }
0xd4: {  	s12 =	simm.s32 $0x15000;
	v8 =	vld [tilespmem:s20+$0x4300]  }
0xd5: {  	[tilespmem:v3+s12+$0x0] =	vst.idx.add.f32.msk $0xffff, v7  }
0xd6: {  	v7 =	vld [tilespmem:s19+$0x8080]  }
0xd7: {  	[tilespmem:v5+s2+$0x0] =	vst.idx.add.f32.msk $0xffff, v9  }
0xd8: {  	v9 =	vld [tilespmem:s21+$0x2200]  }
0xd9: {  	[tilespmem:v4+s15+$0x0] =	vst.idx.add.f32.msk $0xffff, v8  }
0xda: {  	s14 =	simm.s32 $0x15200;
	v8 =	vld [tilespmem:s20+$0x4380]  }
0xdb: {  	[tilespmem:v3+s14+$0x0] =	vst.idx.add.f32.msk $0xffff, v7  }
0xdc: {  	v7 =	vld [tilespmem:s19+$0x8100]  }
0xdd: {  	[tilespmem:v5+s31+$0x0] =	vst.idx.add.f32.msk $0xffff, v9  }
0xde: {  	v9 =	vld [tilespmem:s21+$0x2280]  }
0xdf: {  	[tilespmem:v4+s11+$0x0] =	vst.idx.add.f32.msk $0xffff, v8  }
0xe0: {  	s15 =	simm.s32 $0x15400;
	v8 =	vld [tilespmem:s20+$0x6000]  }
0xe1: {  	[tilespmem:v3+s15+$0x0] =	vst.idx.add.f32.msk $0xffff, v7  }
0xe2: {  	v7 =	vld [tilespmem:s19+$0x8180]  }
0xe3: {  	[tilespmem:v5+s0+$0x0] =	vst.idx.add.f32.msk $0xffff, v9  }
0xe4: {  	v9 =	vld [tilespmem:s21+$0x2300]  }
0xe5: {  	[tilespmem:v4+s4+$0x0] =	vst.idx.add.f32.msk $0xffff, v8  }
0xe6: {  	s16 =	simm.s32 $0x15600;
	v8 =	vld [tilespmem:s20+$0x6080]  }
0xe7: {  	s18 =	simm.s32 $0x20;
	[tilespmem:v3+s16+$0x0] =	vst.idx.add.f32.msk $0xffff, v7  }
0xe8: {  	s18 =	sor.u32 s23, s18;
	v7 =	vld [tilespmem:s19+$0x8200]  }
0xe9: {  	s25 =	sor.u32 $0x380, s18;
	[tilespmem:v5+s3+$0x0] =	vst.idx.add.f32.msk $0xffff, v9  }
0xea: {  	v9 =	vld [tilespmem:s25+$0x2000]  }
0xeb: {  	[tilespmem:v4+s7+$0x0] =	vst.idx.add.f32.msk $0xffff, v8  }
0xec: {  	s26 =	simm.s32 $0x15800;
	v8 =	vld [tilespmem:s20+$0x6100]  }
0xed: {  	[tilespmem:v3+s26+$0x0] =	vst.idx.add.f32.msk $0xffff, v7  }
0xee: {  	v7 =	vld [tilespmem:s19+$0x8280]  }
0xef: {  	[tilespmem:v5+s13+$0x0] =	vst.idx.add.f32.msk $0xffff, v9  }
0xf0: {  	v9 =	vld [tilespmem:s21+$0x4000]  }
0xf1: {  	[tilespmem:v4+s5+$0x0] =	vst.idx.add.f32.msk $0xffff, v8  }
0xf2: {  	s28 =	simm.s32 $0x15A00;
	v8 =	vld [tilespmem:s20+$0x6180]  }
0xf3: {  	[tilespmem:v3+s28+$0x0] =	vst.idx.add.f32.msk $0xffff, v7  }
0xf4: {  	s18 =	simm.s32 $0x13000;
	s9 =	simm.s32 $0x14400;
	v7 =	vld [tilespmem:s19+$0x8300]  }
0xf5: {  	s29 =	simm.s32 $0x15C00;
	s30 =	simm.s32 $0x12C00;
	s10 =	simm.s32 $0x14600;
	[tilespmem:v5+s6+$0x0] =	vst.idx.add.f32.msk $0xffff, v9  }
0xf6: {  	s1 =	simm.s32 $0x14A00;
	s2 =	simm.s32 $0x13800;
	s14 =	simm.s32 $0x13A00;
	v10 =	vld [tilespmem:s21+$0x4080]  }
0xf7: {  	s31 =	simm.s32 $0x13400;
	s11 =	simm.s32 $0x14E00;
	s15 =	simm.s32 $0x14800;
	[tilespmem:v4+s17+$0x0] =	vst.idx.add.f32.msk $0xffff, v8  }
0xf8: {  	s0 =	simm.s32 $0x13600;
	s4 =	simm.s32 $0x12400;
	s16 =	simm.s32 $0x12E00;
	v9 =	vld [tilespmem:s20+$0x6200]  }
0xf9: {  	s3 =	simm.s32 $0x13C00;
	s25 =	simm.s32 $0x40;
	s7 =	simm.s32 $0x12800;
	[tilespmem:v3+s29+$0x0] =	vst.idx.add.f32.msk $0xffff, v7  }
0xfa: {  	s13 =	simm.s32 $0x13E00;
	s5 =	simm.s32 $0x12A00;
	s6 =	simm.s32 $0x14000;
	v8 =	vld [tilespmem:s19+$0x8380]  }
0xfb: {  	s17 =	simm.s32 $0x14C00;
	v7 =	vmov v5;
	[tilespmem:v5+s8+$0x0] =	vst.idx.add.f32.msk $0xffff, v10;
	s19 =	simm.s32 $0x13200;
	s8 =	simm.s32 $0x14200  }
.LBB2_8:
0xfc: {  	v11 =	vld [tilespmem:s21+$0x4100]  }
0xfd: {  	s26 =	rddreg [dreg:$0x4];
	s23 =	sadd.s32 $0x80, s23;
	[tilespmem:v4+s15+$0x0] =	vst.idx.add.f32.msk $0xffff, v9  }
0xfe: {  	s28 =	sand.u32 $0x380, s25;
	s12 =	simm.s32 $0x15E00;
	s29 =	sand.u32 $0x1C00, s23;
	v9 =	vld [tilespmem:s20+$0x6280]  }
0xff: {  	s28 =	sadd.s32 s28, s26;
	s26 =	sor.u32 s24, s29;
	s24 =	sand.u32 $0x70, s25;
	[tilespmem:v3+s12+$0x0] =	vst.idx.add.f32.msk $0xffff, v8;
	v3 =	vmov v4  }
0x100: {  	s28 =	sadd.s32 s24, s28;
	v8 =	vld [tilespmem:s26+$0x2000]  }
0x101: {  	v10 =	vmov v6;
	v4 =	vmov v5;
	v5 =	vmov v6;
	v6 =	vld [tilespmem:s28+$0x0]  }
0x102: {  	[tilespmem:v7+s31+$0x0] =	vst.idx.add.f32.msk $0xffff, v11  }
0x103: {  	v7 =	vmov v10;
	v10 =	vld [tilespmem:s21+$0x4180]  }
0x104: {  	[tilespmem:v3+s1+$0x0] =	vst.idx.add.f32.msk $0xffff, v9  }
0x105: {  	s29 =	simm.s32 $0x12000;
	v9 =	vld [tilespmem:s20+$0x6300]  }
0x106: {  	[tilespmem:v5+s29+$0x0] =	vst.idx.add.f32.msk $0xffff, v8  }
0x107: {  	v8 =	vld [tilespmem:s26+$0x2080]  }
0x108: {  	[tilespmem:v4+s0+$0x0] =	vst.idx.add.f32.msk $0xffff, v10  }
0x109: {  	v10 =	vld [tilespmem:s21+$0x4200]  }
0x10a: {  	[tilespmem:v3+s17+$0x0] =	vst.idx.add.f32.msk $0xffff, v9  }
0x10b: {  	s12 =	simm.s32 $0x12200;
	v9 =	vld [tilespmem:s20+$0x6380]  }
0x10c: {  	[tilespmem:v5+s12+$0x0] =	vst.idx.add.f32.msk $0xffff, v8  }
0x10d: {  	v8 =	vld [tilespmem:s26+$0x2100]  }
0x10e: {  	[tilespmem:v4+s2+$0x0] =	vst.idx.add.f32.msk $0xffff, v10  }
0x10f: {  	v10 =	vld [tilespmem:s21+$0x4280]  }
0x110: {  	[tilespmem:v3+s11+$0x0] =	vst.idx.add.f32.msk $0xffff, v9  }
0x111: {  	v9 =	vld [tilespmem:s20+$0x8000]  }
0x112: {  	[tilespmem:v5+s4+$0x0] =	vst.idx.add.f32.msk $0xffff, v8  }
0x113: {  	v8 =	vld [tilespmem:s26+$0x2180]  }
0x114: {  	[tilespmem:v4+s14+$0x0] =	vst.idx.add.f32.msk $0xffff, v10  }
0x115: {  	s12 =	simm.s32 $0x15000;
	v10 =	vld [tilespmem:s21+$0x4300]  }
0x116: {  	[tilespmem:v3+s12+$0x0] =	vst.idx.add.f32.msk $0xffff, v9  }
0x117: {  	s12 =	simm.s32 $0x12600;
	v9 =	vld [tilespmem:s20+$0x8080]  }
0x118: {  	[tilespmem:v5+s12+$0x0] =	vst.idx.add.f32.msk $0xffff, v8  }
0x119: {  	v8 =	vld [tilespmem:s26+$0x2200]  }
0x11a: {  	[tilespmem:v4+s3+$0x0] =	vst.idx.add.f32.msk $0xffff, v10  }
0x11b: {  	s12 =	simm.s32 $0x15200;
	v10 =	vld [tilespmem:s21+$0x4380]  }
0x11c: {  	[tilespmem:v3+s12+$0x0] =	vst.idx.add.f32.msk $0xffff, v9  }
0x11d: {  	v9 =	vld [tilespmem:s20+$0x8100]  }
0x11e: {  	[tilespmem:v5+s7+$0x0] =	vst.idx.add.f32.msk $0xffff, v8  }
0x11f: {  	v8 =	vld [tilespmem:s26+$0x2280]  }
0x120: {  	[tilespmem:v4+s13+$0x0] =	vst.idx.add.f32.msk $0xffff, v10  }
0x121: {  	s12 =	simm.s32 $0x15400;
	v10 =	vld [tilespmem:s21+$0x6000]  }
0x122: {  	[tilespmem:v3+s12+$0x0] =	vst.idx.add.f32.msk $0xffff, v9  }
0x123: {  	v9 =	vld [tilespmem:s20+$0x8180]  }
0x124: {  	[tilespmem:v5+s5+$0x0] =	vst.idx.add.f32.msk $0xffff, v8  }
0x125: {  	v8 =	vld [tilespmem:s26+$0x2300]  }
0x126: {  	[tilespmem:v4+s6+$0x0] =	vst.idx.add.f32.msk $0xffff, v10  }
0x127: {  	s12 =	simm.s32 $0x15600;
	v10 =	vld [tilespmem:s21+$0x6080]  }
0x128: {  	[tilespmem:v3+s12+$0x0] =	vst.idx.add.f32.msk $0xffff, v9  }
0x129: {  	s28 =	sor.u32 s23, s22;
	v9 =	vld [tilespmem:s20+$0x8200]  }
0x12a: {  	s28 =	sor.u32 $0x380, s28;
	[tilespmem:v5+s30+$0x0] =	vst.idx.add.f32.msk $0xffff, v8  }
0x12b: {  	v8 =	vld [tilespmem:s28+$0x2000]  }
0x12c: {  	[tilespmem:v4+s8+$0x0] =	vst.idx.add.f32.msk $0xffff, v10  }
0x12d: {  	s28 =	simm.s32 $0x15800;
	v10 =	vld [tilespmem:s21+$0x6100]  }
0x12e: {  	[tilespmem:v3+s28+$0x0] =	vst.idx.add.f32.msk $0xffff, v9  }
0x12f: {  	v9 =	vld [tilespmem:s20+$0x8280]  }
0x130: {  	[tilespmem:v5+s16+$0x0] =	vst.idx.add.f32.msk $0xffff, v8  }
0x131: {  	v8 =	vld [tilespmem:s26+$0x4000]  }
0x132: {  	[tilespmem:v4+s9+$0x0] =	vst.idx.add.f32.msk $0xffff, v10  }
0x133: {  	s12 =	simm.s32 $0x15A00;
	v10 =	vld [tilespmem:s21+$0x6180]  }
0x134: {  	[tilespmem:v3+s12+$0x0] =	vst.idx.add.f32.msk $0xffff, v9  }
0x135: {  	v11 =	vld [tilespmem:s20+$0x8300]  }
0x136: {  	[tilespmem:v5+s18+$0x0] =	vst.idx.add.f32.msk $0xffff, v8  }
0x137: {  	p1 =	sne.s32 s25, $0x3F0;
	v12 =	vld [tilespmem:s26+$0x4080]  }
.Ltmp2:
0x138: {  	[tilespmem:v4+s10+$0x0] =	vst.idx.add.f32.msk $0xffff, v10;
	(pc) =	sbr.rel @p1 .LBB2_8-.Ltmp2, $4  }
0x139: {  	s12 =	simm.s32 $0x15C00;
	v9 =	vld [tilespmem:s21+$0x6200]  }
0x13a: {  	[tilespmem:v3+s12+$0x0] =	vst.idx.add.f32.msk $0xffff, v11  }
0x13b: {  	s22 =	smov.u32 s25;
	v8 =	vld [tilespmem:s20+$0x8380]  }
0x13c: {  	s25 =	sadd.s32 $0x10, s25;
	s20 =	smov.u32 s21;
	s21 =	smov.u32 s26;
	[tilespmem:v5+s19+$0x0] =	vst.idx.add.f32.msk $0xffff, v12  }
0x13d: {  	s25 =	sadd.s32 $0x80, s23  }
0x13e: {  	s23 =	sand.u32 $0x1C00, s25  }
0x13f: {  	s23 =	sor.u32 s24, s23  }
0x140: {  	v10 =	vld [tilespmem:s23+$0x2000];
	_ =	sdelay $0x4  }
0x141: {  	[tilespmem:v6+s29+$0x0] =	vst.idx.add.f32.msk $0xffff, v10  }
0x142: {  	v10 =	vld [tilespmem:s23+$0x2080];
	_ =	sdelay $0x3  }
0x143: {  	s0 =	simm.s32 $0x12200  }
0x144: {  	[tilespmem:v6+s0+$0x0] =	vst.idx.add.f32.msk $0xffff, v10  }
0x145: {  	v10 =	vld [tilespmem:s23+$0x2100];
	_ =	sdelay $0x3  }
0x146: {  	s7 =	simm.s32 $0x12400  }
0x147: {  	[tilespmem:v6+s7+$0x0] =	vst.idx.add.f32.msk $0xffff, v10  }
0x148: {  	v10 =	vld [tilespmem:s23+$0x2180];
	_ =	sdelay $0x3  }
0x149: {  	s8 =	simm.s32 $0x12600  }
0x14a: {  	[tilespmem:v6+s8+$0x0] =	vst.idx.add.f32.msk $0xffff, v10  }
0x14b: {  	v10 =	vld [tilespmem:s23+$0x2200];
	_ =	sdelay $0x3  }
0x14c: {  	s9 =	simm.s32 $0x12800  }
0x14d: {  	[tilespmem:v6+s9+$0x0] =	vst.idx.add.f32.msk $0xffff, v10  }
0x14e: {  	v10 =	vld [tilespmem:s23+$0x2280];
	_ =	sdelay $0x3  }
0x14f: {  	s10 =	simm.s32 $0x12A00  }
0x150: {  	[tilespmem:v6+s10+$0x0] =	vst.idx.add.f32.msk $0xffff, v10  }
0x151: {  	v10 =	vld [tilespmem:s23+$0x2300];
	_ =	sdelay $0x3  }
0x152: {  	s11 =	simm.s32 $0x12C00;
	s22 =	sor.u32 s25, s22  }
0x153: {  	s22 =	sor.u32 $0x380, s22;
	[tilespmem:v6+s11+$0x0] =	vst.idx.add.f32.msk $0xffff, v10  }
0x154: {  	v10 =	vld [tilespmem:s22+$0x2000];
	_ =	sdelay $0x3  }
0x155: {  	s12 =	simm.s32 $0x12E00  }
0x156: {  	[tilespmem:v6+s12+$0x0] =	vst.idx.add.f32.msk $0xffff, v10  }
0x157: {  	v10 =	vld [tilespmem:s23+$0x4000];
	_ =	sdelay $0x3  }
0x158: {  	s13 =	simm.s32 $0x13000  }
0x159: {  	[tilespmem:v6+s13+$0x0] =	vst.idx.add.f32.msk $0xffff, v10  }
0x15a: {  	v10 =	vld [tilespmem:s23+$0x4080];
	_ =	sdelay $0x3  }
0x15b: {  	v11 =	vld [tilespmem:s21+$0x4100];
	s14 =	simm.s32 $0x13200  }
0x15c: {  	[tilespmem:v6+s14+$0x0] =	vst.idx.add.f32.msk $0xffff, v10  }
0x15d: {  	v10 =	vld [tilespmem:s23+$0x4100];
	_ =	sdelay $0x1  }
0x15e: {  	s14 =	simm.s32 $0x13400  }
0x15f: {  	[tilespmem:v7+s14+$0x0] =	vst.idx.add.f32.msk $0xffff, v11  }
0x160: {  	v7 =	vld [tilespmem:s21+$0x4180]  }
0x161: {  	[tilespmem:v6+s14+$0x0] =	vst.idx.add.f32.msk $0xffff, v10  }
0x162: {  	v10 =	vld [tilespmem:s23+$0x4180];
	_ =	sdelay $0x1  }
0x163: {  	s16 =	simm.s32 $0x13600  }
0x164: {  	[tilespmem:v5+s16+$0x0] =	vst.idx.add.f32.msk $0xffff, v7  }
0x165: {  	v7 =	vld [tilespmem:s21+$0x4200]  }
0x166: {  	[tilespmem:v6+s16+$0x0] =	vst.idx.add.f32.msk $0xffff, v10  }
0x167: {  	v10 =	vld [tilespmem:s23+$0x4200];
	_ =	sdelay $0x1  }
0x168: {  	s18 =	simm.s32 $0x13800  }
0x169: {  	[tilespmem:v5+s18+$0x0] =	vst.idx.add.f32.msk $0xffff, v7  }
0x16a: {  	v7 =	vld [tilespmem:s21+$0x4280]  }
0x16b: {  	[tilespmem:v6+s18+$0x0] =	vst.idx.add.f32.msk $0xffff, v10  }
0x16c: {  	v10 =	vld [tilespmem:s23+$0x4280];
	_ =	sdelay $0x1  }
0x16d: {  	s15 =	simm.s32 $0x13A00  }
0x16e: {  	[tilespmem:v5+s15+$0x0] =	vst.idx.add.f32.msk $0xffff, v7  }
0x16f: {  	v7 =	vld [tilespmem:s21+$0x4300]  }
0x170: {  	[tilespmem:v6+s15+$0x0] =	vst.idx.add.f32.msk $0xffff, v10  }
0x171: {  	v10 =	vld [tilespmem:s23+$0x4300];
	_ =	sdelay $0x1  }
0x172: {  	s17 =	simm.s32 $0x13C00  }
0x173: {  	[tilespmem:v5+s17+$0x0] =	vst.idx.add.f32.msk $0xffff, v7  }
0x174: {  	v7 =	vld [tilespmem:s21+$0x4380]  }
0x175: {  	[tilespmem:v6+s17+$0x0] =	vst.idx.add.f32.msk $0xffff, v10  }
0x176: {  	v10 =	vld [tilespmem:s23+$0x4380];
	_ =	sdelay $0x1  }
0x177: {  	s1 =	simm.s32 $0x13E00  }
0x178: {  	[tilespmem:v5+s1+$0x0] =	vst.idx.add.f32.msk $0xffff, v7  }
0x179: {  	v7 =	vld [tilespmem:s21+$0x6000]  }
0x17a: {  	[tilespmem:v6+s1+$0x0] =	vst.idx.add.f32.msk $0xffff, v10  }
0x17b: {  	v10 =	vld [tilespmem:s23+$0x6000];
	_ =	sdelay $0x1  }
0x17c: {  	s19 =	simm.s32 $0x14000  }
0x17d: {  	[tilespmem:v5+s19+$0x0] =	vst.idx.add.f32.msk $0xffff, v7  }
0x17e: {  	v7 =	vld [tilespmem:s21+$0x6080]  }
0x17f: {  	[tilespmem:v6+s19+$0x0] =	vst.idx.add.f32.msk $0xffff, v10  }
0x180: {  	v10 =	vld [tilespmem:s23+$0x6080];
	_ =	sdelay $0x1  }
0x181: {  	s22 =	simm.s32 $0x14200  }
0x182: {  	[tilespmem:v5+s22+$0x0] =	vst.idx.add.f32.msk $0xffff, v7  }
0x183: {  	v7 =	vld [tilespmem:s21+$0x6100]  }
0x184: {  	[tilespmem:v6+s22+$0x0] =	vst.idx.add.f32.msk $0xffff, v10  }
0x185: {  	v10 =	vld [tilespmem:s23+$0x6100];
	_ =	sdelay $0x1  }
0x186: {  	s24 =	simm.s32 $0x14400  }
0x187: {  	[tilespmem:v5+s24+$0x0] =	vst.idx.add.f32.msk $0xffff, v7  }
0x188: {  	v7 =	vld [tilespmem:s21+$0x6180]  }
0x189: {  	[tilespmem:v6+s24+$0x0] =	vst.idx.add.f32.msk $0xffff, v10  }
0x18a: {  	v10 =	vld [tilespmem:s23+$0x6180];
	_ =	sdelay $0x1  }
0x18b: {  	s26 =	simm.s32 $0x14600  }
0x18c: {  	[tilespmem:v5+s26+$0x0] =	vst.idx.add.f32.msk $0xffff, v7  }
0x18d: {  	v7 =	vld [tilespmem:s21+$0x6200]  }
0x18e: {  	[tilespmem:v6+s26+$0x0] =	vst.idx.add.f32.msk $0xffff, v10  }
0x18f: {  	s0 =	simm.s32 $0x14800;
	v10 =	vld [tilespmem:s23+$0x6200]  }
0x190: {  	[tilespmem:v4+s0+$0x0] =	vst.idx.add.f32.msk $0xffff, v9  }
0x191: {  	v9 =	vld [tilespmem:s20+$0x6280]  }
0x192: {  	[tilespmem:v5+s0+$0x0] =	vst.idx.add.f32.msk $0xffff, v7  }
0x193: {  	v7 =	vld [tilespmem:s21+$0x6280]  }
0x194: {  	[tilespmem:v6+s0+$0x0] =	vst.idx.add.f32.msk $0xffff, v10  }
0x195: {  	s11 =	simm.s32 $0x14A00;
	v10 =	vld [tilespmem:s23+$0x6280]  }
0x196: {  	[tilespmem:v4+s11+$0x0] =	vst.idx.add.f32.msk $0xffff, v9  }
0x197: {  	v9 =	vld [tilespmem:s20+$0x6300]  }
0x198: {  	[tilespmem:v5+s11+$0x0] =	vst.idx.add.f32.msk $0xffff, v7  }
0x199: {  	v7 =	vld [tilespmem:s21+$0x6300]  }
0x19a: {  	[tilespmem:v6+s11+$0x0] =	vst.idx.add.f32.msk $0xffff, v10  }
0x19b: {  	s0 =	simm.s32 $0x14C00;
	v10 =	vld [tilespmem:s23+$0x6300]  }
0x19c: {  	[tilespmem:v4+s0+$0x0] =	vst.idx.add.f32.msk $0xffff, v9  }
0x19d: {  	v9 =	vld [tilespmem:s20+$0x6380]  }
0x19e: {  	[tilespmem:v5+s0+$0x0] =	vst.idx.add.f32.msk $0xffff, v7  }
0x19f: {  	v7 =	vld [tilespmem:s21+$0x6380]  }
0x1a0: {  	[tilespmem:v6+s0+$0x0] =	vst.idx.add.f32.msk $0xffff, v10  }
0x1a1: {  	s9 =	simm.s32 $0x14E00;
	v10 =	vld [tilespmem:s23+$0x6380]  }
0x1a2: {  	[tilespmem:v4+s9+$0x0] =	vst.idx.add.f32.msk $0xffff, v9  }
0x1a3: {  	v9 =	vld [tilespmem:s20+$0x8000]  }
0x1a4: {  	[tilespmem:v5+s9+$0x0] =	vst.idx.add.f32.msk $0xffff, v7  }
0x1a5: {  	v7 =	vld [tilespmem:s21+$0x8000]  }
0x1a6: {  	[tilespmem:v6+s9+$0x0] =	vst.idx.add.f32.msk $0xffff, v10  }
0x1a7: {  	s2 =	simm.s32 $0x15000;
	v10 =	vld [tilespmem:s23+$0x8000]  }
0x1a8: {  	[tilespmem:v4+s2+$0x0] =	vst.idx.add.f32.msk $0xffff, v9  }
0x1a9: {  	v9 =	vld [tilespmem:s20+$0x8080]  }
0x1aa: {  	[tilespmem:v5+s2+$0x0] =	vst.idx.add.f32.msk $0xffff, v7  }
0x1ab: {  	v7 =	vld [tilespmem:s21+$0x8080]  }
0x1ac: {  	[tilespmem:v6+s2+$0x0] =	vst.idx.add.f32.msk $0xffff, v10  }
0x1ad: {  	s3 =	simm.s32 $0x15200;
	v10 =	vld [tilespmem:s23+$0x8080]  }
0x1ae: {  	[tilespmem:v4+s3+$0x0] =	vst.idx.add.f32.msk $0xffff, v9  }
0x1af: {  	v9 =	vld [tilespmem:s20+$0x8100]  }
0x1b0: {  	[tilespmem:v5+s3+$0x0] =	vst.idx.add.f32.msk $0xffff, v7  }
0x1b1: {  	v7 =	vld [tilespmem:s21+$0x8100]  }
0x1b2: {  	[tilespmem:v6+s3+$0x0] =	vst.idx.add.f32.msk $0xffff, v10  }
0x1b3: {  	s4 =	simm.s32 $0x15400;
	v10 =	vld [tilespmem:s23+$0x8100]  }
0x1b4: {  	[tilespmem:v4+s4+$0x0] =	vst.idx.add.f32.msk $0xffff, v9  }
0x1b5: {  	v9 =	vld [tilespmem:s20+$0x8180]  }
0x1b6: {  	[tilespmem:v5+s4+$0x0] =	vst.idx.add.f32.msk $0xffff, v7  }
0x1b7: {  	v7 =	vld [tilespmem:s21+$0x8180]  }
0x1b8: {  	[tilespmem:v6+s4+$0x0] =	vst.idx.add.f32.msk $0xffff, v10  }
0x1b9: {  	s5 =	simm.s32 $0x15600;
	v10 =	vld [tilespmem:s23+$0x8180]  }
0x1ba: {  	[tilespmem:v4+s5+$0x0] =	vst.idx.add.f32.msk $0xffff, v9  }
0x1bb: {  	v9 =	vld [tilespmem:s20+$0x8200]  }
0x1bc: {  	[tilespmem:v5+s5+$0x0] =	vst.idx.add.f32.msk $0xffff, v7  }
0x1bd: {  	v7 =	vld [tilespmem:s21+$0x8200]  }
0x1be: {  	[tilespmem:v6+s5+$0x0] =	vst.idx.add.f32.msk $0xffff, v10  }
0x1bf: {  	v10 =	vld [tilespmem:s23+$0x8200]  }
0x1c0: {  	[tilespmem:v4+s28+$0x0] =	vst.idx.add.f32.msk $0xffff, v9  }
0x1c1: {  	v9 =	vld [tilespmem:s20+$0x8280]  }
0x1c2: {  	[tilespmem:v5+s28+$0x0] =	vst.idx.add.f32.msk $0xffff, v7  }
0x1c3: {  	v7 =	vld [tilespmem:s21+$0x8280]  }
0x1c4: {  	[tilespmem:v6+s28+$0x0] =	vst.idx.add.f32.msk $0xffff, v10  }
0x1c5: {  	s6 =	simm.s32 $0x15A00;
	v10 =	vld [tilespmem:s23+$0x8280]  }
0x1c6: {  	[tilespmem:v4+s6+$0x0] =	vst.idx.add.f32.msk $0xffff, v9  }
0x1c7: {  	v9 =	vld [tilespmem:s20+$0x8300]  }
0x1c8: {  	[tilespmem:v5+s6+$0x0] =	vst.idx.add.f32.msk $0xffff, v7  }
0x1c9: {  	v7 =	vld [tilespmem:s21+$0x8300]  }
0x1ca: {  	[tilespmem:v6+s6+$0x0] =	vst.idx.add.f32.msk $0xffff, v10  }
0x1cb: {  	s7 =	simm.s32 $0x15C00;
	v10 =	vld [tilespmem:s23+$0x8300]  }
0x1cc: {  	[tilespmem:v4+s7+$0x0] =	vst.idx.add.f32.msk $0xffff, v9  }
0x1cd: {  	v9 =	vld [tilespmem:s20+$0x8380]  }
0x1ce: {  	[tilespmem:v5+s7+$0x0] =	vst.idx.add.f32.msk $0xffff, v7  }
0x1cf: {  	v7 =	vld [tilespmem:s21+$0x8380]  }
0x1d0: {  	[tilespmem:v6+s7+$0x0] =	vst.idx.add.f32.msk $0xffff, v10  }
0x1d1: {  	s8 =	simm.s32 $0x15E00;
	v10 =	vld [tilespmem:s23+$0x8380]  }
0x1d2: {  	s15 =	rddreg [dreg:$0xd];
	[tilespmem:v3+s8+$0x0] =	vst.idx.add.f32.msk $0xffff, v8  }
0x1d3: {  	[tilespmem:v4+s8+$0x0] =	vst.idx.add.f32.msk $0xffff, v9;
	p1 =	seq.s32 s15, $0x3  }
0x1d4: {  	s21 =	rddreg [dreg:$0x7];
	s20 =	sshll.u32 @!p1 s15, $0xE  }
0x1d5: {  	s20 =	sadd.s32 @!p1 s21, s20  }
0x1d6: {  	s12 =	simm.s32 $0x2;
	[tilespmem:v5+s8+$0x0] =	vst.idx.add.f32.msk $0xffff, v7;
	s21 =	rddreg [dreg:$0x0];
	s20 =	sshrl.u32 @!p1 s20, $0x3  }
0x1d7: {  	s22 =	simm.s32 @!p1 $0x2000;
	[tilespmem:v6+s8+$0x0] =	vst.idx.add.f32.msk $0xffff, v10;
	s20 =	sadd.s32 @!p1 s21, s20;
	s21 =	simm.s32 @!p1 $0x10000  }
0x1d8: {  	[tilespmem:s22], [sflag:$0x1] =	stream.strided.gather @!p1 [hbm4b:s20+s22], $0x8000, s21, s22, $0x38;
	[tilespmem:$0x16200] =	vst v63  }
0x1d9: {  	s10 =	simm.s32 $0x0;
	_ =	swait.ge [sflag:s12], $0x8000  }
0x1da: {  	s13 =	sand.u32 $0x380, s10;
	s30 =	rddreg [dreg:$0xc]  }
0x1db: {  	s17 =	sand.u32 $0x70, s10;
	[sflag:s12] =	ssyncset.done $0x0;
	s21 =	sadd.s32 s13, s30  }
0x1dc: {  	[sflag:s12] =	ssyncadd.s32 $0xFFFF8000;
	s21 =	sadd.s32 s17, s21  }
0x1dd: {  	v3 =	vld [tilespmem:s21+$0x0]  }
0x1de: {  	s19 =	sand.u32 $0x1C00, s10  }
0x1df: {  	s24 =	sor.u32 s17, s19  }
0x1e0: {  	v4 =	vld [tilespmem:s24+$0xA000];
	_ =	sdelay $0x4  }
0x1e1: {  	[tilespmem:v3+s29+$0x0] =	vst.idx.add.f32.msk $0xffff, v4  }
0x1e2: {  	v4 =	vld [tilespmem:s24+$0xA080];
	_ =	sdelay $0x3  }
0x1e3: {  	s7 =	simm.s32 $0x12200  }
0x1e4: {  	[tilespmem:v3+s7+$0x0] =	vst.idx.add.f32.msk $0xffff, v4  }
0x1e5: {  	v4 =	vld [tilespmem:s24+$0xA100];
	_ =	sdelay $0x3  }
0x1e6: {  	s6 =	simm.s32 $0x12400  }
0x1e7: {  	[tilespmem:v3+s6+$0x0] =	vst.idx.add.f32.msk $0xffff, v4  }
0x1e8: {  	v4 =	vld [tilespmem:s24+$0xA180];
	_ =	sdelay $0x3  }
0x1e9: {  	s3 =	simm.s32 $0x12600  }
0x1ea: {  	[tilespmem:v3+s3+$0x0] =	vst.idx.add.f32.msk $0xffff, v4  }
0x1eb: {  	v4 =	vld [tilespmem:s24+$0xA200];
	_ =	sdelay $0x3  }
0x1ec: {  	s2 =	simm.s32 $0x12800  }
0x1ed: {  	[tilespmem:v3+s2+$0x0] =	vst.idx.add.f32.msk $0xffff, v4  }
0x1ee: {  	v4 =	vld [tilespmem:s24+$0xA280];
	_ =	sdelay $0x3  }
0x1ef: {  	s4 =	simm.s32 $0x12A00  }
0x1f0: {  	[tilespmem:v3+s4+$0x0] =	vst.idx.add.f32.msk $0xffff, v4  }
0x1f1: {  	v4 =	vld [tilespmem:s24+$0xA300];
	_ =	sdelay $0x3  }
0x1f2: {  	s8 =	simm.s32 $0x12C00;
	s20 =	sor.u32 s10, s10  }
0x1f3: {  	s20 =	sor.u32 $0x380, s20;
	[tilespmem:v3+s8+$0x0] =	vst.idx.add.f32.msk $0xffff, v4  }
0x1f4: {  	v4 =	vld [tilespmem:s20+$0xA000];
	_ =	sdelay $0x3  }
0x1f5: {  	s1 =	simm.s32 $0x12E00  }
0x1f6: {  	[tilespmem:v3+s1+$0x0] =	vst.idx.add.f32.msk $0xffff, v4  }
0x1f7: {  	v4 =	vld [tilespmem:s24+$0xC000];
	_ =	sdelay $0x3  }
0x1f8: {  	s10 =	simm.s32 $0x13000  }
0x1f9: {  	[tilespmem:v3+s10+$0x0] =	vst.idx.add.f32.msk $0xffff, v4  }
0x1fa: {  	v4 =	vld [tilespmem:s24+$0xC080];
	_ =	sdelay $0x2  }
0x1fb: {  	s21 =	simm.s32 $0x10  }
0x1fc: {  	s19 =	simm.s32 $0x13200;
	s22 =	sand.u32 $0x380, s21  }
0x1fd: {  	s23 =	sand.u32 $0x70, s21;
	s20 =	sadd.s32 s22, s30;
	[tilespmem:v3+s19+$0x0] =	vst.idx.add.f32.msk $0xffff, v4  }
0x1fe: {  	s20 =	sadd.s32 s23, s20;
	v5 =	vld [tilespmem:s24+$0xC100]  }
0x1ff: {  	s28 =	simm.s32 $0x80;
	v4 =	vld [tilespmem:s20+$0x0]  }
0x200: {  	s17 =	sand.u32 $0x1C00, s28  }
0x201: {  	s20 =	sor.u32 s23, s17  }
0x202: {  	v6 =	vld [tilespmem:s20+$0xA000]  }
0x203: {  	[tilespmem:v3+s14+$0x0] =	vst.idx.add.f32.msk $0xffff, v5  }
0x204: {  	v5 =	vld [tilespmem:s24+$0xC180];
	_ =	sdelay $0x2  }
0x205: {  	[tilespmem:v4+s29+$0x0] =	vst.idx.add.f32.msk $0xffff, v6  }
0x206: {  	v6 =	vld [tilespmem:s20+$0xA080]  }
0x207: {  	[tilespmem:v3+s16+$0x0] =	vst.idx.add.f32.msk $0xffff, v5  }
0x208: {  	v5 =	vld [tilespmem:s24+$0xC200];
	_ =	sdelay $0x2  }
0x209: {  	[tilespmem:v4+s7+$0x0] =	vst.idx.add.f32.msk $0xffff, v6  }
0x20a: {  	v6 =	vld [tilespmem:s20+$0xA100]  }
0x20b: {  	[tilespmem:v3+s18+$0x0] =	vst.idx.add.f32.msk $0xffff, v5  }
0x20c: {  	v5 =	vld [tilespmem:s24+$0xC280];
	_ =	sdelay $0x2  }
0x20d: {  	[tilespmem:v4+s6+$0x0] =	vst.idx.add.f32.msk $0xffff, v6  }
0x20e: {  	s5 =	simm.s32 $0x13A00;
	v6 =	vld [tilespmem:s20+$0xA180]  }
0x20f: {  	[tilespmem:v3+s5+$0x0] =	vst.idx.add.f32.msk $0xffff, v5  }
0x210: {  	v5 =	vld [tilespmem:s24+$0xC300];
	_ =	sdelay $0x2  }
0x211: {  	[tilespmem:v4+s3+$0x0] =	vst.idx.add.f32.msk $0xffff, v6  }
0x212: {  	s6 =	simm.s32 $0x13C00;
	v6 =	vld [tilespmem:s20+$0xA200]  }
0x213: {  	[tilespmem:v3+s6+$0x0] =	vst.idx.add.f32.msk $0xffff, v5  }
0x214: {  	v5 =	vld [tilespmem:s24+$0xC380];
	_ =	sdelay $0x2  }
0x215: {  	[tilespmem:v4+s2+$0x0] =	vst.idx.add.f32.msk $0xffff, v6  }
0x216: {  	s2 =	simm.s32 $0x13E00;
	v6 =	vld [tilespmem:s20+$0xA280]  }
0x217: {  	[tilespmem:v3+s2+$0x0] =	vst.idx.add.f32.msk $0xffff, v5  }
0x218: {  	v5 =	vld [tilespmem:s24+$0xE000];
	_ =	sdelay $0x2  }
0x219: {  	[tilespmem:v4+s4+$0x0] =	vst.idx.add.f32.msk $0xffff, v6  }
0x21a: {  	s4 =	simm.s32 $0x14000;
	v6 =	vld [tilespmem:s20+$0xA300]  }
0x21b: {  	[tilespmem:v3+s4+$0x0] =	vst.idx.add.f32.msk $0xffff, v5  }
0x21c: {  	v5 =	vld [tilespmem:s24+$0xE080];
	_ =	sdelay $0x1  }
0x21d: {  	s21 =	sor.u32 s28, s21  }
0x21e: {  	s21 =	sor.u32 $0x380, s21;
	[tilespmem:v4+s8+$0x0] =	vst.idx.add.f32.msk $0xffff, v6  }
0x21f: {  	s25 =	simm.s32 $0x14200;
	v6 =	vld [tilespmem:s21+$0xA000]  }
0x220: {  	[tilespmem:v3+s25+$0x0] =	vst.idx.add.f32.msk $0xffff, v5  }
0x221: {  	v5 =	vld [tilespmem:s24+$0xE100];
	_ =	sdelay $0x2  }
0x222: {  	[tilespmem:v4+s1+$0x0] =	vst.idx.add.f32.msk $0xffff, v6  }
0x223: {  	s1 =	simm.s32 $0x14400;
	v6 =	vld [tilespmem:s20+$0xC000]  }
0x224: {  	[tilespmem:v3+s1+$0x0] =	vst.idx.add.f32.msk $0xffff, v5  }
0x225: {  	v5 =	vld [tilespmem:s24+$0xE180];
	_ =	sdelay $0x2  }
0x226: {  	[tilespmem:v4+s10+$0x0] =	vst.idx.add.f32.msk $0xffff, v6  }
0x227: {  	s26 =	simm.s32 $0x14600;
	s28 =	simm.s32 $0x20;
	v6 =	vld [tilespmem:s20+$0xC080]  }
0x228: {  	s23 =	sand.u32 $0x380, s28;
	[tilespmem:v3+s26+$0x0] =	vst.idx.add.f32.msk $0xffff, v5  }
0x229: {  	s21 =	sadd.s32 s23, s30;
	s26 =	sand.u32 $0x70, s28;
	v7 =	vld [tilespmem:s24+$0xE200]  }
0x22a: {  	s21 =	sadd.s32 s26, s21  }
0x22b: {  	v5 =	vld [tilespmem:s21+$0x0]  }
0x22c: {  	s22 =	simm.s32 $0x30;
	[tilespmem:v4+s19+$0x0] =	vst.idx.add.f32.msk $0xffff, v6  }
0x22d: {  	s23 =	simm.s32 $0x14800;
	s25 =	sand.u32 $0x380, s22;
	v8 =	vld [tilespmem:s20+$0xC100]  }
0x22e: {  	s29 =	simm.s32 $0x100;
	s21 =	sadd.s32 s25, s30;
	[tilespmem:v3+s23+$0x0] =	vst.idx.add.f32.msk $0xffff, v7;
	s23 =	sand.u32 $0x70, s22  }
0x22f: {  	s25 =	sand.u32 $0x1C00, s29;
	v7 =	vld [tilespmem:s24+$0xE280];
	s19 =	sadd.s32 s23, s21  }
0x230: {  	s21 =	sor.u32 s26, s25;
	v6 =	vld [tilespmem:s19+$0x0]  }
0x231: {  	v9 =	vld [tilespmem:s21+$0xA000]  }
0x232: {  	[tilespmem:v4+s14+$0x0] =	vst.idx.add.f32.msk $0xffff, v8  }
0x233: {  	v8 =	vld [tilespmem:s20+$0xC180]  }
0x234: {  	[tilespmem:v3+s11+$0x0] =	vst.idx.add.f32.msk $0xffff, v7  }
0x235: {  	s29 =	simm.s32 $0x12000;
	v7 =	vld [tilespmem:s24+$0xE300]  }
0x236: {  	[tilespmem:v5+s29+$0x0] =	vst.idx.add.f32.msk $0xffff, v9  }
0x237: {  	v9 =	vld [tilespmem:s21+$0xA080]  }
0x238: {  	[tilespmem:v4+s16+$0x0] =	vst.idx.add.f32.msk $0xffff, v8  }
0x239: {  	v8 =	vld [tilespmem:s20+$0xC200]  }
0x23a: {  	[tilespmem:v3+s0+$0x0] =	vst.idx.add.f32.msk $0xffff, v7  }
0x23b: {  	s12 =	simm.s32 $0x12200;
	v7 =	vld [tilespmem:s24+$0xE380]  }
0x23c: {  	[tilespmem:v5+s12+$0x0] =	vst.idx.add.f32.msk $0xffff, v9  }
0x23d: {  	v9 =	vld [tilespmem:s21+$0xA100]  }
0x23e: {  	[tilespmem:v4+s18+$0x0] =	vst.idx.add.f32.msk $0xffff, v8  }
0x23f: {  	v8 =	vld [tilespmem:s20+$0xC280]  }
0x240: {  	[tilespmem:v3+s9+$0x0] =	vst.idx.add.f32.msk $0xffff, v7  }
0x241: {  	s13 =	simm.s32 $0x12400;
	v7 =	vld [tilespmem:s24+$0x10000]  }
0x242: {  	[tilespmem:v5+s13+$0x0] =	vst.idx.add.f32.msk $0xffff, v9  }
0x243: {  	v9 =	vld [tilespmem:s21+$0xA180]  }
0x244: {  	[tilespmem:v4+s5+$0x0] =	vst.idx.add.f32.msk $0xffff, v8  }
0x245: {  	s19 =	simm.s32 $0x15000;
	v8 =	vld [tilespmem:s20+$0xC300]  }
0x246: {  	[tilespmem:v3+s19+$0x0] =	vst.idx.add.f32.msk $0xffff, v7  }
0x247: {  	s3 =	simm.s32 $0x12600;
	v7 =	vld [tilespmem:s24+$0x10080]  }
0x248: {  	[tilespmem:v5+s3+$0x0] =	vst.idx.add.f32.msk $0xffff, v9  }
0x249: {  	v9 =	vld [tilespmem:s21+$0xA200]  }
0x24a: {  	[tilespmem:v4+s6+$0x0] =	vst.idx.add.f32.msk $0xffff, v8  }
0x24b: {  	s25 =	simm.s32 $0x15200;
	v8 =	vld [tilespmem:s20+$0xC380]  }
0x24c: {  	[tilespmem:v3+s25+$0x0] =	vst.idx.add.f32.msk $0xffff, v7  }
0x24d: {  	s17 =	simm.s32 $0x12800;
	v7 =	vld [tilespmem:s24+$0x10100]  }
0x24e: {  	[tilespmem:v5+s17+$0x0] =	vst.idx.add.f32.msk $0xffff, v9  }
0x24f: {  	v9 =	vld [tilespmem:s21+$0xA280]  }
0x250: {  	[tilespmem:v4+s2+$0x0] =	vst.idx.add.f32.msk $0xffff, v8  }
0x251: {  	s26 =	simm.s32 $0x15400;
	v8 =	vld [tilespmem:s20+$0xE000]  }
0x252: {  	[tilespmem:v3+s26+$0x0] =	vst.idx.add.f32.msk $0xffff, v7  }
0x253: {  	s31 =	simm.s32 $0x12A00;
	v7 =	vld [tilespmem:s24+$0x10180]  }
0x254: {  	[tilespmem:v5+s31+$0x0] =	vst.idx.add.f32.msk $0xffff, v9  }
0x255: {  	v9 =	vld [tilespmem:s21+$0xA300]  }
0x256: {  	[tilespmem:v4+s4+$0x0] =	vst.idx.add.f32.msk $0xffff, v8  }
0x257: {  	s29 =	simm.s32 $0x15600;
	v8 =	vld [tilespmem:s20+$0xE080]  }
0x258: {  	s7 =	simm.s32 $0x100;
	[tilespmem:v3+s29+$0x0] =	vst.idx.add.f32.msk $0xffff, v7  }
0x259: {  	s8 =	simm.s32 $0x12C00;
	s9 =	sor.u32 s7, s28;
	v7 =	vld [tilespmem:s24+$0x10200]  }
0x25a: {  	s25 =	sor.u32 $0x380, s9;
	[tilespmem:v5+s8+$0x0] =	vst.idx.add.f32.msk $0xffff, v9  }
0x25b: {  	s28 =	simm.s32 $0x14200;
	v9 =	vld [tilespmem:s25+$0xA000]  }
0x25c: {  	[tilespmem:v4+s28+$0x0] =	vst.idx.add.f32.msk $0xffff, v8  }
0x25d: {  	s12 =	simm.s32 $0x15800;
	v8 =	vld [tilespmem:s20+$0xE100]  }
0x25e: {  	[tilespmem:v3+s12+$0x0] =	vst.idx.add.f32.msk $0xffff, v7  }
0x25f: {  	s29 =	simm.s32 $0x12E00;
	v7 =	vld [tilespmem:s24+$0x10280]  }
0x260: {  	[tilespmem:v5+s29+$0x0] =	vst.idx.add.f32.msk $0xffff, v9  }
0x261: {  	v9 =	vld [tilespmem:s21+$0xC000]  }
0x262: {  	[tilespmem:v4+s1+$0x0] =	vst.idx.add.f32.msk $0xffff, v8  }
0x263: {  	s7 =	simm.s32 $0x15A00;
	v8 =	vld [tilespmem:s20+$0xE180]  }
0x264: {  	[tilespmem:v3+s7+$0x0] =	vst.idx.add.f32.msk $0xffff, v7  }
0x265: {  	s15 =	sadd.s32 $0x1, s15;
	s10 =	simm.s32 $0x13000;
	s14 =	simm.s32 $0x13A00;
	v7 =	vld [tilespmem:s24+$0x10300]  }
0x266: {  	s11 =	simm.s32 $0x12800;
	s16 =	simm.s32 $0x15200;
	s0 =	simm.s32 $0x14E00;
	[tilespmem:v5+s10+$0x0] =	vst.idx.add.f32.msk $0xffff, v9  }
0x267: {  	s18 =	simm.s32 $0x15000;
	s13 =	simm.s32 $0x13E00;
	s25 =	simm.s32 $0x14600;
	v9 =	vld [tilespmem:s21+$0xC080]  }
0x268: {  	s5 =	simm.s32 $0x15A00;
	s19 =	simm.s32 $0x15400;
	s3 =	simm.s32 $0x13C00;
	[tilespmem:v4+s25+$0x0] =	vst.idx.add.f32.msk $0xffff, v8  }
0x269: {  	s6 =	simm.s32 $0x14000;
	s9 =	simm.s32 $0x14400;
	s26 =	simm.s32 $0x15C00;
	v10 =	vld [tilespmem:s20+$0xE200]  }
0x26a: {  	s17 =	simm.s32 $0x12C00;
	s2 =	simm.s32 $0x12A00;
	s31 =	simm.s32 $0x13200;
	[tilespmem:v3+s26+$0x0] =	vst.idx.add.f32.msk $0xffff, v7  }
0x26b: {  	s4 =	simm.s32 $0x15600;
	s8 =	simm.s32 $0x14200;
	s28 =	simm.s32 $0x13200;
	v8 =	vld [tilespmem:s24+$0x10380]  }
0x26c: {  	s12 =	simm.s32 $0x12E00;
	s29 =	simm.s32 $0x14800;
	s1 =	simm.s32 $0x13000;
	[tilespmem:v5+s28+$0x0] =	vst.idx.add.f32.msk $0xffff, v9  }
0x26d: {  	s7 =	simm.s32 $0x15C00;
	s10 =	simm.s32 $0x14600;
	v9 =	vld [tilespmem:s21+$0xC100];
	[dreg:$0xe] =	wrdreg s15  }
0x26e: {  	s25 =	simm.s32 $0x40;
	v7 =	vmov v5;
	s24 =	simm.s32 $0x180;
	s15 =	simm.s32 $0x14800;
	[tilespmem:v4+s29+$0x0] =	vst.idx.add.f32.msk $0xffff, v10  }
.LBB2_10:
0x26f: {  	v10 =	vmov v6;
	s26 =	sand.u32 $0x380, s25;
	p1 =	seq.s32 s25, $0x3F0;
	s28 =	sand.u32 $0x1C00, s24  }
0x270: {  	v11 =	vld [tilespmem:s20+$0xE280];
	s29 =	sadd.s32 s26, s30;
	s26 =	sor.u32 s23, s28;
	s28 =	simm.s32 $0x15E00  }
0x271: {  	s23 =	sand.u32 $0x70, s25;
	[tilespmem:v3+s28+$0x0] =	vst.idx.add.f32.msk $0xffff, v8;
	v3 =	vmov v4;
	v4 =	vmov v5;
	v5 =	vmov v6  }
0x272: {  	s28 =	sadd.s32 s23, s29;
	s29 =	simm.s32 $0x12000;
	v8 =	vld [tilespmem:s26+$0xA000]  }
0x273: {  	v6 =	vld [tilespmem:s28+$0x0];
	s28 =	simm.s32 $0x13400  }
0x274: {  	[tilespmem:v7+s28+$0x0] =	vst.idx.add.f32.msk $0xffff, v9;
	v7 =	vmov v10  }
0x275: {  	s28 =	simm.s32 $0x14A00;
	v9 =	vld [tilespmem:s21+$0xC180]  }
0x276: {  	[tilespmem:v3+s28+$0x0] =	vst.idx.add.f32.msk $0xffff, v11  }
0x277: {  	v10 =	vld [tilespmem:s20+$0xE300]  }
0x278: {  	[tilespmem:v5+s29+$0x0] =	vst.idx.add.f32.msk $0xffff, v8  }
0x279: {  	s28 =	simm.s32 $0x13600;
	v8 =	vld [tilespmem:s26+$0xA080]  }
0x27a: {  	[tilespmem:v4+s28+$0x0] =	vst.idx.add.f32.msk $0xffff, v9  }
0x27b: {  	s28 =	simm.s32 $0x14C00;
	v9 =	vld [tilespmem:s21+$0xC200]  }
0x27c: {  	[tilespmem:v3+s28+$0x0] =	vst.idx.add.f32.msk $0xffff, v10  }
0x27d: {  	s28 =	simm.s32 $0x12200;
	v10 =	vld [tilespmem:s20+$0xE380]  }
0x27e: {  	[tilespmem:v5+s28+$0x0] =	vst.idx.add.f32.msk $0xffff, v8  }
0x27f: {  	s28 =	simm.s32 $0x13800;
	v8 =	vld [tilespmem:s26+$0xA100]  }
0x280: {  	[tilespmem:v4+s28+$0x0] =	vst.idx.add.f32.msk $0xffff, v9  }
0x281: {  	v9 =	vld [tilespmem:s21+$0xC280]  }
0x282: {  	[tilespmem:v3+s0+$0x0] =	vst.idx.add.f32.msk $0xffff, v10  }
0x283: {  	s28 =	simm.s32 $0x12400;
	v10 =	vld [tilespmem:s20+$0x10000]  }
0x284: {  	[tilespmem:v5+s28+$0x0] =	vst.idx.add.f32.msk $0xffff, v8  }
0x285: {  	v8 =	vld [tilespmem:s26+$0xA180]  }
0x286: {  	[tilespmem:v4+s14+$0x0] =	vst.idx.add.f32.msk $0xffff, v9  }
0x287: {  	v9 =	vld [tilespmem:s21+$0xC300]  }
0x288: {  	[tilespmem:v3+s18+$0x0] =	vst.idx.add.f32.msk $0xffff, v10  }
0x289: {  	s28 =	simm.s32 $0x12600;
	v10 =	vld [tilespmem:s20+$0x10080]  }
0x28a: {  	[tilespmem:v5+s28+$0x0] =	vst.idx.add.f32.msk $0xffff, v8  }
0x28b: {  	v8 =	vld [tilespmem:s26+$0xA200]  }
0x28c: {  	[tilespmem:v4+s3+$0x0] =	vst.idx.add.f32.msk $0xffff, v9  }
0x28d: {  	v9 =	vld [tilespmem:s21+$0xC380]  }
0x28e: {  	[tilespmem:v3+s16+$0x0] =	vst.idx.add.f32.msk $0xffff, v10  }
0x28f: {  	v10 =	vld [tilespmem:s20+$0x10100]  }
0x290: {  	[tilespmem:v5+s11+$0x0] =	vst.idx.add.f32.msk $0xffff, v8  }
0x291: {  	v8 =	vld [tilespmem:s26+$0xA280]  }
0x292: {  	[tilespmem:v4+s13+$0x0] =	vst.idx.add.f32.msk $0xffff, v9  }
0x293: {  	v9 =	vld [tilespmem:s21+$0xE000]  }
0x294: {  	[tilespmem:v3+s19+$0x0] =	vst.idx.add.f32.msk $0xffff, v10  }
0x295: {  	v10 =	vld [tilespmem:s20+$0x10180]  }
0x296: {  	[tilespmem:v5+s2+$0x0] =	vst.idx.add.f32.msk $0xffff, v8  }
0x297: {  	v8 =	vld [tilespmem:s26+$0xA300]  }
0x298: {  	[tilespmem:v4+s6+$0x0] =	vst.idx.add.f32.msk $0xffff, v9  }
0x299: {  	v9 =	vld [tilespmem:s21+$0xE080]  }
0x29a: {  	[tilespmem:v3+s4+$0x0] =	vst.idx.add.f32.msk $0xffff, v10  }
0x29b: {  	s28 =	sor.u32 s24, s22;
	s22 =	smov.u32 s25;
	v10 =	vld [tilespmem:s20+$0x10200]  }
0x29c: {  	s28 =	sor.u32 $0x380, s28;
	[tilespmem:v5+s17+$0x0] =	vst.idx.add.f32.msk $0xffff, v8  }
0x29d: {  	v8 =	vld [tilespmem:s28+$0xA000];
	s28 =	simm.s32 $0x15800  }
0x29e: {  	[tilespmem:v4+s8+$0x0] =	vst.idx.add.f32.msk $0xffff, v9  }
0x29f: {  	v9 =	vld [tilespmem:s21+$0xE100]  }
0x2a0: {  	[tilespmem:v3+s28+$0x0] =	vst.idx.add.f32.msk $0xffff, v10  }
0x2a1: {  	v10 =	vld [tilespmem:s20+$0x10280]  }
0x2a2: {  	[tilespmem:v5+s12+$0x0] =	vst.idx.add.f32.msk $0xffff, v8  }
0x2a3: {  	v8 =	vld [tilespmem:s26+$0xC000]  }
0x2a4: {  	[tilespmem:v4+s9+$0x0] =	vst.idx.add.f32.msk $0xffff, v9  }
0x2a5: {  	v9 =	vld [tilespmem:s21+$0xE180]  }
0x2a6: {  	[tilespmem:v3+s5+$0x0] =	vst.idx.add.f32.msk $0xffff, v10  }
0x2a7: {  	v10 =	vld [tilespmem:s20+$0x10300]  }
0x2a8: {  	[tilespmem:v5+s1+$0x0] =	vst.idx.add.f32.msk $0xffff, v8  }
0x2a9: {  	v11 =	vld [tilespmem:s26+$0xC080]  }
0x2aa: {  	[tilespmem:v4+s10+$0x0] =	vst.idx.add.f32.msk $0xffff, v9  }
0x2ab: {  	v12 =	vld [tilespmem:s21+$0xE200]  }
.Ltmp3:
0x2ac: {  	[tilespmem:v3+s7+$0x0] =	vst.idx.add.f32.msk $0xffff, v10;
	(pc) =	sbr.rel @!p1 .LBB2_10-.Ltmp3, $4  }
0x2ad: {  	v8 =	vld [tilespmem:s20+$0x10380];
	s20 =	smov.u32 s21;
	s21 =	smov.u32 s26  }
0x2ae: {  	[tilespmem:v5+s31+$0x0] =	vst.idx.add.f32.msk $0xffff, v11  }
0x2af: {  	v9 =	vld [tilespmem:s21+$0xC100]  }
0x2b0: {  	s25 =	sadd.s32 $0x10, s25;
	s24 =	sadd.s32 $0x80, s24;
	[tilespmem:v4+s15+$0x0] =	vst.idx.add.f32.msk $0xffff, v12  }
0x2b1: {  	s19 =	sand.u32 $0x1C00, s24  }
0x2b2: {  	s19 =	sor.u32 s23, s19  }
0x2b3: {  	v10 =	vld [tilespmem:s19+$0xA000];
	_ =	sdelay $0x4  }
0x2b4: {  	[tilespmem:v6+s29+$0x0] =	vst.idx.add.f32.msk $0xffff, v10  }
0x2b5: {  	v10 =	vld [tilespmem:s19+$0xA080];
	_ =	sdelay $0x3  }
0x2b6: {  	s0 =	simm.s32 $0x12200  }
0x2b7: {  	[tilespmem:v6+s0+$0x0] =	vst.idx.add.f32.msk $0xffff, v10  }
0x2b8: {  	v10 =	vld [tilespmem:s19+$0xA100];
	_ =	sdelay $0x3  }
0x2b9: {  	s30 =	simm.s32 $0x12400  }
0x2ba: {  	[tilespmem:v6+s30+$0x0] =	vst.idx.add.f32.msk $0xffff, v10  }
0x2bb: {  	v10 =	vld [tilespmem:s19+$0xA180];
	_ =	sdelay $0x3  }
0x2bc: {  	s3 =	simm.s32 $0x12600  }
0x2bd: {  	[tilespmem:v6+s3+$0x0] =	vst.idx.add.f32.msk $0xffff, v10  }
0x2be: {  	v10 =	vld [tilespmem:s19+$0xA200];
	_ =	sdelay $0x4  }
0x2bf: {  	[tilespmem:v6+s11+$0x0] =	vst.idx.add.f32.msk $0xffff, v10  }
0x2c0: {  	v10 =	vld [tilespmem:s19+$0xA280];
	_ =	sdelay $0x4  }
0x2c1: {  	[tilespmem:v6+s2+$0x0] =	vst.idx.add.f32.msk $0xffff, v10  }
0x2c2: {  	v10 =	vld [tilespmem:s19+$0xA300];
	_ =	sdelay $0x3  }
0x2c3: {  	s22 =	sor.u32 s24, s22  }
0x2c4: {  	s22 =	sor.u32 $0x380, s22;
	[tilespmem:v6+s17+$0x0] =	vst.idx.add.f32.msk $0xffff, v10  }
0x2c5: {  	v10 =	vld [tilespmem:s22+$0xA000];
	_ =	sdelay $0x4  }
0x2c6: {  	[tilespmem:v6+s12+$0x0] =	vst.idx.add.f32.msk $0xffff, v10  }
0x2c7: {  	v10 =	vld [tilespmem:s19+$0xC000];
	_ =	sdelay $0x4  }
0x2c8: {  	[tilespmem:v6+s1+$0x0] =	vst.idx.add.f32.msk $0xffff, v10  }
0x2c9: {  	v10 =	vld [tilespmem:s19+$0xC080];
	_ =	sdelay $0x4  }
0x2ca: {  	[tilespmem:v6+s31+$0x0] =	vst.idx.add.f32.msk $0xffff, v10  }
0x2cb: {  	v10 =	vld [tilespmem:s19+$0xC100];
	_ =	sdelay $0x1  }
0x2cc: {  	s4 =	simm.s32 $0x13400  }
0x2cd: {  	[tilespmem:v7+s4+$0x0] =	vst.idx.add.f32.msk $0xffff, v9  }
0x2ce: {  	v7 =	vld [tilespmem:s21+$0xC180]  }
0x2cf: {  	[tilespmem:v6+s4+$0x0] =	vst.idx.add.f32.msk $0xffff, v10  }
0x2d0: {  	v62 =	vld [tilespmem:s19+$0xC180];
	_ =	sdelay $0x1  }
0x2d1: {  	s5 =	simm.s32 $0x13600  }
0x2d2: {  	[tilespmem:v5+s5+$0x0] =	vst.idx.add.f32.msk $0xffff, v7  }
0x2d3: {  	v7 =	vld [tilespmem:s21+$0xC200]  }
0x2d4: {  	[tilespmem:v6+s5+$0x0] =	vst.idx.add.f32.msk $0xffff, v62  }
0x2d5: {  	v9 =	vld [tilespmem:s19+$0xC200];
	_ =	sdelay $0x1  }
0x2d6: {  	s6 =	simm.s32 $0x13800  }
0x2d7: {  	[tilespmem:v5+s6+$0x0] =	vst.idx.add.f32.msk $0xffff, v7  }
0x2d8: {  	v7 =	vld [tilespmem:s21+$0xC280]  }
0x2d9: {  	[tilespmem:v6+s6+$0x0] =	vst.idx.add.f32.msk $0xffff, v9  }
0x2da: {  	v9 =	vld [tilespmem:s19+$0xC280];
	_ =	sdelay $0x1  }
0x2db: {  	s7 =	simm.s32 $0x13A00  }
0x2dc: {  	[tilespmem:v5+s7+$0x0] =	vst.idx.add.f32.msk $0xffff, v7  }
0x2dd: {  	v7 =	vld [tilespmem:s21+$0xC300]  }
0x2de: {  	[tilespmem:v6+s7+$0x0] =	vst.idx.add.f32.msk $0xffff, v9  }
0x2df: {  	v9 =	vld [tilespmem:s19+$0xC300];
	_ =	sdelay $0x1  }
0x2e0: {  	s8 =	simm.s32 $0x13C00  }
0x2e1: {  	[tilespmem:v5+s8+$0x0] =	vst.idx.add.f32.msk $0xffff, v7  }
0x2e2: {  	v7 =	vld [tilespmem:s21+$0xC380]  }
0x2e3: {  	[tilespmem:v6+s8+$0x0] =	vst.idx.add.f32.msk $0xffff, v9  }
0x2e4: {  	v9 =	vld [tilespmem:s19+$0xC380];
	_ =	sdelay $0x1  }
0x2e5: {  	s9 =	simm.s32 $0x13E00  }
0x2e6: {  	[tilespmem:v5+s9+$0x0] =	vst.idx.add.f32.msk $0xffff, v7  }
0x2e7: {  	v7 =	vld [tilespmem:s21+$0xE000]  }
0x2e8: {  	[tilespmem:v6+s9+$0x0] =	vst.idx.add.f32.msk $0xffff, v9  }
0x2e9: {  	v9 =	vld [tilespmem:s19+$0xE000];
	_ =	sdelay $0x1  }
0x2ea: {  	s10 =	simm.s32 $0x14000  }
0x2eb: {  	[tilespmem:v5+s10+$0x0] =	vst.idx.add.f32.msk $0xffff, v7  }
0x2ec: {  	v7 =	vld [tilespmem:s21+$0xE080]  }
0x2ed: {  	[tilespmem:v6+s10+$0x0] =	vst.idx.add.f32.msk $0xffff, v9  }
0x2ee: {  	v9 =	vld [tilespmem:s19+$0xE080];
	_ =	sdelay $0x1  }
0x2ef: {  	s11 =	simm.s32 $0x14200  }
0x2f0: {  	[tilespmem:v5+s11+$0x0] =	vst.idx.add.f32.msk $0xffff, v7  }
0x2f1: {  	v7 =	vld [tilespmem:s21+$0xE100]  }
0x2f2: {  	[tilespmem:v6+s11+$0x0] =	vst.idx.add.f32.msk $0xffff, v9  }
0x2f3: {  	v9 =	vld [tilespmem:s19+$0xE100];
	_ =	sdelay $0x1  }
0x2f4: {  	s12 =	simm.s32 $0x14400  }
0x2f5: {  	[tilespmem:v5+s12+$0x0] =	vst.idx.add.f32.msk $0xffff, v7  }
0x2f6: {  	v7 =	vld [tilespmem:s21+$0xE180]  }
0x2f7: {  	[tilespmem:v6+s12+$0x0] =	vst.idx.add.f32.msk $0xffff, v9  }
0x2f8: {  	v9 =	vld [tilespmem:s19+$0xE180];
	_ =	sdelay $0x1  }
0x2f9: {  	s13 =	simm.s32 $0x14600  }
0x2fa: {  	[tilespmem:v5+s13+$0x0] =	vst.idx.add.f32.msk $0xffff, v7  }
0x2fb: {  	v7 =	vld [tilespmem:s21+$0xE200]  }
0x2fc: {  	[tilespmem:v6+s13+$0x0] =	vst.idx.add.f32.msk $0xffff, v9  }
0x2fd: {  	v9 =	vld [tilespmem:s19+$0xE200];
	_ =	sdelay $0x1  }
0x2fe: {  	v63 =	vld [tilespmem:s20+$0xE280];
	s14 =	simm.s32 $0x14800  }
0x2ff: {  	[tilespmem:v5+s14+$0x0] =	vst.idx.add.f32.msk $0xffff, v7  }
0x300: {  	v7 =	vld [tilespmem:s21+$0xE280]  }
0x301: {  	[tilespmem:v6+s14+$0x0] =	vst.idx.add.f32.msk $0xffff, v9  }
0x302: {  	s15 =	simm.s32 $0x14A00;
	v9 =	vld [tilespmem:s19+$0xE280]  }
0x303: {  	[tilespmem:v4+s15+$0x0] =	vst.idx.add.f32.msk $0xffff, v63  }
0x304: {  	v10 =	vld [tilespmem:s20+$0xE300]  }
0x305: {  	[tilespmem:v5+s15+$0x0] =	vst.idx.add.f32.msk $0xffff, v7  }
0x306: {  	v7 =	vld [tilespmem:s21+$0xE300]  }
0x307: {  	[tilespmem:v6+s15+$0x0] =	vst.idx.add.f32.msk $0xffff, v9  }
0x308: {  	s16 =	simm.s32 $0x14C00;
	v9 =	vld [tilespmem:s19+$0xE300]  }
0x309: {  	[tilespmem:v4+s16+$0x0] =	vst.idx.add.f32.msk $0xffff, v10  }
0x30a: {  	v10 =	vld [tilespmem:s20+$0xE380]  }
0x30b: {  	[tilespmem:v5+s16+$0x0] =	vst.idx.add.f32.msk $0xffff, v7  }
0x30c: {  	v7 =	vld [tilespmem:s21+$0xE380]  }
0x30d: {  	[tilespmem:v6+s16+$0x0] =	vst.idx.add.f32.msk $0xffff, v9  }
0x30e: {  	s17 =	simm.s32 $0x14E00;
	v9 =	vld [tilespmem:s19+$0xE380]  }
0x30f: {  	[tilespmem:v4+s17+$0x0] =	vst.idx.add.f32.msk $0xffff, v10  }
0x310: {  	v10 =	vld [tilespmem:s20+$0x10000]  }
0x311: {  	[tilespmem:v5+s17+$0x0] =	vst.idx.add.f32.msk $0xffff, v7  }
0x312: {  	v7 =	vld [tilespmem:s21+$0x10000]  }
0x313: {  	[tilespmem:v6+s17+$0x0] =	vst.idx.add.f32.msk $0xffff, v9  }
0x314: {  	s18 =	simm.s32 $0x15000;
	v9 =	vld [tilespmem:s19+$0x10000]  }
0x315: {  	[tilespmem:v4+s18+$0x0] =	vst.idx.add.f32.msk $0xffff, v10  }
0x316: {  	v10 =	vld [tilespmem:s20+$0x10080]  }
0x317: {  	[tilespmem:v5+s18+$0x0] =	vst.idx.add.f32.msk $0xffff, v7  }
0x318: {  	v7 =	vld [tilespmem:s21+$0x10080]  }
0x319: {  	[tilespmem:v6+s18+$0x0] =	vst.idx.add.f32.msk $0xffff, v9  }
0x31a: {  	s22 =	simm.s32 $0x15200;
	v9 =	vld [tilespmem:s19+$0x10080]  }
0x31b: {  	[tilespmem:v4+s22+$0x0] =	vst.idx.add.f32.msk $0xffff, v10  }
0x31c: {  	v10 =	vld [tilespmem:s20+$0x10100]  }
0x31d: {  	[tilespmem:v5+s22+$0x0] =	vst.idx.add.f32.msk $0xffff, v7  }
0x31e: {  	v7 =	vld [tilespmem:s21+$0x10100]  }
0x31f: {  	[tilespmem:v6+s22+$0x0] =	vst.idx.add.f32.msk $0xffff, v9  }
0x320: {  	s23 =	simm.s32 $0x15400;
	v9 =	vld [tilespmem:s19+$0x10100]  }
0x321: {  	[tilespmem:v4+s23+$0x0] =	vst.idx.add.f32.msk $0xffff, v10  }
0x322: {  	v10 =	vld [tilespmem:s20+$0x10180]  }
0x323: {  	[tilespmem:v5+s23+$0x0] =	vst.idx.add.f32.msk $0xffff, v7  }
0x324: {  	v7 =	vld [tilespmem:s21+$0x10180]  }
0x325: {  	[tilespmem:v6+s23+$0x0] =	vst.idx.add.f32.msk $0xffff, v9  }
0x326: {  	s24 =	simm.s32 $0x15600;
	v9 =	vld [tilespmem:s19+$0x10180]  }
0x327: {  	[tilespmem:v4+s24+$0x0] =	vst.idx.add.f32.msk $0xffff, v10  }
0x328: {  	v10 =	vld [tilespmem:s20+$0x10200]  }
0x329: {  	[tilespmem:v5+s24+$0x0] =	vst.idx.add.f32.msk $0xffff, v7  }
0x32a: {  	v7 =	vld [tilespmem:s21+$0x10200]  }
0x32b: {  	[tilespmem:v6+s24+$0x0] =	vst.idx.add.f32.msk $0xffff, v9  }
0x32c: {  	v9 =	vld [tilespmem:s19+$0x10200]  }
0x32d: {  	[tilespmem:v4+s28+$0x0] =	vst.idx.add.f32.msk $0xffff, v10  }
0x32e: {  	v10 =	vld [tilespmem:s20+$0x10280]  }
0x32f: {  	[tilespmem:v5+s28+$0x0] =	vst.idx.add.f32.msk $0xffff, v7  }
0x330: {  	v7 =	vld [tilespmem:s21+$0x10280]  }
0x331: {  	[tilespmem:v6+s28+$0x0] =	vst.idx.add.f32.msk $0xffff, v9  }
0x332: {  	s25 =	simm.s32 $0x15A00;
	v9 =	vld [tilespmem:s19+$0x10280]  }
0x333: {  	[tilespmem:v4+s25+$0x0] =	vst.idx.add.f32.msk $0xffff, v10  }
0x334: {  	v10 =	vld [tilespmem:s20+$0x10300]  }
0x335: {  	[tilespmem:v5+s25+$0x0] =	vst.idx.add.f32.msk $0xffff, v7  }
0x336: {  	v7 =	vld [tilespmem:s21+$0x10300]  }
0x337: {  	[tilespmem:v6+s25+$0x0] =	vst.idx.add.f32.msk $0xffff, v9  }
0x338: {  	s26 =	simm.s32 $0x15C00;
	v9 =	vld [tilespmem:s19+$0x10300]  }
0x339: {  	[tilespmem:v4+s26+$0x0] =	vst.idx.add.f32.msk $0xffff, v10  }
0x33a: {  	v10 =	vld [tilespmem:s20+$0x10380]  }
0x33b: {  	[tilespmem:v5+s26+$0x0] =	vst.idx.add.f32.msk $0xffff, v7  }
0x33c: {  	s0 =	simm.s32 $0x12A00;
	v7 =	vld [tilespmem:s21+$0x10380]  }
0x33d: {  	s30 =	simm.s32 $0x15E00;
	s3 =	simm.s32 $0x12C00;
	s2 =	simm.s32 $0x12600;
	[tilespmem:v6+s26+$0x0] =	vst.idx.add.f32.msk $0xffff, v9  }
0x33e: {  	s1 =	simm.s32 $0x13A00;
	s31 =	simm.s32 $0x12800;
	s4 =	simm.s32 $0x14000;
	v9 =	vld [tilespmem:s19+$0x10380]  }
0x33f: {  	s5 =	simm.s32 $0x14400;
	s6 =	simm.s32 $0x13000;
	s7 =	simm.s32 $0x14200  }
0x340: {  	[tilespmem:v3+s30+$0x0] =	vst.idx.add.f32.msk $0xffff, v8;
	s8 =	simm.s32 $0x13200;
	s9 =	simm.s32 $0x13400;
	s10 =	simm.s32 $0x13600  }
0x341: {  	s11 =	simm.s32 $0x13E00;
	s12 =	simm.s32 $0x14A00;
	s13 =	simm.s32 $0x12E00;
	[tilespmem:v4+s30+$0x0] =	vst.idx.add.f32.msk $0xffff, v10  }
0x342: {  	s14 =	simm.s32 $0x13800;
	[tilespmem:v5+s30+$0x0] =	vst.idx.add.f32.msk $0xffff, v7;
	s15 =	simm.s32 $0x13C00;
	s16 =	simm.s32 $0x14800  }
0x343: {  	s17 =	simm.s32 $0x14600;
	s28 =	simm.s32 $0x12400;
	s25 =	simm.s32 $0x12200;
	[tilespmem:v6+s30+$0x0] =	vst.idx.add.f32.msk $0xffff, v9  }
0x344: {  	s19 =	rddreg [dreg:$0xe]  }
0x345: {  	p1 =	seq.s32 s19, $0x4  }
.Ltmp4:
0x346: {  	_ = 	snop;
	(pc) =	sbr.rel @!p1 .LBB2_7-.Ltmp4, $1  }
0x347: {  	_ =	sdelay $0x3  }
0x348: {  	s19 =	rddreg [dreg:$0x8]  }
0x349: {  	s22 =	simm.s32 $0x80;
	s20 =	simm.s32 $0x100;
	s23 =	simm.s32 $0x3  }
0x34a: {  	[hbm4b:s19+s22] =	stream.strided.scatter [tilespmem:s29], [sflag:$0x3], $0x4000, s20, s22, $0x38;
	[tilespmem:$0x16200] =	vst v63  }
0x34b: {  	_ =	swait.ge [sflag:s23], $0x4000  }
0x34c: {  	s19 =	simm.s32 @!p0 $0x0;
	[sflag:s23] =	ssyncset.done $0x0  }
0x34d: {  	s20 =	simm.s32 @!p0 $0x16000;
	s21 =	rddreg [dreg:$0x9];
	[sflag:s23] =	ssyncadd.s32 $0xFFFFC000  }
0x34e: {  	[hbm4b:s21+s19] =	stream.linear.scatter @!p0 [tilespmem:s20], [sflag:$0x3], $0x200, $0x38;
	[tilespmem:$0x16200] =	vst v63  }
0x34f: {  	s19 =	simm.s32 @!p0 $0x3  }
0x350: {  	_ =	swait.ge @!p0 [sflag:s19], $0x200  }
0x351: {  	s26 =	rddreg [dreg:$0xb]  }
0x352: {  	s30 =	rddreg [dreg:$0xa];
	s21 =	sadd.s32 $0x1, s26  }
0x353: {  	p1 =	sne.s32 s21, s30  }
.Ltmp5:
0x354: {  	_ = 	snop;
	(pc) =	sbr.rel @p1 .LBB2_1-.Ltmp5, $3  }
0x355: {  	_ =	sdelay $0x1  }
0x356: {  	[sflag:s19] =	ssyncset.done @!p0 $0x0  }
0x357: {  	s24 =	simm.s32 $0x16000;
	[sflag:s19] =	ssyncadd.s32 @!p0 $0xFFFFFE00  }
0x358: {  	_ =	sfence.sel $0x180000  }
0x359: {  	[bflag:$0x0] =	sbarrier.arrive $0xFFFF  }
0x35a: {  	_ =	strace $0x90000047  }
0x35b: {  	s0 =	stileid.u32;
	[bflag:$0x2] =	sbarrier.arrive $0xFFFF  }
0x35c: {  	p0 =	sne.s32 s0, $0x0;
	s0 =	rddreg [dreg:$0x3]  }
0x35d: {  	s0 =	sadd.s32 @!p0 $0x100000, s0  }
0x35e: {  	[sflag:s0] =	ssyncadd.tile.s32 @!p0 $0x1;
	_ =	shalt  }
.Lfunc_end2:
_tile_overlayer_lowered:
.L_overlay_start_2:
0x35f: {  	(tag) =	ssettag $0x2  }
0x360: {  	s0 =	rddreg [dreg:$0x0];
	s2 =	stileid.u32  }
0x361: {  	s1 =	rddreg [dreg:$0x1];
	p0 =	sne.s32 s2, $0x0  }
0x362: {  	s3 =	rddreg [dreg:$0x2];
	[bflag:$0x3] =	sbarrier.arrive $0xFFFF;
	s2 =	simm.s32 @!p0 $0x1C03  }
0x363: {  	[timem:s3], [sflag:s2] =	dma.local @!p0 [hbm:s0], s1  }
0x364: {  	s0 =	simm.s32 @!p0 $0x3  }
0x365: {  	_ =	swait.ge @!p0 [sflag:s0], s1  }
0x366: {  	s1 =	ssub.s32 @!p0 $0x0, s1;
	[sflag:s0] =	ssyncset.done @!p0 $0x0  }
0x367: {  	[sflag:s0] =	ssyncadd.s32 @!p0 s1  }
0x368: {  	[bflag:$0x3] =	sbarrier.arrive $0xFFFF  }
0x369: {  	_ =	shalt  }

</sc_bundles>
